<compile_context>
chip_gen: v7x
topology: tpu7x:2x2x1
jax: 0.10.2.dev20260603
libtpu: 0.0.44.dev20260713+nightly
codegen_flags: <defaults>
</compile_context>

<pallas_src>
import functools

import jax
import jax.numpy as jnp
from jax import lax
from jax.experimental import pallas as pl
from jax.experimental.pallas import tpu as pltpu
from jax.experimental.pallas import tpu_sc as plsc

N = 10000
D = 128
E = 320000
NC = 2
NS = 16
K = 128
CPS = 160
EPAD = NS * CPS * K
NCHUNK0 = 64
IDXB = 32
ROWS = 10240
RPT = ROWS // NS
DUMMY = N
RB = 2000
GRID = N // RB

_mesh = plsc.VectorSubcoreMesh(core_axis_name="c", subcore_axis_name="s")


@functools.partial(
    pl.kernel,
    out_type=jax.ShapeDtypeStruct((NC, ROWS), jnp.float32),
    mesh=_mesh,
    scratch_types=[
        pltpu.VMEM_SHARED((ROWS,), jnp.float32),
        pltpu.VMEM((CPS // 2, K), jnp.int32),
        pltpu.VMEM((K,), jnp.float32),
        pltpu.VMEM((RPT,), jnp.float32),
    ],
)
def _deg_kernel(rowd_hbm, degp_hbm, deg_sh, idx_v, ones_v, zb_v):
    c = lax.axis_index("c")
    s = lax.axis_index("s")
    ones16 = jnp.ones((16,), jnp.float32)
    zeros16 = jnp.zeros((16,), jnp.float32)
    for q in range(K // 16):
        ones_v[pl.ds(q * 16, 16)] = ones16
    for q in range(RPT // 16):
        zb_v[pl.ds(q * 16, 16)] = zeros16
    pltpu.sync_copy(zb_v, deg_sh.at[pl.ds(s * RPT, RPT)])
    pltpu.sync_copy(rowd_hbm.at[s, pl.ds(c * (CPS // 2), CPS // 2)], idx_v)
    plsc.subcore_barrier()

    def body(j, carry):
        pltpu.sync_copy(ones_v, deg_sh.at[idx_v.at[j]], add=True)
        return carry

    lax.fori_loop(0, CPS // 2, body, 0)
    plsc.subcore_barrier()
    pltpu.sync_copy(deg_sh.at[pl.ds(s * RPT, RPT)],
                    degp_hbm.at[c, pl.ds(s * RPT, RPT)])


def _blocks(start, n):
    out = []
    while n > 0:
        b = min(n, IDXB)
        out.append((start, b))
        start += b
        n -= b
    return out


@functools.partial(
    pl.kernel,
    out_type=jax.ShapeDtypeStruct((NC, ROWS, D), jnp.float32),
    mesh=_mesh,
    scratch_types=[
        pltpu.VMEM_SHARED((ROWS, D), jnp.float32),
        pltpu.VMEM((2, K, D), jnp.float32),
        pltpu.VMEM((IDXB, K), jnp.int32),
        pltpu.VMEM((IDXB, K), jnp.int32),
        pltpu.VMEM((32, D), jnp.float32),
        pltpu.SemaphoreType.DMA,
        pltpu.SemaphoreType.DMA,
    ],
)
def _scatter_kernel(h_hbm, rowg_hbm, cols_hbm, sp_hbm,
                    acc_sh, gbuf, idxg, idxs, zb, semA, semB):
    c = lax.axis_index("c")
    s = lax.axis_index("s")
    zeros16 = jnp.zeros((16,), jnp.float32)

    def zrow(i, carry):
        for q in range(D // 16):
            zb[i, pl.ds(q * 16, 16)] = zeros16
        return carry

    lax.fori_loop(0, 32, zrow, 0)
    for t in range(RPT // 32):
        pltpu.sync_copy(zb, acc_sh.at[pl.ds(s * RPT + t * 32, 32)])
    plsc.subcore_barrier()

    def run_block(st, n):
        pltpu.sync_copy(rowg_hbm.at[s, pl.ds(st, n)], idxg.at[pl.ds(0, n)])
        pltpu.sync_copy(cols_hbm.at[s, pl.ds(st, n)], idxs.at[pl.ds(0, n)])
        pltpu.async_copy(h_hbm.at[idxg.at[0]], gbuf.at[0], semA)
        pltpu.async_copy(h_hbm.at[idxg.at[1]], gbuf.at[1], semB)
        ng = n // 2

        def body(g, carry):
            j0 = 2 * g
            pltpu.make_async_copy(
                h_hbm.at[idxg.at[0]], gbuf.at[0], semA).wait()
            pltpu.sync_copy(gbuf.at[0], acc_sh.at[idxs.at[j0]], add=True)

            @pl.when(g < ng - 1)
            def _():
                pltpu.async_copy(h_hbm.at[idxg.at[j0 + 2]], gbuf.at[0], semA)

            pltpu.make_async_copy(
                h_hbm.at[idxg.at[1]], gbuf.at[1], semB).wait()
            pltpu.sync_copy(gbuf.at[1], acc_sh.at[idxs.at[j0 + 1]], add=True)

            @pl.when(g < ng - 1)
            def _():
                pltpu.async_copy(h_hbm.at[idxg.at[j0 + 3]], gbuf.at[1], semB)

            return carry

        lax.fori_loop(0, ng, body, 0)

    @pl.when(c == 0)
    def _():
        for st, n in _blocks(0, NCHUNK0):
            run_block(st, n)

    @pl.when(c == 1)
    def _():
        for st, n in _blocks(NCHUNK0, CPS - NCHUNK0):
            run_block(st, n)

    plsc.subcore_barrier()
    pltpu.sync_copy(acc_sh.at[pl.ds(s * RPT, RPT)],
                    sp_hbm.at[c, pl.ds(s * RPT, RPT)])


def _tc1_body(x_ref, w1_ref, degt_ref, h1p_ref, dinv_ref):
    deg = degt_ref[:, 0:1] + degt_ref[:, 1:2] + 0.5
    dinv = lax.rsqrt(deg)
    h = jnp.dot(x_ref[...], w1_ref[...], preferred_element_type=jnp.float32)
    h1p_ref[...] = h * dinv
    dinv_ref[...] = dinv


def _tc1(x, W1, degt):
    return pl.pallas_call(
        _tc1_body,
        grid=(GRID,),
        in_specs=[
            pl.BlockSpec((RB, D), lambda i: (i, 0)),
            pl.BlockSpec((D, D), lambda i: (0, 0)),
            pl.BlockSpec((RB, NC), lambda i: (i, 0)),
        ],
        out_specs=[
            pl.BlockSpec((RB, D), lambda i: (i, 0)),
            pl.BlockSpec((RB, 1), lambda i: (i, 0)),
        ],
        out_shape=[
            jax.ShapeDtypeStruct((N, D), jnp.float32),
            jax.ShapeDtypeStruct((N, 1), jnp.float32),
        ],
    )(x, W1, degt)


def _tc2_body(sp_ref, h1p_ref, dinv_ref, b1_ref, w2_ref, h2p_ref):
    ssum = sp_ref[0] + sp_ref[1]
    dinv = dinv_ref[...]
    z = jnp.maximum(dinv * (ssum + 0.5 * h1p_ref[...]) + b1_ref[...], 0.0)
    h2 = jnp.dot(z, w2_ref[...], preferred_element_type=jnp.float32)
    h2p_ref[...] = h2 * dinv


def _tc2(sp1, h1p, dinv, b1, W2):
    return pl.pallas_call(
        _tc2_body,
        grid=(GRID,),
        in_specs=[
            pl.BlockSpec((NC, RB, D), lambda i: (0, i, 0)),
            pl.BlockSpec((RB, D), lambda i: (i, 0)),
            pl.BlockSpec((RB, 1), lambda i: (i, 0)),
            pl.BlockSpec((1, D), lambda i: (0, 0)),
            pl.BlockSpec((D, D), lambda i: (0, 0)),
        ],
        out_specs=pl.BlockSpec((RB, D), lambda i: (i, 0)),
        out_shape=jax.ShapeDtypeStruct((N, D), jnp.float32),
    )(sp1, h1p, dinv, b1, W2)


def _tc3_body(sp_ref, h2p_ref, dinv_ref, b2_ref, out_ref):
    ssum = sp_ref[0] + sp_ref[1]
    out_ref[...] = dinv_ref[...] * (ssum + 0.5 * h2p_ref[...]) + b2_ref[...]


def _tc3(sp2, h2p, dinv, b2):
    return pl.pallas_call(
        _tc3_body,
        grid=(GRID,),
        in_specs=[
            pl.BlockSpec((NC, RB, D), lambda i: (0, i, 0)),
            pl.BlockSpec((RB, D), lambda i: (i, 0)),
            pl.BlockSpec((RB, 1), lambda i: (i, 0)),
            pl.BlockSpec((1, D), lambda i: (0, 0)),
        ],
        out_specs=pl.BlockSpec((RB, D), lambda i: (i, 0)),
        out_shape=jax.ShapeDtypeStruct((N, D), jnp.float32),
    )(sp2, h2p, dinv, b2)


@jax.jit
def kernel(x, edge_index, W1, b1, W2, b2):
    row = edge_index[0]
    col = edge_index[1]
    pad = EPAD - E
    dummy = DUMMY + (jnp.arange(pad, dtype=jnp.int32) % (ROWS - N))
    rowg = jnp.concatenate(
        [row, jnp.zeros((pad,), jnp.int32)]).reshape(NS, CPS, K)
    cols = jnp.concatenate([col, dummy]).reshape(NS, CPS, K)
    rowd = jnp.concatenate([row, dummy]).reshape(NS, CPS, K)

    degp = _deg_kernel(rowd)
    degt = degp.T
    h1p, dinv = _tc1(x, W1, degt)
    sp1 = _scatter_kernel(h1p, rowg, cols)
    h2p = _tc2(sp1, h1p, dinv, b1.reshape(1, D), W2)
    sp2 = _scatter_kernel(h2p, rowg, cols)
    return _tc3(sp2, h2p, dinv, b2.reshape(1, D))

# --- scband reference (transcript-rebuilt; emitter-appended) ---
"""Pipeline reference for scband-ppmignn-71098888618091 (READ-ONLY COPY).

The authoritative reference and input builder live on the scoring server;
editing this copy changes nothing except your own understanding.
"""

import jax, jax.numpy as jnp
import numpy as np

N = 10000
E = 320000
D_IN = 128
D_HID = 128
D_OUT = 128


def setup_inputs(seed: int = 0) -> dict:
    key = jax.random.key(seed)
    k1, k2, k3, k4 = jax.random.split(key, 4)
    x = jax.random.normal(k1, (N, D_IN), dtype=jnp.float32)
    edge_index = jax.random.randint(k2, (2, E), 0, N, dtype=jnp.int32)
    # glorot-initialized weights for the two conv layers, zero biases
    s1 = float(np.sqrt(6.0 / (D_IN + D_HID)))
    s2 = float(np.sqrt(6.0 / (D_HID + D_OUT)))
    W1 = jax.random.uniform(k3, (D_IN, D_HID), dtype=jnp.float32, minval=-s1, maxval=s1)
    W2 = jax.random.uniform(k4, (D_HID, D_OUT), dtype=jnp.float32, minval=-s2, maxval=s2)
    b1 = jnp.zeros((D_HID,), dtype=jnp.float32)
    b2 = jnp.zeros((D_OUT,), dtype=jnp.float32)
    return {"x": x, "edge_index": edge_index, "W1": W1, "b1": b1, "W2": W2, "b2": b2}


def _gcn_norm(edge_index, num_nodes):
    # CachedGCNConv.norm: add remaining self-loops with fill_value=0.5,
    # then symmetric normalization deg^{-1/2} A deg^{-1/2}.
    row = edge_index[0]
    col = edge_index[1]
    ew = jnp.ones((row.shape[0],), dtype=jnp.float32)
    loop = jnp.arange(num_nodes, dtype=row.dtype)
    row = jnp.concatenate([row, loop])
    col = jnp.concatenate([col, loop])
    ew = jnp.concatenate([ew, jnp.full((num_nodes,), 0.5, dtype=jnp.float32)])
    deg = jax.ops.segment_sum(ew, row, num_segments=num_nodes)
    deg_inv_sqrt = jnp.where(deg > 0, jax.lax.rsqrt(jnp.where(deg > 0, deg, 1.0)), 0.0)
    norm = deg_inv_sqrt[row] * ew * deg_inv_sqrt[col]
    return row, col, norm


def _conv(x, W, b, row, col, norm, num_nodes):
    h = x @ W
    # message: norm * x_j (x_j gathered from source=row), aggr='add' at target=col
    msg = norm[:, None] * jnp.take(h, row, axis=0)
    out = jax.ops.segment_sum(msg, col, num_segments=num_nodes)
    return out + b


def reference(x, edge_index, W1, b1, W2, b2):
    num_nodes = x.shape[0]
    row, col, norm = _gcn_norm(edge_index, num_nodes)
    h = _conv(x, W1, b1, row, col, norm, num_nodes)
    h = jax.nn.relu(h)  # dropout is identity in eval mode
    out = _conv(h, W2, b2, row, col, norm, num_nodes)
    return out

if __name__ == "__main__":
    import jax
    _d = setup_inputs()
    print(jax.jit(kernel)(*tuple(_d.values())))

</pallas_src>

<mosaic_0001>
#map = affine_map<(d0, d1) -> (0, 0)>
#map1 = affine_map<(d0, d1) -> (0, 0, 0)>
module attributes {stable_mosaic.version = 14 : i64} {
  func.func @_scatter_kernel(%arg0: i32, %arg1: i32, %arg2: memref<10000x128xf32, #tpu.memory_space<hbm>>, %arg3: memref<16x160x128xi32, #tpu.memory_space<hbm>>, %arg4: memref<16x160x128xi32, #tpu.memory_space<hbm>>, %arg5: memref<2x10240x128xf32, #tpu.memory_space<hbm>>, %arg6: memref<10240x128xf32, #tpu.memory_space<vmem_shared>>, %arg7: memref<2x128x128xf32, #tpu.memory_space<vmem>>, %arg8: memref<32x128xi32, #tpu.memory_space<vmem>>, %arg9: memref<32x128xi32, #tpu.memory_space<vmem>>, %arg10: memref<32x128xf32, #tpu.memory_space<vmem>>, %arg11: memref<!tpu.dma_semaphore, #tpu.memory_space<semaphore_mem>>, %arg12: memref<!tpu.dma_semaphore, #tpu.memory_space<semaphore_mem>>) attributes {dimension_semantics = [#tpu.dimension_semantics<core_parallel>, #tpu.dimension_semantics<subcore_parallel>], iteration_bounds = array<i64: 2, 16>, scalar_prefetch = 0 : i64, scratch_operands = 7 : i64, tpu.core_type = #tpu.core_type<sc_vector_subcore>, window_params = [{transform_indices = #map}, {transform_indices = #map1}, {transform_indices = #map1}, {transform_indices = #map1}]} {
    %broadcast_in_dim3A = arith.constant 0.000000e+00 : f32
    %broadcast_in_dim3A_0 = vector.broadcast %broadcast_in_dim3A : f32 to vector<16xf32>
    %scan3A = arith.constant 0 : i32
    %scan3A_1 = arith.constant 0 : i32
    %scan3A_2 = arith.constant 32 : i32
    %scan3A_3 = arith.addi %scan3A_1, %scan3A_2 : i32
    %scan3A_4 = arith.constant 1 : i32
    scf.for %scan3A_96 = %scan3A_1 to %scan3A_3 step %scan3A_4  : i32 {
      %swap3A = arith.index_cast %scan3A_96 : i32 to index
      %swap3A_97 = arith.constant 0 : index
      %swap3A_98 = tpu.vector_load %arg10[%swap3A, %swap3A_97] {strides = array<i32>} : memref<32x128xf32, #tpu.memory_space<vmem>>, vector<1x16xf32>,
      %swap3A_99 = vector.shape_cast %swap3A_98 : vector<1x16xf32> to vector<16xf32>
      %swap3A_100 = vector.shape_cast %broadcast_in_dim3A_0 : vector<16xf32> to vector<1x16xf32>
      tpu.vector_store %arg10[%swap3A, %swap3A_97], %swap3A_100 {strides = array<i32>} : memref<32x128xf32, #tpu.memory_space<vmem>>, vector<1x16xf32>,
      %swap3A_101 = arith.index_cast %scan3A_96 : i32 to index
      %swap3A_102 = arith.constant 16 : index
      %swap3A_103 = tpu.vector_load %arg10[%swap3A_101, %swap3A_102] {strides = array<i32>} : memref<32x128xf32, #tpu.memory_space<vmem>>, vector<1x16xf32>,
      %swap3A_104 = vector.shape_cast %swap3A_103 : vector<1x16xf32> to vector<16xf32>
      %swap3A_105 = vector.shape_cast %broadcast_in_dim3A_0 : vector<16xf32> to vector<1x16xf32>
      tpu.vector_store %arg10[%swap3A_101, %swap3A_102], %swap3A_105 {strides = array<i32>} : memref<32x128xf32, #tpu.memory_space<vmem>>, vector<1x16xf32>,
      %swap3A_106 = arith.index_cast %scan3A_96 : i32 to index
      %swap3A_107 = arith.constant 32 : index
      %swap3A_108 = tpu.vector_load %arg10[%swap3A_106, %swap3A_107] {strides = array<i32>} : memref<32x128xf32, #tpu.memory_space<vmem>>, vector<1x16xf32>,
      %swap3A_109 = vector.shape_cast %swap3A_108 : vector<1x16xf32> to vector<16xf32>
      %swap3A_110 = vector.shape_cast %broadcast_in_dim3A_0 : vector<16xf32> to vector<1x16xf32>
      tpu.vector_store %arg10[%swap3A_106, %swap3A_107], %swap3A_110 {strides = array<i32>} : memref<32x128xf32, #tpu.memory_space<vmem>>, vector<1x16xf32>,
      %swap3A_111 = arith.index_cast %scan3A_96 : i32 to index
      %swap3A_112 = arith.constant 48 : index
      %swap3A_113 = tpu.vector_load %arg10[%swap3A_111, %swap3A_112] {strides = array<i32>} : memref<32x128xf32, #tpu.memory_space<vmem>>, vector<1x16xf32>,
      %swap3A_114 = vector.shape_cast %swap3A_113 : vector<1x16xf32> to vector<16xf32>
      %swap3A_115 = vector.shape_cast %broadcast_in_dim3A_0 : vector<16xf32> to vector<1x16xf32>
      tpu.vector_store %arg10[%swap3A_111, %swap3A_112], %swap3A_115 {strides = array<i32>} : memref<32x128xf32, #tpu.memory_space<vmem>>, vector<1x16xf32>,
      %swap3A_116 = arith.index_cast %scan3A_96 : i32 to index
      %swap3A_117 = arith.constant 64 : index
      %swap3A_118 = tpu.vector_load %arg10[%swap3A_116, %swap3A_117] {strides = array<i32>} : memref<32x128xf32, #tpu.memory_space<vmem>>, vector<1x16xf32>,
      %swap3A_119 = vector.shape_cast %swap3A_118 : vector<1x16xf32> to vector<16xf32>
      %swap3A_120 = vector.shape_cast %broadcast_in_dim3A_0 : vector<16xf32> to vector<1x16xf32>
      tpu.vector_store %arg10[%swap3A_116, %swap3A_117], %swap3A_120 {strides = array<i32>} : memref<32x128xf32, #tpu.memory_space<vmem>>, vector<1x16xf32>,
      %swap3A_121 = arith.index_cast %scan3A_96 : i32 to index
      %swap3A_122 = arith.constant 80 : index
      %swap3A_123 = tpu.vector_load %arg10[%swap3A_121, %swap3A_122] {strides = array<i32>} : memref<32x128xf32, #tpu.memory_space<vmem>>, vector<1x16xf32>,
      %swap3A_124 = vector.shape_cast %swap3A_123 : vector<1x16xf32> to vector<16xf32>
      %swap3A_125 = vector.shape_cast %broadcast_in_dim3A_0 : vector<16xf32> to vector<1x16xf32>
      tpu.vector_store %arg10[%swap3A_121, %swap3A_122], %swap3A_125 {strides = array<i32>} : memref<32x128xf32, #tpu.memory_space<vmem>>, vector<1x16xf32>,
      %swap3A_126 = arith.index_cast %scan3A_96 : i32 to index
      %swap3A_127 = arith.constant 96 : index
      %swap3A_128 = tpu.vector_load %arg10[%swap3A_126, %swap3A_127] {strides = array<i32>} : memref<32x128xf32, #tpu.memory_space<vmem>>, vector<1x16xf32>,
      %swap3A_129 = vector.shape_cast %swap3A_128 : vector<1x16xf32> to vector<16xf32>
      %swap3A_130 = vector.shape_cast %broadcast_in_dim3A_0 : vector<16xf32> to vector<1x16xf32>
      tpu.vector_store %arg10[%swap3A_126, %swap3A_127], %swap3A_130 {strides = array<i32>} : memref<32x128xf32, #tpu.memory_space<vmem>>, vector<1x16xf32>,
      %swap3A_131 = arith.index_cast %scan3A_96 : i32 to index
      %swap3A_132 = arith.constant 112 : index
      %swap3A_133 = tpu.vector_load %arg10[%swap3A_131, %swap3A_132] {strides = array<i32>} : memref<32x128xf32, #tpu.memory_space<vmem>>, vector<1x16xf32>,
      %swap3A_134 = vector.shape_cast %swap3A_133 : vector<1x16xf32> to vector<16xf32>
      %swap3A_135 = vector.shape_cast %broadcast_in_dim3A_0 : vector<16xf32> to vector<1x16xf32>
      tpu.vector_store %arg10[%swap3A_131, %swap3A_132], %swap3A_135 {strides = array<i32>} : memref<32x128xf32, #tpu.memory_space<vmem>>, vector<1x16xf32>,
    }
    %scan3A_5 = arith.constant 32 : i32
    %mul3A = arith.constant 640 : i32
    %mul3A_6 = arith.muli %arg1, %mul3A : i32
    %add3A = arith.constant 0 : i32
    %add3A_7 = arith.addi %mul3A_6, %add3A : i32
    "tpu.region"() ({
      %run_scoped3A = tpu.sem_alloc : memref<!tpu.dma_semaphore, #tpu.memory_space<semaphore_mem>>
      %dma_start3A = arith.constant 0 : i32
      %dma_start3A_96 = tpu.memref_slice %arg6[%add3A_7, %dma_start3A] : memref<10240x128xf32, #tpu.memory_space<vmem_shared>> -> memref<32x128xf32, #tpu.memory_space<vmem_shared>>
      %dma_start3A_97 = arith.constant 0 : i32
      %dma_start3A_98 = tpu.memref_slice %arg6[%add3A_7, %dma_start3A_97] : memref<10240x128xf32, #tpu.memory_space<vmem_shared>> -> memref<32x128xf32, #tpu.memory_space<vmem_shared>>
      tpu.enqueue_dma source(%arg10 : memref<32x128xf32, #tpu.memory_space<vmem>>) target(%dma_start3A_98 : memref<32x128xf32, #tpu.memory_space<vmem_shared>>) target_semaphore(%run_scoped3A : memref<!tpu.dma_semaphore, #tpu.memory_space<semaphore_mem>>)
      %dma_wait3A = arith.constant 0 : i32
      %dma_wait3A_99 = tpu.memref_slice %arg6[%add3A_7, %dma_wait3A] : memref<10240x128xf32, #tpu.memory_space<vmem_shared>> -> memref<32x128xf32, #tpu.memory_space<vmem_shared>>
      %dma_wait3A_100 = arith.constant 0 : i32
      %dma_wait3A_101 = tpu.memref_slice %arg6[%add3A_7, %dma_wait3A_100] : memref<10240x128xf32, #tpu.memory_space<vmem_shared>> -> memref<32x128xf32, #tpu.memory_space<vmem_shared>>
      tpu.wait_dma2 semaphore(%run_scoped3A : memref<!tpu.dma_semaphore, #tpu.memory_space<semaphore_mem>>) src(%arg10 : memref<32x128xf32, #tpu.memory_space<vmem>>) dst(%dma_wait3A_101 : memref<32x128xf32, #tpu.memory_space<vmem_shared>>)
      tpu.yield
    }) : () -> ()
    %mul3A_8 = arith.constant 640 : i32
    %mul3A_9 = arith.muli %arg1, %mul3A_8 : i32
    %add3A_10 = arith.constant 32 : i32
    %add3A_11 = arith.addi %mul3A_9, %add3A_10 : i32
    "tpu.region"() ({
      %run_scoped3A = tpu.sem_alloc : memref<!tpu.dma_semaphore, #tpu.memory_space<semaphore_mem>>
      %dma_start3A = arith.constant 0 : i32
      %dma_start3A_96 = tpu.memref_slice %arg6[%add3A_11, %dma_start3A] : memref<10240x128xf32, #tpu.memory_space<vmem_shared>> -> memref<32x128xf32, #tpu.memory_space<vmem_shared>>
      %dma_start3A_97 = arith.constant 0 : i32
      %dma_start3A_98 = tpu.memref_slice %arg6[%add3A_11, %dma_start3A_97] : memref<10240x128xf32, #tpu.memory_space<vmem_shared>> -> memref<32x128xf32, #tpu.memory_space<vmem_shared>>
      tpu.enqueue_dma source(%arg10 : memref<32x128xf32, #tpu.memory_space<vmem>>) target(%dma_start3A_98 : memref<32x128xf32, #tpu.memory_space<vmem_shared>>) target_semaphore(%run_scoped3A : memref<!tpu.dma_semaphore, #tpu.memory_space<semaphore_mem>>)
      %dma_wait3A = arith.constant 0 : i32
      %dma_wait3A_99 = tpu.memref_slice %arg6[%add3A_11, %dma_wait3A] : memref<10240x128xf32, #tpu.memory_space<vmem_shared>> -> memref<32x128xf32, #tpu.memory_space<vmem_shared>>
      %dma_wait3A_100 = arith.constant 0 : i32
      %dma_wait3A_101 = tpu.memref_slice %arg6[%add3A_11, %dma_wait3A_100] : memref<10240x128xf32, #tpu.memory_space<vmem_shared>> -> memref<32x128xf32, #tpu.memory_space<vmem_shared>>
      tpu.wait_dma2 semaphore(%run_scoped3A : memref<!tpu.dma_semaphore, #tpu.memory_space<semaphore_mem>>) src(%arg10 : memref<32x128xf32, #tpu.memory_space<vmem>>) dst(%dma_wait3A_101 : memref<32x128xf32, #tpu.memory_space<vmem_shared>>)
      tpu.yield
    }) : () -> ()
    %mul3A_12 = arith.constant 640 : i32
    %mul3A_13 = arith.muli %arg1, %mul3A_12 : i32
    %add3A_14 = arith.constant 64 : i32
    %add3A_15 = arith.addi %mul3A_13, %add3A_14 : i32
    "tpu.region"() ({
      %run_scoped3A = tpu.sem_alloc : memref<!tpu.dma_semaphore, #tpu.memory_space<semaphore_mem>>
      %dma_start3A = arith.constant 0 : i32
      %dma_start3A_96 = tpu.memref_slice %arg6[%add3A_15, %dma_start3A] : memref<10240x128xf32, #tpu.memory_space<vmem_shared>> -> memref<32x128xf32, #tpu.memory_space<vmem_shared>>
      %dma_start3A_97 = arith.constant 0 : i32
      %dma_start3A_98 = tpu.memref_slice %arg6[%add3A_15, %dma_start3A_97] : memref<10240x128xf32, #tpu.memory_space<vmem_shared>> -> memref<32x128xf32, #tpu.memory_space<vmem_shared>>
      tpu.enqueue_dma source(%arg10 : memref<32x128xf32, #tpu.memory_space<vmem>>) target(%dma_start3A_98 : memref<32x128xf32, #tpu.memory_space<vmem_shared>>) target_semaphore(%run_scoped3A : memref<!tpu.dma_semaphore, #tpu.memory_space<semaphore_mem>>)
      %dma_wait3A = arith.constant 0 : i32
      %dma_wait3A_99 = tpu.memref_slice %arg6[%add3A_15, %dma_wait3A] : memref<10240x128xf32, #tpu.memory_space<vmem_shared>> -> memref<32x128xf32, #tpu.memory_space<vmem_shared>>
      %dma_wait3A_100 = arith.constant 0 : i32
      %dma_wait3A_101 = tpu.memref_slice %arg6[%add3A_15, %dma_wait3A_100] : memref<10240x128xf32, #tpu.memory_space<vmem_shared>> -> memref<32x128xf32, #tpu.memory_space<vmem_shared>>
      tpu.wait_dma2 semaphore(%run_scoped3A : memref<!tpu.dma_semaphore, #tpu.memory_space<semaphore_mem>>) src(%arg10 : memref<32x128xf32, #tpu.memory_space<vmem>>) dst(%dma_wait3A_101 : memref<32x128xf32, #tpu.memory_space<vmem_shared>>)
      tpu.yield
    }) : () -> ()
    %mul3A_16 = arith.constant 640 : i32
    %mul3A_17 = arith.muli %arg1, %mul3A_16 : i32
    %add3A_18 = arith.constant 96 : i32
    %add3A_19 = arith.addi %mul3A_17, %add3A_18 : i32
    "tpu.region"() ({
      %run_scoped3A = tpu.sem_alloc : memref<!tpu.dma_semaphore, #tpu.memory_space<semaphore_mem>>
      %dma_start3A = arith.constant 0 : i32
      %dma_start3A_96 = tpu.memref_slice %arg6[%add3A_19, %dma_start3A] : memref<10240x128xf32, #tpu.memory_space<vmem_shared>> -> memref<32x128xf32, #tpu.memory_space<vmem_shared>>
      %dma_start3A_97 = arith.constant 0 : i32
      %dma_start3A_98 = tpu.memref_slice %arg6[%add3A_19, %dma_start3A_97] : memref<10240x128xf32, #tpu.memory_space<vmem_shared>> -> memref<32x128xf32, #tpu.memory_space<vmem_shared>>
      tpu.enqueue_dma source(%arg10 : memref<32x128xf32, #tpu.memory_space<vmem>>) target(%dma_start3A_98 : memref<32x128xf32, #tpu.memory_space<vmem_shared>>) target_semaphore(%run_scoped3A : memref<!tpu.dma_semaphore, #tpu.memory_space<semaphore_mem>>)
      %dma_wait3A = arith.constant 0 : i32
      %dma_wait3A_99 = tpu.memref_slice %arg6[%add3A_19, %dma_wait3A] : memref<10240x128xf32, #tpu.memory_space<vmem_shared>> -> memref<32x128xf32, #tpu.memory_space<vmem_shared>>
      %dma_wait3A_100 = arith.constant 0 : i32
      %dma_wait3A_101 = tpu.memref_slice %arg6[%add3A_19, %dma_wait3A_100] : memref<10240x128xf32, #tpu.memory_space<vmem_shared>> -> memref<32x128xf32, #tpu.memory_space<vmem_shared>>
      tpu.wait_dma2 semaphore(%run_scoped3A : memref<!tpu.dma_semaphore, #tpu.memory_space<semaphore_mem>>) src(%arg10 : memref<32x128xf32, #tpu.memory_space<vmem>>) dst(%dma_wait3A_101 : memref<32x128xf32, #tpu.memory_space<vmem_shared>>)
      tpu.yield
    }) : () -> ()
    %mul3A_20 = arith.constant 640 : i32
    %mul3A_21 = arith.muli %arg1, %mul3A_20 : i32
    %add3A_22 = arith.constant 128 : i32
    %add3A_23 = arith.addi %mul3A_21, %add3A_22 : i32
    "tpu.region"() ({
      %run_scoped3A = tpu.sem_alloc : memref<!tpu.dma_semaphore, #tpu.memory_space<semaphore_mem>>
      %dma_start3A = arith.constant 0 : i32
      %dma_start3A_96 = tpu.memref_slice %arg6[%add3A_23, %dma_start3A] : memref<10240x128xf32, #tpu.memory_space<vmem_shared>> -> memref<32x128xf32, #tpu.memory_space<vmem_shared>>
      %dma_start3A_97 = arith.constant 0 : i32
      %dma_start3A_98 = tpu.memref_slice %arg6[%add3A_23, %dma_start3A_97] : memref<10240x128xf32, #tpu.memory_space<vmem_shared>> -> memref<32x128xf32, #tpu.memory_space<vmem_shared>>
      tpu.enqueue_dma source(%arg10 : memref<32x128xf32, #tpu.memory_space<vmem>>) target(%dma_start3A_98 : memref<32x128xf32, #tpu.memory_space<vmem_shared>>) target_semaphore(%run_scoped3A : memref<!tpu.dma_semaphore, #tpu.memory_space<semaphore_mem>>)
      %dma_wait3A = arith.constant 0 : i32
      %dma_wait3A_99 = tpu.memref_slice %arg6[%add3A_23, %dma_wait3A] : memref<10240x128xf32, #tpu.memory_space<vmem_shared>> -> memref<32x128xf32, #tpu.memory_space<vmem_shared>>
      %dma_wait3A_100 = arith.constant 0 : i32
      %dma_wait3A_101 = tpu.memref_slice %arg6[%add3A_23, %dma_wait3A_100] : memref<10240x128xf32, #tpu.memory_space<vmem_shared>> -> memref<32x128xf32, #tpu.memory_space<vmem_shared>>
      tpu.wait_dma2 semaphore(%run_scoped3A : memref<!tpu.dma_semaphore, #tpu.memory_space<semaphore_mem>>) src(%arg10 : memref<32x128xf32, #tpu.memory_space<vmem>>) dst(%dma_wait3A_101 : memref<32x128xf32, #tpu.memory_space<vmem_shared>>)
      tpu.yield
    }) : () -> ()
    %mul3A_24 = arith.constant 640 : i32
    %mul3A_25 = arith.muli %arg1, %mul3A_24 : i32
    %add3A_26 = arith.constant 160 : i32
    %add3A_27 = arith.addi %mul3A_25, %add3A_26 : i32
    "tpu.region"() ({
      %run_scoped3A = tpu.sem_alloc : memref<!tpu.dma_semaphore, #tpu.memory_space<semaphore_mem>>
      %dma_start3A = arith.constant 0 : i32
      %dma_start3A_96 = tpu.memref_slice %arg6[%add3A_27, %dma_start3A] : memref<10240x128xf32, #tpu.memory_space<vmem_shared>> -> memref<32x128xf32, #tpu.memory_space<vmem_shared>>
      %dma_start3A_97 = arith.constant 0 : i32
      %dma_start3A_98 = tpu.memref_slice %arg6[%add3A_27, %dma_start3A_97] : memref<10240x128xf32, #tpu.memory_space<vmem_shared>> -> memref<32x128xf32, #tpu.memory_space<vmem_shared>>
      tpu.enqueue_dma source(%arg10 : memref<32x128xf32, #tpu.memory_space<vmem>>) target(%dma_start3A_98 : memref<32x128xf32, #tpu.memory_space<vmem_shared>>) target_semaphore(%run_scoped3A : memref<!tpu.dma_semaphore, #tpu.memory_space<semaphore_mem>>)
      %dma_wait3A = arith.constant 0 : i32
      %dma_wait3A_99 = tpu.memref_slice %arg6[%add3A_27, %dma_wait3A] : memref<10240x128xf32, #tpu.memory_space<vmem_shared>> -> memref<32x128xf32, #tpu.memory_space<vmem_shared>>
      %dma_wait3A_100 = arith.constant 0 : i32
      %dma_wait3A_101 = tpu.memref_slice %arg6[%add3A_27, %dma_wait3A_100] : memref<10240x128xf32, #tpu.memory_space<vmem_shared>> -> memref<32x128xf32, #tpu.memory_space<vmem_shared>>
      tpu.wait_dma2 semaphore(%run_scoped3A : memref<!tpu.dma_semaphore, #tpu.memory_space<semaphore_mem>>) src(%arg10 : memref<32x128xf32, #tpu.memory_space<vmem>>) dst(%dma_wait3A_101 : memref<32x128xf32, #tpu.memory_space<vmem_shared>>)
      tpu.yield
    }) : () -> ()
    %mul3A_28 = arith.constant 640 : i32
    %mul3A_29 = arith.muli %arg1, %mul3A_28 : i32
    %add3A_30 = arith.constant 192 : i32
    %add3A_31 = arith.addi %mul3A_29, %add3A_30 : i32
    "tpu.region"() ({
      %run_scoped3A = tpu.sem_alloc : memref<!tpu.dma_semaphore, #tpu.memory_space<semaphore_mem>>
      %dma_start3A = arith.constant 0 : i32
      %dma_start3A_96 = tpu.memref_slice %arg6[%add3A_31, %dma_start3A] : memref<10240x128xf32, #tpu.memory_space<vmem_shared>> -> memref<32x128xf32, #tpu.memory_space<vmem_shared>>
      %dma_start3A_97 = arith.constant 0 : i32
      %dma_start3A_98 = tpu.memref_slice %arg6[%add3A_31, %dma_start3A_97] : memref<10240x128xf32, #tpu.memory_space<vmem_shared>> -> memref<32x128xf32, #tpu.memory_space<vmem_shared>>
      tpu.enqueue_dma source(%arg10 : memref<32x128xf32, #tpu.memory_space<vmem>>) target(%dma_start3A_98 : memref<32x128xf32, #tpu.memory_space<vmem_shared>>) target_semaphore(%run_scoped3A : memref<!tpu.dma_semaphore, #tpu.memory_space<semaphore_mem>>)
      %dma_wait3A = arith.constant 0 : i32
      %dma_wait3A_99 = tpu.memref_slice %arg6[%add3A_31, %dma_wait3A] : memref<10240x128xf32, #tpu.memory_space<vmem_shared>> -> memref<32x128xf32, #tpu.memory_space<vmem_shared>>
      %dma_wait3A_100 = arith.constant 0 : i32
      %dma_wait3A_101 = tpu.memref_slice %arg6[%add3A_31, %dma_wait3A_100] : memref<10240x128xf32, #tpu.memory_space<vmem_shared>> -> memref<32x128xf32, #tpu.memory_space<vmem_shared>>
      tpu.wait_dma2 semaphore(%run_scoped3A : memref<!tpu.dma_semaphore, #tpu.memory_space<semaphore_mem>>) src(%arg10 : memref<32x128xf32, #tpu.memory_space<vmem>>) dst(%dma_wait3A_101 : memref<32x128xf32, #tpu.memory_space<vmem_shared>>)
      tpu.yield
    }) : () -> ()
    %mul3A_32 = arith.constant 640 : i32
    %mul3A_33 = arith.muli %arg1, %mul3A_32 : i32
    %add3A_34 = arith.constant 224 : i32
    %add3A_35 = arith.addi %mul3A_33, %add3A_34 : i32
    "tpu.region"() ({
      %run_scoped3A = tpu.sem_alloc : memref<!tpu.dma_semaphore, #tpu.memory_space<semaphore_mem>>
      %dma_start3A = arith.constant 0 : i32
      %dma_start3A_96 = tpu.memref_slice %arg6[%add3A_35, %dma_start3A] : memref<10240x128xf32, #tpu.memory_space<vmem_shared>> -> memref<32x128xf32, #tpu.memory_space<vmem_shared>>
      %dma_start3A_97 = arith.constant 0 : i32
      %dma_start3A_98 = tpu.memref_slice %arg6[%add3A_35, %dma_start3A_97] : memref<10240x128xf32, #tpu.memory_space<vmem_shared>> -> memref<32x128xf32, #tpu.memory_space<vmem_shared>>
      tpu.enqueue_dma source(%arg10 : memref<32x128xf32, #tpu.memory_space<vmem>>) target(%dma_start3A_98 : memref<32x128xf32, #tpu.memory_space<vmem_shared>>) target_semaphore(%run_scoped3A : memref<!tpu.dma_semaphore, #tpu.memory_space<semaphore_mem>>)
      %dma_wait3A = arith.constant 0 : i32
      %dma_wait3A_99 = tpu.memref_slice %arg6[%add3A_35, %dma_wait3A] : memref<10240x128xf32, #tpu.memory_space<vmem_shared>> -> memref<32x128xf32, #tpu.memory_space<vmem_shared>>
      %dma_wait3A_100 = arith.constant 0 : i32
      %dma_wait3A_101 = tpu.memref_slice %arg6[%add3A_35, %dma_wait3A_100] : memref<10240x128xf32, #tpu.memory_space<vmem_shared>> -> memref<32x128xf32, #tpu.memory_space<vmem_shared>>
      tpu.wait_dma2 semaphore(%run_scoped3A : memref<!tpu.dma_semaphore, #tpu.memory_space<semaphore_mem>>) src(%arg10 : memref<32x128xf32, #tpu.memory_space<vmem>>) dst(%dma_wait3A_101 : memref<32x128xf32, #tpu.memory_space<vmem_shared>>)
      tpu.yield
    }) : () -> ()
    %mul3A_36 = arith.constant 640 : i32
    %mul3A_37 = arith.muli %arg1, %mul3A_36 : i32
    %add3A_38 = arith.constant 256 : i32
    %add3A_39 = arith.addi %mul3A_37, %add3A_38 : i32
    "tpu.region"() ({
      %run_scoped3A = tpu.sem_alloc : memref<!tpu.dma_semaphore, #tpu.memory_space<semaphore_mem>>
      %dma_start3A = arith.constant 0 : i32
      %dma_start3A_96 = tpu.memref_slice %arg6[%add3A_39, %dma_start3A] : memref<10240x128xf32, #tpu.memory_space<vmem_shared>> -> memref<32x128xf32, #tpu.memory_space<vmem_shared>>
      %dma_start3A_97 = arith.constant 0 : i32
      %dma_start3A_98 = tpu.memref_slice %arg6[%add3A_39, %dma_start3A_97] : memref<10240x128xf32, #tpu.memory_space<vmem_shared>> -> memref<32x128xf32, #tpu.memory_space<vmem_shared>>
      tpu.enqueue_dma source(%arg10 : memref<32x128xf32, #tpu.memory_space<vmem>>) target(%dma_start3A_98 : memref<32x128xf32, #tpu.memory_space<vmem_shared>>) target_semaphore(%run_scoped3A : memref<!tpu.dma_semaphore, #tpu.memory_space<semaphore_mem>>)
      %dma_wait3A = arith.constant 0 : i32
      %dma_wait3A_99 = tpu.memref_slice %arg6[%add3A_39, %dma_wait3A] : memref<10240x128xf32, #tpu.memory_space<vmem_shared>> -> memref<32x128xf32, #tpu.memory_space<vmem_shared>>
      %dma_wait3A_100 = arith.constant 0 : i32
      %dma_wait3A_101 = tpu.memref_slice %arg6[%add3A_39, %dma_wait3A_100] : memref<10240x128xf32, #tpu.memory_space<vmem_shared>> -> memref<32x128xf32, #tpu.memory_space<vmem_shared>>
      tpu.wait_dma2 semaphore(%run_scoped3A : memref<!tpu.dma_semaphore, #tpu.memory_space<semaphore_mem>>) src(%arg10 : memref<32x128xf32, #tpu.memory_space<vmem>>) dst(%dma_wait3A_101 : memref<32x128xf32, #tpu.memory_space<vmem_shared>>)
      tpu.yield
    }) : () -> ()
    %mul3A_40 = arith.constant 640 : i32
    %mul3A_41 = arith.muli %arg1, %mul3A_40 : i32
    %add3A_42 = arith.constant 288 : i32
    %add3A_43 = arith.addi %mul3A_41, %add3A_42 : i32
    "tpu.region"() ({
      %run_scoped3A = tpu.sem_alloc : memref<!tpu.dma_semaphore, #tpu.memory_space<semaphore_mem>>
      %dma_start3A = arith.constant 0 : i32
      %dma_start3A_96 = tpu.memref_slice %arg6[%add3A_43, %dma_start3A] : memref<10240x128xf32, #tpu.memory_space<vmem_shared>> -> memref<32x128xf32, #tpu.memory_space<vmem_shared>>
      %dma_start3A_97 = arith.constant 0 : i32
      %dma_start3A_98 = tpu.memref_slice %arg6[%add3A_43, %dma_start3A_97] : memref<10240x128xf32, #tpu.memory_space<vmem_shared>> -> memref<32x128xf32, #tpu.memory_space<vmem_shared>>
      tpu.enqueue_dma source(%arg10 : memref<32x128xf32, #tpu.memory_space<vmem>>) target(%dma_start3A_98 : memref<32x128xf32, #tpu.memory_space<vmem_shared>>) target_semaphore(%run_scoped3A : memref<!tpu.dma_semaphore, #tpu.memory_space<semaphore_mem>>)
      %dma_wait3A = arith.constant 0 : i32
      %dma_wait3A_99 = tpu.memref_slice %arg6[%add3A_43, %dma_wait3A] : memref<10240x128xf32, #tpu.memory_space<vmem_shared>> -> memref<32x128xf32, #tpu.memory_space<vmem_shared>>
      %dma_wait3A_100 = arith.constant 0 : i32
      %dma_wait3A_101 = tpu.memref_slice %arg6[%add3A_43, %dma_wait3A_100] : memref<10240x128xf32, #tpu.memory_space<vmem_shared>> -> memref<32x128xf32, #tpu.memory_space<vmem_shared>>
      tpu.wait_dma2 semaphore(%run_scoped3A : memref<!tpu.dma_semaphore, #tpu.memory_space<semaphore_mem>>) src(%arg10 : memref<32x128xf32, #tpu.memory_space<vmem>>) dst(%dma_wait3A_101 : memref<32x128xf32, #tpu.memory_space<vmem_shared>>)
      tpu.yield
    }) : () -> ()
    %mul3A_44 = arith.constant 640 : i32
    %mul3A_45 = arith.muli %arg1, %mul3A_44 : i32
    %add3A_46 = arith.constant 320 : i32
    %add3A_47 = arith.addi %mul3A_45, %add3A_46 : i32
    "tpu.region"() ({
      %run_scoped3A = tpu.sem_alloc : memref<!tpu.dma_semaphore, #tpu.memory_space<semaphore_mem>>
      %dma_start3A = arith.constant 0 : i32
      %dma_start3A_96 = tpu.memref_slice %arg6[%add3A_47, %dma_start3A] : memref<10240x128xf32, #tpu.memory_space<vmem_shared>> -> memref<32x128xf32, #tpu.memory_space<vmem_shared>>
      %dma_start3A_97 = arith.constant 0 : i32
      %dma_start3A_98 = tpu.memref_slice %arg6[%add3A_47, %dma_start3A_97] : memref<10240x128xf32, #tpu.memory_space<vmem_shared>> -> memref<32x128xf32, #tpu.memory_space<vmem_shared>>
      tpu.enqueue_dma source(%arg10 : memref<32x128xf32, #tpu.memory_space<vmem>>) target(%dma_start3A_98 : memref<32x128xf32, #tpu.memory_space<vmem_shared>>) target_semaphore(%run_scoped3A : memref<!tpu.dma_semaphore, #tpu.memory_space<semaphore_mem>>)
      %dma_wait3A = arith.constant 0 : i32
      %dma_wait3A_99 = tpu.memref_slice %arg6[%add3A_47, %dma_wait3A] : memref<10240x128xf32, #tpu.memory_space<vmem_shared>> -> memref<32x128xf32, #tpu.memory_space<vmem_shared>>
      %dma_wait3A_100 = arith.constant 0 : i32
      %dma_wait3A_101 = tpu.memref_slice %arg6[%add3A_47, %dma_wait3A_100] : memref<10240x128xf32, #tpu.memory_space<vmem_shared>> -> memref<32x128xf32, #tpu.memory_space<vmem_shared>>
      tpu.wait_dma2 semaphore(%run_scoped3A : memref<!tpu.dma_semaphore, #tpu.memory_space<semaphore_mem>>) src(%arg10 : memref<32x128xf32, #tpu.memory_space<vmem>>) dst(%dma_wait3A_101 : memref<32x128xf32, #tpu.memory_space<vmem_shared>>)
      tpu.yield
    }) : () -> ()
    %mul3A_48 = arith.constant 640 : i32
    %mul3A_49 = arith.muli %arg1, %mul3A_48 : i32
    %add3A_50 = arith.constant 352 : i32
    %add3A_51 = arith.addi %mul3A_49, %add3A_50 : i32
    "tpu.region"() ({
      %run_scoped3A = tpu.sem_alloc : memref<!tpu.dma_semaphore, #tpu.memory_space<semaphore_mem>>
      %dma_start3A = arith.constant 0 : i32
      %dma_start3A_96 = tpu.memref_slice %arg6[%add3A_51, %dma_start3A] : memref<10240x128xf32, #tpu.memory_space<vmem_shared>> -> memref<32x128xf32, #tpu.memory_space<vmem_shared>>
      %dma_start3A_97 = arith.constant 0 : i32
      %dma_start3A_98 = tpu.memref_slice %arg6[%add3A_51, %dma_start3A_97] : memref<10240x128xf32, #tpu.memory_space<vmem_shared>> -> memref<32x128xf32, #tpu.memory_space<vmem_shared>>
      tpu.enqueue_dma source(%arg10 : memref<32x128xf32, #tpu.memory_space<vmem>>) target(%dma_start3A_98 : memref<32x128xf32, #tpu.memory_space<vmem_shared>>) target_semaphore(%run_scoped3A : memref<!tpu.dma_semaphore, #tpu.memory_space<semaphore_mem>>)
      %dma_wait3A = arith.constant 0 : i32
      %dma_wait3A_99 = tpu.memref_slice %arg6[%add3A_51, %dma_wait3A] : memref<10240x128xf32, #tpu.memory_space<vmem_shared>> -> memref<32x128xf32, #tpu.memory_space<vmem_shared>>
      %dma_wait3A_100 = arith.constant 0 : i32
      %dma_wait3A_101 = tpu.memref_slice %arg6[%add3A_51, %dma_wait3A_100] : memref<10240x128xf32, #tpu.memory_space<vmem_shared>> -> memref<32x128xf32, #tpu.memory_space<vmem_shared>>
      tpu.wait_dma2 semaphore(%run_scoped3A : memref<!tpu.dma_semaphore, #tpu.memory_space<semaphore_mem>>) src(%arg10 : memref<32x128xf32, #tpu.memory_space<vmem>>) dst(%dma_wait3A_101 : memref<32x128xf32, #tpu.memory_space<vmem_shared>>)
      tpu.yield
    }) : () -> ()
    %mul3A_52 = arith.constant 640 : i32
    %mul3A_53 = arith.muli %arg1, %mul3A_52 : i32
    %add3A_54 = arith.constant 384 : i32
    %add3A_55 = arith.addi %mul3A_53, %add3A_54 : i32
    "tpu.region"() ({
      %run_scoped3A = tpu.sem_alloc : memref<!tpu.dma_semaphore, #tpu.memory_space<semaphore_mem>>
      %dma_start3A = arith.constant 0 : i32
      %dma_start3A_96 = tpu.memref_slice %arg6[%add3A_55, %dma_start3A] : memref<10240x128xf32, #tpu.memory_space<vmem_shared>> -> memref<32x128xf32, #tpu.memory_space<vmem_shared>>
      %dma_start3A_97 = arith.constant 0 : i32
      %dma_start3A_98 = tpu.memref_slice %arg6[%add3A_55, %dma_start3A_97] : memref<10240x128xf32, #tpu.memory_space<vmem_shared>> -> memref<32x128xf32, #tpu.memory_space<vmem_shared>>
      tpu.enqueue_dma source(%arg10 : memref<32x128xf32, #tpu.memory_space<vmem>>) target(%dma_start3A_98 : memref<32x128xf32, #tpu.memory_space<vmem_shared>>) target_semaphore(%run_scoped3A : memref<!tpu.dma_semaphore, #tpu.memory_space<semaphore_mem>>)
      %dma_wait3A = arith.constant 0 : i32
      %dma_wait3A_99 = tpu.memref_slice %arg6[%add3A_55, %dma_wait3A] : memref<10240x128xf32, #tpu.memory_space<vmem_shared>> -> memref<32x128xf32, #tpu.memory_space<vmem_shared>>
      %dma_wait3A_100 = arith.constant 0 : i32
      %dma_wait3A_101 = tpu.memref_slice %arg6[%add3A_55, %dma_wait3A_100] : memref<10240x128xf32, #tpu.memory_space<vmem_shared>> -> memref<32x128xf32, #tpu.memory_space<vmem_shared>>
      tpu.wait_dma2 semaphore(%run_scoped3A : memref<!tpu.dma_semaphore, #tpu.memory_space<semaphore_mem>>) src(%arg10 : memref<32x128xf32, #tpu.memory_space<vmem>>) dst(%dma_wait3A_101 : memref<32x128xf32, #tpu.memory_space<vmem_shared>>)
      tpu.yield
    }) : () -> ()
    %mul3A_56 = arith.constant 640 : i32
    %mul3A_57 = arith.muli %arg1, %mul3A_56 : i32
    %add3A_58 = arith.constant 416 : i32
    %add3A_59 = arith.addi %mul3A_57, %add3A_58 : i32
    "tpu.region"() ({
      %run_scoped3A = tpu.sem_alloc : memref<!tpu.dma_semaphore, #tpu.memory_space<semaphore_mem>>
      %dma_start3A = arith.constant 0 : i32
      %dma_start3A_96 = tpu.memref_slice %arg6[%add3A_59, %dma_start3A] : memref<10240x128xf32, #tpu.memory_space<vmem_shared>> -> memref<32x128xf32, #tpu.memory_space<vmem_shared>>
      %dma_start3A_97 = arith.constant 0 : i32
      %dma_start3A_98 = tpu.memref_slice %arg6[%add3A_59, %dma_start3A_97] : memref<10240x128xf32, #tpu.memory_space<vmem_shared>> -> memref<32x128xf32, #tpu.memory_space<vmem_shared>>
      tpu.enqueue_dma source(%arg10 : memref<32x128xf32, #tpu.memory_space<vmem>>) target(%dma_start3A_98 : memref<32x128xf32, #tpu.memory_space<vmem_shared>>) target_semaphore(%run_scoped3A : memref<!tpu.dma_semaphore, #tpu.memory_space<semaphore_mem>>)
      %dma_wait3A = arith.constant 0 : i32
      %dma_wait3A_99 = tpu.memref_slice %arg6[%add3A_59, %dma_wait3A] : memref<10240x128xf32, #tpu.memory_space<vmem_shared>> -> memref<32x128xf32, #tpu.memory_space<vmem_shared>>
      %dma_wait3A_100 = arith.constant 0 : i32
      %dma_wait3A_101 = tpu.memref_slice %arg6[%add3A_59, %dma_wait3A_100] : memref<10240x128xf32, #tpu.memory_space<vmem_shared>> -> memref<32x128xf32, #tpu.memory_space<vmem_shared>>
      tpu.wait_dma2 semaphore(%run_scoped3A : memref<!tpu.dma_semaphore, #tpu.memory_space<semaphore_mem>>) src(%arg10 : memref<32x128xf32, #tpu.memory_space<vmem>>) dst(%dma_wait3A_101 : memref<32x128xf32, #tpu.memory_space<vmem_shared>>)
      tpu.yield
    }) : () -> ()
    %mul3A_60 = arith.constant 640 : i32
    %mul3A_61 = arith.muli %arg1, %mul3A_60 : i32
    %add3A_62 = arith.constant 448 : i32
    %add3A_63 = arith.addi %mul3A_61, %add3A_62 : i32
    "tpu.region"() ({
      %run_scoped3A = tpu.sem_alloc : memref<!tpu.dma_semaphore, #tpu.memory_space<semaphore_mem>>
      %dma_start3A = arith.constant 0 : i32
      %dma_start3A_96 = tpu.memref_slice %arg6[%add3A_63, %dma_start3A] : memref<10240x128xf32, #tpu.memory_space<vmem_shared>> -> memref<32x128xf32, #tpu.memory_space<vmem_shared>>
      %dma_start3A_97 = arith.constant 0 : i32
      %dma_start3A_98 = tpu.memref_slice %arg6[%add3A_63, %dma_start3A_97] : memref<10240x128xf32, #tpu.memory_space<vmem_shared>> -> memref<32x128xf32, #tpu.memory_space<vmem_shared>>
      tpu.enqueue_dma source(%arg10 : memref<32x128xf32, #tpu.memory_space<vmem>>) target(%dma_start3A_98 : memref<32x128xf32, #tpu.memory_space<vmem_shared>>) target_semaphore(%run_scoped3A : memref<!tpu.dma_semaphore, #tpu.memory_space<semaphore_mem>>)
      %dma_wait3A = arith.constant 0 : i32
      %dma_wait3A_99 = tpu.memref_slice %arg6[%add3A_63, %dma_wait3A] : memref<10240x128xf32, #tpu.memory_space<vmem_shared>> -> memref<32x128xf32, #tpu.memory_space<vmem_shared>>
      %dma_wait3A_100 = arith.constant 0 : i32
      %dma_wait3A_101 = tpu.memref_slice %arg6[%add3A_63, %dma_wait3A_100] : memref<10240x128xf32, #tpu.memory_space<vmem_shared>> -> memref<32x128xf32, #tpu.memory_space<vmem_shared>>
      tpu.wait_dma2 semaphore(%run_scoped3A : memref<!tpu.dma_semaphore, #tpu.memory_space<semaphore_mem>>) src(%arg10 : memref<32x128xf32, #tpu.memory_space<vmem>>) dst(%dma_wait3A_101 : memref<32x128xf32, #tpu.memory_space<vmem_shared>>)
      tpu.yield
    }) : () -> ()
    %mul3A_64 = arith.constant 640 : i32
    %mul3A_65 = arith.muli %arg1, %mul3A_64 : i32
    %add3A_66 = arith.constant 480 : i32
    %add3A_67 = arith.addi %mul3A_65, %add3A_66 : i32
    "tpu.region"() ({
      %run_scoped3A = tpu.sem_alloc : memref<!tpu.dma_semaphore, #tpu.memory_space<semaphore_mem>>
      %dma_start3A = arith.constant 0 : i32
      %dma_start3A_96 = tpu.memref_slice %arg6[%add3A_67, %dma_start3A] : memref<10240x128xf32, #tpu.memory_space<vmem_shared>> -> memref<32x128xf32, #tpu.memory_space<vmem_shared>>
      %dma_start3A_97 = arith.constant 0 : i32
      %dma_start3A_98 = tpu.memref_slice %arg6[%add3A_67, %dma_start3A_97] : memref<10240x128xf32, #tpu.memory_space<vmem_shared>> -> memref<32x128xf32, #tpu.memory_space<vmem_shared>>
      tpu.enqueue_dma source(%arg10 : memref<32x128xf32, #tpu.memory_space<vmem>>) target(%dma_start3A_98 : memref<32x128xf32, #tpu.memory_space<vmem_shared>>) target_semaphore(%run_scoped3A : memref<!tpu.dma_semaphore, #tpu.memory_space<semaphore_mem>>)
      %dma_wait3A = arith.constant 0 : i32
      %dma_wait3A_99 = tpu.memref_slice %arg6[%add3A_67, %dma_wait3A] : memref<10240x128xf32, #tpu.memory_space<vmem_shared>> -> memref<32x128xf32, #tpu.memory_space<vmem_shared>>
      %dma_wait3A_100 = arith.constant 0 : i32
      %dma_wait3A_101 = tpu.memref_slice %arg6[%add3A_67, %dma_wait3A_100] : memref<10240x128xf32, #tpu.memory_space<vmem_shared>> -> memref<32x128xf32, #tpu.memory_space<vmem_shared>>
      tpu.wait_dma2 semaphore(%run_scoped3A : memref<!tpu.dma_semaphore, #tpu.memory_space<semaphore_mem>>) src(%arg10 : memref<32x128xf32, #tpu.memory_space<vmem>>) dst(%dma_wait3A_101 : memref<32x128xf32, #tpu.memory_space<vmem_shared>>)
      tpu.yield
    }) : () -> ()
    %mul3A_68 = arith.constant 640 : i32
    %mul3A_69 = arith.muli %arg1, %mul3A_68 : i32
    %add3A_70 = arith.constant 512 : i32
    %add3A_71 = arith.addi %mul3A_69, %add3A_70 : i32
    "tpu.region"() ({
      %run_scoped3A = tpu.sem_alloc : memref<!tpu.dma_semaphore, #tpu.memory_space<semaphore_mem>>
      %dma_start3A = arith.constant 0 : i32
      %dma_start3A_96 = tpu.memref_slice %arg6[%add3A_71, %dma_start3A] : memref<10240x128xf32, #tpu.memory_space<vmem_shared>> -> memref<32x128xf32, #tpu.memory_space<vmem_shared>>
      %dma_start3A_97 = arith.constant 0 : i32
      %dma_start3A_98 = tpu.memref_slice %arg6[%add3A_71, %dma_start3A_97] : memref<10240x128xf32, #tpu.memory_space<vmem_shared>> -> memref<32x128xf32, #tpu.memory_space<vmem_shared>>
      tpu.enqueue_dma source(%arg10 : memref<32x128xf32, #tpu.memory_space<vmem>>) target(%dma_start3A_98 : memref<32x128xf32, #tpu.memory_space<vmem_shared>>) target_semaphore(%run_scoped3A : memref<!tpu.dma_semaphore, #tpu.memory_space<semaphore_mem>>)
      %dma_wait3A = arith.constant 0 : i32
      %dma_wait3A_99 = tpu.memref_slice %arg6[%add3A_71, %dma_wait3A] : memref<10240x128xf32, #tpu.memory_space<vmem_shared>> -> memref<32x128xf32, #tpu.memory_space<vmem_shared>>
      %dma_wait3A_100 = arith.constant 0 : i32
      %dma_wait3A_101 = tpu.memref_slice %arg6[%add3A_71, %dma_wait3A_100] : memref<10240x128xf32, #tpu.memory_space<vmem_shared>> -> memref<32x128xf32, #tpu.memory_space<vmem_shared>>
      tpu.wait_dma2 semaphore(%run_scoped3A : memref<!tpu.dma_semaphore, #tpu.memory_space<semaphore_mem>>) src(%arg10 : memref<32x128xf32, #tpu.memory_space<vmem>>) dst(%dma_wait3A_101 : memref<32x128xf32, #tpu.memory_space<vmem_shared>>)
      tpu.yield
    }) : () -> ()
    %mul3A_72 = arith.constant 640 : i32
    %mul3A_73 = arith.muli %arg1, %mul3A_72 : i32
    %add3A_74 = arith.constant 544 : i32
    %add3A_75 = arith.addi %mul3A_73, %add3A_74 : i32
    "tpu.region"() ({
      %run_scoped3A = tpu.sem_alloc : memref<!tpu.dma_semaphore, #tpu.memory_space<semaphore_mem>>
      %dma_start3A = arith.constant 0 : i32
      %dma_start3A_96 = tpu.memref_slice %arg6[%add3A_75, %dma_start3A] : memref<10240x128xf32, #tpu.memory_space<vmem_shared>> -> memref<32x128xf32, #tpu.memory_space<vmem_shared>>
      %dma_start3A_97 = arith.constant 0 : i32
      %dma_start3A_98 = tpu.memref_slice %arg6[%add3A_75, %dma_start3A_97] : memref<10240x128xf32, #tpu.memory_space<vmem_shared>> -> memref<32x128xf32, #tpu.memory_space<vmem_shared>>
      tpu.enqueue_dma source(%arg10 : memref<32x128xf32, #tpu.memory_space<vmem>>) target(%dma_start3A_98 : memref<32x128xf32, #tpu.memory_space<vmem_shared>>) target_semaphore(%run_scoped3A : memref<!tpu.dma_semaphore, #tpu.memory_space<semaphore_mem>>)
      %dma_wait3A = arith.constant 0 : i32
      %dma_wait3A_99 = tpu.memref_slice %arg6[%add3A_75, %dma_wait3A] : memref<10240x128xf32, #tpu.memory_space<vmem_shared>> -> memref<32x128xf32, #tpu.memory_space<vmem_shared>>
      %dma_wait3A_100 = arith.constant 0 : i32
      %dma_wait3A_101 = tpu.memref_slice %arg6[%add3A_75, %dma_wait3A_100] : memref<10240x128xf32, #tpu.memory_space<vmem_shared>> -> memref<32x128xf32, #tpu.memory_space<vmem_shared>>
      tpu.wait_dma2 semaphore(%run_scoped3A : memref<!tpu.dma_semaphore, #tpu.memory_space<semaphore_mem>>) src(%arg10 : memref<32x128xf32, #tpu.memory_space<vmem>>) dst(%dma_wait3A_101 : memref<32x128xf32, #tpu.memory_space<vmem_shared>>)
      tpu.yield
    }) : () -> ()
    %mul3A_76 = arith.constant 640 : i32
    %mul3A_77 = arith.muli %arg1, %mul3A_76 : i32
    %add3A_78 = arith.constant 576 : i32
    %add3A_79 = arith.addi %mul3A_77, %add3A_78 : i32
    "tpu.region"() ({
      %run_scoped3A = tpu.sem_alloc : memref<!tpu.dma_semaphore, #tpu.memory_space<semaphore_mem>>
      %dma_start3A = arith.constant 0 : i32
      %dma_start3A_96 = tpu.memref_slice %arg6[%add3A_79, %dma_start3A] : memref<10240x128xf32, #tpu.memory_space<vmem_shared>> -> memref<32x128xf32, #tpu.memory_space<vmem_shared>>
      %dma_start3A_97 = arith.constant 0 : i32
      %dma_start3A_98 = tpu.memref_slice %arg6[%add3A_79, %dma_start3A_97] : memref<10240x128xf32, #tpu.memory_space<vmem_shared>> -> memref<32x128xf32, #tpu.memory_space<vmem_shared>>
      tpu.enqueue_dma source(%arg10 : memref<32x128xf32, #tpu.memory_space<vmem>>) target(%dma_start3A_98 : memref<32x128xf32, #tpu.memory_space<vmem_shared>>) target_semaphore(%run_scoped3A : memref<!tpu.dma_semaphore, #tpu.memory_space<semaphore_mem>>)
      %dma_wait3A = arith.constant 0 : i32
      %dma_wait3A_99 = tpu.memref_slice %arg6[%add3A_79, %dma_wait3A] : memref<10240x128xf32, #tpu.memory_space<vmem_shared>> -> memref<32x128xf32, #tpu.memory_space<vmem_shared>>
      %dma_wait3A_100 = arith.constant 0 : i32
      %dma_wait3A_101 = tpu.memref_slice %arg6[%add3A_79, %dma_wait3A_100] : memref<10240x128xf32, #tpu.memory_space<vmem_shared>> -> memref<32x128xf32, #tpu.memory_space<vmem_shared>>
      tpu.wait_dma2 semaphore(%run_scoped3A : memref<!tpu.dma_semaphore, #tpu.memory_space<semaphore_mem>>) src(%arg10 : memref<32x128xf32, #tpu.memory_space<vmem>>) dst(%dma_wait3A_101 : memref<32x128xf32, #tpu.memory_space<vmem_shared>>)
      tpu.yield
    }) : () -> ()
    %mul3A_80 = arith.constant 640 : i32
    %mul3A_81 = arith.muli %arg1, %mul3A_80 : i32
    %add3A_82 = arith.constant 608 : i32
    %add3A_83 = arith.addi %mul3A_81, %add3A_82 : i32
    "tpu.region"() ({
      %run_scoped3A = tpu.sem_alloc : memref<!tpu.dma_semaphore, #tpu.memory_space<semaphore_mem>>
      %dma_start3A = arith.constant 0 : i32
      %dma_start3A_96 = tpu.memref_slice %arg6[%add3A_83, %dma_start3A] : memref<10240x128xf32, #tpu.memory_space<vmem_shared>> -> memref<32x128xf32, #tpu.memory_space<vmem_shared>>
      %dma_start3A_97 = arith.constant 0 : i32
      %dma_start3A_98 = tpu.memref_slice %arg6[%add3A_83, %dma_start3A_97] : memref<10240x128xf32, #tpu.memory_space<vmem_shared>> -> memref<32x128xf32, #tpu.memory_space<vmem_shared>>
      tpu.enqueue_dma source(%arg10 : memref<32x128xf32, #tpu.memory_space<vmem>>) target(%dma_start3A_98 : memref<32x128xf32, #tpu.memory_space<vmem_shared>>) target_semaphore(%run_scoped3A : memref<!tpu.dma_semaphore, #tpu.memory_space<semaphore_mem>>)
      %dma_wait3A = arith.constant 0 : i32
      %dma_wait3A_99 = tpu.memref_slice %arg6[%add3A_83, %dma_wait3A] : memref<10240x128xf32, #tpu.memory_space<vmem_shared>> -> memref<32x128xf32, #tpu.memory_space<vmem_shared>>
      %dma_wait3A_100 = arith.constant 0 : i32
      %dma_wait3A_101 = tpu.memref_slice %arg6[%add3A_83, %dma_wait3A_100] : memref<10240x128xf32, #tpu.memory_space<vmem_shared>> -> memref<32x128xf32, #tpu.memory_space<vmem_shared>>
      tpu.wait_dma2 semaphore(%run_scoped3A : memref<!tpu.dma_semaphore, #tpu.memory_space<semaphore_mem>>) src(%arg10 : memref<32x128xf32, #tpu.memory_space<vmem>>) dst(%dma_wait3A_101 : memref<32x128xf32, #tpu.memory_space<vmem_shared>>)
      tpu.yield
    }) : () -> ()
    %barrier3A = arith.constant 0 : index
    tpu.barrier barrier_id(%barrier3A)
    %eq3A = arith.constant 0 : i32
    %eq3A_84 = arith.cmpi eq, %arg0, %eq3A : i32
    %convert_element_type3A = arith.extui %eq3A_84 : i1 to i32
    %cond3A = arith.constant 0 : i32
    %cond3A_85 = arith.cmpi ne, %convert_element_type3A, %cond3A : i32
    scf.if %cond3A_85 {
      "tpu.region"() ({
        %run_scoped3A = tpu.sem_alloc : memref<!tpu.dma_semaphore, #tpu.memory_space<semaphore_mem>>
        %dma_start3A_155 = arith.constant 0 : i32
        %dma_start3A_156 = arith.constant 0 : i32
        %dma_start3A_157 = tpu.memref_slice %arg8[%dma_start3A_155, %dma_start3A_156] : memref<32x128xi32, #tpu.memory_space<vmem>> -> memref<32x128xi32, #tpu.memory_space<vmem>>
        %dma_start3A_158 = arith.constant 0 : i32
        %dma_start3A_159 = arith.constant 0 : i32
        %dma_start3A_160 = tpu.memref_slice %arg3[%arg1, %dma_start3A_158, %dma_start3A_159] : memref<16x160x128xi32, #tpu.memory_space<hbm>> -> memref<1x32x128xi32, #tpu.memory_space<hbm>>
        %dma_start3A_161 = tpu.memref_squeeze %dma_start3A_160 : memref<1x32x128xi32, #tpu.memory_space<hbm>> -> memref<32x128xi32, #tpu.memory_space<hbm>>
        %dma_start3A_162 = arith.constant 0 : i32
        %dma_start3A_163 = arith.constant 0 : i32
        %dma_start3A_164 = tpu.memref_slice %arg8[%dma_start3A_162, %dma_start3A_163] : memref<32x128xi32, #tpu.memory_space<vmem>> -> memref<32x128xi32, #tpu.memory_space<vmem>>
        %dma_start3A_165 = arith.constant 0 : i32
        %dma_start3A_166 = arith.constant 0 : i32
        %dma_start3A_167 = tpu.memref_slice %arg3[%arg1, %dma_start3A_165, %dma_start3A_166] : memref<16x160x128xi32, #tpu.memory_space<hbm>> -> memref<1x32x128xi32, #tpu.memory_space<hbm>>
        %dma_start3A_168 = tpu.memref_squeeze %dma_start3A_167 : memref<1x32x128xi32, #tpu.memory_space<hbm>> -> memref<32x128xi32, #tpu.memory_space<hbm>>
        tpu.enqueue_dma source(%dma_start3A_168 : memref<32x128xi32, #tpu.memory_space<hbm>>) target(%dma_start3A_164 : memref<32x128xi32, #tpu.memory_space<vmem>>) target_semaphore(%run_scoped3A : memref<!tpu.dma_semaphore, #tpu.memory_space<semaphore_mem>>)
        %dma_wait3A = arith.constant 0 : i32
        %dma_wait3A_169 = arith.constant 0 : i32
        %dma_wait3A_170 = tpu.memref_slice %arg8[%dma_wait3A, %dma_wait3A_169] : memref<32x128xi32, #tpu.memory_space<vmem>> -> memref<32x128xi32, #tpu.memory_space<vmem>>
        %dma_wait3A_171 = arith.constant 0 : i32
        %dma_wait3A_172 = arith.constant 0 : i32
        %dma_wait3A_173 = tpu.memref_slice %arg3[%arg1, %dma_wait3A_171, %dma_wait3A_172] : memref<16x160x128xi32, #tpu.memory_space<hbm>> -> memref<1x32x128xi32, #tpu.memory_space<hbm>>
        %dma_wait3A_174 = tpu.memref_squeeze %dma_wait3A_173 : memref<1x32x128xi32, #tpu.memory_space<hbm>> -> memref<32x128xi32, #tpu.memory_space<hbm>>
        %dma_wait3A_175 = arith.constant 0 : i32
        %dma_wait3A_176 = arith.constant 0 : i32
        %dma_wait3A_177 = tpu.memref_slice %arg8[%dma_wait3A_175, %dma_wait3A_176] : memref<32x128xi32, #tpu.memory_space<vmem>> -> memref<32x128xi32, #tpu.memory_space<vmem>>
        %dma_wait3A_178 = arith.constant 0 : i32
        %dma_wait3A_179 = arith.constant 0 : i32
        %dma_wait3A_180 = tpu.memref_slice %arg3[%arg1, %dma_wait3A_178, %dma_wait3A_179] : memref<16x160x128xi32, #tpu.memory_space<hbm>> -> memref<1x32x128xi32, #tpu.memory_space<hbm>>
        %dma_wait3A_181 = tpu.memref_squeeze %dma_wait3A_180 : memref<1x32x128xi32, #tpu.memory_space<hbm>> -> memref<32x128xi32, #tpu.memory_space<hbm>>
        tpu.wait_dma2 semaphore(%run_scoped3A : memref<!tpu.dma_semaphore, #tpu.memory_space<semaphore_mem>>) src(%dma_wait3A_181 : memref<32x128xi32, #tpu.memory_space<hbm>>) dst(%dma_wait3A_177 : memref<32x128xi32, #tpu.memory_space<vmem>>)
        tpu.yield
      }) : () -> ()
      "tpu.region"() ({
        %run_scoped3A = tpu.sem_alloc : memref<!tpu.dma_semaphore, #tpu.memory_space<semaphore_mem>>
        %dma_start3A_155 = arith.constant 0 : i32
        %dma_start3A_156 = arith.constant 0 : i32
        %dma_start3A_157 = tpu.memref_slice %arg9[%dma_start3A_155, %dma_start3A_156] : memref<32x128xi32, #tpu.memory_space<vmem>> -> memref<32x128xi32, #tpu.memory_space<vmem>>
        %dma_start3A_158 = arith.constant 0 : i32
        %dma_start3A_159 = arith.constant 0 : i32
        %dma_start3A_160 = tpu.memref_slice %arg4[%arg1, %dma_start3A_158, %dma_start3A_159] : memref<16x160x128xi32, #tpu.memory_space<hbm>> -> memref<1x32x128xi32, #tpu.memory_space<hbm>>
        %dma_start3A_161 = tpu.memref_squeeze %dma_start3A_160 : memref<1x32x128xi32, #tpu.memory_space<hbm>> -> memref<32x128xi32, #tpu.memory_space<hbm>>
        %dma_start3A_162 = arith.constant 0 : i32
        %dma_start3A_163 = arith.constant 0 : i32
        %dma_start3A_164 = tpu.memref_slice %arg9[%dma_start3A_162, %dma_start3A_163] : memref<32x128xi32, #tpu.memory_space<vmem>> -> memref<32x128xi32, #tpu.memory_space<vmem>>
        %dma_start3A_165 = arith.constant 0 : i32
        %dma_start3A_166 = arith.constant 0 : i32
        %dma_start3A_167 = tpu.memref_slice %arg4[%arg1, %dma_start3A_165, %dma_start3A_166] : memref<16x160x128xi32, #tpu.memory_space<hbm>> -> memref<1x32x128xi32, #tpu.memory_space<hbm>>
        %dma_start3A_168 = tpu.memref_squeeze %dma_start3A_167 : memref<1x32x128xi32, #tpu.memory_space<hbm>> -> memref<32x128xi32, #tpu.memory_space<hbm>>
        tpu.enqueue_dma source(%dma_start3A_168 : memref<32x128xi32, #tpu.memory_space<hbm>>) target(%dma_start3A_164 : memref<32x128xi32, #tpu.memory_space<vmem>>) target_semaphore(%run_scoped3A : memref<!tpu.dma_semaphore, #tpu.memory_space<semaphore_mem>>)
        %dma_wait3A = arith.constant 0 : i32
        %dma_wait3A_169 = arith.constant 0 : i32
        %dma_wait3A_170 = tpu.memref_slice %arg9[%dma_wait3A, %dma_wait3A_169] : memref<32x128xi32, #tpu.memory_space<vmem>> -> memref<32x128xi32, #tpu.memory_space<vmem>>
        %dma_wait3A_171 = arith.constant 0 : i32
        %dma_wait3A_172 = arith.constant 0 : i32
        %dma_wait3A_173 = tpu.memref_slice %arg4[%arg1, %dma_wait3A_171, %dma_wait3A_172] : memref<16x160x128xi32, #tpu.memory_space<hbm>> -> memref<1x32x128xi32, #tpu.memory_space<hbm>>
        %dma_wait3A_174 = tpu.memref_squeeze %dma_wait3A_173 : memref<1x32x128xi32, #tpu.memory_space<hbm>> -> memref<32x128xi32, #tpu.memory_space<hbm>>
        %dma_wait3A_175 = arith.constant 0 : i32
        %dma_wait3A_176 = arith.constant 0 : i32
        %dma_wait3A_177 = tpu.memref_slice %arg9[%dma_wait3A_175, %dma_wait3A_176] : memref<32x128xi32, #tpu.memory_space<vmem>> -> memref<32x128xi32, #tpu.memory_space<vmem>>
        %dma_wait3A_178 = arith.constant 0 : i32
        %dma_wait3A_179 = arith.constant 0 : i32
        %dma_wait3A_180 = tpu.memref_slice %arg4[%arg1, %dma_wait3A_178, %dma_wait3A_179] : memref<16x160x128xi32, #tpu.memory_space<hbm>> -> memref<1x32x128xi32, #tpu.memory_space<hbm>>
        %dma_wait3A_181 = tpu.memref_squeeze %dma_wait3A_180 : memref<1x32x128xi32, #tpu.memory_space<hbm>> -> memref<32x128xi32, #tpu.memory_space<hbm>>
        tpu.wait_dma2 semaphore(%run_scoped3A : memref<!tpu.dma_semaphore, #tpu.memory_space<semaphore_mem>>) src(%dma_wait3A_181 : memref<32x128xi32, #tpu.memory_space<hbm>>) dst(%dma_wait3A_177 : memref<32x128xi32, #tpu.memory_space<vmem>>)
        tpu.yield
      }) : () -> ()
      %dma_start3A = arith.constant 0 : i32
      %dma_start3A_96 = arith.constant 0 : i32
      %dma_start3A_97 = arith.constant 0 : i32
      %dma_start3A_98 = arith.constant 0 : i32
      %dma_start3A_99 = tpu.memref_slice %arg7[%dma_start3A_96, %dma_start3A_97, %dma_start3A_98] : memref<2x128x128xf32, #tpu.memory_space<vmem>> -> memref<1x128x128xf32, #tpu.memory_space<vmem>>
      %dma_start3A_100 = tpu.memref_squeeze %dma_start3A_99 : memref<1x128x128xf32, #tpu.memory_space<vmem>> -> memref<128x128xf32, #tpu.memory_space<vmem>>
      %dma_start3A_101 = arith.constant 0 : i32
      %dma_start3A_102 = tpu.memref_slice %arg8[%dma_start3A, %dma_start3A_101] : memref<32x128xi32, #tpu.memory_space<vmem>> -> memref<1x128xi32, #tpu.memory_space<vmem>>
      %dma_start3A_103 = tpu.memref_squeeze %dma_start3A_102 : memref<1x128xi32, #tpu.memory_space<vmem>> -> memref<128xi32, #tpu.memory_space<vmem>>
      %dma_start3A_104 = arith.constant 0 : i32
      %dma_start3A_105 = arith.constant 0 : i32
      %dma_start3A_106 = tpu.memref_slice %arg2[%dma_start3A_104, %dma_start3A_105] : memref<10000x128xf32, #tpu.memory_space<hbm>> -> memref<10000x128xf32, #tpu.memory_space<hbm>>
      tpu.enqueue_indirect_dma source(%dma_start3A_106 : memref<10000x128xf32, #tpu.memory_space<hbm>>) target(%dma_start3A_100 : memref<128x128xf32, #tpu.memory_space<vmem>>) offsets(%dma_start3A_103 : memref<128xi32, #tpu.memory_space<vmem>>) semaphore(%arg11 : memref<!tpu.dma_semaphore, #tpu.memory_space<semaphore_mem>>)
      %dma_start3A_107 = arith.constant 1 : i32
      %dma_start3A_108 = arith.constant 1 : i32
      %dma_start3A_109 = arith.constant 0 : i32
      %dma_start3A_110 = arith.constant 0 : i32
      %dma_start3A_111 = tpu.memref_slice %arg7[%dma_start3A_108, %dma_start3A_109, %dma_start3A_110] : memref<2x128x128xf32, #tpu.memory_space<vmem>> -> memref<1x128x128xf32, #tpu.memory_space<vmem>>
      %dma_start3A_112 = tpu.memref_squeeze %dma_start3A_111 : memref<1x128x128xf32, #tpu.memory_space<vmem>> -> memref<128x128xf32, #tpu.memory_space<vmem>>
      %dma_start3A_113 = arith.constant 0 : i32
      %dma_start3A_114 = tpu.memref_slice %arg8[%dma_start3A_107, %dma_start3A_113] : memref<32x128xi32, #tpu.memory_space<vmem>> -> memref<1x128xi32, #tpu.memory_space<vmem>>
      %dma_start3A_115 = tpu.memref_squeeze %dma_start3A_114 : memref<1x128xi32, #tpu.memory_space<vmem>> -> memref<128xi32, #tpu.memory_space<vmem>>
      %dma_start3A_116 = arith.constant 0 : i32
      %dma_start3A_117 = arith.constant 0 : i32
      %dma_start3A_118 = tpu.memref_slice %arg2[%dma_start3A_116, %dma_start3A_117] : memref<10000x128xf32, #tpu.memory_space<hbm>> -> memref<10000x128xf32, #tpu.memory_space<hbm>>
      tpu.enqueue_indirect_dma source(%dma_start3A_118 : memref<10000x128xf32, #tpu.memory_space<hbm>>) target(%dma_start3A_112 : memref<128x128xf32, #tpu.memory_space<vmem>>) offsets(%dma_start3A_115 : memref<128xi32, #tpu.memory_space<vmem>>) semaphore(%arg12 : memref<!tpu.dma_semaphore, #tpu.memory_space<semaphore_mem>>)
      %scan3A_119 = arith.constant 0 : i32
      %scan3A_120 = arith.constant 0 : i32
      %scan3A_121 = arith.constant 16 : i32
      %scan3A_122 = arith.addi %scan3A_120, %scan3A_121 : i32
      %scan3A_123 = arith.constant 1 : i32
      scf.for %scan3A_155 = %scan3A_120 to %scan3A_122 step %scan3A_123  : i32 {
        %mul3A_156 = arith.constant 2 : i32
        %mul3A_157 = arith.muli %mul3A_156, %scan3A_155 : i32
        %dma_wait3A = arith.constant 0 : i32
        %dma_wait3A_158 = arith.constant 0 : i32
        %dma_wait3A_159 = arith.constant 0 : i32
        %dma_wait3A_160 = arith.constant 0 : i32
        %dma_wait3A_161 = tpu.memref_slice %arg7[%dma_wait3A_158, %dma_wait3A_159, %dma_wait3A_160] : memref<2x128x128xf32, #tpu.memory_space<vmem>> -> memref<1x128x128xf32, #tpu.memory_space<vmem>>
        %dma_wait3A_162 = tpu.memref_squeeze %dma_wait3A_161 : memref<1x128x128xf32, #tpu.memory_space<vmem>> -> memref<128x128xf32, #tpu.memory_space<vmem>>
        %dma_wait3A_163 = arith.constant 0 : i32
        %dma_wait3A_164 = tpu.memref_slice %arg8[%dma_wait3A, %dma_wait3A_163] : memref<32x128xi32, #tpu.memory_space<vmem>> -> memref<1x128xi32, #tpu.memory_space<vmem>>
        %dma_wait3A_165 = tpu.memref_squeeze %dma_wait3A_164 : memref<1x128xi32, #tpu.memory_space<vmem>> -> memref<128xi32, #tpu.memory_space<vmem>>
        %dma_wait3A_166 = arith.constant 0 : i32
        %dma_wait3A_167 = arith.constant 0 : i32
        %dma_wait3A_168 = tpu.memref_slice %arg2[%dma_wait3A_166, %dma_wait3A_167] : memref<10000x128xf32, #tpu.memory_space<hbm>> -> memref<10000x128xf32, #tpu.memory_space<hbm>>
        tpu.wait_indirect_dma semaphore(%arg11 : memref<!tpu.dma_semaphore, #tpu.memory_space<semaphore_mem>>) src(%dma_wait3A_168 : memref<10000x128xf32, #tpu.memory_space<hbm>>) dst(%dma_wait3A_162 : memref<128x128xf32, #tpu.memory_space<vmem>>)
        %run_scoped3A = arith.constant 0 : i32
        "tpu.region"() ({
          %run_scoped3A_193 = tpu.sem_alloc : memref<!tpu.dma_semaphore, #tpu.memory_space<semaphore_mem>>
          %dma_start3A_194 = arith.constant 0 : i32
          %dma_start3A_195 = arith.constant 0 : i32
          %dma_start3A_196 = tpu.memref_slice %arg7[%run_scoped3A, %dma_start3A_194, %dma_start3A_195] : memref<2x128x128xf32, #tpu.memory_space<vmem>> -> memref<1x128x128xf32, #tpu.memory_space<vmem>>
          %dma_start3A_197 = tpu.memref_squeeze %dma_start3A_196 : memref<1x128x128xf32, #tpu.memory_space<vmem>> -> memref<128x128xf32, #tpu.memory_space<vmem>>
          %dma_start3A_198 = arith.constant 0 : i32
          %dma_start3A_199 = tpu.memref_slice %arg9[%mul3A_157, %dma_start3A_198] : memref<32x128xi32, #tpu.memory_space<vmem>> -> memref<1x128xi32, #tpu.memory_space<vmem>>
          %dma_start3A_200 = tpu.memref_squeeze %dma_start3A_199 : memref<1x128xi32, #tpu.memory_space<vmem>> -> memref<128xi32, #tpu.memory_space<vmem>>
          %dma_start3A_201 = arith.constant 0 : i32
          %dma_start3A_202 = arith.constant 0 : i32
          %dma_start3A_203 = tpu.memref_slice %arg6[%dma_start3A_201, %dma_start3A_202] : memref<10240x128xf32, #tpu.memory_space<vmem_shared>> -> memref<10240x128xf32, #tpu.memory_space<vmem_shared>>
          tpu.enqueue_indirect_dma source(%dma_start3A_197 : memref<128x128xf32, #tpu.memory_space<vmem>>) target(%dma_start3A_203 : memref<10240x128xf32, #tpu.memory_space<vmem_shared>>) offsets(%dma_start3A_200 : memref<128xi32, #tpu.memory_space<vmem>>) semaphore(%run_scoped3A_193 : memref<!tpu.dma_semaphore, #tpu.memory_space<semaphore_mem>>) {add = true}
          %dma_wait3A_204 = arith.constant 0 : i32
          %dma_wait3A_205 = arith.constant 0 : i32
          %dma_wait3A_206 = tpu.memref_slice %arg7[%run_scoped3A, %dma_wait3A_204, %dma_wait3A_205] : memref<2x128x128xf32, #tpu.memory_space<vmem>> -> memref<1x128x128xf32, #tpu.memory_space<vmem>>
          %dma_wait3A_207 = tpu.memref_squeeze %dma_wait3A_206 : memref<1x128x128xf32, #tpu.memory_space<vmem>> -> memref<128x128xf32, #tpu.memory_space<vmem>>
          %dma_wait3A_208 = arith.constant 0 : i32
          %dma_wait3A_209 = tpu.memref_slice %arg9[%mul3A_157, %dma_wait3A_208] : memref<32x128xi32, #tpu.memory_space<vmem>> -> memref<1x128xi32, #tpu.memory_space<vmem>>
          %dma_wait3A_210 = tpu.memref_squeeze %dma_wait3A_209 : memref<1x128xi32, #tpu.memory_space<vmem>> -> memref<128xi32, #tpu.memory_space<vmem>>
          %dma_wait3A_211 = arith.constant 0 : i32
          %dma_wait3A_212 = arith.constant 0 : i32
          %dma_wait3A_213 = tpu.memref_slice %arg6[%dma_wait3A_211, %dma_wait3A_212] : memref<10240x128xf32, #tpu.memory_space<vmem_shared>> -> memref<10240x128xf32, #tpu.memory_space<vmem_shared>>
          tpu.wait_indirect_dma semaphore(%run_scoped3A_193 : memref<!tpu.dma_semaphore, #tpu.memory_space<semaphore_mem>>) src(%dma_wait3A_207 : memref<128x128xf32, #tpu.memory_space<vmem>>) dst(%dma_wait3A_213 : memref<10240x128xf32, #tpu.memory_space<vmem_shared>>)
          tpu.yield
        }) : () -> ()
        %lt3A = arith.constant 15 : i32
        %lt3A_169 = arith.cmpi slt, %scan3A_155, %lt3A : i32
        %convert_element_type3A_170 = arith.extui %lt3A_169 : i1 to i32
        %cond3A_171 = arith.constant 0 : i32
        %cond3A_172 = arith.cmpi ne, %convert_element_type3A_170, %cond3A_171 : i32
        scf.if %cond3A_172 {
          %add3A_193 = arith.constant 2 : i32
          %add3A_194 = arith.addi %mul3A_157, %add3A_193 : i32
          %dma_start3A_195 = arith.constant 0 : i32
          %dma_start3A_196 = arith.constant 0 : i32
          %dma_start3A_197 = arith.constant 0 : i32
          %dma_start3A_198 = tpu.memref_slice %arg7[%dma_start3A_195, %dma_start3A_196, %dma_start3A_197] : memref<2x128x128xf32, #tpu.memory_space<vmem>> -> memref<1x128x128xf32, #tpu.memory_space<vmem>>
          %dma_start3A_199 = tpu.memref_squeeze %dma_start3A_198 : memref<1x128x128xf32, #tpu.memory_space<vmem>> -> memref<128x128xf32, #tpu.memory_space<vmem>>
          %dma_start3A_200 = arith.constant 0 : i32
          %dma_start3A_201 = tpu.memref_slice %arg8[%add3A_194, %dma_start3A_200] : memref<32x128xi32, #tpu.memory_space<vmem>> -> memref<1x128xi32, #tpu.memory_space<vmem>>
          %dma_start3A_202 = tpu.memref_squeeze %dma_start3A_201 : memref<1x128xi32, #tpu.memory_space<vmem>> -> memref<128xi32, #tpu.memory_space<vmem>>
          %dma_start3A_203 = arith.constant 0 : i32
          %dma_start3A_204 = arith.constant 0 : i32
          %dma_start3A_205 = tpu.memref_slice %arg2[%dma_start3A_203, %dma_start3A_204] : memref<10000x128xf32, #tpu.memory_space<hbm>> -> memref<10000x128xf32, #tpu.memory_space<hbm>>
          tpu.enqueue_indirect_dma source(%dma_start3A_205 : memref<10000x128xf32, #tpu.memory_space<hbm>>) target(%dma_start3A_199 : memref<128x128xf32, #tpu.memory_space<vmem>>) offsets(%dma_start3A_202 : memref<128xi32, #tpu.memory_space<vmem>>) semaphore(%arg11 : memref<!tpu.dma_semaphore, #tpu.memory_space<semaphore_mem>>)
        } else {
        }
        %dma_wait3A_173 = arith.constant 1 : i32
        %dma_wait3A_174 = arith.constant 1 : i32
        %dma_wait3A_175 = arith.constant 0 : i32
        %dma_wait3A_176 = arith.constant 0 : i32
        %dma_wait3A_177 = tpu.memref_slice %arg7[%dma_wait3A_174, %dma_wait3A_175, %dma_wait3A_176] : memref<2x128x128xf32, #tpu.memory_space<vmem>> -> memref<1x128x128xf32, #tpu.memory_space<vmem>>
        %dma_wait3A_178 = tpu.memref_squeeze %dma_wait3A_177 : memref<1x128x128xf32, #tpu.memory_space<vmem>> -> memref<128x128xf32, #tpu.memory_space<vmem>>
        %dma_wait3A_179 = arith.constant 0 : i32
        %dma_wait3A_180 = tpu.memref_slice %arg8[%dma_wait3A_173, %dma_wait3A_179] : memref<32x128xi32, #tpu.memory_space<vmem>> -> memref<1x128xi32, #tpu.memory_space<vmem>>
        %dma_wait3A_181 = tpu.memref_squeeze %dma_wait3A_180 : memref<1x128xi32, #tpu.memory_space<vmem>> -> memref<128xi32, #tpu.memory_space<vmem>>
        %dma_wait3A_182 = arith.constant 0 : i32
        %dma_wait3A_183 = arith.constant 0 : i32
        %dma_wait3A_184 = tpu.memref_slice %arg2[%dma_wait3A_182, %dma_wait3A_183] : memref<10000x128xf32, #tpu.memory_space<hbm>> -> memref<10000x128xf32, #tpu.memory_space<hbm>>
        tpu.wait_indirect_dma semaphore(%arg12 : memref<!tpu.dma_semaphore, #tpu.memory_space<semaphore_mem>>) src(%dma_wait3A_184 : memref<10000x128xf32, #tpu.memory_space<hbm>>) dst(%dma_wait3A_178 : memref<128x128xf32, #tpu.memory_space<vmem>>)
        %add3A_185 = arith.constant 1 : i32
        %add3A_186 = arith.addi %mul3A_157, %add3A_185 : i32
        %run_scoped3A_187 = arith.constant 1 : i32
        "tpu.region"() ({
          %run_scoped3A_193 = tpu.sem_alloc : memref<!tpu.dma_semaphore, #tpu.memory_space<semaphore_mem>>
          %dma_start3A_194 = arith.constant 0 : i32
          %dma_start3A_195 = arith.constant 0 : i32
          %dma_start3A_196 = tpu.memref_slice %arg7[%run_scoped3A_187, %dma_start3A_194, %dma_start3A_195] : memref<2x128x128xf32, #tpu.memory_space<vmem>> -> memref<1x128x128xf32, #tpu.memory_space<vmem>>
          %dma_start3A_197 = tpu.memref_squeeze %dma_start3A_196 : memref<1x128x128xf32, #tpu.memory_space<vmem>> -> memref<128x128xf32, #tpu.memory_space<vmem>>
          %dma_start3A_198 = arith.constant 0 : i32
          %dma_start3A_199 = tpu.memref_slice %arg9[%add3A_186, %dma_start3A_198] : memref<32x128xi32, #tpu.memory_space<vmem>> -> memref<1x128xi32, #tpu.memory_space<vmem>>
          %dma_start3A_200 = tpu.memref_squeeze %dma_start3A_199 : memref<1x128xi32, #tpu.memory_space<vmem>> -> memref<128xi32, #tpu.memory_space<vmem>>
          %dma_start3A_201 = arith.constant 0 : i32
          %dma_start3A_202 = arith.constant 0 : i32
          %dma_start3A_203 = tpu.memref_slice %arg6[%dma_start3A_201, %dma_start3A_202] : memref<10240x128xf32, #tpu.memory_space<vmem_shared>> -> memref<10240x128xf32, #tpu.memory_space<vmem_shared>>
          tpu.enqueue_indirect_dma source(%dma_start3A_197 : memref<128x128xf32, #tpu.memory_space<vmem>>) target(%dma_start3A_203 : memref<10240x128xf32, #tpu.memory_space<vmem_shared>>) offsets(%dma_start3A_200 : memref<128xi32, #tpu.memory_space<vmem>>) semaphore(%run_scoped3A_193 : memref<!tpu.dma_semaphore, #tpu.memory_space<semaphore_mem>>) {add = true}
          %dma_wait3A_204 = arith.constant 0 : i32
          %dma_wait3A_205 = arith.constant 0 : i32
          %dma_wait3A_206 = tpu.memref_slice %arg7[%run_scoped3A_187, %dma_wait3A_204, %dma_wait3A_205] : memref<2x128x128xf32, #tpu.memory_space<vmem>> -> memref<1x128x128xf32, #tpu.memory_space<vmem>>
          %dma_wait3A_207 = tpu.memref_squeeze %dma_wait3A_206 : memref<1x128x128xf32, #tpu.memory_space<vmem>> -> memref<128x128xf32, #tpu.memory_space<vmem>>
          %dma_wait3A_208 = arith.constant 0 : i32
          %dma_wait3A_209 = tpu.memref_slice %arg9[%add3A_186, %dma_wait3A_208] : memref<32x128xi32, #tpu.memory_space<vmem>> -> memref<1x128xi32, #tpu.memory_space<vmem>>
          %dma_wait3A_210 = tpu.memref_squeeze %dma_wait3A_209 : memref<1x128xi32, #tpu.memory_space<vmem>> -> memref<128xi32, #tpu.memory_space<vmem>>
          %dma_wait3A_211 = arith.constant 0 : i32
          %dma_wait3A_212 = arith.constant 0 : i32
          %dma_wait3A_213 = tpu.memref_slice %arg6[%dma_wait3A_211, %dma_wait3A_212] : memref<10240x128xf32, #tpu.memory_space<vmem_shared>> -> memref<10240x128xf32, #tpu.memory_space<vmem_shared>>
          tpu.wait_indirect_dma semaphore(%run_scoped3A_193 : memref<!tpu.dma_semaphore, #tpu.memory_space<semaphore_mem>>) src(%dma_wait3A_207 : memref<128x128xf32, #tpu.memory_space<vmem>>) dst(%dma_wait3A_213 : memref<10240x128xf32, #tpu.memory_space<vmem_shared>>)
          tpu.yield
        }) : () -> ()
        %lt3A_188 = arith.constant 15 : i32
        %lt3A_189 = arith.cmpi slt, %scan3A_155, %lt3A_188 : i32
        %convert_element_type3A_190 = arith.extui %lt3A_189 : i1 to i32
        %cond3A_191 = arith.constant 0 : i32
        %cond3A_192 = arith.cmpi ne, %convert_element_type3A_190, %cond3A_191 : i32
        scf.if %cond3A_192 {
          %add3A_193 = arith.constant 3 : i32
          %add3A_194 = arith.addi %mul3A_157, %add3A_193 : i32
          %dma_start3A_195 = arith.constant 1 : i32
          %dma_start3A_196 = arith.constant 0 : i32
          %dma_start3A_197 = arith.constant 0 : i32
          %dma_start3A_198 = tpu.memref_slice %arg7[%dma_start3A_195, %dma_start3A_196, %dma_start3A_197] : memref<2x128x128xf32, #tpu.memory_space<vmem>> -> memref<1x128x128xf32, #tpu.memory_space<vmem>>
          %dma_start3A_199 = tpu.memref_squeeze %dma_start3A_198 : memref<1x128x128xf32, #tpu.memory_space<vmem>> -> memref<128x128xf32, #tpu.memory_space<vmem>>
          %dma_start3A_200 = arith.constant 0 : i32
          %dma_start3A_201 = tpu.memref_slice %arg8[%add3A_194, %dma_start3A_200] : memref<32x128xi32, #tpu.memory_space<vmem>> -> memref<1x128xi32, #tpu.memory_space<vmem>>
          %dma_start3A_202 = tpu.memref_squeeze %dma_start3A_201 : memref<1x128xi32, #tpu.memory_space<vmem>> -> memref<128xi32, #tpu.memory_space<vmem>>
          %dma_start3A_203 = arith.constant 0 : i32
          %dma_start3A_204 = arith.constant 0 : i32
          %dma_start3A_205 = tpu.memref_slice %arg2[%dma_start3A_203, %dma_start3A_204] : memref<10000x128xf32, #tpu.memory_space<hbm>> -> memref<10000x128xf32, #tpu.memory_space<hbm>>
          tpu.enqueue_indirect_dma source(%dma_start3A_205 : memref<10000x128xf32, #tpu.memory_space<hbm>>) target(%dma_start3A_199 : memref<128x128xf32, #tpu.memory_space<vmem>>) offsets(%dma_start3A_202 : memref<128xi32, #tpu.memory_space<vmem>>) semaphore(%arg12 : memref<!tpu.dma_semaphore, #tpu.memory_space<semaphore_mem>>)
        } else {
        }
      }
      %scan3A_124 = arith.constant 16 : i32
      "tpu.region"() ({
        %run_scoped3A = tpu.sem_alloc : memref<!tpu.dma_semaphore, #tpu.memory_space<semaphore_mem>>
        %dma_start3A_155 = arith.constant 0 : i32
        %dma_start3A_156 = arith.constant 0 : i32
        %dma_start3A_157 = tpu.memref_slice %arg8[%dma_start3A_155, %dma_start3A_156] : memref<32x128xi32, #tpu.memory_space<vmem>> -> memref<32x128xi32, #tpu.memory_space<vmem>>
        %dma_start3A_158 = arith.constant 32 : i32
        %dma_start3A_159 = arith.constant 0 : i32
        %dma_start3A_160 = tpu.memref_slice %arg3[%arg1, %dma_start3A_158, %dma_start3A_159] : memref<16x160x128xi32, #tpu.memory_space<hbm>> -> memref<1x32x128xi32, #tpu.memory_space<hbm>>
        %dma_start3A_161 = tpu.memref_squeeze %dma_start3A_160 : memref<1x32x128xi32, #tpu.memory_space<hbm>> -> memref<32x128xi32, #tpu.memory_space<hbm>>
        %dma_start3A_162 = arith.constant 0 : i32
        %dma_start3A_163 = arith.constant 0 : i32
        %dma_start3A_164 = tpu.memref_slice %arg8[%dma_start3A_162, %dma_start3A_163] : memref<32x128xi32, #tpu.memory_space<vmem>> -> memref<32x128xi32, #tpu.memory_space<vmem>>
        %dma_start3A_165 = arith.constant 32 : i32
        %dma_start3A_166 = arith.constant 0 : i32
        %dma_start3A_167 = tpu.memref_slice %arg3[%arg1, %dma_start3A_165, %dma_start3A_166] : memref<16x160x128xi32, #tpu.memory_space<hbm>> -> memref<1x32x128xi32, #tpu.memory_space<hbm>>
        %dma_start3A_168 = tpu.memref_squeeze %dma_start3A_167 : memref<1x32x128xi32, #tpu.memory_space<hbm>> -> memref<32x128xi32, #tpu.memory_space<hbm>>
        tpu.enqueue_dma source(%dma_start3A_168 : memref<32x128xi32, #tpu.memory_space<hbm>>) target(%dma_start3A_164 : memref<32x128xi32, #tpu.memory_space<vmem>>) target_semaphore(%run_scoped3A : memref<!tpu.dma_semaphore, #tpu.memory_space<semaphore_mem>>)
        %dma_wait3A = arith.constant 0 : i32
        %dma_wait3A_169 = arith.constant 0 : i32
        %dma_wait3A_170 = tpu.memref_slice %arg8[%dma_wait3A, %dma_wait3A_169] : memref<32x128xi32, #tpu.memory_space<vmem>> -> memref<32x128xi32, #tpu.memory_space<vmem>>
        %dma_wait3A_171 = arith.constant 32 : i32
        %dma_wait3A_172 = arith.constant 0 : i32
        %dma_wait3A_173 = tpu.memref_slice %arg3[%arg1, %dma_wait3A_171, %dma_wait3A_172] : memref<16x160x128xi32, #tpu.memory_space<hbm>> -> memref<1x32x128xi32, #tpu.memory_space<hbm>>
        %dma_wait3A_174 = tpu.memref_squeeze %dma_wait3A_173 : memref<1x32x128xi32, #tpu.memory_space<hbm>> -> memref<32x128xi32, #tpu.memory_space<hbm>>
        %dma_wait3A_175 = arith.constant 0 : i32
        %dma_wait3A_176 = arith.constant 0 : i32
        %dma_wait3A_177 = tpu.memref_slice %arg8[%dma_wait3A_175, %dma_wait3A_176] : memref<32x128xi32, #tpu.memory_space<vmem>> -> memref<32x128xi32, #tpu.memory_space<vmem>>
        %dma_wait3A_178 = arith.constant 32 : i32
        %dma_wait3A_179 = arith.constant 0 : i32
        %dma_wait3A_180 = tpu.memref_slice %arg3[%arg1, %dma_wait3A_178, %dma_wait3A_179] : memref<16x160x128xi32, #tpu.memory_space<hbm>> -> memref<1x32x128xi32, #tpu.memory_space<hbm>>
        %dma_wait3A_181 = tpu.memref_squeeze %dma_wait3A_180 : memref<1x32x128xi32, #tpu.memory_space<hbm>> -> memref<32x128xi32, #tpu.memory_space<hbm>>
        tpu.wait_dma2 semaphore(%run_scoped3A : memref<!tpu.dma_semaphore, #tpu.memory_space<semaphore_mem>>) src(%dma_wait3A_181 : memref<32x128xi32, #tpu.memory_space<hbm>>) dst(%dma_wait3A_177 : memref<32x128xi32, #tpu.memory_space<vmem>>)
        tpu.yield
      }) : () -> ()
      "tpu.region"() ({
        %run_scoped3A = tpu.sem_alloc : memref<!tpu.dma_semaphore, #tpu.memory_space<semaphore_mem>>
        %dma_start3A_155 = arith.constant 0 : i32
        %dma_start3A_156 = arith.constant 0 : i32
        %dma_start3A_157 = tpu.memref_slice %arg9[%dma_start3A_155, %dma_start3A_156] : memref<32x128xi32, #tpu.memory_space<vmem>> -> memref<32x128xi32, #tpu.memory_space<vmem>>
        %dma_start3A_158 = arith.constant 32 : i32
        %dma_start3A_159 = arith.constant 0 : i32
        %dma_start3A_160 = tpu.memref_slice %arg4[%arg1, %dma_start3A_158, %dma_start3A_159] : memref<16x160x128xi32, #tpu.memory_space<hbm>> -> memref<1x32x128xi32, #tpu.memory_space<hbm>>
        %dma_start3A_161 = tpu.memref_squeeze %dma_start3A_160 : memref<1x32x128xi32, #tpu.memory_space<hbm>> -> memref<32x128xi32, #tpu.memory_space<hbm>>
        %dma_start3A_162 = arith.constant 0 : i32
        %dma_start3A_163 = arith.constant 0 : i32
        %dma_start3A_164 = tpu.memref_slice %arg9[%dma_start3A_162, %dma_start3A_163] : memref<32x128xi32, #tpu.memory_space<vmem>> -> memref<32x128xi32, #tpu.memory_space<vmem>>
        %dma_start3A_165 = arith.constant 32 : i32
        %dma_start3A_166 = arith.constant 0 : i32
        %dma_start3A_167 = tpu.memref_slice %arg4[%arg1, %dma_start3A_165, %dma_start3A_166] : memref<16x160x128xi32, #tpu.memory_space<hbm>> -> memref<1x32x128xi32, #tpu.memory_space<hbm>>
        %dma_start3A_168 = tpu.memref_squeeze %dma_start3A_167 : memref<1x32x128xi32, #tpu.memory_space<hbm>> -> memref<32x128xi32, #tpu.memory_space<hbm>>
        tpu.enqueue_dma source(%dma_start3A_168 : memref<32x128xi32, #tpu.memory_space<hbm>>) target(%dma_start3A_164 : memref<32x128xi32, #tpu.memory_space<vmem>>) target_semaphore(%run_scoped3A : memref<!tpu.dma_semaphore, #tpu.memory_space<semaphore_mem>>)
        %dma_wait3A = arith.constant 0 : i32
        %dma_wait3A_169 = arith.constant 0 : i32
        %dma_wait3A_170 = tpu.memref_slice %arg9[%dma_wait3A, %dma_wait3A_169] : memref<32x128xi32, #tpu.memory_space<vmem>> -> memref<32x128xi32, #tpu.memory_space<vmem>>
        %dma_wait3A_171 = arith.constant 32 : i32
        %dma_wait3A_172 = arith.constant 0 : i32
        %dma_wait3A_173 = tpu.memref_slice %arg4[%arg1, %dma_wait3A_171, %dma_wait3A_172] : memref<16x160x128xi32, #tpu.memory_space<hbm>> -> memref<1x32x128xi32, #tpu.memory_space<hbm>>
        %dma_wait3A_174 = tpu.memref_squeeze %dma_wait3A_173 : memref<1x32x128xi32, #tpu.memory_space<hbm>> -> memref<32x128xi32, #tpu.memory_space<hbm>>
        %dma_wait3A_175 = arith.constant 0 : i32
        %dma_wait3A_176 = arith.constant 0 : i32
        %dma_wait3A_177 = tpu.memref_slice %arg9[%dma_wait3A_175, %dma_wait3A_176] : memref<32x128xi32, #tpu.memory_space<vmem>> -> memref<32x128xi32, #tpu.memory_space<vmem>>
        %dma_wait3A_178 = arith.constant 32 : i32
        %dma_wait3A_179 = arith.constant 0 : i32
        %dma_wait3A_180 = tpu.memref_slice %arg4[%arg1, %dma_wait3A_178, %dma_wait3A_179] : memref<16x160x128xi32, #tpu.memory_space<hbm>> -> memref<1x32x128xi32, #tpu.memory_space<hbm>>
        %dma_wait3A_181 = tpu.memref_squeeze %dma_wait3A_180 : memref<1x32x128xi32, #tpu.memory_space<hbm>> -> memref<32x128xi32, #tpu.memory_space<hbm>>
        tpu.wait_dma2 semaphore(%run_scoped3A : memref<!tpu.dma_semaphore, #tpu.memory_space<semaphore_mem>>) src(%dma_wait3A_181 : memref<32x128xi32, #tpu.memory_space<hbm>>) dst(%dma_wait3A_177 : memref<32x128xi32, #tpu.memory_space<vmem>>)
        tpu.yield
      }) : () -> ()
      %dma_start3A_125 = arith.constant 0 : i32
      %dma_start3A_126 = arith.constant 0 : i32
      %dma_start3A_127 = arith.constant 0 : i32
      %dma_start3A_128 = arith.constant 0 : i32
      %dma_start3A_129 = tpu.memref_slice %arg7[%dma_start3A_126, %dma_start3A_127, %dma_start3A_128] : memref<2x128x128xf32, #tpu.memory_space<vmem>> -> memref<1x128x128xf32, #tpu.memory_space<vmem>>
      %dma_start3A_130 = tpu.memref_squeeze %dma_start3A_129 : memref<1x128x128xf32, #tpu.memory_space<vmem>> -> memref<128x128xf32, #tpu.memory_space<vmem>>
      %dma_start3A_131 = arith.constant 0 : i32
      %dma_start3A_132 = tpu.memref_slice %arg8[%dma_start3A_125, %dma_start3A_131] : memref<32x128xi32, #tpu.memory_space<vmem>> -> memref<1x128xi32, #tpu.memory_space<vmem>>
      %dma_start3A_133 = tpu.memref_squeeze %dma_start3A_132 : memref<1x128xi32, #tpu.memory_space<vmem>> -> memref<128xi32, #tpu.memory_space<vmem>>
      %dma_start3A_134 = arith.constant 0 : i32
      %dma_start3A_135 = arith.constant 0 : i32
      %dma_start3A_136 = tpu.memref_slice %arg2[%dma_start3A_134, %dma_start3A_135] : memref<10000x128xf32, #tpu.memory_space<hbm>> -> memref<10000x128xf32, #tpu.memory_space<hbm>>
      tpu.enqueue_indirect_dma source(%dma_start3A_136 : memref<10000x128xf32, #tpu.memory_space<hbm>>) target(%dma_start3A_130 : memref<128x128xf32, #tpu.memory_space<vmem>>) offsets(%dma_start3A_133 : memref<128xi32, #tpu.memory_space<vmem>>) semaphore(%arg11 : memref<!tpu.dma_semaphore, #tpu.memory_space<semaphore_mem>>)
      %dma_start3A_137 = arith.constant 1 : i32
      %dma_start3A_138 = arith.constant 1 : i32
      %dma_start3A_139 = arith.constant 0 : i32
      %dma_start3A_140 = arith.constant 0 : i32
      %dma_start3A_141 = tpu.memref_slice %arg7[%dma_start3A_138, %dma_start3A_139, %dma_start3A_140] : memref<2x128x128xf32, #tpu.memory_space<vmem>> -> memref<1x128x128xf32, #tpu.memory_space<vmem>>
      %dma_start3A_142 = tpu.memref_squeeze %dma_start3A_141 : memref<1x128x128xf32, #tpu.memory_space<vmem>> -> memref<128x128xf32, #tpu.memory_space<vmem>>
      %dma_start3A_143 = arith.constant 0 : i32
      %dma_start3A_144 = tpu.memref_slice %arg8[%dma_start3A_137, %dma_start3A_143] : memref<32x128xi32, #tpu.memory_space<vmem>> -> memref<1x128xi32, #tpu.memory_space<vmem>>
      %dma_start3A_145 = tpu.memref_squeeze %dma_start3A_144 : memref<1x128xi32, #tpu.memory_space<vmem>> -> memref<128xi32, #tpu.memory_space<vmem>>
      %dma_start3A_146 = arith.constant 0 : i32
      %dma_start3A_147 = arith.constant 0 : i32
      %dma_start3A_148 = tpu.memref_slice %arg2[%dma_start3A_146, %dma_start3A_147] : memref<10000x128xf32, #tpu.memory_space<hbm>> -> memref<10000x128xf32, #tpu.memory_space<hbm>>
      tpu.enqueue_indirect_dma source(%dma_start3A_148 : memref<10000x128xf32, #tpu.memory_space<hbm>>) target(%dma_start3A_142 : memref<128x128xf32, #tpu.memory_space<vmem>>) offsets(%dma_start3A_145 : memref<128xi32, #tpu.memory_space<vmem>>) semaphore(%arg12 : memref<!tpu.dma_semaphore, #tpu.memory_space<semaphore_mem>>)
      %scan3A_149 = arith.constant 0 : i32
      %scan3A_150 = arith.constant 0 : i32
      %scan3A_151 = arith.constant 16 : i32
      %scan3A_152 = arith.addi %scan3A_150, %scan3A_151 : i32
      %scan3A_153 = arith.constant 1 : i32
      scf.for %scan3A_155 = %scan3A_150 to %scan3A_152 step %scan3A_153  : i32 {
        %mul3A_156 = arith.constant 2 : i32
        %mul3A_157 = arith.muli %mul3A_156, %scan3A_155 : i32
        %dma_wait3A = arith.constant 0 : i32
        %dma_wait3A_158 = arith.constant 0 : i32
        %dma_wait3A_159 = arith.constant 0 : i32
        %dma_wait3A_160 = arith.constant 0 : i32
        %dma_wait3A_161 = tpu.memref_slice %arg7[%dma_wait3A_158, %dma_wait3A_159, %dma_wait3A_160] : memref<2x128x128xf32, #tpu.memory_space<vmem>> -> memref<1x128x128xf32, #tpu.memory_space<vmem>>
        %dma_wait3A_162 = tpu.memref_squeeze %dma_wait3A_161 : memref<1x128x128xf32, #tpu.memory_space<vmem>> -> memref<128x128xf32, #tpu.memory_space<vmem>>
        %dma_wait3A_163 = arith.constant 0 : i32
        %dma_wait3A_164 = tpu.memref_slice %arg8[%dma_wait3A, %dma_wait3A_163] : memref<32x128xi32, #tpu.memory_space<vmem>> -> memref<1x128xi32, #tpu.memory_space<vmem>>
        %dma_wait3A_165 = tpu.memref_squeeze %dma_wait3A_164 : memref<1x128xi32, #tpu.memory_space<vmem>> -> memref<128xi32, #tpu.memory_space<vmem>>
        %dma_wait3A_166 = arith.constant 0 : i32
        %dma_wait3A_167 = arith.constant 0 : i32
        %dma_wait3A_168 = tpu.memref_slice %arg2[%dma_wait3A_166, %dma_wait3A_167] : memref<10000x128xf32, #tpu.memory_space<hbm>> -> memref<10000x128xf32, #tpu.memory_space<hbm>>
        tpu.wait_indirect_dma semaphore(%arg11 : memref<!tpu.dma_semaphore, #tpu.memory_space<semaphore_mem>>) src(%dma_wait3A_168 : memref<10000x128xf32, #tpu.memory_space<hbm>>) dst(%dma_wait3A_162 : memref<128x128xf32, #tpu.memory_space<vmem>>)
        %run_scoped3A = arith.constant 0 : i32
        "tpu.region"() ({
          %run_scoped3A_193 = tpu.sem_alloc : memref<!tpu.dma_semaphore, #tpu.memory_space<semaphore_mem>>
          %dma_start3A_194 = arith.constant 0 : i32
          %dma_start3A_195 = arith.constant 0 : i32
          %dma_start3A_196 = tpu.memref_slice %arg7[%run_scoped3A, %dma_start3A_194, %dma_start3A_195] : memref<2x128x128xf32, #tpu.memory_space<vmem>> -> memref<1x128x128xf32, #tpu.memory_space<vmem>>
          %dma_start3A_197 = tpu.memref_squeeze %dma_start3A_196 : memref<1x128x128xf32, #tpu.memory_space<vmem>> -> memref<128x128xf32, #tpu.memory_space<vmem>>
          %dma_start3A_198 = arith.constant 0 : i32
          %dma_start3A_199 = tpu.memref_slice %arg9[%mul3A_157, %dma_start3A_198] : memref<32x128xi32, #tpu.memory_space<vmem>> -> memref<1x128xi32, #tpu.memory_space<vmem>>
          %dma_start3A_200 = tpu.memref_squeeze %dma_start3A_199 : memref<1x128xi32, #tpu.memory_space<vmem>> -> memref<128xi32, #tpu.memory_space<vmem>>
          %dma_start3A_201 = arith.constant 0 : i32
          %dma_start3A_202 = arith.constant 0 : i32
          %dma_start3A_203 = tpu.memref_slice %arg6[%dma_start3A_201, %dma_start3A_202] : memref<10240x128xf32, #tpu.memory_space<vmem_shared>> -> memref<10240x128xf32, #tpu.memory_space<vmem_shared>>
          tpu.enqueue_indirect_dma source(%dma_start3A_197 : memref<128x128xf32, #tpu.memory_space<vmem>>) target(%dma_start3A_203 : memref<10240x128xf32, #tpu.memory_space<vmem_shared>>) offsets(%dma_start3A_200 : memref<128xi32, #tpu.memory_space<vmem>>) semaphore(%run_scoped3A_193 : memref<!tpu.dma_semaphore, #tpu.memory_space<semaphore_mem>>) {add = true}
          %dma_wait3A_204 = arith.constant 0 : i32
          %dma_wait3A_205 = arith.constant 0 : i32
          %dma_wait3A_206 = tpu.memref_slice %arg7[%run_scoped3A, %dma_wait3A_204, %dma_wait3A_205] : memref<2x128x128xf32, #tpu.memory_space<vmem>> -> memref<1x128x128xf32, #tpu.memory_space<vmem>>
          %dma_wait3A_207 = tpu.memref_squeeze %dma_wait3A_206 : memref<1x128x128xf32, #tpu.memory_space<vmem>> -> memref<128x128xf32, #tpu.memory_space<vmem>>
          %dma_wait3A_208 = arith.constant 0 : i32
          %dma_wait3A_209 = tpu.memref_slice %arg9[%mul3A_157, %dma_wait3A_208] : memref<32x128xi32, #tpu.memory_space<vmem>> -> memref<1x128xi32, #tpu.memory_space<vmem>>
          %dma_wait3A_210 = tpu.memref_squeeze %dma_wait3A_209 : memref<1x128xi32, #tpu.memory_space<vmem>> -> memref<128xi32, #tpu.memory_space<vmem>>
          %dma_wait3A_211 = arith.constant 0 : i32
          %dma_wait3A_212 = arith.constant 0 : i32
          %dma_wait3A_213 = tpu.memref_slice %arg6[%dma_wait3A_211, %dma_wait3A_212] : memref<10240x128xf32, #tpu.memory_space<vmem_shared>> -> memref<10240x128xf32, #tpu.memory_space<vmem_shared>>
          tpu.wait_indirect_dma semaphore(%run_scoped3A_193 : memref<!tpu.dma_semaphore, #tpu.memory_space<semaphore_mem>>) src(%dma_wait3A_207 : memref<128x128xf32, #tpu.memory_space<vmem>>) dst(%dma_wait3A_213 : memref<10240x128xf32, #tpu.memory_space<vmem_shared>>)
          tpu.yield
        }) : () -> ()
        %lt3A = arith.constant 15 : i32
        %lt3A_169 = arith.cmpi slt, %scan3A_155, %lt3A : i32
        %convert_element_type3A_170 = arith.extui %lt3A_169 : i1 to i32
        %cond3A_171 = arith.constant 0 : i32
        %cond3A_172 = arith.cmpi ne, %convert_element_type3A_170, %cond3A_171 : i32
        scf.if %cond3A_172 {
          %add3A_193 = arith.constant 2 : i32
          %add3A_194 = arith.addi %mul3A_157, %add3A_193 : i32
          %dma_start3A_195 = arith.constant 0 : i32
          %dma_start3A_196 = arith.constant 0 : i32
          %dma_start3A_197 = arith.constant 0 : i32
          %dma_start3A_198 = tpu.memref_slice %arg7[%dma_start3A_195, %dma_start3A_196, %dma_start3A_197] : memref<2x128x128xf32, #tpu.memory_space<vmem>> -> memref<1x128x128xf32, #tpu.memory_space<vmem>>
          %dma_start3A_199 = tpu.memref_squeeze %dma_start3A_198 : memref<1x128x128xf32, #tpu.memory_space<vmem>> -> memref<128x128xf32, #tpu.memory_space<vmem>>
          %dma_start3A_200 = arith.constant 0 : i32
          %dma_start3A_201 = tpu.memref_slice %arg8[%add3A_194, %dma_start3A_200] : memref<32x128xi32, #tpu.memory_space<vmem>> -> memref<1x128xi32, #tpu.memory_space<vmem>>
          %dma_start3A_202 = tpu.memref_squeeze %dma_start3A_201 : memref<1x128xi32, #tpu.memory_space<vmem>> -> memref<128xi32, #tpu.memory_space<vmem>>
          %dma_start3A_203 = arith.constant 0 : i32
          %dma_start3A_204 = arith.constant 0 : i32
          %dma_start3A_205 = tpu.memref_slice %arg2[%dma_start3A_203, %dma_start3A_204] : memref<10000x128xf32, #tpu.memory_space<hbm>> -> memref<10000x128xf32, #tpu.memory_space<hbm>>
          tpu.enqueue_indirect_dma source(%dma_start3A_205 : memref<10000x128xf32, #tpu.memory_space<hbm>>) target(%dma_start3A_199 : memref<128x128xf32, #tpu.memory_space<vmem>>) offsets(%dma_start3A_202 : memref<128xi32, #tpu.memory_space<vmem>>) semaphore(%arg11 : memref<!tpu.dma_semaphore, #tpu.memory_space<semaphore_mem>>)
        } else {
        }
        %dma_wait3A_173 = arith.constant 1 : i32
        %dma_wait3A_174 = arith.constant 1 : i32
        %dma_wait3A_175 = arith.constant 0 : i32
        %dma_wait3A_176 = arith.constant 0 : i32
        %dma_wait3A_177 = tpu.memref_slice %arg7[%dma_wait3A_174, %dma_wait3A_175, %dma_wait3A_176] : memref<2x128x128xf32, #tpu.memory_space<vmem>> -> memref<1x128x128xf32, #tpu.memory_space<vmem>>
        %dma_wait3A_178 = tpu.memref_squeeze %dma_wait3A_177 : memref<1x128x128xf32, #tpu.memory_space<vmem>> -> memref<128x128xf32, #tpu.memory_space<vmem>>
        %dma_wait3A_179 = arith.constant 0 : i32
        %dma_wait3A_180 = tpu.memref_slice %arg8[%dma_wait3A_173, %dma_wait3A_179] : memref<32x128xi32, #tpu.memory_space<vmem>> -> memref<1x128xi32, #tpu.memory_space<vmem>>
        %dma_wait3A_181 = tpu.memref_squeeze %dma_wait3A_180 : memref<1x128xi32, #tpu.memory_space<vmem>> -> memref<128xi32, #tpu.memory_space<vmem>>
        %dma_wait3A_182 = arith.constant 0 : i32
        %dma_wait3A_183 = arith.constant 0 : i32
        %dma_wait3A_184 = tpu.memref_slice %arg2[%dma_wait3A_182, %dma_wait3A_183] : memref<10000x128xf32, #tpu.memory_space<hbm>> -> memref<10000x128xf32, #tpu.memory_space<hbm>>
        tpu.wait_indirect_dma semaphore(%arg12 : memref<!tpu.dma_semaphore, #tpu.memory_space<semaphore_mem>>) src(%dma_wait3A_184 : memref<10000x128xf32, #tpu.memory_space<hbm>>) dst(%dma_wait3A_178 : memref<128x128xf32, #tpu.memory_space<vmem>>)
        %add3A_185 = arith.constant 1 : i32
        %add3A_186 = arith.addi %mul3A_157, %add3A_185 : i32
        %run_scoped3A_187 = arith.constant 1 : i32
        "tpu.region"() ({
          %run_scoped3A_193 = tpu.sem_alloc : memref<!tpu.dma_semaphore, #tpu.memory_space<semaphore_mem>>
          %dma_start3A_194 = arith.constant 0 : i32
          %dma_start3A_195 = arith.constant 0 : i32
          %dma_start3A_196 = tpu.memref_slice %arg7[%run_scoped3A_187, %dma_start3A_194, %dma_start3A_195] : memref<2x128x128xf32, #tpu.memory_space<vmem>> -> memref<1x128x128xf32, #tpu.memory_space<vmem>>
          %dma_start3A_197 = tpu.memref_squeeze %dma_start3A_196 : memref<1x128x128xf32, #tpu.memory_space<vmem>> -> memref<128x128xf32, #tpu.memory_space<vmem>>
          %dma_start3A_198 = arith.constant 0 : i32
          %dma_start3A_199 = tpu.memref_slice %arg9[%add3A_186, %dma_start3A_198] : memref<32x128xi32, #tpu.memory_space<vmem>> -> memref<1x128xi32, #tpu.memory_space<vmem>>
          %dma_start3A_200 = tpu.memref_squeeze %dma_start3A_199 : memref<1x128xi32, #tpu.memory_space<vmem>> -> memref<128xi32, #tpu.memory_space<vmem>>
          %dma_start3A_201 = arith.constant 0 : i32
          %dma_start3A_202 = arith.constant 0 : i32
          %dma_start3A_203 = tpu.memref_slice %arg6[%dma_start3A_201, %dma_start3A_202] : memref<10240x128xf32, #tpu.memory_space<vmem_shared>> -> memref<10240x128xf32, #tpu.memory_space<vmem_shared>>
          tpu.enqueue_indirect_dma source(%dma_start3A_197 : memref<128x128xf32, #tpu.memory_space<vmem>>) target(%dma_start3A_203 : memref<10240x128xf32, #tpu.memory_space<vmem_shared>>) offsets(%dma_start3A_200 : memref<128xi32, #tpu.memory_space<vmem>>) semaphore(%run_scoped3A_193 : memref<!tpu.dma_semaphore, #tpu.memory_space<semaphore_mem>>) {add = true}
          %dma_wait3A_204 = arith.constant 0 : i32
          %dma_wait3A_205 = arith.constant 0 : i32
          %dma_wait3A_206 = tpu.memref_slice %arg7[%run_scoped3A_187, %dma_wait3A_204, %dma_wait3A_205] : memref<2x128x128xf32, #tpu.memory_space<vmem>> -> memref<1x128x128xf32, #tpu.memory_space<vmem>>
          %dma_wait3A_207 = tpu.memref_squeeze %dma_wait3A_206 : memref<1x128x128xf32, #tpu.memory_space<vmem>> -> memref<128x128xf32, #tpu.memory_space<vmem>>
          %dma_wait3A_208 = arith.constant 0 : i32
          %dma_wait3A_209 = tpu.memref_slice %arg9[%add3A_186, %dma_wait3A_208] : memref<32x128xi32, #tpu.memory_space<vmem>> -> memref<1x128xi32, #tpu.memory_space<vmem>>
          %dma_wait3A_210 = tpu.memref_squeeze %dma_wait3A_209 : memref<1x128xi32, #tpu.memory_space<vmem>> -> memref<128xi32, #tpu.memory_space<vmem>>
          %dma_wait3A_211 = arith.constant 0 : i32
          %dma_wait3A_212 = arith.constant 0 : i32
          %dma_wait3A_213 = tpu.memref_slice %arg6[%dma_wait3A_211, %dma_wait3A_212] : memref<10240x128xf32, #tpu.memory_space<vmem_shared>> -> memref<10240x128xf32, #tpu.memory_space<vmem_shared>>
          tpu.wait_indirect_dma semaphore(%run_scoped3A_193 : memref<!tpu.dma_semaphore, #tpu.memory_space<semaphore_mem>>) src(%dma_wait3A_207 : memref<128x128xf32, #tpu.memory_space<vmem>>) dst(%dma_wait3A_213 : memref<10240x128xf32, #tpu.memory_space<vmem_shared>>)
          tpu.yield
        }) : () -> ()
        %lt3A_188 = arith.constant 15 : i32
        %lt3A_189 = arith.cmpi slt, %scan3A_155, %lt3A_188 : i32
        %convert_element_type3A_190 = arith.extui %lt3A_189 : i1 to i32
        %cond3A_191 = arith.constant 0 : i32
        %cond3A_192 = arith.cmpi ne, %convert_element_type3A_190, %cond3A_191 : i32
        scf.if %cond3A_192 {
          %add3A_193 = arith.constant 3 : i32
          %add3A_194 = arith.addi %mul3A_157, %add3A_193 : i32
          %dma_start3A_195 = arith.constant 1 : i32
          %dma_start3A_196 = arith.constant 0 : i32
          %dma_start3A_197 = arith.constant 0 : i32
          %dma_start3A_198 = tpu.memref_slice %arg7[%dma_start3A_195, %dma_start3A_196, %dma_start3A_197] : memref<2x128x128xf32, #tpu.memory_space<vmem>> -> memref<1x128x128xf32, #tpu.memory_space<vmem>>
          %dma_start3A_199 = tpu.memref_squeeze %dma_start3A_198 : memref<1x128x128xf32, #tpu.memory_space<vmem>> -> memref<128x128xf32, #tpu.memory_space<vmem>>
          %dma_start3A_200 = arith.constant 0 : i32
          %dma_start3A_201 = tpu.memref_slice %arg8[%add3A_194, %dma_start3A_200] : memref<32x128xi32, #tpu.memory_space<vmem>> -> memref<1x128xi32, #tpu.memory_space<vmem>>
          %dma_start3A_202 = tpu.memref_squeeze %dma_start3A_201 : memref<1x128xi32, #tpu.memory_space<vmem>> -> memref<128xi32, #tpu.memory_space<vmem>>
          %dma_start3A_203 = arith.constant 0 : i32
          %dma_start3A_204 = arith.constant 0 : i32
          %dma_start3A_205 = tpu.memref_slice %arg2[%dma_start3A_203, %dma_start3A_204] : memref<10000x128xf32, #tpu.memory_space<hbm>> -> memref<10000x128xf32, #tpu.memory_space<hbm>>
          tpu.enqueue_indirect_dma source(%dma_start3A_205 : memref<10000x128xf32, #tpu.memory_space<hbm>>) target(%dma_start3A_199 : memref<128x128xf32, #tpu.memory_space<vmem>>) offsets(%dma_start3A_202 : memref<128xi32, #tpu.memory_space<vmem>>) semaphore(%arg12 : memref<!tpu.dma_semaphore, #tpu.memory_space<semaphore_mem>>)
        } else {
        }
      }
      %scan3A_154 = arith.constant 16 : i32
    } else {
    }
    %eq3A_86 = arith.constant 1 : i32
    %eq3A_87 = arith.cmpi eq, %arg0, %eq3A_86 : i32
    %convert_element_type3A_88 = arith.extui %eq3A_87 : i1 to i32
    %cond3A_89 = arith.constant 0 : i32
    %cond3A_90 = arith.cmpi ne, %convert_element_type3A_88, %cond3A_89 : i32
    scf.if %cond3A_90 {
      "tpu.region"() ({
        %run_scoped3A = tpu.sem_alloc : memref<!tpu.dma_semaphore, #tpu.memory_space<semaphore_mem>>
        %dma_start3A_185 = arith.constant 0 : i32
        %dma_start3A_186 = arith.constant 0 : i32
        %dma_start3A_187 = tpu.memref_slice %arg8[%dma_start3A_185, %dma_start3A_186] : memref<32x128xi32, #tpu.memory_space<vmem>> -> memref<32x128xi32, #tpu.memory_space<vmem>>
        %dma_start3A_188 = arith.constant 64 : i32
        %dma_start3A_189 = arith.constant 0 : i32
        %dma_start3A_190 = tpu.memref_slice %arg3[%arg1, %dma_start3A_188, %dma_start3A_189] : memref<16x160x128xi32, #tpu.memory_space<hbm>> -> memref<1x32x128xi32, #tpu.memory_space<hbm>>
        %dma_start3A_191 = tpu.memref_squeeze %dma_start3A_190 : memref<1x32x128xi32, #tpu.memory_space<hbm>> -> memref<32x128xi32, #tpu.memory_space<hbm>>
        %dma_start3A_192 = arith.constant 0 : i32
        %dma_start3A_193 = arith.constant 0 : i32
        %dma_start3A_194 = tpu.memref_slice %arg8[%dma_start3A_192, %dma_start3A_193] : memref<32x128xi32, #tpu.memory_space<vmem>> -> memref<32x128xi32, #tpu.memory_space<vmem>>
        %dma_start3A_195 = arith.constant 64 : i32
        %dma_start3A_196 = arith.constant 0 : i32
        %dma_start3A_197 = tpu.memref_slice %arg3[%arg1, %dma_start3A_195, %dma_start3A_196] : memref<16x160x128xi32, #tpu.memory_space<hbm>> -> memref<1x32x128xi32, #tpu.memory_space<hbm>>
        %dma_start3A_198 = tpu.memref_squeeze %dma_start3A_197 : memref<1x32x128xi32, #tpu.memory_space<hbm>> -> memref<32x128xi32, #tpu.memory_space<hbm>>
        tpu.enqueue_dma source(%dma_start3A_198 : memref<32x128xi32, #tpu.memory_space<hbm>>) target(%dma_start3A_194 : memref<32x128xi32, #tpu.memory_space<vmem>>) target_semaphore(%run_scoped3A : memref<!tpu.dma_semaphore, #tpu.memory_space<semaphore_mem>>)
        %dma_wait3A = arith.constant 0 : i32
        %dma_wait3A_199 = arith.constant 0 : i32
        %dma_wait3A_200 = tpu.memref_slice %arg8[%dma_wait3A, %dma_wait3A_199] : memref<32x128xi32, #tpu.memory_space<vmem>> -> memref<32x128xi32, #tpu.memory_space<vmem>>
        %dma_wait3A_201 = arith.constant 64 : i32
        %dma_wait3A_202 = arith.constant 0 : i32
        %dma_wait3A_203 = tpu.memref_slice %arg3[%arg1, %dma_wait3A_201, %dma_wait3A_202] : memref<16x160x128xi32, #tpu.memory_space<hbm>> -> memref<1x32x128xi32, #tpu.memory_space<hbm>>
        %dma_wait3A_204 = tpu.memref_squeeze %dma_wait3A_203 : memref<1x32x128xi32, #tpu.memory_space<hbm>> -> memref<32x128xi32, #tpu.memory_space<hbm>>
        %dma_wait3A_205 = arith.constant 0 : i32
        %dma_wait3A_206 = arith.constant 0 : i32
        %dma_wait3A_207 = tpu.memref_slice %arg8[%dma_wait3A_205, %dma_wait3A_206] : memref<32x128xi32, #tpu.memory_space<vmem>> -> memref<32x128xi32, #tpu.memory_space<vmem>>
        %dma_wait3A_208 = arith.constant 64 : i32
        %dma_wait3A_209 = arith.constant 0 : i32
        %dma_wait3A_210 = tpu.memref_slice %arg3[%arg1, %dma_wait3A_208, %dma_wait3A_209] : memref<16x160x128xi32, #tpu.memory_space<hbm>> -> memref<1x32x128xi32, #tpu.memory_space<hbm>>
        %dma_wait3A_211 = tpu.memref_squeeze %dma_wait3A_210 : memref<1x32x128xi32, #tpu.memory_space<hbm>> -> memref<32x128xi32, #tpu.memory_space<hbm>>
        tpu.wait_dma2 semaphore(%run_scoped3A : memref<!tpu.dma_semaphore, #tpu.memory_space<semaphore_mem>>) src(%dma_wait3A_211 : memref<32x128xi32, #tpu.memory_space<hbm>>) dst(%dma_wait3A_207 : memref<32x128xi32, #tpu.memory_space<vmem>>)
        tpu.yield
      }) : () -> ()
      "tpu.region"() ({
        %run_scoped3A = tpu.sem_alloc : memref<!tpu.dma_semaphore, #tpu.memory_space<semaphore_mem>>
        %dma_start3A_185 = arith.constant 0 : i32
        %dma_start3A_186 = arith.constant 0 : i32
        %dma_start3A_187 = tpu.memref_slice %arg9[%dma_start3A_185, %dma_start3A_186] : memref<32x128xi32, #tpu.memory_space<vmem>> -> memref<32x128xi32, #tpu.memory_space<vmem>>
        %dma_start3A_188 = arith.constant 64 : i32
        %dma_start3A_189 = arith.constant 0 : i32
        %dma_start3A_190 = tpu.memref_slice %arg4[%arg1, %dma_start3A_188, %dma_start3A_189] : memref<16x160x128xi32, #tpu.memory_space<hbm>> -> memref<1x32x128xi32, #tpu.memory_space<hbm>>
        %dma_start3A_191 = tpu.memref_squeeze %dma_start3A_190 : memref<1x32x128xi32, #tpu.memory_space<hbm>> -> memref<32x128xi32, #tpu.memory_space<hbm>>
        %dma_start3A_192 = arith.constant 0 : i32
        %dma_start3A_193 = arith.constant 0 : i32
        %dma_start3A_194 = tpu.memref_slice %arg9[%dma_start3A_192, %dma_start3A_193] : memref<32x128xi32, #tpu.memory_space<vmem>> -> memref<32x128xi32, #tpu.memory_space<vmem>>
        %dma_start3A_195 = arith.constant 64 : i32
        %dma_start3A_196 = arith.constant 0 : i32
        %dma_start3A_197 = tpu.memref_slice %arg4[%arg1, %dma_start3A_195, %dma_start3A_196] : memref<16x160x128xi32, #tpu.memory_space<hbm>> -> memref<1x32x128xi32, #tpu.memory_space<hbm>>
        %dma_start3A_198 = tpu.memref_squeeze %dma_start3A_197 : memref<1x32x128xi32, #tpu.memory_space<hbm>> -> memref<32x128xi32, #tpu.memory_space<hbm>>
        tpu.enqueue_dma source(%dma_start3A_198 : memref<32x128xi32, #tpu.memory_space<hbm>>) target(%dma_start3A_194 : memref<32x128xi32, #tpu.memory_space<vmem>>) target_semaphore(%run_scoped3A : memref<!tpu.dma_semaphore, #tpu.memory_space<semaphore_mem>>)
        %dma_wait3A = arith.constant 0 : i32
        %dma_wait3A_199 = arith.constant 0 : i32
        %dma_wait3A_200 = tpu.memref_slice %arg9[%dma_wait3A, %dma_wait3A_199] : memref<32x128xi32, #tpu.memory_space<vmem>> -> memref<32x128xi32, #tpu.memory_space<vmem>>
        %dma_wait3A_201 = arith.constant 64 : i32
        %dma_wait3A_202 = arith.constant 0 : i32
        %dma_wait3A_203 = tpu.memref_slice %arg4[%arg1, %dma_wait3A_201, %dma_wait3A_202] : memref<16x160x128xi32, #tpu.memory_space<hbm>> -> memref<1x32x128xi32, #tpu.memory_space<hbm>>
        %dma_wait3A_204 = tpu.memref_squeeze %dma_wait3A_203 : memref<1x32x128xi32, #tpu.memory_space<hbm>> -> memref<32x128xi32, #tpu.memory_space<hbm>>
        %dma_wait3A_205 = arith.constant 0 : i32
        %dma_wait3A_206 = arith.constant 0 : i32
        %dma_wait3A_207 = tpu.memref_slice %arg9[%dma_wait3A_205, %dma_wait3A_206] : memref<32x128xi32, #tpu.memory_space<vmem>> -> memref<32x128xi32, #tpu.memory_space<vmem>>
        %dma_wait3A_208 = arith.constant 64 : i32
        %dma_wait3A_209 = arith.constant 0 : i32
        %dma_wait3A_210 = tpu.memref_slice %arg4[%arg1, %dma_wait3A_208, %dma_wait3A_209] : memref<16x160x128xi32, #tpu.memory_space<hbm>> -> memref<1x32x128xi32, #tpu.memory_space<hbm>>
        %dma_wait3A_211 = tpu.memref_squeeze %dma_wait3A_210 : memref<1x32x128xi32, #tpu.memory_space<hbm>> -> memref<32x128xi32, #tpu.memory_space<hbm>>
        tpu.wait_dma2 semaphore(%run_scoped3A : memref<!tpu.dma_semaphore, #tpu.memory_space<semaphore_mem>>) src(%dma_wait3A_211 : memref<32x128xi32, #tpu.memory_space<hbm>>) dst(%dma_wait3A_207 : memref<32x128xi32, #tpu.memory_space<vmem>>)
        tpu.yield
      }) : () -> ()
      %dma_start3A = arith.constant 0 : i32
      %dma_start3A_96 = arith.constant 0 : i32
      %dma_start3A_97 = arith.constant 0 : i32
      %dma_start3A_98 = arith.constant 0 : i32
      %dma_start3A_99 = tpu.memref_slice %arg7[%dma_start3A_96, %dma_start3A_97, %dma_start3A_98] : memref<2x128x128xf32, #tpu.memory_space<vmem>> -> memref<1x128x128xf32, #tpu.memory_space<vmem>>
      %dma_start3A_100 = tpu.memref_squeeze %dma_start3A_99 : memref<1x128x128xf32, #tpu.memory_space<vmem>> -> memref<128x128xf32, #tpu.memory_space<vmem>>
      %dma_start3A_101 = arith.constant 0 : i32
      %dma_start3A_102 = tpu.memref_slice %arg8[%dma_start3A, %dma_start3A_101] : memref<32x128xi32, #tpu.memory_space<vmem>> -> memref<1x128xi32, #tpu.memory_space<vmem>>
      %dma_start3A_103 = tpu.memref_squeeze %dma_start3A_102 : memref<1x128xi32, #tpu.memory_space<vmem>> -> memref<128xi32, #tpu.memory_space<vmem>>
      %dma_start3A_104 = arith.constant 0 : i32
      %dma_start3A_105 = arith.constant 0 : i32
      %dma_start3A_106 = tpu.memref_slice %arg2[%dma_start3A_104, %dma_start3A_105] : memref<10000x128xf32, #tpu.memory_space<hbm>> -> memref<10000x128xf32, #tpu.memory_space<hbm>>
      tpu.enqueue_indirect_dma source(%dma_start3A_106 : memref<10000x128xf32, #tpu.memory_space<hbm>>) target(%dma_start3A_100 : memref<128x128xf32, #tpu.memory_space<vmem>>) offsets(%dma_start3A_103 : memref<128xi32, #tpu.memory_space<vmem>>) semaphore(%arg11 : memref<!tpu.dma_semaphore, #tpu.memory_space<semaphore_mem>>)
      %dma_start3A_107 = arith.constant 1 : i32
      %dma_start3A_108 = arith.constant 1 : i32
      %dma_start3A_109 = arith.constant 0 : i32
      %dma_start3A_110 = arith.constant 0 : i32
      %dma_start3A_111 = tpu.memref_slice %arg7[%dma_start3A_108, %dma_start3A_109, %dma_start3A_110] : memref<2x128x128xf32, #tpu.memory_space<vmem>> -> memref<1x128x128xf32, #tpu.memory_space<vmem>>
      %dma_start3A_112 = tpu.memref_squeeze %dma_start3A_111 : memref<1x128x128xf32, #tpu.memory_space<vmem>> -> memref<128x128xf32, #tpu.memory_space<vmem>>
      %dma_start3A_113 = arith.constant 0 : i32
      %dma_start3A_114 = tpu.memref_slice %arg8[%dma_start3A_107, %dma_start3A_113] : memref<32x128xi32, #tpu.memory_space<vmem>> -> memref<1x128xi32, #tpu.memory_space<vmem>>
      %dma_start3A_115 = tpu.memref_squeeze %dma_start3A_114 : memref<1x128xi32, #tpu.memory_space<vmem>> -> memref<128xi32, #tpu.memory_space<vmem>>
      %dma_start3A_116 = arith.constant 0 : i32
      %dma_start3A_117 = arith.constant 0 : i32
      %dma_start3A_118 = tpu.memref_slice %arg2[%dma_start3A_116, %dma_start3A_117] : memref<10000x128xf32, #tpu.memory_space<hbm>> -> memref<10000x128xf32, #tpu.memory_space<hbm>>
      tpu.enqueue_indirect_dma source(%dma_start3A_118 : memref<10000x128xf32, #tpu.memory_space<hbm>>) target(%dma_start3A_112 : memref<128x128xf32, #tpu.memory_space<vmem>>) offsets(%dma_start3A_115 : memref<128xi32, #tpu.memory_space<vmem>>) semaphore(%arg12 : memref<!tpu.dma_semaphore, #tpu.memory_space<semaphore_mem>>)
      %scan3A_119 = arith.constant 0 : i32
      %scan3A_120 = arith.constant 0 : i32
      %scan3A_121 = arith.constant 16 : i32
      %scan3A_122 = arith.addi %scan3A_120, %scan3A_121 : i32
      %scan3A_123 = arith.constant 1 : i32
      scf.for %scan3A_185 = %scan3A_120 to %scan3A_122 step %scan3A_123  : i32 {
        %mul3A_186 = arith.constant 2 : i32
        %mul3A_187 = arith.muli %mul3A_186, %scan3A_185 : i32
        %dma_wait3A = arith.constant 0 : i32
        %dma_wait3A_188 = arith.constant 0 : i32
        %dma_wait3A_189 = arith.constant 0 : i32
        %dma_wait3A_190 = arith.constant 0 : i32
        %dma_wait3A_191 = tpu.memref_slice %arg7[%dma_wait3A_188, %dma_wait3A_189, %dma_wait3A_190] : memref<2x128x128xf32, #tpu.memory_space<vmem>> -> memref<1x128x128xf32, #tpu.memory_space<vmem>>
        %dma_wait3A_192 = tpu.memref_squeeze %dma_wait3A_191 : memref<1x128x128xf32, #tpu.memory_space<vmem>> -> memref<128x128xf32, #tpu.memory_space<vmem>>
        %dma_wait3A_193 = arith.constant 0 : i32
        %dma_wait3A_194 = tpu.memref_slice %arg8[%dma_wait3A, %dma_wait3A_193] : memref<32x128xi32, #tpu.memory_space<vmem>> -> memref<1x128xi32, #tpu.memory_space<vmem>>
        %dma_wait3A_195 = tpu.memref_squeeze %dma_wait3A_194 : memref<1x128xi32, #tpu.memory_space<vmem>> -> memref<128xi32, #tpu.memory_space<vmem>>
        %dma_wait3A_196 = arith.constant 0 : i32
        %dma_wait3A_197 = arith.constant 0 : i32
        %dma_wait3A_198 = tpu.memref_slice %arg2[%dma_wait3A_196, %dma_wait3A_197] : memref<10000x128xf32, #tpu.memory_space<hbm>> -> memref<10000x128xf32, #tpu.memory_space<hbm>>
        tpu.wait_indirect_dma semaphore(%arg11 : memref<!tpu.dma_semaphore, #tpu.memory_space<semaphore_mem>>) src(%dma_wait3A_198 : memref<10000x128xf32, #tpu.memory_space<hbm>>) dst(%dma_wait3A_192 : memref<128x128xf32, #tpu.memory_space<vmem>>)
        %run_scoped3A = arith.constant 0 : i32
        "tpu.region"() ({
          %run_scoped3A_223 = tpu.sem_alloc : memref<!tpu.dma_semaphore, #tpu.memory_space<semaphore_mem>>
          %dma_start3A_224 = arith.constant 0 : i32
          %dma_start3A_225 = arith.constant 0 : i32
          %dma_start3A_226 = tpu.memref_slice %arg7[%run_scoped3A, %dma_start3A_224, %dma_start3A_225] : memref<2x128x128xf32, #tpu.memory_space<vmem>> -> memref<1x128x128xf32, #tpu.memory_space<vmem>>
          %dma_start3A_227 = tpu.memref_squeeze %dma_start3A_226 : memref<1x128x128xf32, #tpu.memory_space<vmem>> -> memref<128x128xf32, #tpu.memory_space<vmem>>
          %dma_start3A_228 = arith.constant 0 : i32
          %dma_start3A_229 = tpu.memref_slice %arg9[%mul3A_187, %dma_start3A_228] : memref<32x128xi32, #tpu.memory_space<vmem>> -> memref<1x128xi32, #tpu.memory_space<vmem>>
          %dma_start3A_230 = tpu.memref_squeeze %dma_start3A_229 : memref<1x128xi32, #tpu.memory_space<vmem>> -> memref<128xi32, #tpu.memory_space<vmem>>
          %dma_start3A_231 = arith.constant 0 : i32
          %dma_start3A_232 = arith.constant 0 : i32
          %dma_start3A_233 = tpu.memref_slice %arg6[%dma_start3A_231, %dma_start3A_232] : memref<10240x128xf32, #tpu.memory_space<vmem_shared>> -> memref<10240x128xf32, #tpu.memory_space<vmem_shared>>
          tpu.enqueue_indirect_dma source(%dma_start3A_227 : memref<128x128xf32, #tpu.memory_space<vmem>>) target(%dma_start3A_233 : memref<10240x128xf32, #tpu.memory_space<vmem_shared>>) offsets(%dma_start3A_230 : memref<128xi32, #tpu.memory_space<vmem>>) semaphore(%run_scoped3A_223 : memref<!tpu.dma_semaphore, #tpu.memory_space<semaphore_mem>>) {add = true}
          %dma_wait3A_234 = arith.constant 0 : i32
          %dma_wait3A_235 = arith.constant 0 : i32
          %dma_wait3A_236 = tpu.memref_slice %arg7[%run_scoped3A, %dma_wait3A_234, %dma_wait3A_235] : memref<2x128x128xf32, #tpu.memory_space<vmem>> -> memref<1x128x128xf32, #tpu.memory_space<vmem>>
          %dma_wait3A_237 = tpu.memref_squeeze %dma_wait3A_236 : memref<1x128x128xf32, #tpu.memory_space<vmem>> -> memref<128x128xf32, #tpu.memory_space<vmem>>
          %dma_wait3A_238 = arith.constant 0 : i32
          %dma_wait3A_239 = tpu.memref_slice %arg9[%mul3A_187, %dma_wait3A_238] : memref<32x128xi32, #tpu.memory_space<vmem>> -> memref<1x128xi32, #tpu.memory_space<vmem>>
          %dma_wait3A_240 = tpu.memref_squeeze %dma_wait3A_239 : memref<1x128xi32, #tpu.memory_space<vmem>> -> memref<128xi32, #tpu.memory_space<vmem>>
          %dma_wait3A_241 = arith.constant 0 : i32
          %dma_wait3A_242 = arith.constant 0 : i32
          %dma_wait3A_243 = tpu.memref_slice %arg6[%dma_wait3A_241, %dma_wait3A_242] : memref<10240x128xf32, #tpu.memory_space<vmem_shared>> -> memref<10240x128xf32, #tpu.memory_space<vmem_shared>>
          tpu.wait_indirect_dma semaphore(%run_scoped3A_223 : memref<!tpu.dma_semaphore, #tpu.memory_space<semaphore_mem>>) src(%dma_wait3A_237 : memref<128x128xf32, #tpu.memory_space<vmem>>) dst(%dma_wait3A_243 : memref<10240x128xf32, #tpu.memory_space<vmem_shared>>)
          tpu.yield
        }) : () -> ()
        %lt3A = arith.constant 15 : i32
        %lt3A_199 = arith.cmpi slt, %scan3A_185, %lt3A : i32
        %convert_element_type3A_200 = arith.extui %lt3A_199 : i1 to i32
        %cond3A_201 = arith.constant 0 : i32
        %cond3A_202 = arith.cmpi ne, %convert_element_type3A_200, %cond3A_201 : i32
        scf.if %cond3A_202 {
          %add3A_223 = arith.constant 2 : i32
          %add3A_224 = arith.addi %mul3A_187, %add3A_223 : i32
          %dma_start3A_225 = arith.constant 0 : i32
          %dma_start3A_226 = arith.constant 0 : i32
          %dma_start3A_227 = arith.constant 0 : i32
          %dma_start3A_228 = tpu.memref_slice %arg7[%dma_start3A_225, %dma_start3A_226, %dma_start3A_227] : memref<2x128x128xf32, #tpu.memory_space<vmem>> -> memref<1x128x128xf32, #tpu.memory_space<vmem>>
          %dma_start3A_229 = tpu.memref_squeeze %dma_start3A_228 : memref<1x128x128xf32, #tpu.memory_space<vmem>> -> memref<128x128xf32, #tpu.memory_space<vmem>>
          %dma_start3A_230 = arith.constant 0 : i32
          %dma_start3A_231 = tpu.memref_slice %arg8[%add3A_224, %dma_start3A_230] : memref<32x128xi32, #tpu.memory_space<vmem>> -> memref<1x128xi32, #tpu.memory_space<vmem>>
          %dma_start3A_232 = tpu.memref_squeeze %dma_start3A_231 : memref<1x128xi32, #tpu.memory_space<vmem>> -> memref<128xi32, #tpu.memory_space<vmem>>
          %dma_start3A_233 = arith.constant 0 : i32
          %dma_start3A_234 = arith.constant 0 : i32
          %dma_start3A_235 = tpu.memref_slice %arg2[%dma_start3A_233, %dma_start3A_234] : memref<10000x128xf32, #tpu.memory_space<hbm>> -> memref<10000x128xf32, #tpu.memory_space<hbm>>
          tpu.enqueue_indirect_dma source(%dma_start3A_235 : memref<10000x128xf32, #tpu.memory_space<hbm>>) target(%dma_start3A_229 : memref<128x128xf32, #tpu.memory_space<vmem>>) offsets(%dma_start3A_232 : memref<128xi32, #tpu.memory_space<vmem>>) semaphore(%arg11 : memref<!tpu.dma_semaphore, #tpu.memory_space<semaphore_mem>>)
        } else {
        }
        %dma_wait3A_203 = arith.constant 1 : i32
        %dma_wait3A_204 = arith.constant 1 : i32
        %dma_wait3A_205 = arith.constant 0 : i32
        %dma_wait3A_206 = arith.constant 0 : i32
        %dma_wait3A_207 = tpu.memref_slice %arg7[%dma_wait3A_204, %dma_wait3A_205, %dma_wait3A_206] : memref<2x128x128xf32, #tpu.memory_space<vmem>> -> memref<1x128x128xf32, #tpu.memory_space<vmem>>
        %dma_wait3A_208 = tpu.memref_squeeze %dma_wait3A_207 : memref<1x128x128xf32, #tpu.memory_space<vmem>> -> memref<128x128xf32, #tpu.memory_space<vmem>>
        %dma_wait3A_209 = arith.constant 0 : i32
        %dma_wait3A_210 = tpu.memref_slice %arg8[%dma_wait3A_203, %dma_wait3A_209] : memref<32x128xi32, #tpu.memory_space<vmem>> -> memref<1x128xi32, #tpu.memory_space<vmem>>
        %dma_wait3A_211 = tpu.memref_squeeze %dma_wait3A_210 : memref<1x128xi32, #tpu.memory_space<vmem>> -> memref<128xi32, #tpu.memory_space<vmem>>
        %dma_wait3A_212 = arith.constant 0 : i32
        %dma_wait3A_213 = arith.constant 0 : i32
        %dma_wait3A_214 = tpu.memref_slice %arg2[%dma_wait3A_212, %dma_wait3A_213] : memref<10000x128xf32, #tpu.memory_space<hbm>> -> memref<10000x128xf32, #tpu.memory_space<hbm>>
        tpu.wait_indirect_dma semaphore(%arg12 : memref<!tpu.dma_semaphore, #tpu.memory_space<semaphore_mem>>) src(%dma_wait3A_214 : memref<10000x128xf32, #tpu.memory_space<hbm>>) dst(%dma_wait3A_208 : memref<128x128xf32, #tpu.memory_space<vmem>>)
        %add3A_215 = arith.constant 1 : i32
        %add3A_216 = arith.addi %mul3A_187, %add3A_215 : i32
        %run_scoped3A_217 = arith.constant 1 : i32
        "tpu.region"() ({
          %run_scoped3A_223 = tpu.sem_alloc : memref<!tpu.dma_semaphore, #tpu.memory_space<semaphore_mem>>
          %dma_start3A_224 = arith.constant 0 : i32
          %dma_start3A_225 = arith.constant 0 : i32
          %dma_start3A_226 = tpu.memref_slice %arg7[%run_scoped3A_217, %dma_start3A_224, %dma_start3A_225] : memref<2x128x128xf32, #tpu.memory_space<vmem>> -> memref<1x128x128xf32, #tpu.memory_space<vmem>>
          %dma_start3A_227 = tpu.memref_squeeze %dma_start3A_226 : memref<1x128x128xf32, #tpu.memory_space<vmem>> -> memref<128x128xf32, #tpu.memory_space<vmem>>
          %dma_start3A_228 = arith.constant 0 : i32
          %dma_start3A_229 = tpu.memref_slice %arg9[%add3A_216, %dma_start3A_228] : memref<32x128xi32, #tpu.memory_space<vmem>> -> memref<1x128xi32, #tpu.memory_space<vmem>>
          %dma_start3A_230 = tpu.memref_squeeze %dma_start3A_229 : memref<1x128xi32, #tpu.memory_space<vmem>> -> memref<128xi32, #tpu.memory_space<vmem>>
          %dma_start3A_231 = arith.constant 0 : i32
          %dma_start3A_232 = arith.constant 0 : i32
          %dma_start3A_233 = tpu.memref_slice %arg6[%dma_start3A_231, %dma_start3A_232] : memref<10240x128xf32, #tpu.memory_space<vmem_shared>> -> memref<10240x128xf32, #tpu.memory_space<vmem_shared>>
          tpu.enqueue_indirect_dma source(%dma_start3A_227 : memref<128x128xf32, #tpu.memory_space<vmem>>) target(%dma_start3A_233 : memref<10240x128xf32, #tpu.memory_space<vmem_shared>>) offsets(%dma_start3A_230 : memref<128xi32, #tpu.memory_space<vmem>>) semaphore(%run_scoped3A_223 : memref<!tpu.dma_semaphore, #tpu.memory_space<semaphore_mem>>) {add = true}
          %dma_wait3A_234 = arith.constant 0 : i32
          %dma_wait3A_235 = arith.constant 0 : i32
          %dma_wait3A_236 = tpu.memref_slice %arg7[%run_scoped3A_217, %dma_wait3A_234, %dma_wait3A_235] : memref<2x128x128xf32, #tpu.memory_space<vmem>> -> memref<1x128x128xf32, #tpu.memory_space<vmem>>
          %dma_wait3A_237 = tpu.memref_squeeze %dma_wait3A_236 : memref<1x128x128xf32, #tpu.memory_space<vmem>> -> memref<128x128xf32, #tpu.memory_space<vmem>>
          %dma_wait3A_238 = arith.constant 0 : i32
          %dma_wait3A_239 = tpu.memref_slice %arg9[%add3A_216, %dma_wait3A_238] : memref<32x128xi32, #tpu.memory_space<vmem>> -> memref<1x128xi32, #tpu.memory_space<vmem>>
          %dma_wait3A_240 = tpu.memref_squeeze %dma_wait3A_239 : memref<1x128xi32, #tpu.memory_space<vmem>> -> memref<128xi32, #tpu.memory_space<vmem>>
          %dma_wait3A_241 = arith.constant 0 : i32
          %dma_wait3A_242 = arith.constant 0 : i32
          %dma_wait3A_243 = tpu.memref_slice %arg6[%dma_wait3A_241, %dma_wait3A_242] : memref<10240x128xf32, #tpu.memory_space<vmem_shared>> -> memref<10240x128xf32, #tpu.memory_space<vmem_shared>>
          tpu.wait_indirect_dma semaphore(%run_scoped3A_223 : memref<!tpu.dma_semaphore, #tpu.memory_space<semaphore_mem>>) src(%dma_wait3A_237 : memref<128x128xf32, #tpu.memory_space<vmem>>) dst(%dma_wait3A_243 : memref<10240x128xf32, #tpu.memory_space<vmem_shared>>)
          tpu.yield
        }) : () -> ()
        %lt3A_218 = arith.constant 15 : i32
        %lt3A_219 = arith.cmpi slt, %scan3A_185, %lt3A_218 : i32
        %convert_element_type3A_220 = arith.extui %lt3A_219 : i1 to i32
        %cond3A_221 = arith.constant 0 : i32
        %cond3A_222 = arith.cmpi ne, %convert_element_type3A_220, %cond3A_221 : i32
        scf.if %cond3A_222 {
          %add3A_223 = arith.constant 3 : i32
          %add3A_224 = arith.addi %mul3A_187, %add3A_223 : i32
          %dma_start3A_225 = arith.constant 1 : i32
          %dma_start3A_226 = arith.constant 0 : i32
          %dma_start3A_227 = arith.constant 0 : i32
          %dma_start3A_228 = tpu.memref_slice %arg7[%dma_start3A_225, %dma_start3A_226, %dma_start3A_227] : memref<2x128x128xf32, #tpu.memory_space<vmem>> -> memref<1x128x128xf32, #tpu.memory_space<vmem>>
          %dma_start3A_229 = tpu.memref_squeeze %dma_start3A_228 : memref<1x128x128xf32, #tpu.memory_space<vmem>> -> memref<128x128xf32, #tpu.memory_space<vmem>>
          %dma_start3A_230 = arith.constant 0 : i32
          %dma_start3A_231 = tpu.memref_slice %arg8[%add3A_224, %dma_start3A_230] : memref<32x128xi32, #tpu.memory_space<vmem>> -> memref<1x128xi32, #tpu.memory_space<vmem>>
          %dma_start3A_232 = tpu.memref_squeeze %dma_start3A_231 : memref<1x128xi32, #tpu.memory_space<vmem>> -> memref<128xi32, #tpu.memory_space<vmem>>
          %dma_start3A_233 = arith.constant 0 : i32
          %dma_start3A_234 = arith.constant 0 : i32
          %dma_start3A_235 = tpu.memref_slice %arg2[%dma_start3A_233, %dma_start3A_234] : memref<10000x128xf32, #tpu.memory_space<hbm>> -> memref<10000x128xf32, #tpu.memory_space<hbm>>
          tpu.enqueue_indirect_dma source(%dma_start3A_235 : memref<10000x128xf32, #tpu.memory_space<hbm>>) target(%dma_start3A_229 : memref<128x128xf32, #tpu.memory_space<vmem>>) offsets(%dma_start3A_232 : memref<128xi32, #tpu.memory_space<vmem>>) semaphore(%arg12 : memref<!tpu.dma_semaphore, #tpu.memory_space<semaphore_mem>>)
        } else {
        }
      }
      %scan3A_124 = arith.constant 16 : i32
      "tpu.region"() ({
        %run_scoped3A = tpu.sem_alloc : memref<!tpu.dma_semaphore, #tpu.memory_space<semaphore_mem>>
        %dma_start3A_185 = arith.constant 0 : i32
        %dma_start3A_186 = arith.constant 0 : i32
        %dma_start3A_187 = tpu.memref_slice %arg8[%dma_start3A_185, %dma_start3A_186] : memref<32x128xi32, #tpu.memory_space<vmem>> -> memref<32x128xi32, #tpu.memory_space<vmem>>
        %dma_start3A_188 = arith.constant 96 : i32
        %dma_start3A_189 = arith.constant 0 : i32
        %dma_start3A_190 = tpu.memref_slice %arg3[%arg1, %dma_start3A_188, %dma_start3A_189] : memref<16x160x128xi32, #tpu.memory_space<hbm>> -> memref<1x32x128xi32, #tpu.memory_space<hbm>>
        %dma_start3A_191 = tpu.memref_squeeze %dma_start3A_190 : memref<1x32x128xi32, #tpu.memory_space<hbm>> -> memref<32x128xi32, #tpu.memory_space<hbm>>
        %dma_start3A_192 = arith.constant 0 : i32
        %dma_start3A_193 = arith.constant 0 : i32
        %dma_start3A_194 = tpu.memref_slice %arg8[%dma_start3A_192, %dma_start3A_193] : memref<32x128xi32, #tpu.memory_space<vmem>> -> memref<32x128xi32, #tpu.memory_space<vmem>>
        %dma_start3A_195 = arith.constant 96 : i32
        %dma_start3A_196 = arith.constant 0 : i32
        %dma_start3A_197 = tpu.memref_slice %arg3[%arg1, %dma_start3A_195, %dma_start3A_196] : memref<16x160x128xi32, #tpu.memory_space<hbm>> -> memref<1x32x128xi32, #tpu.memory_space<hbm>>
        %dma_start3A_198 = tpu.memref_squeeze %dma_start3A_197 : memref<1x32x128xi32, #tpu.memory_space<hbm>> -> memref<32x128xi32, #tpu.memory_space<hbm>>
        tpu.enqueue_dma source(%dma_start3A_198 : memref<32x128xi32, #tpu.memory_space<hbm>>) target(%dma_start3A_194 : memref<32x128xi32, #tpu.memory_space<vmem>>) target_semaphore(%run_scoped3A : memref<!tpu.dma_semaphore, #tpu.memory_space<semaphore_mem>>)
        %dma_wait3A = arith.constant 0 : i32
        %dma_wait3A_199 = arith.constant 0 : i32
        %dma_wait3A_200 = tpu.memref_slice %arg8[%dma_wait3A, %dma_wait3A_199] : memref<32x128xi32, #tpu.memory_space<vmem>> -> memref<32x128xi32, #tpu.memory_space<vmem>>
        %dma_wait3A_201 = arith.constant 96 : i32
        %dma_wait3A_202 = arith.constant 0 : i32
        %dma_wait3A_203 = tpu.memref_slice %arg3[%arg1, %dma_wait3A_201, %dma_wait3A_202] : memref<16x160x128xi32, #tpu.memory_space<hbm>> -> memref<1x32x128xi32, #tpu.memory_space<hbm>>
        %dma_wait3A_204 = tpu.memref_squeeze %dma_wait3A_203 : memref<1x32x128xi32, #tpu.memory_space<hbm>> -> memref<32x128xi32, #tpu.memory_space<hbm>>
        %dma_wait3A_205 = arith.constant 0 : i32
        %dma_wait3A_206 = arith.constant 0 : i32
        %dma_wait3A_207 = tpu.memref_slice %arg8[%dma_wait3A_205, %dma_wait3A_206] : memref<32x128xi32, #tpu.memory_space<vmem>> -> memref<32x128xi32, #tpu.memory_space<vmem>>
        %dma_wait3A_208 = arith.constant 96 : i32
        %dma_wait3A_209 = arith.constant 0 : i32
        %dma_wait3A_210 = tpu.memref_slice %arg3[%arg1, %dma_wait3A_208, %dma_wait3A_209] : memref<16x160x128xi32, #tpu.memory_space<hbm>> -> memref<1x32x128xi32, #tpu.memory_space<hbm>>
        %dma_wait3A_211 = tpu.memref_squeeze %dma_wait3A_210 : memref<1x32x128xi32, #tpu.memory_space<hbm>> -> memref<32x128xi32, #tpu.memory_space<hbm>>
        tpu.wait_dma2 semaphore(%run_scoped3A : memref<!tpu.dma_semaphore, #tpu.memory_space<semaphore_mem>>) src(%dma_wait3A_211 : memref<32x128xi32, #tpu.memory_space<hbm>>) dst(%dma_wait3A_207 : memref<32x128xi32, #tpu.memory_space<vmem>>)
        tpu.yield
      }) : () -> ()
      "tpu.region"() ({
        %run_scoped3A = tpu.sem_alloc : memref<!tpu.dma_semaphore, #tpu.memory_space<semaphore_mem>>
        %dma_start3A_185 = arith.constant 0 : i32
        %dma_start3A_186 = arith.constant 0 : i32
        %dma_start3A_187 = tpu.memref_slice %arg9[%dma_start3A_185, %dma_start3A_186] : memref<32x128xi32, #tpu.memory_space<vmem>> -> memref<32x128xi32, #tpu.memory_space<vmem>>
        %dma_start3A_188 = arith.constant 96 : i32
        %dma_start3A_189 = arith.constant 0 : i32
        %dma_start3A_190 = tpu.memref_slice %arg4[%arg1, %dma_start3A_188, %dma_start3A_189] : memref<16x160x128xi32, #tpu.memory_space<hbm>> -> memref<1x32x128xi32, #tpu.memory_space<hbm>>
        %dma_start3A_191 = tpu.memref_squeeze %dma_start3A_190 : memref<1x32x128xi32, #tpu.memory_space<hbm>> -> memref<32x128xi32, #tpu.memory_space<hbm>>
        %dma_start3A_192 = arith.constant 0 : i32
        %dma_start3A_193 = arith.constant 0 : i32
        %dma_start3A_194 = tpu.memref_slice %arg9[%dma_start3A_192, %dma_start3A_193] : memref<32x128xi32, #tpu.memory_space<vmem>> -> memref<32x128xi32, #tpu.memory_space<vmem>>
        %dma_start3A_195 = arith.constant 96 : i32
        %dma_start3A_196 = arith.constant 0 : i32
        %dma_start3A_197 = tpu.memref_slice %arg4[%arg1, %dma_start3A_195, %dma_start3A_196] : memref<16x160x128xi32, #tpu.memory_space<hbm>> -> memref<1x32x128xi32, #tpu.memory_space<hbm>>
        %dma_start3A_198 = tpu.memref_squeeze %dma_start3A_197 : memref<1x32x128xi32, #tpu.memory_space<hbm>> -> memref<32x128xi32, #tpu.memory_space<hbm>>
        tpu.enqueue_dma source(%dma_start3A_198 : memref<32x128xi32, #tpu.memory_space<hbm>>) target(%dma_start3A_194 : memref<32x128xi32, #tpu.memory_space<vmem>>) target_semaphore(%run_scoped3A : memref<!tpu.dma_semaphore, #tpu.memory_space<semaphore_mem>>)
        %dma_wait3A = arith.constant 0 : i32
        %dma_wait3A_199 = arith.constant 0 : i32
        %dma_wait3A_200 = tpu.memref_slice %arg9[%dma_wait3A, %dma_wait3A_199] : memref<32x128xi32, #tpu.memory_space<vmem>> -> memref<32x128xi32, #tpu.memory_space<vmem>>
        %dma_wait3A_201 = arith.constant 96 : i32
        %dma_wait3A_202 = arith.constant 0 : i32
        %dma_wait3A_203 = tpu.memref_slice %arg4[%arg1, %dma_wait3A_201, %dma_wait3A_202] : memref<16x160x128xi32, #tpu.memory_space<hbm>> -> memref<1x32x128xi32, #tpu.memory_space<hbm>>
        %dma_wait3A_204 = tpu.memref_squeeze %dma_wait3A_203 : memref<1x32x128xi32, #tpu.memory_space<hbm>> -> memref<32x128xi32, #tpu.memory_space<hbm>>
        %dma_wait3A_205 = arith.constant 0 : i32
        %dma_wait3A_206 = arith.constant 0 : i32
        %dma_wait3A_207 = tpu.memref_slice %arg9[%dma_wait3A_205, %dma_wait3A_206] : memref<32x128xi32, #tpu.memory_space<vmem>> -> memref<32x128xi32, #tpu.memory_space<vmem>>
        %dma_wait3A_208 = arith.constant 96 : i32
        %dma_wait3A_209 = arith.constant 0 : i32
        %dma_wait3A_210 = tpu.memref_slice %arg4[%arg1, %dma_wait3A_208, %dma_wait3A_209] : memref<16x160x128xi32, #tpu.memory_space<hbm>> -> memref<1x32x128xi32, #tpu.memory_space<hbm>>
        %dma_wait3A_211 = tpu.memref_squeeze %dma_wait3A_210 : memref<1x32x128xi32, #tpu.memory_space<hbm>> -> memref<32x128xi32, #tpu.memory_space<hbm>>
        tpu.wait_dma2 semaphore(%run_scoped3A : memref<!tpu.dma_semaphore, #tpu.memory_space<semaphore_mem>>) src(%dma_wait3A_211 : memref<32x128xi32, #tpu.memory_space<hbm>>) dst(%dma_wait3A_207 : memref<32x128xi32, #tpu.memory_space<vmem>>)
        tpu.yield
      }) : () -> ()
      %dma_start3A_125 = arith.constant 0 : i32
      %dma_start3A_126 = arith.constant 0 : i32
      %dma_start3A_127 = arith.constant 0 : i32
      %dma_start3A_128 = arith.constant 0 : i32
      %dma_start3A_129 = tpu.memref_slice %arg7[%dma_start3A_126, %dma_start3A_127, %dma_start3A_128] : memref<2x128x128xf32, #tpu.memory_space<vmem>> -> memref<1x128x128xf32, #tpu.memory_space<vmem>>
      %dma_start3A_130 = tpu.memref_squeeze %dma_start3A_129 : memref<1x128x128xf32, #tpu.memory_space<vmem>> -> memref<128x128xf32, #tpu.memory_space<vmem>>
      %dma_start3A_131 = arith.constant 0 : i32
      %dma_start3A_132 = tpu.memref_slice %arg8[%dma_start3A_125, %dma_start3A_131] : memref<32x128xi32, #tpu.memory_space<vmem>> -> memref<1x128xi32, #tpu.memory_space<vmem>>
      %dma_start3A_133 = tpu.memref_squeeze %dma_start3A_132 : memref<1x128xi32, #tpu.memory_space<vmem>> -> memref<128xi32, #tpu.memory_space<vmem>>
      %dma_start3A_134 = arith.constant 0 : i32
      %dma_start3A_135 = arith.constant 0 : i32
      %dma_start3A_136 = tpu.memref_slice %arg2[%dma_start3A_134, %dma_start3A_135] : memref<10000x128xf32, #tpu.memory_space<hbm>> -> memref<10000x128xf32, #tpu.memory_space<hbm>>
      tpu.enqueue_indirect_dma source(%dma_start3A_136 : memref<10000x128xf32, #tpu.memory_space<hbm>>) target(%dma_start3A_130 : memref<128x128xf32, #tpu.memory_space<vmem>>) offsets(%dma_start3A_133 : memref<128xi32, #tpu.memory_space<vmem>>) semaphore(%arg11 : memref<!tpu.dma_semaphore, #tpu.memory_space<semaphore_mem>>)
      %dma_start3A_137 = arith.constant 1 : i32
      %dma_start3A_138 = arith.constant 1 : i32
      %dma_start3A_139 = arith.constant 0 : i32
      %dma_start3A_140 = arith.constant 0 : i32
      %dma_start3A_141 = tpu.memref_slice %arg7[%dma_start3A_138, %dma_start3A_139, %dma_start3A_140] : memref<2x128x128xf32, #tpu.memory_space<vmem>> -> memref<1x128x128xf32, #tpu.memory_space<vmem>>
      %dma_start3A_142 = tpu.memref_squeeze %dma_start3A_141 : memref<1x128x128xf32, #tpu.memory_space<vmem>> -> memref<128x128xf32, #tpu.memory_space<vmem>>
      %dma_start3A_143 = arith.constant 0 : i32
      %dma_start3A_144 = tpu.memref_slice %arg8[%dma_start3A_137, %dma_start3A_143] : memref<32x128xi32, #tpu.memory_space<vmem>> -> memref<1x128xi32, #tpu.memory_space<vmem>>
      %dma_start3A_145 = tpu.memref_squeeze %dma_start3A_144 : memref<1x128xi32, #tpu.memory_space<vmem>> -> memref<128xi32, #tpu.memory_space<vmem>>
      %dma_start3A_146 = arith.constant 0 : i32
      %dma_start3A_147 = arith.constant 0 : i32
      %dma_start3A_148 = tpu.memref_slice %arg2[%dma_start3A_146, %dma_start3A_147] : memref<10000x128xf32, #tpu.memory_space<hbm>> -> memref<10000x128xf32, #tpu.memory_space<hbm>>
      tpu.enqueue_indirect_dma source(%dma_start3A_148 : memref<10000x128xf32, #tpu.memory_space<hbm>>) target(%dma_start3A_142 : memref<128x128xf32, #tpu.memory_space<vmem>>) offsets(%dma_start3A_145 : memref<128xi32, #tpu.memory_space<vmem>>) semaphore(%arg12 : memref<!tpu.dma_semaphore, #tpu.memory_space<semaphore_mem>>)
      %scan3A_149 = arith.constant 0 : i32
      %scan3A_150 = arith.constant 0 : i32
      %scan3A_151 = arith.constant 16 : i32
      %scan3A_152 = arith.addi %scan3A_150, %scan3A_151 : i32
      %scan3A_153 = arith.constant 1 : i32
      scf.for %scan3A_185 = %scan3A_150 to %scan3A_152 step %scan3A_153  : i32 {
        %mul3A_186 = arith.constant 2 : i32
        %mul3A_187 = arith.muli %mul3A_186, %scan3A_185 : i32
        %dma_wait3A = arith.constant 0 : i32
        %dma_wait3A_188 = arith.constant 0 : i32
        %dma_wait3A_189 = arith.constant 0 : i32
        %dma_wait3A_190 = arith.constant 0 : i32
        %dma_wait3A_191 = tpu.memref_slice %arg7[%dma_wait3A_188, %dma_wait3A_189, %dma_wait3A_190] : memref<2x128x128xf32, #tpu.memory_space<vmem>> -> memref<1x128x128xf32, #tpu.memory_space<vmem>>
        %dma_wait3A_192 = tpu.memref_squeeze %dma_wait3A_191 : memref<1x128x128xf32, #tpu.memory_space<vmem>> -> memref<128x128xf32, #tpu.memory_space<vmem>>
        %dma_wait3A_193 = arith.constant 0 : i32
        %dma_wait3A_194 = tpu.memref_slice %arg8[%dma_wait3A, %dma_wait3A_193] : memref<32x128xi32, #tpu.memory_space<vmem>> -> memref<1x128xi32, #tpu.memory_space<vmem>>
        %dma_wait3A_195 = tpu.memref_squeeze %dma_wait3A_194 : memref<1x128xi32, #tpu.memory_space<vmem>> -> memref<128xi32, #tpu.memory_space<vmem>>
        %dma_wait3A_196 = arith.constant 0 : i32
        %dma_wait3A_197 = arith.constant 0 : i32
        %dma_wait3A_198 = tpu.memref_slice %arg2[%dma_wait3A_196, %dma_wait3A_197] : memref<10000x128xf32, #tpu.memory_space<hbm>> -> memref<10000x128xf32, #tpu.memory_space<hbm>>
        tpu.wait_indirect_dma semaphore(%arg11 : memref<!tpu.dma_semaphore, #tpu.memory_space<semaphore_mem>>) src(%dma_wait3A_198 : memref<10000x128xf32, #tpu.memory_space<hbm>>) dst(%dma_wait3A_192 : memref<128x128xf32, #tpu.memory_space<vmem>>)
        %run_scoped3A = arith.constant 0 : i32
        "tpu.region"() ({
          %run_scoped3A_223 = tpu.sem_alloc : memref<!tpu.dma_semaphore, #tpu.memory_space<semaphore_mem>>
          %dma_start3A_224 = arith.constant 0 : i32
          %dma_start3A_225 = arith.constant 0 : i32
          %dma_start3A_226 = tpu.memref_slice %arg7[%run_scoped3A, %dma_start3A_224, %dma_start3A_225] : memref<2x128x128xf32, #tpu.memory_space<vmem>> -> memref<1x128x128xf32, #tpu.memory_space<vmem>>
          %dma_start3A_227 = tpu.memref_squeeze %dma_start3A_226 : memref<1x128x128xf32, #tpu.memory_space<vmem>> -> memref<128x128xf32, #tpu.memory_space<vmem>>
          %dma_start3A_228 = arith.constant 0 : i32
          %dma_start3A_229 = tpu.memref_slice %arg9[%mul3A_187, %dma_start3A_228] : memref<32x128xi32, #tpu.memory_space<vmem>> -> memref<1x128xi32, #tpu.memory_space<vmem>>
          %dma_start3A_230 = tpu.memref_squeeze %dma_start3A_229 : memref<1x128xi32, #tpu.memory_space<vmem>> -> memref<128xi32, #tpu.memory_space<vmem>>
          %dma_start3A_231 = arith.constant 0 : i32
          %dma_start3A_232 = arith.constant 0 : i32
          %dma_start3A_233 = tpu.memref_slice %arg6[%dma_start3A_231, %dma_start3A_232] : memref<10240x128xf32, #tpu.memory_space<vmem_shared>> -> memref<10240x128xf32, #tpu.memory_space<vmem_shared>>
          tpu.enqueue_indirect_dma source(%dma_start3A_227 : memref<128x128xf32, #tpu.memory_space<vmem>>) target(%dma_start3A_233 : memref<10240x128xf32, #tpu.memory_space<vmem_shared>>) offsets(%dma_start3A_230 : memref<128xi32, #tpu.memory_space<vmem>>) semaphore(%run_scoped3A_223 : memref<!tpu.dma_semaphore, #tpu.memory_space<semaphore_mem>>) {add = true}
          %dma_wait3A_234 = arith.constant 0 : i32
          %dma_wait3A_235 = arith.constant 0 : i32
          %dma_wait3A_236 = tpu.memref_slice %arg7[%run_scoped3A, %dma_wait3A_234, %dma_wait3A_235] : memref<2x128x128xf32, #tpu.memory_space<vmem>> -> memref<1x128x128xf32, #tpu.memory_space<vmem>>
          %dma_wait3A_237 = tpu.memref_squeeze %dma_wait3A_236 : memref<1x128x128xf32, #tpu.memory_space<vmem>> -> memref<128x128xf32, #tpu.memory_space<vmem>>
          %dma_wait3A_238 = arith.constant 0 : i32
          %dma_wait3A_239 = tpu.memref_slice %arg9[%mul3A_187, %dma_wait3A_238] : memref<32x128xi32, #tpu.memory_space<vmem>> -> memref<1x128xi32, #tpu.memory_space<vmem>>
          %dma_wait3A_240 = tpu.memref_squeeze %dma_wait3A_239 : memref<1x128xi32, #tpu.memory_space<vmem>> -> memref<128xi32, #tpu.memory_space<vmem>>
          %dma_wait3A_241 = arith.constant 0 : i32
          %dma_wait3A_242 = arith.constant 0 : i32
          %dma_wait3A_243 = tpu.memref_slice %arg6[%dma_wait3A_241, %dma_wait3A_242] : memref<10240x128xf32, #tpu.memory_space<vmem_shared>> -> memref<10240x128xf32, #tpu.memory_space<vmem_shared>>
          tpu.wait_indirect_dma semaphore(%run_scoped3A_223 : memref<!tpu.dma_semaphore, #tpu.memory_space<semaphore_mem>>) src(%dma_wait3A_237 : memref<128x128xf32, #tpu.memory_space<vmem>>) dst(%dma_wait3A_243 : memref<10240x128xf32, #tpu.memory_space<vmem_shared>>)
          tpu.yield
        }) : () -> ()
        %lt3A = arith.constant 15 : i32
        %lt3A_199 = arith.cmpi slt, %scan3A_185, %lt3A : i32
        %convert_element_type3A_200 = arith.extui %lt3A_199 : i1 to i32
        %cond3A_201 = arith.constant 0 : i32
        %cond3A_202 = arith.cmpi ne, %convert_element_type3A_200, %cond3A_201 : i32
        scf.if %cond3A_202 {
          %add3A_223 = arith.constant 2 : i32
          %add3A_224 = arith.addi %mul3A_187, %add3A_223 : i32
          %dma_start3A_225 = arith.constant 0 : i32
          %dma_start3A_226 = arith.constant 0 : i32
          %dma_start3A_227 = arith.constant 0 : i32
          %dma_start3A_228 = tpu.memref_slice %arg7[%dma_start3A_225, %dma_start3A_226, %dma_start3A_227] : memref<2x128x128xf32, #tpu.memory_space<vmem>> -> memref<1x128x128xf32, #tpu.memory_space<vmem>>
          %dma_start3A_229 = tpu.memref_squeeze %dma_start3A_228 : memref<1x128x128xf32, #tpu.memory_space<vmem>> -> memref<128x128xf32, #tpu.memory_space<vmem>>
          %dma_start3A_230 = arith.constant 0 : i32
          %dma_start3A_231 = tpu.memref_slice %arg8[%add3A_224, %dma_start3A_230] : memref<32x128xi32, #tpu.memory_space<vmem>> -> memref<1x128xi32, #tpu.memory_space<vmem>>
          %dma_start3A_232 = tpu.memref_squeeze %dma_start3A_231 : memref<1x128xi32, #tpu.memory_space<vmem>> -> memref<128xi32, #tpu.memory_space<vmem>>
          %dma_start3A_233 = arith.constant 0 : i32
          %dma_start3A_234 = arith.constant 0 : i32
          %dma_start3A_235 = tpu.memref_slice %arg2[%dma_start3A_233, %dma_start3A_234] : memref<10000x128xf32, #tpu.memory_space<hbm>> -> memref<10000x128xf32, #tpu.memory_space<hbm>>
          tpu.enqueue_indirect_dma source(%dma_start3A_235 : memref<10000x128xf32, #tpu.memory_space<hbm>>) target(%dma_start3A_229 : memref<128x128xf32, #tpu.memory_space<vmem>>) offsets(%dma_start3A_232 : memref<128xi32, #tpu.memory_space<vmem>>) semaphore(%arg11 : memref<!tpu.dma_semaphore, #tpu.memory_space<semaphore_mem>>)
        } else {
        }
        %dma_wait3A_203 = arith.constant 1 : i32
        %dma_wait3A_204 = arith.constant 1 : i32
        %dma_wait3A_205 = arith.constant 0 : i32
        %dma_wait3A_206 = arith.constant 0 : i32
        %dma_wait3A_207 = tpu.memref_slice %arg7[%dma_wait3A_204, %dma_wait3A_205, %dma_wait3A_206] : memref<2x128x128xf32, #tpu.memory_space<vmem>> -> memref<1x128x128xf32, #tpu.memory_space<vmem>>
        %dma_wait3A_208 = tpu.memref_squeeze %dma_wait3A_207 : memref<1x128x128xf32, #tpu.memory_space<vmem>> -> memref<128x128xf32, #tpu.memory_space<vmem>>
        %dma_wait3A_209 = arith.constant 0 : i32
        %dma_wait3A_210 = tpu.memref_slice %arg8[%dma_wait3A_203, %dma_wait3A_209] : memref<32x128xi32, #tpu.memory_space<vmem>> -> memref<1x128xi32, #tpu.memory_space<vmem>>
        %dma_wait3A_211 = tpu.memref_squeeze %dma_wait3A_210 : memref<1x128xi32, #tpu.memory_space<vmem>> -> memref<128xi32, #tpu.memory_space<vmem>>
        %dma_wait3A_212 = arith.constant 0 : i32
        %dma_wait3A_213 = arith.constant 0 : i32
        %dma_wait3A_214 = tpu.memref_slice %arg2[%dma_wait3A_212, %dma_wait3A_213] : memref<10000x128xf32, #tpu.memory_space<hbm>> -> memref<10000x128xf32, #tpu.memory_space<hbm>>
        tpu.wait_indirect_dma semaphore(%arg12 : memref<!tpu.dma_semaphore, #tpu.memory_space<semaphore_mem>>) src(%dma_wait3A_214 : memref<10000x128xf32, #tpu.memory_space<hbm>>) dst(%dma_wait3A_208 : memref<128x128xf32, #tpu.memory_space<vmem>>)
        %add3A_215 = arith.constant 1 : i32
        %add3A_216 = arith.addi %mul3A_187, %add3A_215 : i32
        %run_scoped3A_217 = arith.constant 1 : i32
        "tpu.region"() ({
          %run_scoped3A_223 = tpu.sem_alloc : memref<!tpu.dma_semaphore, #tpu.memory_space<semaphore_mem>>
          %dma_start3A_224 = arith.constant 0 : i32
          %dma_start3A_225 = arith.constant 0 : i32
          %dma_start3A_226 = tpu.memref_slice %arg7[%run_scoped3A_217, %dma_start3A_224, %dma_start3A_225] : memref<2x128x128xf32, #tpu.memory_space<vmem>> -> memref<1x128x128xf32, #tpu.memory_space<vmem>>
          %dma_start3A_227 = tpu.memref_squeeze %dma_start3A_226 : memref<1x128x128xf32, #tpu.memory_space<vmem>> -> memref<128x128xf32, #tpu.memory_space<vmem>>
          %dma_start3A_228 = arith.constant 0 : i32
          %dma_start3A_229 = tpu.memref_slice %arg9[%add3A_216, %dma_start3A_228] : memref<32x128xi32, #tpu.memory_space<vmem>> -> memref<1x128xi32, #tpu.memory_space<vmem>>
          %dma_start3A_230 = tpu.memref_squeeze %dma_start3A_229 : memref<1x128xi32, #tpu.memory_space<vmem>> -> memref<128xi32, #tpu.memory_space<vmem>>
          %dma_start3A_231 = arith.constant 0 : i32
          %dma_start3A_232 = arith.constant 0 : i32
          %dma_start3A_233 = tpu.memref_slice %arg6[%dma_start3A_231, %dma_start3A_232] : memref<10240x128xf32, #tpu.memory_space<vmem_shared>> -> memref<10240x128xf32, #tpu.memory_space<vmem_shared>>
          tpu.enqueue_indirect_dma source(%dma_start3A_227 : memref<128x128xf32, #tpu.memory_space<vmem>>) target(%dma_start3A_233 : memref<10240x128xf32, #tpu.memory_space<vmem_shared>>) offsets(%dma_start3A_230 : memref<128xi32, #tpu.memory_space<vmem>>) semaphore(%run_scoped3A_223 : memref<!tpu.dma_semaphore, #tpu.memory_space<semaphore_mem>>) {add = true}
          %dma_wait3A_234 = arith.constant 0 : i32
          %dma_wait3A_235 = arith.constant 0 : i32
          %dma_wait3A_236 = tpu.memref_slice %arg7[%run_scoped3A_217, %dma_wait3A_234, %dma_wait3A_235] : memref<2x128x128xf32, #tpu.memory_space<vmem>> -> memref<1x128x128xf32, #tpu.memory_space<vmem>>
          %dma_wait3A_237 = tpu.memref_squeeze %dma_wait3A_236 : memref<1x128x128xf32, #tpu.memory_space<vmem>> -> memref<128x128xf32, #tpu.memory_space<vmem>>
          %dma_wait3A_238 = arith.constant 0 : i32
          %dma_wait3A_239 = tpu.memref_slice %arg9[%add3A_216, %dma_wait3A_238] : memref<32x128xi32, #tpu.memory_space<vmem>> -> memref<1x128xi32, #tpu.memory_space<vmem>>
          %dma_wait3A_240 = tpu.memref_squeeze %dma_wait3A_239 : memref<1x128xi32, #tpu.memory_space<vmem>> -> memref<128xi32, #tpu.memory_space<vmem>>
          %dma_wait3A_241 = arith.constant 0 : i32
          %dma_wait3A_242 = arith.constant 0 : i32
          %dma_wait3A_243 = tpu.memref_slice %arg6[%dma_wait3A_241, %dma_wait3A_242] : memref<10240x128xf32, #tpu.memory_space<vmem_shared>> -> memref<10240x128xf32, #tpu.memory_space<vmem_shared>>
          tpu.wait_indirect_dma semaphore(%run_scoped3A_223 : memref<!tpu.dma_semaphore, #tpu.memory_space<semaphore_mem>>) src(%dma_wait3A_237 : memref<128x128xf32, #tpu.memory_space<vmem>>) dst(%dma_wait3A_243 : memref<10240x128xf32, #tpu.memory_space<vmem_shared>>)
          tpu.yield
        }) : () -> ()
        %lt3A_218 = arith.constant 15 : i32
        %lt3A_219 = arith.cmpi slt, %scan3A_185, %lt3A_218 : i32
        %convert_element_type3A_220 = arith.extui %lt3A_219 : i1 to i32
        %cond3A_221 = arith.constant 0 : i32
        %cond3A_222 = arith.cmpi ne, %convert_element_type3A_220, %cond3A_221 : i32
        scf.if %cond3A_222 {
          %add3A_223 = arith.constant 3 : i32
          %add3A_224 = arith.addi %mul3A_187, %add3A_223 : i32
          %dma_start3A_225 = arith.constant 1 : i32
          %dma_start3A_226 = arith.constant 0 : i32
          %dma_start3A_227 = arith.constant 0 : i32
          %dma_start3A_228 = tpu.memref_slice %arg7[%dma_start3A_225, %dma_start3A_226, %dma_start3A_227] : memref<2x128x128xf32, #tpu.memory_space<vmem>> -> memref<1x128x128xf32, #tpu.memory_space<vmem>>
          %dma_start3A_229 = tpu.memref_squeeze %dma_start3A_228 : memref<1x128x128xf32, #tpu.memory_space<vmem>> -> memref<128x128xf32, #tpu.memory_space<vmem>>
          %dma_start3A_230 = arith.constant 0 : i32
          %dma_start3A_231 = tpu.memref_slice %arg8[%add3A_224, %dma_start3A_230] : memref<32x128xi32, #tpu.memory_space<vmem>> -> memref<1x128xi32, #tpu.memory_space<vmem>>
          %dma_start3A_232 = tpu.memref_squeeze %dma_start3A_231 : memref<1x128xi32, #tpu.memory_space<vmem>> -> memref<128xi32, #tpu.memory_space<vmem>>
          %dma_start3A_233 = arith.constant 0 : i32
          %dma_start3A_234 = arith.constant 0 : i32
          %dma_start3A_235 = tpu.memref_slice %arg2[%dma_start3A_233, %dma_start3A_234] : memref<10000x128xf32, #tpu.memory_space<hbm>> -> memref<10000x128xf32, #tpu.memory_space<hbm>>
          tpu.enqueue_indirect_dma source(%dma_start3A_235 : memref<10000x128xf32, #tpu.memory_space<hbm>>) target(%dma_start3A_229 : memref<128x128xf32, #tpu.memory_space<vmem>>) offsets(%dma_start3A_232 : memref<128xi32, #tpu.memory_space<vmem>>) semaphore(%arg12 : memref<!tpu.dma_semaphore, #tpu.memory_space<semaphore_mem>>)
        } else {
        }
      }
      %scan3A_154 = arith.constant 16 : i32
      "tpu.region"() ({
        %run_scoped3A = tpu.sem_alloc : memref<!tpu.dma_semaphore, #tpu.memory_space<semaphore_mem>>
        %dma_start3A_185 = arith.constant 0 : i32
        %dma_start3A_186 = arith.constant 0 : i32
        %dma_start3A_187 = tpu.memref_slice %arg8[%dma_start3A_185, %dma_start3A_186] : memref<32x128xi32, #tpu.memory_space<vmem>> -> memref<32x128xi32, #tpu.memory_space<vmem>>
        %dma_start3A_188 = arith.constant 128 : i32
        %dma_start3A_189 = arith.constant 0 : i32
        %dma_start3A_190 = tpu.memref_slice %arg3[%arg1, %dma_start3A_188, %dma_start3A_189] : memref<16x160x128xi32, #tpu.memory_space<hbm>> -> memref<1x32x128xi32, #tpu.memory_space<hbm>>
        %dma_start3A_191 = tpu.memref_squeeze %dma_start3A_190 : memref<1x32x128xi32, #tpu.memory_space<hbm>> -> memref<32x128xi32, #tpu.memory_space<hbm>>
        %dma_start3A_192 = arith.constant 0 : i32
        %dma_start3A_193 = arith.constant 0 : i32
        %dma_start3A_194 = tpu.memref_slice %arg8[%dma_start3A_192, %dma_start3A_193] : memref<32x128xi32, #tpu.memory_space<vmem>> -> memref<32x128xi32, #tpu.memory_space<vmem>>
        %dma_start3A_195 = arith.constant 128 : i32
        %dma_start3A_196 = arith.constant 0 : i32
        %dma_start3A_197 = tpu.memref_slice %arg3[%arg1, %dma_start3A_195, %dma_start3A_196] : memref<16x160x128xi32, #tpu.memory_space<hbm>> -> memref<1x32x128xi32, #tpu.memory_space<hbm>>
        %dma_start3A_198 = tpu.memref_squeeze %dma_start3A_197 : memref<1x32x128xi32, #tpu.memory_space<hbm>> -> memref<32x128xi32, #tpu.memory_space<hbm>>
        tpu.enqueue_dma source(%dma_start3A_198 : memref<32x128xi32, #tpu.memory_space<hbm>>) target(%dma_start3A_194 : memref<32x128xi32, #tpu.memory_space<vmem>>) target_semaphore(%run_scoped3A : memref<!tpu.dma_semaphore, #tpu.memory_space<semaphore_mem>>)
        %dma_wait3A = arith.constant 0 : i32
        %dma_wait3A_199 = arith.constant 0 : i32
        %dma_wait3A_200 = tpu.memref_slice %arg8[%dma_wait3A, %dma_wait3A_199] : memref<32x128xi32, #tpu.memory_space<vmem>> -> memref<32x128xi32, #tpu.memory_space<vmem>>
        %dma_wait3A_201 = arith.constant 128 : i32
        %dma_wait3A_202 = arith.constant 0 : i32
        %dma_wait3A_203 = tpu.memref_slice %arg3[%arg1, %dma_wait3A_201, %dma_wait3A_202] : memref<16x160x128xi32, #tpu.memory_space<hbm>> -> memref<1x32x128xi32, #tpu.memory_space<hbm>>
        %dma_wait3A_204 = tpu.memref_squeeze %dma_wait3A_203 : memref<1x32x128xi32, #tpu.memory_space<hbm>> -> memref<32x128xi32, #tpu.memory_space<hbm>>
        %dma_wait3A_205 = arith.constant 0 : i32
        %dma_wait3A_206 = arith.constant 0 : i32
        %dma_wait3A_207 = tpu.memref_slice %arg8[%dma_wait3A_205, %dma_wait3A_206] : memref<32x128xi32, #tpu.memory_space<vmem>> -> memref<32x128xi32, #tpu.memory_space<vmem>>
        %dma_wait3A_208 = arith.constant 128 : i32
        %dma_wait3A_209 = arith.constant 0 : i32
        %dma_wait3A_210 = tpu.memref_slice %arg3[%arg1, %dma_wait3A_208, %dma_wait3A_209] : memref<16x160x128xi32, #tpu.memory_space<hbm>> -> memref<1x32x128xi32, #tpu.memory_space<hbm>>
        %dma_wait3A_211 = tpu.memref_squeeze %dma_wait3A_210 : memref<1x32x128xi32, #tpu.memory_space<hbm>> -> memref<32x128xi32, #tpu.memory_space<hbm>>
        tpu.wait_dma2 semaphore(%run_scoped3A : memref<!tpu.dma_semaphore, #tpu.memory_space<semaphore_mem>>) src(%dma_wait3A_211 : memref<32x128xi32, #tpu.memory_space<hbm>>) dst(%dma_wait3A_207 : memref<32x128xi32, #tpu.memory_space<vmem>>)
        tpu.yield
      }) : () -> ()
      "tpu.region"() ({
        %run_scoped3A = tpu.sem_alloc : memref<!tpu.dma_semaphore, #tpu.memory_space<semaphore_mem>>
        %dma_start3A_185 = arith.constant 0 : i32
        %dma_start3A_186 = arith.constant 0 : i32
        %dma_start3A_187 = tpu.memref_slice %arg9[%dma_start3A_185, %dma_start3A_186] : memref<32x128xi32, #tpu.memory_space<vmem>> -> memref<32x128xi32, #tpu.memory_space<vmem>>
        %dma_start3A_188 = arith.constant 128 : i32
        %dma_start3A_189 = arith.constant 0 : i32
        %dma_start3A_190 = tpu.memref_slice %arg4[%arg1, %dma_start3A_188, %dma_start3A_189] : memref<16x160x128xi32, #tpu.memory_space<hbm>> -> memref<1x32x128xi32, #tpu.memory_space<hbm>>
        %dma_start3A_191 = tpu.memref_squeeze %dma_start3A_190 : memref<1x32x128xi32, #tpu.memory_space<hbm>> -> memref<32x128xi32, #tpu.memory_space<hbm>>
        %dma_start3A_192 = arith.constant 0 : i32
        %dma_start3A_193 = arith.constant 0 : i32
        %dma_start3A_194 = tpu.memref_slice %arg9[%dma_start3A_192, %dma_start3A_193] : memref<32x128xi32, #tpu.memory_space<vmem>> -> memref<32x128xi32, #tpu.memory_space<vmem>>
        %dma_start3A_195 = arith.constant 128 : i32
        %dma_start3A_196 = arith.constant 0 : i32
        %dma_start3A_197 = tpu.memref_slice %arg4[%arg1, %dma_start3A_195, %dma_start3A_196] : memref<16x160x128xi32, #tpu.memory_space<hbm>> -> memref<1x32x128xi32, #tpu.memory_space<hbm>>
        %dma_start3A_198 = tpu.memref_squeeze %dma_start3A_197 : memref<1x32x128xi32, #tpu.memory_space<hbm>> -> memref<32x128xi32, #tpu.memory_space<hbm>>
        tpu.enqueue_dma source(%dma_start3A_198 : memref<32x128xi32, #tpu.memory_space<hbm>>) target(%dma_start3A_194 : memref<32x128xi32, #tpu.memory_space<vmem>>) target_semaphore(%run_scoped3A : memref<!tpu.dma_semaphore, #tpu.memory_space<semaphore_mem>>)
        %dma_wait3A = arith.constant 0 : i32
        %dma_wait3A_199 = arith.constant 0 : i32
        %dma_wait3A_200 = tpu.memref_slice %arg9[%dma_wait3A, %dma_wait3A_199] : memref<32x128xi32, #tpu.memory_space<vmem>> -> memref<32x128xi32, #tpu.memory_space<vmem>>
        %dma_wait3A_201 = arith.constant 128 : i32
        %dma_wait3A_202 = arith.constant 0 : i32
        %dma_wait3A_203 = tpu.memref_slice %arg4[%arg1, %dma_wait3A_201, %dma_wait3A_202] : memref<16x160x128xi32, #tpu.memory_space<hbm>> -> memref<1x32x128xi32, #tpu.memory_space<hbm>>
        %dma_wait3A_204 = tpu.memref_squeeze %dma_wait3A_203 : memref<1x32x128xi32, #tpu.memory_space<hbm>> -> memref<32x128xi32, #tpu.memory_space<hbm>>
        %dma_wait3A_205 = arith.constant 0 : i32
        %dma_wait3A_206 = arith.constant 0 : i32
        %dma_wait3A_207 = tpu.memref_slice %arg9[%dma_wait3A_205, %dma_wait3A_206] : memref<32x128xi32, #tpu.memory_space<vmem>> -> memref<32x128xi32, #tpu.memory_space<vmem>>
        %dma_wait3A_208 = arith.constant 128 : i32
        %dma_wait3A_209 = arith.constant 0 : i32
        %dma_wait3A_210 = tpu.memref_slice %arg4[%arg1, %dma_wait3A_208, %dma_wait3A_209] : memref<16x160x128xi32, #tpu.memory_space<hbm>> -> memref<1x32x128xi32, #tpu.memory_space<hbm>>
        %dma_wait3A_211 = tpu.memref_squeeze %dma_wait3A_210 : memref<1x32x128xi32, #tpu.memory_space<hbm>> -> memref<32x128xi32, #tpu.memory_space<hbm>>
        tpu.wait_dma2 semaphore(%run_scoped3A : memref<!tpu.dma_semaphore, #tpu.memory_space<semaphore_mem>>) src(%dma_wait3A_211 : memref<32x128xi32, #tpu.memory_space<hbm>>) dst(%dma_wait3A_207 : memref<32x128xi32, #tpu.memory_space<vmem>>)
        tpu.yield
      }) : () -> ()
      %dma_start3A_155 = arith.constant 0 : i32
      %dma_start3A_156 = arith.constant 0 : i32
      %dma_start3A_157 = arith.constant 0 : i32
      %dma_start3A_158 = arith.constant 0 : i32
      %dma_start3A_159 = tpu.memref_slice %arg7[%dma_start3A_156, %dma_start3A_157, %dma_start3A_158] : memref<2x128x128xf32, #tpu.memory_space<vmem>> -> memref<1x128x128xf32, #tpu.memory_space<vmem>>
      %dma_start3A_160 = tpu.memref_squeeze %dma_start3A_159 : memref<1x128x128xf32, #tpu.memory_space<vmem>> -> memref<128x128xf32, #tpu.memory_space<vmem>>
      %dma_start3A_161 = arith.constant 0 : i32
      %dma_start3A_162 = tpu.memref_slice %arg8[%dma_start3A_155, %dma_start3A_161] : memref<32x128xi32, #tpu.memory_space<vmem>> -> memref<1x128xi32, #tpu.memory_space<vmem>>
      %dma_start3A_163 = tpu.memref_squeeze %dma_start3A_162 : memref<1x128xi32, #tpu.memory_space<vmem>> -> memref<128xi32, #tpu.memory_space<vmem>>
      %dma_start3A_164 = arith.constant 0 : i32
      %dma_start3A_165 = arith.constant 0 : i32
      %dma_start3A_166 = tpu.memref_slice %arg2[%dma_start3A_164, %dma_start3A_165] : memref<10000x128xf32, #tpu.memory_space<hbm>> -> memref<10000x128xf32, #tpu.memory_space<hbm>>
      tpu.enqueue_indirect_dma source(%dma_start3A_166 : memref<10000x128xf32, #tpu.memory_space<hbm>>) target(%dma_start3A_160 : memref<128x128xf32, #tpu.memory_space<vmem>>) offsets(%dma_start3A_163 : memref<128xi32, #tpu.memory_space<vmem>>) semaphore(%arg11 : memref<!tpu.dma_semaphore, #tpu.memory_space<semaphore_mem>>)
      %dma_start3A_167 = arith.constant 1 : i32
      %dma_start3A_168 = arith.constant 1 : i32
      %dma_start3A_169 = arith.constant 0 : i32
      %dma_start3A_170 = arith.constant 0 : i32
      %dma_start3A_171 = tpu.memref_slice %arg7[%dma_start3A_168, %dma_start3A_169, %dma_start3A_170] : memref<2x128x128xf32, #tpu.memory_space<vmem>> -> memref<1x128x128xf32, #tpu.memory_space<vmem>>
      %dma_start3A_172 = tpu.memref_squeeze %dma_start3A_171 : memref<1x128x128xf32, #tpu.memory_space<vmem>> -> memref<128x128xf32, #tpu.memory_space<vmem>>
      %dma_start3A_173 = arith.constant 0 : i32
      %dma_start3A_174 = tpu.memref_slice %arg8[%dma_start3A_167, %dma_start3A_173] : memref<32x128xi32, #tpu.memory_space<vmem>> -> memref<1x128xi32, #tpu.memory_space<vmem>>
      %dma_start3A_175 = tpu.memref_squeeze %dma_start3A_174 : memref<1x128xi32, #tpu.memory_space<vmem>> -> memref<128xi32, #tpu.memory_space<vmem>>
      %dma_start3A_176 = arith.constant 0 : i32
      %dma_start3A_177 = arith.constant 0 : i32
      %dma_start3A_178 = tpu.memref_slice %arg2[%dma_start3A_176, %dma_start3A_177] : memref<10000x128xf32, #tpu.memory_space<hbm>> -> memref<10000x128xf32, #tpu.memory_space<hbm>>
      tpu.enqueue_indirect_dma source(%dma_start3A_178 : memref<10000x128xf32, #tpu.memory_space<hbm>>) target(%dma_start3A_172 : memref<128x128xf32, #tpu.memory_space<vmem>>) offsets(%dma_start3A_175 : memref<128xi32, #tpu.memory_space<vmem>>) semaphore(%arg12 : memref<!tpu.dma_semaphore, #tpu.memory_space<semaphore_mem>>)
      %scan3A_179 = arith.constant 0 : i32
      %scan3A_180 = arith.constant 0 : i32
      %scan3A_181 = arith.constant 16 : i32
      %scan3A_182 = arith.addi %scan3A_180, %scan3A_181 : i32
      %scan3A_183 = arith.constant 1 : i32
      scf.for %scan3A_185 = %scan3A_180 to %scan3A_182 step %scan3A_183  : i32 {
        %mul3A_186 = arith.constant 2 : i32
        %mul3A_187 = arith.muli %mul3A_186, %scan3A_185 : i32
        %dma_wait3A = arith.constant 0 : i32
        %dma_wait3A_188 = arith.constant 0 : i32
        %dma_wait3A_189 = arith.constant 0 : i32
        %dma_wait3A_190 = arith.constant 0 : i32
        %dma_wait3A_191 = tpu.memref_slice %arg7[%dma_wait3A_188, %dma_wait3A_189, %dma_wait3A_190] : memref<2x128x128xf32, #tpu.memory_space<vmem>> -> memref<1x128x128xf32, #tpu.memory_space<vmem>>
        %dma_wait3A_192 = tpu.memref_squeeze %dma_wait3A_191 : memref<1x128x128xf32, #tpu.memory_space<vmem>> -> memref<128x128xf32, #tpu.memory_space<vmem>>
        %dma_wait3A_193 = arith.constant 0 : i32
        %dma_wait3A_194 = tpu.memref_slice %arg8[%dma_wait3A, %dma_wait3A_193] : memref<32x128xi32, #tpu.memory_space<vmem>> -> memref<1x128xi32, #tpu.memory_space<vmem>>
        %dma_wait3A_195 = tpu.memref_squeeze %dma_wait3A_194 : memref<1x128xi32, #tpu.memory_space<vmem>> -> memref<128xi32, #tpu.memory_space<vmem>>
        %dma_wait3A_196 = arith.constant 0 : i32
        %dma_wait3A_197 = arith.constant 0 : i32
        %dma_wait3A_198 = tpu.memref_slice %arg2[%dma_wait3A_196, %dma_wait3A_197] : memref<10000x128xf32, #tpu.memory_space<hbm>> -> memref<10000x128xf32, #tpu.memory_space<hbm>>
        tpu.wait_indirect_dma semaphore(%arg11 : memref<!tpu.dma_semaphore, #tpu.memory_space<semaphore_mem>>) src(%dma_wait3A_198 : memref<10000x128xf32, #tpu.memory_space<hbm>>) dst(%dma_wait3A_192 : memref<128x128xf32, #tpu.memory_space<vmem>>)
        %run_scoped3A = arith.constant 0 : i32
        "tpu.region"() ({
          %run_scoped3A_223 = tpu.sem_alloc : memref<!tpu.dma_semaphore, #tpu.memory_space<semaphore_mem>>
          %dma_start3A_224 = arith.constant 0 : i32
          %dma_start3A_225 = arith.constant 0 : i32
          %dma_start3A_226 = tpu.memref_slice %arg7[%run_scoped3A, %dma_start3A_224, %dma_start3A_225] : memref<2x128x128xf32, #tpu.memory_space<vmem>> -> memref<1x128x128xf32, #tpu.memory_space<vmem>>
          %dma_start3A_227 = tpu.memref_squeeze %dma_start3A_226 : memref<1x128x128xf32, #tpu.memory_space<vmem>> -> memref<128x128xf32, #tpu.memory_space<vmem>>
          %dma_start3A_228 = arith.constant 0 : i32
          %dma_start3A_229 = tpu.memref_slice %arg9[%mul3A_187, %dma_start3A_228] : memref<32x128xi32, #tpu.memory_space<vmem>> -> memref<1x128xi32, #tpu.memory_space<vmem>>
          %dma_start3A_230 = tpu.memref_squeeze %dma_start3A_229 : memref<1x128xi32, #tpu.memory_space<vmem>> -> memref<128xi32, #tpu.memory_space<vmem>>
          %dma_start3A_231 = arith.constant 0 : i32
          %dma_start3A_232 = arith.constant 0 : i32
          %dma_start3A_233 = tpu.memref_slice %arg6[%dma_start3A_231, %dma_start3A_232] : memref<10240x128xf32, #tpu.memory_space<vmem_shared>> -> memref<10240x128xf32, #tpu.memory_space<vmem_shared>>
          tpu.enqueue_indirect_dma source(%dma_start3A_227 : memref<128x128xf32, #tpu.memory_space<vmem>>) target(%dma_start3A_233 : memref<10240x128xf32, #tpu.memory_space<vmem_shared>>) offsets(%dma_start3A_230 : memref<128xi32, #tpu.memory_space<vmem>>) semaphore(%run_scoped3A_223 : memref<!tpu.dma_semaphore, #tpu.memory_space<semaphore_mem>>) {add = true}
          %dma_wait3A_234 = arith.constant 0 : i32
          %dma_wait3A_235 = arith.constant 0 : i32
          %dma_wait3A_236 = tpu.memref_slice %arg7[%run_scoped3A, %dma_wait3A_234, %dma_wait3A_235] : memref<2x128x128xf32, #tpu.memory_space<vmem>> -> memref<1x128x128xf32, #tpu.memory_space<vmem>>
          %dma_wait3A_237 = tpu.memref_squeeze %dma_wait3A_236 : memref<1x128x128xf32, #tpu.memory_space<vmem>> -> memref<128x128xf32, #tpu.memory_space<vmem>>
          %dma_wait3A_238 = arith.constant 0 : i32
          %dma_wait3A_239 = tpu.memref_slice %arg9[%mul3A_187, %dma_wait3A_238] : memref<32x128xi32, #tpu.memory_space<vmem>> -> memref<1x128xi32, #tpu.memory_space<vmem>>
          %dma_wait3A_240 = tpu.memref_squeeze %dma_wait3A_239 : memref<1x128xi32, #tpu.memory_space<vmem>> -> memref<128xi32, #tpu.memory_space<vmem>>
          %dma_wait3A_241 = arith.constant 0 : i32
          %dma_wait3A_242 = arith.constant 0 : i32
          %dma_wait3A_243 = tpu.memref_slice %arg6[%dma_wait3A_241, %dma_wait3A_242] : memref<10240x128xf32, #tpu.memory_space<vmem_shared>> -> memref<10240x128xf32, #tpu.memory_space<vmem_shared>>
          tpu.wait_indirect_dma semaphore(%run_scoped3A_223 : memref<!tpu.dma_semaphore, #tpu.memory_space<semaphore_mem>>) src(%dma_wait3A_237 : memref<128x128xf32, #tpu.memory_space<vmem>>) dst(%dma_wait3A_243 : memref<10240x128xf32, #tpu.memory_space<vmem_shared>>)
          tpu.yield
        }) : () -> ()
        %lt3A = arith.constant 15 : i32
        %lt3A_199 = arith.cmpi slt, %scan3A_185, %lt3A : i32
        %convert_element_type3A_200 = arith.extui %lt3A_199 : i1 to i32
        %cond3A_201 = arith.constant 0 : i32
        %cond3A_202 = arith.cmpi ne, %convert_element_type3A_200, %cond3A_201 : i32
        scf.if %cond3A_202 {
          %add3A_223 = arith.constant 2 : i32
          %add3A_224 = arith.addi %mul3A_187, %add3A_223 : i32
          %dma_start3A_225 = arith.constant 0 : i32
          %dma_start3A_226 = arith.constant 0 : i32
          %dma_start3A_227 = arith.constant 0 : i32
          %dma_start3A_228 = tpu.memref_slice %arg7[%dma_start3A_225, %dma_start3A_226, %dma_start3A_227] : memref<2x128x128xf32, #tpu.memory_space<vmem>> -> memref<1x128x128xf32, #tpu.memory_space<vmem>>
          %dma_start3A_229 = tpu.memref_squeeze %dma_start3A_228 : memref<1x128x128xf32, #tpu.memory_space<vmem>> -> memref<128x128xf32, #tpu.memory_space<vmem>>
          %dma_start3A_230 = arith.constant 0 : i32
          %dma_start3A_231 = tpu.memref_slice %arg8[%add3A_224, %dma_start3A_230] : memref<32x128xi32, #tpu.memory_space<vmem>> -> memref<1x128xi32, #tpu.memory_space<vmem>>
          %dma_start3A_232 = tpu.memref_squeeze %dma_start3A_231 : memref<1x128xi32, #tpu.memory_space<vmem>> -> memref<128xi32, #tpu.memory_space<vmem>>
          %dma_start3A_233 = arith.constant 0 : i32
          %dma_start3A_234 = arith.constant 0 : i32
          %dma_start3A_235 = tpu.memref_slice %arg2[%dma_start3A_233, %dma_start3A_234] : memref<10000x128xf32, #tpu.memory_space<hbm>> -> memref<10000x128xf32, #tpu.memory_space<hbm>>
          tpu.enqueue_indirect_dma source(%dma_start3A_235 : memref<10000x128xf32, #tpu.memory_space<hbm>>) target(%dma_start3A_229 : memref<128x128xf32, #tpu.memory_space<vmem>>) offsets(%dma_start3A_232 : memref<128xi32, #tpu.memory_space<vmem>>) semaphore(%arg11 : memref<!tpu.dma_semaphore, #tpu.memory_space<semaphore_mem>>)
        } else {
        }
        %dma_wait3A_203 = arith.constant 1 : i32
        %dma_wait3A_204 = arith.constant 1 : i32
        %dma_wait3A_205 = arith.constant 0 : i32
        %dma_wait3A_206 = arith.constant 0 : i32
        %dma_wait3A_207 = tpu.memref_slice %arg7[%dma_wait3A_204, %dma_wait3A_205, %dma_wait3A_206] : memref<2x128x128xf32, #tpu.memory_space<vmem>> -> memref<1x128x128xf32, #tpu.memory_space<vmem>>
        %dma_wait3A_208 = tpu.memref_squeeze %dma_wait3A_207 : memref<1x128x128xf32, #tpu.memory_space<vmem>> -> memref<128x128xf32, #tpu.memory_space<vmem>>
        %dma_wait3A_209 = arith.constant 0 : i32
        %dma_wait3A_210 = tpu.memref_slice %arg8[%dma_wait3A_203, %dma_wait3A_209] : memref<32x128xi32, #tpu.memory_space<vmem>> -> memref<1x128xi32, #tpu.memory_space<vmem>>
        %dma_wait3A_211 = tpu.memref_squeeze %dma_wait3A_210 : memref<1x128xi32, #tpu.memory_space<vmem>> -> memref<128xi32, #tpu.memory_space<vmem>>
        %dma_wait3A_212 = arith.constant 0 : i32
        %dma_wait3A_213 = arith.constant 0 : i32
        %dma_wait3A_214 = tpu.memref_slice %arg2[%dma_wait3A_212, %dma_wait3A_213] : memref<10000x128xf32, #tpu.memory_space<hbm>> -> memref<10000x128xf32, #tpu.memory_space<hbm>>
        tpu.wait_indirect_dma semaphore(%arg12 : memref<!tpu.dma_semaphore, #tpu.memory_space<semaphore_mem>>) src(%dma_wait3A_214 : memref<10000x128xf32, #tpu.memory_space<hbm>>) dst(%dma_wait3A_208 : memref<128x128xf32, #tpu.memory_space<vmem>>)
        %add3A_215 = arith.constant 1 : i32
        %add3A_216 = arith.addi %mul3A_187, %add3A_215 : i32
        %run_scoped3A_217 = arith.constant 1 : i32
        "tpu.region"() ({
          %run_scoped3A_223 = tpu.sem_alloc : memref<!tpu.dma_semaphore, #tpu.memory_space<semaphore_mem>>
          %dma_start3A_224 = arith.constant 0 : i32
          %dma_start3A_225 = arith.constant 0 : i32
          %dma_start3A_226 = tpu.memref_slice %arg7[%run_scoped3A_217, %dma_start3A_224, %dma_start3A_225] : memref<2x128x128xf32, #tpu.memory_space<vmem>> -> memref<1x128x128xf32, #tpu.memory_space<vmem>>
          %dma_start3A_227 = tpu.memref_squeeze %dma_start3A_226 : memref<1x128x128xf32, #tpu.memory_space<vmem>> -> memref<128x128xf32, #tpu.memory_space<vmem>>
          %dma_start3A_228 = arith.constant 0 : i32
          %dma_start3A_229 = tpu.memref_slice %arg9[%add3A_216, %dma_start3A_228] : memref<32x128xi32, #tpu.memory_space<vmem>> -> memref<1x128xi32, #tpu.memory_space<vmem>>
          %dma_start3A_230 = tpu.memref_squeeze %dma_start3A_229 : memref<1x128xi32, #tpu.memory_space<vmem>> -> memref<128xi32, #tpu.memory_space<vmem>>
          %dma_start3A_231 = arith.constant 0 : i32
          %dma_start3A_232 = arith.constant 0 : i32
          %dma_start3A_233 = tpu.memref_slice %arg6[%dma_start3A_231, %dma_start3A_232] : memref<10240x128xf32, #tpu.memory_space<vmem_shared>> -> memref<10240x128xf32, #tpu.memory_space<vmem_shared>>
          tpu.enqueue_indirect_dma source(%dma_start3A_227 : memref<128x128xf32, #tpu.memory_space<vmem>>) target(%dma_start3A_233 : memref<10240x128xf32, #tpu.memory_space<vmem_shared>>) offsets(%dma_start3A_230 : memref<128xi32, #tpu.memory_space<vmem>>) semaphore(%run_scoped3A_223 : memref<!tpu.dma_semaphore, #tpu.memory_space<semaphore_mem>>) {add = true}
          %dma_wait3A_234 = arith.constant 0 : i32
          %dma_wait3A_235 = arith.constant 0 : i32
          %dma_wait3A_236 = tpu.memref_slice %arg7[%run_scoped3A_217, %dma_wait3A_234, %dma_wait3A_235] : memref<2x128x128xf32, #tpu.memory_space<vmem>> -> memref<1x128x128xf32, #tpu.memory_space<vmem>>
          %dma_wait3A_237 = tpu.memref_squeeze %dma_wait3A_236 : memref<1x128x128xf32, #tpu.memory_space<vmem>> -> memref<128x128xf32, #tpu.memory_space<vmem>>
          %dma_wait3A_238 = arith.constant 0 : i32
          %dma_wait3A_239 = tpu.memref_slice %arg9[%add3A_216, %dma_wait3A_238] : memref<32x128xi32, #tpu.memory_space<vmem>> -> memref<1x128xi32, #tpu.memory_space<vmem>>
          %dma_wait3A_240 = tpu.memref_squeeze %dma_wait3A_239 : memref<1x128xi32, #tpu.memory_space<vmem>> -> memref<128xi32, #tpu.memory_space<vmem>>
          %dma_wait3A_241 = arith.constant 0 : i32
          %dma_wait3A_242 = arith.constant 0 : i32
          %dma_wait3A_243 = tpu.memref_slice %arg6[%dma_wait3A_241, %dma_wait3A_242] : memref<10240x128xf32, #tpu.memory_space<vmem_shared>> -> memref<10240x128xf32, #tpu.memory_space<vmem_shared>>
          tpu.wait_indirect_dma semaphore(%run_scoped3A_223 : memref<!tpu.dma_semaphore, #tpu.memory_space<semaphore_mem>>) src(%dma_wait3A_237 : memref<128x128xf32, #tpu.memory_space<vmem>>) dst(%dma_wait3A_243 : memref<10240x128xf32, #tpu.memory_space<vmem_shared>>)
          tpu.yield
        }) : () -> ()
        %lt3A_218 = arith.constant 15 : i32
        %lt3A_219 = arith.cmpi slt, %scan3A_185, %lt3A_218 : i32
        %convert_element_type3A_220 = arith.extui %lt3A_219 : i1 to i32
        %cond3A_221 = arith.constant 0 : i32
        %cond3A_222 = arith.cmpi ne, %convert_element_type3A_220, %cond3A_221 : i32
        scf.if %cond3A_222 {
          %add3A_223 = arith.constant 3 : i32
          %add3A_224 = arith.addi %mul3A_187, %add3A_223 : i32
          %dma_start3A_225 = arith.constant 1 : i32
          %dma_start3A_226 = arith.constant 0 : i32
          %dma_start3A_227 = arith.constant 0 : i32
          %dma_start3A_228 = tpu.memref_slice %arg7[%dma_start3A_225, %dma_start3A_226, %dma_start3A_227] : memref<2x128x128xf32, #tpu.memory_space<vmem>> -> memref<1x128x128xf32, #tpu.memory_space<vmem>>
          %dma_start3A_229 = tpu.memref_squeeze %dma_start3A_228 : memref<1x128x128xf32, #tpu.memory_space<vmem>> -> memref<128x128xf32, #tpu.memory_space<vmem>>
          %dma_start3A_230 = arith.constant 0 : i32
          %dma_start3A_231 = tpu.memref_slice %arg8[%add3A_224, %dma_start3A_230] : memref<32x128xi32, #tpu.memory_space<vmem>> -> memref<1x128xi32, #tpu.memory_space<vmem>>
          %dma_start3A_232 = tpu.memref_squeeze %dma_start3A_231 : memref<1x128xi32, #tpu.memory_space<vmem>> -> memref<128xi32, #tpu.memory_space<vmem>>
          %dma_start3A_233 = arith.constant 0 : i32
          %dma_start3A_234 = arith.constant 0 : i32
          %dma_start3A_235 = tpu.memref_slice %arg2[%dma_start3A_233, %dma_start3A_234] : memref<10000x128xf32, #tpu.memory_space<hbm>> -> memref<10000x128xf32, #tpu.memory_space<hbm>>
          tpu.enqueue_indirect_dma source(%dma_start3A_235 : memref<10000x128xf32, #tpu.memory_space<hbm>>) target(%dma_start3A_229 : memref<128x128xf32, #tpu.memory_space<vmem>>) offsets(%dma_start3A_232 : memref<128xi32, #tpu.memory_space<vmem>>) semaphore(%arg12 : memref<!tpu.dma_semaphore, #tpu.memory_space<semaphore_mem>>)
        } else {
        }
      }
      %scan3A_184 = arith.constant 16 : i32
    } else {
    }
    %barrier3A_91 = arith.constant 0 : index
    tpu.barrier barrier_id(%barrier3A_91)
    %mul3A_92 = arith.constant 640 : i32
    %mul3A_93 = arith.muli %arg1, %mul3A_92 : i32
    %mul3A_94 = arith.constant 640 : i32
    %mul3A_95 = arith.muli %arg1, %mul3A_94 : i32
    "tpu.region"() ({
      %run_scoped3A = tpu.sem_alloc : memref<!tpu.dma_semaphore, #tpu.memory_space<semaphore_mem>>
      %dma_start3A = arith.constant 0 : i32
      %dma_start3A_96 = tpu.memref_slice %arg5[%arg0, %mul3A_95, %dma_start3A] : memref<2x10240x128xf32, #tpu.memory_space<hbm>> -> memref<1x640x128xf32, #tpu.memory_space<hbm>>
      %dma_start3A_97 = tpu.memref_squeeze %dma_start3A_96 : memref<1x640x128xf32, #tpu.memory_space<hbm>> -> memref<640x128xf32, #tpu.memory_space<hbm>>
      %dma_start3A_98 = arith.constant 0 : i32
      %dma_start3A_99 = tpu.memref_slice %arg6[%mul3A_93, %dma_start3A_98] : memref<10240x128xf32, #tpu.memory_space<vmem_shared>> -> memref<640x128xf32, #tpu.memory_space<vmem_shared>>
      tpu.enqueue_dma source(%dma_start3A_99 : memref<640x128xf32, #tpu.memory_space<vmem_shared>>) target(%dma_start3A_97 : memref<640x128xf32, #tpu.memory_space<hbm>>) target_semaphore(%run_scoped3A : memref<!tpu.dma_semaphore, #tpu.memory_space<semaphore_mem>>)
      %dma_wait3A = arith.constant 0 : i32
      %dma_wait3A_100 = tpu.memref_slice %arg5[%arg0, %mul3A_95, %dma_wait3A] : memref<2x10240x128xf32, #tpu.memory_space<hbm>> -> memref<1x640x128xf32, #tpu.memory_space<hbm>>
      %dma_wait3A_101 = tpu.memref_squeeze %dma_wait3A_100 : memref<1x640x128xf32, #tpu.memory_space<hbm>> -> memref<640x128xf32, #tpu.memory_space<hbm>>
      %dma_wait3A_102 = arith.constant 0 : i32
      %dma_wait3A_103 = tpu.memref_slice %arg6[%mul3A_93, %dma_wait3A_102] : memref<10240x128xf32, #tpu.memory_space<vmem_shared>> -> memref<640x128xf32, #tpu.memory_space<vmem_shared>>
      tpu.wait_dma2 semaphore(%run_scoped3A : memref<!tpu.dma_semaphore, #tpu.memory_space<semaphore_mem>>) src(%dma_wait3A_103 : memref<640x128xf32, #tpu.memory_space<vmem_shared>>) dst(%dma_wait3A_101 : memref<640x128xf32, #tpu.memory_space<hbm>>)
      tpu.yield
    }) : () -> ()
    return
  }
}

#map = affine_map<(d0, d1) -> (0, 0, 0)>
#map1 = affine_map<(d0, d1) -> (0, 0)>
module attributes {stable_mosaic.version = 14 : i64} {
  func.func @_deg_kernel(%arg0: i32, %arg1: i32, %arg2: memref<16x160x128xi32, #tpu.memory_space<hbm>>, %arg3: memref<2x10240xf32, #tpu.memory_space<hbm>>, %arg4: memref<10240xf32, #tpu.memory_space<vmem_shared>>, %arg5: memref<80x128xi32, #tpu.memory_space<vmem>>, %arg6: memref<128xf32, #tpu.memory_space<vmem>>, %arg7: memref<640xf32, #tpu.memory_space<vmem>>) attributes {dimension_semantics = [#tpu.dimension_semantics<core_parallel>, #tpu.dimension_semantics<subcore_parallel>], iteration_bounds = array<i64: 2, 16>, scalar_prefetch = 0 : i64, scratch_operands = 4 : i64, tpu.core_type = #tpu.core_type<sc_vector_subcore>, window_params = [{transform_indices = #map}, {transform_indices = #map1}]} {
    %broadcast_in_dim3A = arith.constant 1.000000e+00 : f32
    %broadcast_in_dim3A_0 = vector.broadcast %broadcast_in_dim3A : f32 to vector<16xf32>
    %broadcast_in_dim3A_1 = arith.constant 0.000000e+00 : f32
    %broadcast_in_dim3A_2 = vector.broadcast %broadcast_in_dim3A_1 : f32 to vector<16xf32>
    %swap3A = arith.constant 0 : index
    %swap3A_3 = tpu.vector_load %arg6[%swap3A] {strides = array<i32>} : memref<128xf32, #tpu.memory_space<vmem>>, vector<16xf32>,
    %swap3A_4 = vector.shape_cast %swap3A_3 : vector<16xf32> to vector<16xf32>
    %swap3A_5 = vector.shape_cast %broadcast_in_dim3A_0 : vector<16xf32> to vector<16xf32>
    tpu.vector_store %arg6[%swap3A], %swap3A_5 {strides = array<i32>} : memref<128xf32, #tpu.memory_space<vmem>>, vector<16xf32>,
    %swap3A_6 = arith.constant 16 : index
    %swap3A_7 = tpu.vector_load %arg6[%swap3A_6] {strides = array<i32>} : memref<128xf32, #tpu.memory_space<vmem>>, vector<16xf32>,
    %swap3A_8 = vector.shape_cast %swap3A_7 : vector<16xf32> to vector<16xf32>
    %swap3A_9 = vector.shape_cast %broadcast_in_dim3A_0 : vector<16xf32> to vector<16xf32>
    tpu.vector_store %arg6[%swap3A_6], %swap3A_9 {strides = array<i32>} : memref<128xf32, #tpu.memory_space<vmem>>, vector<16xf32>,
    %swap3A_10 = arith.constant 32 : index
    %swap3A_11 = tpu.vector_load %arg6[%swap3A_10] {strides = array<i32>} : memref<128xf32, #tpu.memory_space<vmem>>, vector<16xf32>,
    %swap3A_12 = vector.shape_cast %swap3A_11 : vector<16xf32> to vector<16xf32>
    %swap3A_13 = vector.shape_cast %broadcast_in_dim3A_0 : vector<16xf32> to vector<16xf32>
    tpu.vector_store %arg6[%swap3A_10], %swap3A_13 {strides = array<i32>} : memref<128xf32, #tpu.memory_space<vmem>>, vector<16xf32>,
    %swap3A_14 = arith.constant 48 : index
    %swap3A_15 = tpu.vector_load %arg6[%swap3A_14] {strides = array<i32>} : memref<128xf32, #tpu.memory_space<vmem>>, vector<16xf32>,
    %swap3A_16 = vector.shape_cast %swap3A_15 : vector<16xf32> to vector<16xf32>
    %swap3A_17 = vector.shape_cast %broadcast_in_dim3A_0 : vector<16xf32> to vector<16xf32>
    tpu.vector_store %arg6[%swap3A_14], %swap3A_17 {strides = array<i32>} : memref<128xf32, #tpu.memory_space<vmem>>, vector<16xf32>,
    %swap3A_18 = arith.constant 64 : index
    %swap3A_19 = tpu.vector_load %arg6[%swap3A_18] {strides = array<i32>} : memref<128xf32, #tpu.memory_space<vmem>>, vector<16xf32>,
    %swap3A_20 = vector.shape_cast %swap3A_19 : vector<16xf32> to vector<16xf32>
    %swap3A_21 = vector.shape_cast %broadcast_in_dim3A_0 : vector<16xf32> to vector<16xf32>
    tpu.vector_store %arg6[%swap3A_18], %swap3A_21 {strides = array<i32>} : memref<128xf32, #tpu.memory_space<vmem>>, vector<16xf32>,
    %swap3A_22 = arith.constant 80 : index
    %swap3A_23 = tpu.vector_load %arg6[%swap3A_22] {strides = array<i32>} : memref<128xf32, #tpu.memory_space<vmem>>, vector<16xf32>,
    %swap3A_24 = vector.shape_cast %swap3A_23 : vector<16xf32> to vector<16xf32>
    %swap3A_25 = vector.shape_cast %broadcast_in_dim3A_0 : vector<16xf32> to vector<16xf32>
    tpu.vector_store %arg6[%swap3A_22], %swap3A_25 {strides = array<i32>} : memref<128xf32, #tpu.memory_space<vmem>>, vector<16xf32>,
    %swap3A_26 = arith.constant 96 : index
    %swap3A_27 = tpu.vector_load %arg6[%swap3A_26] {strides = array<i32>} : memref<128xf32, #tpu.memory_space<vmem>>, vector<16xf32>,
    %swap3A_28 = vector.shape_cast %swap3A_27 : vector<16xf32> to vector<16xf32>
    %swap3A_29 = vector.shape_cast %broadcast_in_dim3A_0 : vector<16xf32> to vector<16xf32>
    tpu.vector_store %arg6[%swap3A_26], %swap3A_29 {strides = array<i32>} : memref<128xf32, #tpu.memory_space<vmem>>, vector<16xf32>,
    %swap3A_30 = arith.constant 112 : index
    %swap3A_31 = tpu.vector_load %arg6[%swap3A_30] {strides = array<i32>} : memref<128xf32, #tpu.memory_space<vmem>>, vector<16xf32>,
    %swap3A_32 = vector.shape_cast %swap3A_31 : vector<16xf32> to vector<16xf32>
    %swap3A_33 = vector.shape_cast %broadcast_in_dim3A_0 : vector<16xf32> to vector<16xf32>
    tpu.vector_store %arg6[%swap3A_30], %swap3A_33 {strides = array<i32>} : memref<128xf32, #tpu.memory_space<vmem>>, vector<16xf32>,
    %swap3A_34 = arith.constant 0 : index
    %swap3A_35 = tpu.vector_load %arg7[%swap3A_34] {strides = array<i32>} : memref<640xf32, #tpu.memory_space<vmem>>, vector<16xf32>,
    %swap3A_36 = vector.shape_cast %swap3A_35 : vector<16xf32> to vector<16xf32>
    %swap3A_37 = vector.shape_cast %broadcast_in_dim3A_2 : vector<16xf32> to vector<16xf32>
    tpu.vector_store %arg7[%swap3A_34], %swap3A_37 {strides = array<i32>} : memref<640xf32, #tpu.memory_space<vmem>>, vector<16xf32>,
    %swap3A_38 = arith.constant 16 : index
    %swap3A_39 = tpu.vector_load %arg7[%swap3A_38] {strides = array<i32>} : memref<640xf32, #tpu.memory_space<vmem>>, vector<16xf32>,
    %swap3A_40 = vector.shape_cast %swap3A_39 : vector<16xf32> to vector<16xf32>
    %swap3A_41 = vector.shape_cast %broadcast_in_dim3A_2 : vector<16xf32> to vector<16xf32>
    tpu.vector_store %arg7[%swap3A_38], %swap3A_41 {strides = array<i32>} : memref<640xf32, #tpu.memory_space<vmem>>, vector<16xf32>,
    %swap3A_42 = arith.constant 32 : index
    %swap3A_43 = tpu.vector_load %arg7[%swap3A_42] {strides = array<i32>} : memref<640xf32, #tpu.memory_space<vmem>>, vector<16xf32>,
    %swap3A_44 = vector.shape_cast %swap3A_43 : vector<16xf32> to vector<16xf32>
    %swap3A_45 = vector.shape_cast %broadcast_in_dim3A_2 : vector<16xf32> to vector<16xf32>
    tpu.vector_store %arg7[%swap3A_42], %swap3A_45 {strides = array<i32>} : memref<640xf32, #tpu.memory_space<vmem>>, vector<16xf32>,
    %swap3A_46 = arith.constant 48 : index
    %swap3A_47 = tpu.vector_load %arg7[%swap3A_46] {strides = array<i32>} : memref<640xf32, #tpu.memory_space<vmem>>, vector<16xf32>,
    %swap3A_48 = vector.shape_cast %swap3A_47 : vector<16xf32> to vector<16xf32>
    %swap3A_49 = vector.shape_cast %broadcast_in_dim3A_2 : vector<16xf32> to vector<16xf32>
    tpu.vector_store %arg7[%swap3A_46], %swap3A_49 {strides = array<i32>} : memref<640xf32, #tpu.memory_space<vmem>>, vector<16xf32>,
    %swap3A_50 = arith.constant 64 : index
    %swap3A_51 = tpu.vector_load %arg7[%swap3A_50] {strides = array<i32>} : memref<640xf32, #tpu.memory_space<vmem>>, vector<16xf32>,
    %swap3A_52 = vector.shape_cast %swap3A_51 : vector<16xf32> to vector<16xf32>
    %swap3A_53 = vector.shape_cast %broadcast_in_dim3A_2 : vector<16xf32> to vector<16xf32>
    tpu.vector_store %arg7[%swap3A_50], %swap3A_53 {strides = array<i32>} : memref<640xf32, #tpu.memory_space<vmem>>, vector<16xf32>,
    %swap3A_54 = arith.constant 80 : index
    %swap3A_55 = tpu.vector_load %arg7[%swap3A_54] {strides = array<i32>} : memref<640xf32, #tpu.memory_space<vmem>>, vector<16xf32>,
    %swap3A_56 = vector.shape_cast %swap3A_55 : vector<16xf32> to vector<16xf32>
    %swap3A_57 = vector.shape_cast %broadcast_in_dim3A_2 : vector<16xf32> to vector<16xf32>
    tpu.vector_store %arg7[%swap3A_54], %swap3A_57 {strides = array<i32>} : memref<640xf32, #tpu.memory_space<vmem>>, vector<16xf32>,
    %swap3A_58 = arith.constant 96 : index
    %swap3A_59 = tpu.vector_load %arg7[%swap3A_58] {strides = array<i32>} : memref<640xf32, #tpu.memory_space<vmem>>, vector<16xf32>,
    %swap3A_60 = vector.shape_cast %swap3A_59 : vector<16xf32> to vector<16xf32>
    %swap3A_61 = vector.shape_cast %broadcast_in_dim3A_2 : vector<16xf32> to vector<16xf32>
    tpu.vector_store %arg7[%swap3A_58], %swap3A_61 {strides = array<i32>} : memref<640xf32, #tpu.memory_space<vmem>>, vector<16xf32>,
    %swap3A_62 = arith.constant 112 : index
    %swap3A_63 = tpu.vector_load %arg7[%swap3A_62] {strides = array<i32>} : memref<640xf32, #tpu.memory_space<vmem>>, vector<16xf32>,
    %swap3A_64 = vector.shape_cast %swap3A_63 : vector<16xf32> to vector<16xf32>
    %swap3A_65 = vector.shape_cast %broadcast_in_dim3A_2 : vector<16xf32> to vector<16xf32>
    tpu.vector_store %arg7[%swap3A_62], %swap3A_65 {strides = array<i32>} : memref<640xf32, #tpu.memory_space<vmem>>, vector<16xf32>,
    %swap3A_66 = arith.constant 128 : index
    %swap3A_67 = tpu.vector_load %arg7[%swap3A_66] {strides = array<i32>} : memref<640xf32, #tpu.memory_space<vmem>>, vector<16xf32>,
    %swap3A_68 = vector.shape_cast %swap3A_67 : vector<16xf32> to vector<16xf32>
    %swap3A_69 = vector.shape_cast %broadcast_in_dim3A_2 : vector<16xf32> to vector<16xf32>
    tpu.vector_store %arg7[%swap3A_66], %swap3A_69 {strides = array<i32>} : memref<640xf32, #tpu.memory_space<vmem>>, vector<16xf32>,
    %swap3A_70 = arith.constant 144 : index
    %swap3A_71 = tpu.vector_load %arg7[%swap3A_70] {strides = array<i32>} : memref<640xf32, #tpu.memory_space<vmem>>, vector<16xf32>,
    %swap3A_72 = vector.shape_cast %swap3A_71 : vector<16xf32> to vector<16xf32>
    %swap3A_73 = vector.shape_cast %broadcast_in_dim3A_2 : vector<16xf32> to vector<16xf32>
    tpu.vector_store %arg7[%swap3A_70], %swap3A_73 {strides = array<i32>} : memref<640xf32, #tpu.memory_space<vmem>>, vector<16xf32>,
    %swap3A_74 = arith.constant 160 : index
    %swap3A_75 = tpu.vector_load %arg7[%swap3A_74] {strides = array<i32>} : memref<640xf32, #tpu.memory_space<vmem>>, vector<16xf32>,
    %swap3A_76 = vector.shape_cast %swap3A_75 : vector<16xf32> to vector<16xf32>
    %swap3A_77 = vector.shape_cast %broadcast_in_dim3A_2 : vector<16xf32> to vector<16xf32>
    tpu.vector_store %arg7[%swap3A_74], %swap3A_77 {strides = array<i32>} : memref<640xf32, #tpu.memory_space<vmem>>, vector<16xf32>,
    %swap3A_78 = arith.constant 176 : index
    %swap3A_79 = tpu.vector_load %arg7[%swap3A_78] {strides = array<i32>} : memref<640xf32, #tpu.memory_space<vmem>>, vector<16xf32>,
    %swap3A_80 = vector.shape_cast %swap3A_79 : vector<16xf32> to vector<16xf32>
    %swap3A_81 = vector.shape_cast %broadcast_in_dim3A_2 : vector<16xf32> to vector<16xf32>
    tpu.vector_store %arg7[%swap3A_78], %swap3A_81 {strides = array<i32>} : memref<640xf32, #tpu.memory_space<vmem>>, vector<16xf32>,
    %swap3A_82 = arith.constant 192 : index
    %swap3A_83 = tpu.vector_load %arg7[%swap3A_82] {strides = array<i32>} : memref<640xf32, #tpu.memory_space<vmem>>, vector<16xf32>,
    %swap3A_84 = vector.shape_cast %swap3A_83 : vector<16xf32> to vector<16xf32>
    %swap3A_85 = vector.shape_cast %broadcast_in_dim3A_2 : vector<16xf32> to vector<16xf32>
    tpu.vector_store %arg7[%swap3A_82], %swap3A_85 {strides = array<i32>} : memref<640xf32, #tpu.memory_space<vmem>>, vector<16xf32>,
    %swap3A_86 = arith.constant 208 : index
    %swap3A_87 = tpu.vector_load %arg7[%swap3A_86] {strides = array<i32>} : memref<640xf32, #tpu.memory_space<vmem>>, vector<16xf32>,
    %swap3A_88 = vector.shape_cast %swap3A_87 : vector<16xf32> to vector<16xf32>
    %swap3A_89 = vector.shape_cast %broadcast_in_dim3A_2 : vector<16xf32> to vector<16xf32>
    tpu.vector_store %arg7[%swap3A_86], %swap3A_89 {strides = array<i32>} : memref<640xf32, #tpu.memory_space<vmem>>, vector<16xf32>,
    %swap3A_90 = arith.constant 224 : index
    %swap3A_91 = tpu.vector_load %arg7[%swap3A_90] {strides = array<i32>} : memref<640xf32, #tpu.memory_space<vmem>>, vector<16xf32>,
    %swap3A_92 = vector.shape_cast %swap3A_91 : vector<16xf32> to vector<16xf32>
    %swap3A_93 = vector.shape_cast %broadcast_in_dim3A_2 : vector<16xf32> to vector<16xf32>
    tpu.vector_store %arg7[%swap3A_90], %swap3A_93 {strides = array<i32>} : memref<640xf32, #tpu.memory_space<vmem>>, vector<16xf32>,
    %swap3A_94 = arith.constant 240 : index
    %swap3A_95 = tpu.vector_load %arg7[%swap3A_94] {strides = array<i32>} : memref<640xf32, #tpu.memory_space<vmem>>, vector<16xf32>,
    %swap3A_96 = vector.shape_cast %swap3A_95 : vector<16xf32> to vector<16xf32>
    %swap3A_97 = vector.shape_cast %broadcast_in_dim3A_2 : vector<16xf32> to vector<16xf32>
    tpu.vector_store %arg7[%swap3A_94], %swap3A_97 {strides = array<i32>} : memref<640xf32, #tpu.memory_space<vmem>>, vector<16xf32>,
    %swap3A_98 = arith.constant 256 : index
    %swap3A_99 = tpu.vector_load %arg7[%swap3A_98] {strides = array<i32>} : memref<640xf32, #tpu.memory_space<vmem>>, vector<16xf32>,
    %swap3A_100 = vector.shape_cast %swap3A_99 : vector<16xf32> to vector<16xf32>
    %swap3A_101 = vector.shape_cast %broadcast_in_dim3A_2 : vector<16xf32> to vector<16xf32>
    tpu.vector_store %arg7[%swap3A_98], %swap3A_101 {strides = array<i32>} : memref<640xf32, #tpu.memory_space<vmem>>, vector<16xf32>,
    %swap3A_102 = arith.constant 272 : index
    %swap3A_103 = tpu.vector_load %arg7[%swap3A_102] {strides = array<i32>} : memref<640xf32, #tpu.memory_space<vmem>>, vector<16xf32>,
    %swap3A_104 = vector.shape_cast %swap3A_103 : vector<16xf32> to vector<16xf32>
    %swap3A_105 = vector.shape_cast %broadcast_in_dim3A_2 : vector<16xf32> to vector<16xf32>
    tpu.vector_store %arg7[%swap3A_102], %swap3A_105 {strides = array<i32>} : memref<640xf32, #tpu.memory_space<vmem>>, vector<16xf32>,
    %swap3A_106 = arith.constant 288 : index
    %swap3A_107 = tpu.vector_load %arg7[%swap3A_106] {strides = array<i32>} : memref<640xf32, #tpu.memory_space<vmem>>, vector<16xf32>,
    %swap3A_108 = vector.shape_cast %swap3A_107 : vector<16xf32> to vector<16xf32>
    %swap3A_109 = vector.shape_cast %broadcast_in_dim3A_2 : vector<16xf32> to vector<16xf32>
    tpu.vector_store %arg7[%swap3A_106], %swap3A_109 {strides = array<i32>} : memref<640xf32, #tpu.memory_space<vmem>>, vector<16xf32>,
    %swap3A_110 = arith.constant 304 : index
    %swap3A_111 = tpu.vector_load %arg7[%swap3A_110] {strides = array<i32>} : memref<640xf32, #tpu.memory_space<vmem>>, vector<16xf32>,
    %swap3A_112 = vector.shape_cast %swap3A_111 : vector<16xf32> to vector<16xf32>
    %swap3A_113 = vector.shape_cast %broadcast_in_dim3A_2 : vector<16xf32> to vector<16xf32>
    tpu.vector_store %arg7[%swap3A_110], %swap3A_113 {strides = array<i32>} : memref<640xf32, #tpu.memory_space<vmem>>, vector<16xf32>,
    %swap3A_114 = arith.constant 320 : index
    %swap3A_115 = tpu.vector_load %arg7[%swap3A_114] {strides = array<i32>} : memref<640xf32, #tpu.memory_space<vmem>>, vector<16xf32>,
    %swap3A_116 = vector.shape_cast %swap3A_115 : vector<16xf32> to vector<16xf32>
    %swap3A_117 = vector.shape_cast %broadcast_in_dim3A_2 : vector<16xf32> to vector<16xf32>
    tpu.vector_store %arg7[%swap3A_114], %swap3A_117 {strides = array<i32>} : memref<640xf32, #tpu.memory_space<vmem>>, vector<16xf32>,
    %swap3A_118 = arith.constant 336 : index
    %swap3A_119 = tpu.vector_load %arg7[%swap3A_118] {strides = array<i32>} : memref<640xf32, #tpu.memory_space<vmem>>, vector<16xf32>,
    %swap3A_120 = vector.shape_cast %swap3A_119 : vector<16xf32> to vector<16xf32>
    %swap3A_121 = vector.shape_cast %broadcast_in_dim3A_2 : vector<16xf32> to vector<16xf32>
    tpu.vector_store %arg7[%swap3A_118], %swap3A_121 {strides = array<i32>} : memref<640xf32, #tpu.memory_space<vmem>>, vector<16xf32>,
    %swap3A_122 = arith.constant 352 : index
    %swap3A_123 = tpu.vector_load %arg7[%swap3A_122] {strides = array<i32>} : memref<640xf32, #tpu.memory_space<vmem>>, vector<16xf32>,
    %swap3A_124 = vector.shape_cast %swap3A_123 : vector<16xf32> to vector<16xf32>
    %swap3A_125 = vector.shape_cast %broadcast_in_dim3A_2 : vector<16xf32> to vector<16xf32>
    tpu.vector_store %arg7[%swap3A_122], %swap3A_125 {strides = array<i32>} : memref<640xf32, #tpu.memory_space<vmem>>, vector<16xf32>,
    %swap3A_126 = arith.constant 368 : index
    %swap3A_127 = tpu.vector_load %arg7[%swap3A_126] {strides = array<i32>} : memref<640xf32, #tpu.memory_space<vmem>>, vector<16xf32>,
    %swap3A_128 = vector.shape_cast %swap3A_127 : vector<16xf32> to vector<16xf32>
    %swap3A_129 = vector.shape_cast %broadcast_in_dim3A_2 : vector<16xf32> to vector<16xf32>
    tpu.vector_store %arg7[%swap3A_126], %swap3A_129 {strides = array<i32>} : memref<640xf32, #tpu.memory_space<vmem>>, vector<16xf32>,
    %swap3A_130 = arith.constant 384 : index
    %swap3A_131 = tpu.vector_load %arg7[%swap3A_130] {strides = array<i32>} : memref<640xf32, #tpu.memory_space<vmem>>, vector<16xf32>,
    %swap3A_132 = vector.shape_cast %swap3A_131 : vector<16xf32> to vector<16xf32>
    %swap3A_133 = vector.shape_cast %broadcast_in_dim3A_2 : vector<16xf32> to vector<16xf32>
    tpu.vector_store %arg7[%swap3A_130], %swap3A_133 {strides = array<i32>} : memref<640xf32, #tpu.memory_space<vmem>>, vector<16xf32>,
    %swap3A_134 = arith.constant 400 : index
    %swap3A_135 = tpu.vector_load %arg7[%swap3A_134] {strides = array<i32>} : memref<640xf32, #tpu.memory_space<vmem>>, vector<16xf32>,
    %swap3A_136 = vector.shape_cast %swap3A_135 : vector<16xf32> to vector<16xf32>
    %swap3A_137 = vector.shape_cast %broadcast_in_dim3A_2 : vector<16xf32> to vector<16xf32>
    tpu.vector_store %arg7[%swap3A_134], %swap3A_137 {strides = array<i32>} : memref<640xf32, #tpu.memory_space<vmem>>, vector<16xf32>,
    %swap3A_138 = arith.constant 416 : index
    %swap3A_139 = tpu.vector_load %arg7[%swap3A_138] {strides = array<i32>} : memref<640xf32, #tpu.memory_space<vmem>>, vector<16xf32>,
    %swap3A_140 = vector.shape_cast %swap3A_139 : vector<16xf32> to vector<16xf32>
    %swap3A_141 = vector.shape_cast %broadcast_in_dim3A_2 : vector<16xf32> to vector<16xf32>
    tpu.vector_store %arg7[%swap3A_138], %swap3A_141 {strides = array<i32>} : memref<640xf32, #tpu.memory_space<vmem>>, vector<16xf32>,
    %swap3A_142 = arith.constant 432 : index
    %swap3A_143 = tpu.vector_load %arg7[%swap3A_142] {strides = array<i32>} : memref<640xf32, #tpu.memory_space<vmem>>, vector<16xf32>,
    %swap3A_144 = vector.shape_cast %swap3A_143 : vector<16xf32> to vector<16xf32>
    %swap3A_145 = vector.shape_cast %broadcast_in_dim3A_2 : vector<16xf32> to vector<16xf32>
    tpu.vector_store %arg7[%swap3A_142], %swap3A_145 {strides = array<i32>} : memref<640xf32, #tpu.memory_space<vmem>>, vector<16xf32>,
    %swap3A_146 = arith.constant 448 : index
    %swap3A_147 = tpu.vector_load %arg7[%swap3A_146] {strides = array<i32>} : memref<640xf32, #tpu.memory_space<vmem>>, vector<16xf32>,
    %swap3A_148 = vector.shape_cast %swap3A_147 : vector<16xf32> to vector<16xf32>
    %swap3A_149 = vector.shape_cast %broadcast_in_dim3A_2 : vector<16xf32> to vector<16xf32>
    tpu.vector_store %arg7[%swap3A_146], %swap3A_149 {strides = array<i32>} : memref<640xf32, #tpu.memory_space<vmem>>, vector<16xf32>,
    %swap3A_150 = arith.constant 464 : index
    %swap3A_151 = tpu.vector_load %arg7[%swap3A_150] {strides = array<i32>} : memref<640xf32, #tpu.memory_space<vmem>>, vector<16xf32>,
    %swap3A_152 = vector.shape_cast %swap3A_151 : vector<16xf32> to vector<16xf32>
    %swap3A_153 = vector.shape_cast %broadcast_in_dim3A_2 : vector<16xf32> to vector<16xf32>
    tpu.vector_store %arg7[%swap3A_150], %swap3A_153 {strides = array<i32>} : memref<640xf32, #tpu.memory_space<vmem>>, vector<16xf32>,
    %swap3A_154 = arith.constant 480 : index
    %swap3A_155 = tpu.vector_load %arg7[%swap3A_154] {strides = array<i32>} : memref<640xf32, #tpu.memory_space<vmem>>, vector<16xf32>,
    %swap3A_156 = vector.shape_cast %swap3A_155 : vector<16xf32> to vector<16xf32>
    %swap3A_157 = vector.shape_cast %broadcast_in_dim3A_2 : vector<16xf32> to vector<16xf32>
    tpu.vector_store %arg7[%swap3A_154], %swap3A_157 {strides = array<i32>} : memref<640xf32, #tpu.memory_space<vmem>>, vector<16xf32>,
    %swap3A_158 = arith.constant 496 : index
    %swap3A_159 = tpu.vector_load %arg7[%swap3A_158] {strides = array<i32>} : memref<640xf32, #tpu.memory_space<vmem>>, vector<16xf32>,
    %swap3A_160 = vector.shape_cast %swap3A_159 : vector<16xf32> to vector<16xf32>
    %swap3A_161 = vector.shape_cast %broadcast_in_dim3A_2 : vector<16xf32> to vector<16xf32>
    tpu.vector_store %arg7[%swap3A_158], %swap3A_161 {strides = array<i32>} : memref<640xf32, #tpu.memory_space<vmem>>, vector<16xf32>,
    %swap3A_162 = arith.constant 512 : index
    %swap3A_163 = tpu.vector_load %arg7[%swap3A_162] {strides = array<i32>} : memref<640xf32, #tpu.memory_space<vmem>>, vector<16xf32>,
    %swap3A_164 = vector.shape_cast %swap3A_163 : vector<16xf32> to vector<16xf32>
    %swap3A_165 = vector.shape_cast %broadcast_in_dim3A_2 : vector<16xf32> to vector<16xf32>
    tpu.vector_store %arg7[%swap3A_162], %swap3A_165 {strides = array<i32>} : memref<640xf32, #tpu.memory_space<vmem>>, vector<16xf32>,
    %swap3A_166 = arith.constant 528 : index
    %swap3A_167 = tpu.vector_load %arg7[%swap3A_166] {strides = array<i32>} : memref<640xf32, #tpu.memory_space<vmem>>, vector<16xf32>,
    %swap3A_168 = vector.shape_cast %swap3A_167 : vector<16xf32> to vector<16xf32>
    %swap3A_169 = vector.shape_cast %broadcast_in_dim3A_2 : vector<16xf32> to vector<16xf32>
    tpu.vector_store %arg7[%swap3A_166], %swap3A_169 {strides = array<i32>} : memref<640xf32, #tpu.memory_space<vmem>>, vector<16xf32>,
    %swap3A_170 = arith.constant 544 : index
    %swap3A_171 = tpu.vector_load %arg7[%swap3A_170] {strides = array<i32>} : memref<640xf32, #tpu.memory_space<vmem>>, vector<16xf32>,
    %swap3A_172 = vector.shape_cast %swap3A_171 : vector<16xf32> to vector<16xf32>
    %swap3A_173 = vector.shape_cast %broadcast_in_dim3A_2 : vector<16xf32> to vector<16xf32>
    tpu.vector_store %arg7[%swap3A_170], %swap3A_173 {strides = array<i32>} : memref<640xf32, #tpu.memory_space<vmem>>, vector<16xf32>,
    %swap3A_174 = arith.constant 560 : index
    %swap3A_175 = tpu.vector_load %arg7[%swap3A_174] {strides = array<i32>} : memref<640xf32, #tpu.memory_space<vmem>>, vector<16xf32>,
    %swap3A_176 = vector.shape_cast %swap3A_175 : vector<16xf32> to vector<16xf32>
    %swap3A_177 = vector.shape_cast %broadcast_in_dim3A_2 : vector<16xf32> to vector<16xf32>
    tpu.vector_store %arg7[%swap3A_174], %swap3A_177 {strides = array<i32>} : memref<640xf32, #tpu.memory_space<vmem>>, vector<16xf32>,
    %swap3A_178 = arith.constant 576 : index
    %swap3A_179 = tpu.vector_load %arg7[%swap3A_178] {strides = array<i32>} : memref<640xf32, #tpu.memory_space<vmem>>, vector<16xf32>,
    %swap3A_180 = vector.shape_cast %swap3A_179 : vector<16xf32> to vector<16xf32>
    %swap3A_181 = vector.shape_cast %broadcast_in_dim3A_2 : vector<16xf32> to vector<16xf32>
    tpu.vector_store %arg7[%swap3A_178], %swap3A_181 {strides = array<i32>} : memref<640xf32, #tpu.memory_space<vmem>>, vector<16xf32>,
    %swap3A_182 = arith.constant 592 : index
    %swap3A_183 = tpu.vector_load %arg7[%swap3A_182] {strides = array<i32>} : memref<640xf32, #tpu.memory_space<vmem>>, vector<16xf32>,
    %swap3A_184 = vector.shape_cast %swap3A_183 : vector<16xf32> to vector<16xf32>
    %swap3A_185 = vector.shape_cast %broadcast_in_dim3A_2 : vector<16xf32> to vector<16xf32>
    tpu.vector_store %arg7[%swap3A_182], %swap3A_185 {strides = array<i32>} : memref<640xf32, #tpu.memory_space<vmem>>, vector<16xf32>,
    %swap3A_186 = arith.constant 608 : index
    %swap3A_187 = tpu.vector_load %arg7[%swap3A_186] {strides = array<i32>} : memref<640xf32, #tpu.memory_space<vmem>>, vector<16xf32>,
    %swap3A_188 = vector.shape_cast %swap3A_187 : vector<16xf32> to vector<16xf32>
    %swap3A_189 = vector.shape_cast %broadcast_in_dim3A_2 : vector<16xf32> to vector<16xf32>
    tpu.vector_store %arg7[%swap3A_186], %swap3A_189 {strides = array<i32>} : memref<640xf32, #tpu.memory_space<vmem>>, vector<16xf32>,
    %swap3A_190 = arith.constant 624 : index
    %swap3A_191 = tpu.vector_load %arg7[%swap3A_190] {strides = array<i32>} : memref<640xf32, #tpu.memory_space<vmem>>, vector<16xf32>,
    %swap3A_192 = vector.shape_cast %swap3A_191 : vector<16xf32> to vector<16xf32>
    %swap3A_193 = vector.shape_cast %broadcast_in_dim3A_2 : vector<16xf32> to vector<16xf32>
    tpu.vector_store %arg7[%swap3A_190], %swap3A_193 {strides = array<i32>} : memref<640xf32, #tpu.memory_space<vmem>>, vector<16xf32>,
    %mul3A = arith.constant 640 : i32
    %mul3A_194 = arith.muli %arg1, %mul3A : i32
    "tpu.region"() ({
      %run_scoped3A = tpu.sem_alloc : memref<!tpu.dma_semaphore, #tpu.memory_space<semaphore_mem>>
      %dma_start3A = tpu.memref_slice %arg4[%mul3A_194] : memref<10240xf32, #tpu.memory_space<vmem_shared>> -> memref<640xf32, #tpu.memory_space<vmem_shared>>
      %dma_start3A_207 = tpu.memref_slice %arg4[%mul3A_194] : memref<10240xf32, #tpu.memory_space<vmem_shared>> -> memref<640xf32, #tpu.memory_space<vmem_shared>>
      tpu.enqueue_dma source(%arg7 : memref<640xf32, #tpu.memory_space<vmem>>) target(%dma_start3A_207 : memref<640xf32, #tpu.memory_space<vmem_shared>>) target_semaphore(%run_scoped3A : memref<!tpu.dma_semaphore, #tpu.memory_space<semaphore_mem>>)
      %dma_wait3A = tpu.memref_slice %arg4[%mul3A_194] : memref<10240xf32, #tpu.memory_space<vmem_shared>> -> memref<640xf32, #tpu.memory_space<vmem_shared>>
      %dma_wait3A_208 = tpu.memref_slice %arg4[%mul3A_194] : memref<10240xf32, #tpu.memory_space<vmem_shared>> -> memref<640xf32, #tpu.memory_space<vmem_shared>>
      tpu.wait_dma2 semaphore(%run_scoped3A : memref<!tpu.dma_semaphore, #tpu.memory_space<semaphore_mem>>) src(%arg7 : memref<640xf32, #tpu.memory_space<vmem>>) dst(%dma_wait3A_208 : memref<640xf32, #tpu.memory_space<vmem_shared>>)
      tpu.yield
    }) : () -> ()
    %mul3A_195 = arith.constant 80 : i32
    %mul3A_196 = arith.muli %arg0, %mul3A_195 : i32
    "tpu.region"() ({
      %run_scoped3A = tpu.sem_alloc : memref<!tpu.dma_semaphore, #tpu.memory_space<semaphore_mem>>
      %dma_start3A = arith.constant 0 : i32
      %dma_start3A_207 = tpu.memref_slice %arg2[%arg1, %mul3A_196, %dma_start3A] : memref<16x160x128xi32, #tpu.memory_space<hbm>> -> memref<1x80x128xi32, #tpu.memory_space<hbm>>
      %dma_start3A_208 = tpu.memref_squeeze %dma_start3A_207 : memref<1x80x128xi32, #tpu.memory_space<hbm>> -> memref<80x128xi32, #tpu.memory_space<hbm>>
      %dma_start3A_209 = arith.constant 0 : i32
      %dma_start3A_210 = tpu.memref_slice %arg2[%arg1, %mul3A_196, %dma_start3A_209] : memref<16x160x128xi32, #tpu.memory_space<hbm>> -> memref<1x80x128xi32, #tpu.memory_space<hbm>>
      %dma_start3A_211 = tpu.memref_squeeze %dma_start3A_210 : memref<1x80x128xi32, #tpu.memory_space<hbm>> -> memref<80x128xi32, #tpu.memory_space<hbm>>
      tpu.enqueue_dma source(%dma_start3A_211 : memref<80x128xi32, #tpu.memory_space<hbm>>) target(%arg5 : memref<80x128xi32, #tpu.memory_space<vmem>>) target_semaphore(%run_scoped3A : memref<!tpu.dma_semaphore, #tpu.memory_space<semaphore_mem>>)
      %dma_wait3A = arith.constant 0 : i32
      %dma_wait3A_212 = tpu.memref_slice %arg2[%arg1, %mul3A_196, %dma_wait3A] : memref<16x160x128xi32, #tpu.memory_space<hbm>> -> memref<1x80x128xi32, #tpu.memory_space<hbm>>
      %dma_wait3A_213 = tpu.memref_squeeze %dma_wait3A_212 : memref<1x80x128xi32, #tpu.memory_space<hbm>> -> memref<80x128xi32, #tpu.memory_space<hbm>>
      %dma_wait3A_214 = arith.constant 0 : i32
      %dma_wait3A_215 = tpu.memref_slice %arg2[%arg1, %mul3A_196, %dma_wait3A_214] : memref<16x160x128xi32, #tpu.memory_space<hbm>> -> memref<1x80x128xi32, #tpu.memory_space<hbm>>
      %dma_wait3A_216 = tpu.memref_squeeze %dma_wait3A_215 : memref<1x80x128xi32, #tpu.memory_space<hbm>> -> memref<80x128xi32, #tpu.memory_space<hbm>>
      tpu.wait_dma2 semaphore(%run_scoped3A : memref<!tpu.dma_semaphore, #tpu.memory_space<semaphore_mem>>) src(%dma_wait3A_216 : memref<80x128xi32, #tpu.memory_space<hbm>>) dst(%arg5 : memref<80x128xi32, #tpu.memory_space<vmem>>)
      tpu.yield
    }) : () -> ()
    %barrier3A = arith.constant 0 : index
    tpu.barrier barrier_id(%barrier3A)
    %scan3A = arith.constant 0 : i32
    %scan3A_197 = arith.constant 0 : i32
    %scan3A_198 = arith.constant 80 : i32
    %scan3A_199 = arith.addi %scan3A_197, %scan3A_198 : i32
    %scan3A_200 = arith.constant 1 : i32
    scf.for %scan3A_207 = %scan3A_197 to %scan3A_199 step %scan3A_200  : i32 {
      "tpu.region"() ({
        %run_scoped3A = tpu.sem_alloc : memref<!tpu.dma_semaphore, #tpu.memory_space<semaphore_mem>>
        %dma_start3A = arith.constant 0 : i32
        %dma_start3A_208 = tpu.memref_slice %arg5[%scan3A_207, %dma_start3A] : memref<80x128xi32, #tpu.memory_space<vmem>> -> memref<1x128xi32, #tpu.memory_space<vmem>>
        %dma_start3A_209 = tpu.memref_squeeze %dma_start3A_208 : memref<1x128xi32, #tpu.memory_space<vmem>> -> memref<128xi32, #tpu.memory_space<vmem>>
        %dma_start3A_210 = arith.constant 0 : i32
        %dma_start3A_211 = tpu.memref_slice %arg4[%dma_start3A_210] : memref<10240xf32, #tpu.memory_space<vmem_shared>> -> memref<10240xf32, #tpu.memory_space<vmem_shared>>
        tpu.enqueue_indirect_dma source(%arg6 : memref<128xf32, #tpu.memory_space<vmem>>) target(%dma_start3A_211 : memref<10240xf32, #tpu.memory_space<vmem_shared>>) offsets(%dma_start3A_209 : memref<128xi32, #tpu.memory_space<vmem>>) semaphore(%run_scoped3A : memref<!tpu.dma_semaphore, #tpu.memory_space<semaphore_mem>>) {add = true}
        %dma_wait3A = arith.constant 0 : i32
        %dma_wait3A_212 = tpu.memref_slice %arg5[%scan3A_207, %dma_wait3A] : memref<80x128xi32, #tpu.memory_space<vmem>> -> memref<1x128xi32, #tpu.memory_space<vmem>>
        %dma_wait3A_213 = tpu.memref_squeeze %dma_wait3A_212 : memref<1x128xi32, #tpu.memory_space<vmem>> -> memref<128xi32, #tpu.memory_space<vmem>>
        %dma_wait3A_214 = arith.constant 0 : i32
        %dma_wait3A_215 = tpu.memref_slice %arg4[%dma_wait3A_214] : memref<10240xf32, #tpu.memory_space<vmem_shared>> -> memref<10240xf32, #tpu.memory_space<vmem_shared>>
        tpu.wait_indirect_dma semaphore(%run_scoped3A : memref<!tpu.dma_semaphore, #tpu.memory_space<semaphore_mem>>) src(%arg6 : memref<128xf32, #tpu.memory_space<vmem>>) dst(%dma_wait3A_215 : memref<10240xf32, #tpu.memory_space<vmem_shared>>)
        tpu.yield
      }) : () -> ()
    }
    %scan3A_201 = arith.constant 80 : i32
    %barrier3A_202 = arith.constant 0 : index
    tpu.barrier barrier_id(%barrier3A_202)
    %mul3A_203 = arith.constant 640 : i32
    %mul3A_204 = arith.muli %arg1, %mul3A_203 : i32
    %mul3A_205 = arith.constant 640 : i32
    %mul3A_206 = arith.muli %arg1, %mul3A_205 : i32
    "tpu.region"() ({
      %run_scoped3A = tpu.sem_alloc : memref<!tpu.dma_semaphore, #tpu.memory_space<semaphore_mem>>
      %dma_start3A = tpu.memref_slice %arg3[%arg0, %mul3A_206] : memref<2x10240xf32, #tpu.memory_space<hbm>> -> memref<1x640xf32, #tpu.memory_space<hbm>>
      %dma_start3A_207 = tpu.memref_squeeze %dma_start3A : memref<1x640xf32, #tpu.memory_space<hbm>> -> memref<640xf32, #tpu.memory_space<hbm>>
      %dma_start3A_208 = tpu.memref_slice %arg4[%mul3A_204] : memref<10240xf32, #tpu.memory_space<vmem_shared>> -> memref<640xf32, #tpu.memory_space<vmem_shared>>
      tpu.enqueue_dma source(%dma_start3A_208 : memref<640xf32, #tpu.memory_space<vmem_shared>>) target(%dma_start3A_207 : memref<640xf32, #tpu.memory_space<hbm>>) target_semaphore(%run_scoped3A : memref<!tpu.dma_semaphore, #tpu.memory_space<semaphore_mem>>)
      %dma_wait3A = tpu.memref_slice %arg3[%arg0, %mul3A_206] : memref<2x10240xf32, #tpu.memory_space<hbm>> -> memref<1x640xf32, #tpu.memory_space<hbm>>
      %dma_wait3A_209 = tpu.memref_squeeze %dma_wait3A : memref<1x640xf32, #tpu.memory_space<hbm>> -> memref<640xf32, #tpu.memory_space<hbm>>
      %dma_wait3A_210 = tpu.memref_slice %arg4[%mul3A_204] : memref<10240xf32, #tpu.memory_space<vmem_shared>> -> memref<640xf32, #tpu.memory_space<vmem_shared>>
      tpu.wait_dma2 semaphore(%run_scoped3A : memref<!tpu.dma_semaphore, #tpu.memory_space<semaphore_mem>>) src(%dma_wait3A_210 : memref<640xf32, #tpu.memory_space<vmem_shared>>) dst(%dma_wait3A_209 : memref<640xf32, #tpu.memory_space<hbm>>)
      tpu.yield
    }) : () -> ()
    return
  }
}

#map = affine_map<(d0, d1) -> (0, 0)>
#map1 = affine_map<(d0, d1) -> (0, 0, 0)>
module attributes {stable_mosaic.version = 14 : i64} {
  func.func @_scatter_kernel(%arg0: i32, %arg1: i32, %arg2: memref<10000x128xf32, #tpu.memory_space<hbm>>, %arg3: memref<16x160x128xi32, #tpu.memory_space<hbm>>, %arg4: memref<16x160x128xi32, #tpu.memory_space<hbm>>, %arg5: memref<2x10240x128xf32, #tpu.memory_space<hbm>>, %arg6: memref<10240x128xf32, #tpu.memory_space<vmem_shared>>, %arg7: memref<2x128x128xf32, #tpu.memory_space<vmem>>, %arg8: memref<32x128xi32, #tpu.memory_space<vmem>>, %arg9: memref<32x128xi32, #tpu.memory_space<vmem>>, %arg10: memref<32x128xf32, #tpu.memory_space<vmem>>, %arg11: memref<!tpu.dma_semaphore, #tpu.memory_space<semaphore_mem>>, %arg12: memref<!tpu.dma_semaphore, #tpu.memory_space<semaphore_mem>>) attributes {dimension_semantics = [#tpu.dimension_semantics<core_parallel>, #tpu.dimension_semantics<subcore_parallel>], iteration_bounds = array<i64: 2, 16>, scalar_prefetch = 0 : i64, scratch_operands = 7 : i64, tpu.core_type = #tpu.core_type<sc_vector_subcore>, window_params = [{transform_indices = #map}, {transform_indices = #map1}, {transform_indices = #map1}, {transform_indices = #map1}]} {
    %broadcast_in_dim3A = arith.constant 0.000000e+00 : f32
    %broadcast_in_dim3A_0 = vector.broadcast %broadcast_in_dim3A : f32 to vector<16xf32>
    %scan3A = arith.constant 0 : i32
    %scan3A_1 = arith.constant 0 : i32
    %scan3A_2 = arith.constant 32 : i32
    %scan3A_3 = arith.addi %scan3A_1, %scan3A_2 : i32
    %scan3A_4 = arith.constant 1 : i32
    scf.for %scan3A_96 = %scan3A_1 to %scan3A_3 step %scan3A_4  : i32 {
      %swap3A = arith.index_cast %scan3A_96 : i32 to index
      %swap3A_97 = arith.constant 0 : index
      %swap3A_98 = tpu.vector_load %arg10[%swap3A, %swap3A_97] {strides = array<i32>} : memref<32x128xf32, #tpu.memory_space<vmem>>, vector<1x16xf32>,
      %swap3A_99 = vector.shape_cast %swap3A_98 : vector<1x16xf32> to vector<16xf32>
      %swap3A_100 = vector.shape_cast %broadcast_in_dim3A_0 : vector<16xf32> to vector<1x16xf32>
      tpu.vector_store %arg10[%swap3A, %swap3A_97], %swap3A_100 {strides = array<i32>} : memref<32x128xf32, #tpu.memory_space<vmem>>, vector<1x16xf32>,
      %swap3A_101 = arith.index_cast %scan3A_96 : i32 to index
      %swap3A_102 = arith.constant 16 : index
      %swap3A_103 = tpu.vector_load %arg10[%swap3A_101, %swap3A_102] {strides = array<i32>} : memref<32x128xf32, #tpu.memory_space<vmem>>, vector<1x16xf32>,
      %swap3A_104 = vector.shape_cast %swap3A_103 : vector<1x16xf32> to vector<16xf32>
      %swap3A_105 = vector.shape_cast %broadcast_in_dim3A_0 : vector<16xf32> to vector<1x16xf32>
      tpu.vector_store %arg10[%swap3A_101, %swap3A_102], %swap3A_105 {strides = array<i32>} : memref<32x128xf32, #tpu.memory_space<vmem>>, vector<1x16xf32>,
      %swap3A_106 = arith.index_cast %scan3A_96 : i32 to index
      %swap3A_107 = arith.constant 32 : index
      %swap3A_108 = tpu.vector_load %arg10[%swap3A_106, %swap3A_107] {strides = array<i32>} : memref<32x128xf32, #tpu.memory_space<vmem>>, vector<1x16xf32>,
      %swap3A_109 = vector.shape_cast %swap3A_108 : vector<1x16xf32> to vector<16xf32>
      %swap3A_110 = vector.shape_cast %broadcast_in_dim3A_0 : vector<16xf32> to vector<1x16xf32>
      tpu.vector_store %arg10[%swap3A_106, %swap3A_107], %swap3A_110 {strides = array<i32>} : memref<32x128xf32, #tpu.memory_space<vmem>>, vector<1x16xf32>,
      %swap3A_111 = arith.index_cast %scan3A_96 : i32 to index
      %swap3A_112 = arith.constant 48 : index
      %swap3A_113 = tpu.vector_load %arg10[%swap3A_111, %swap3A_112] {strides = array<i32>} : memref<32x128xf32, #tpu.memory_space<vmem>>, vector<1x16xf32>,
      %swap3A_114 = vector.shape_cast %swap3A_113 : vector<1x16xf32> to vector<16xf32>
      %swap3A_115 = vector.shape_cast %broadcast_in_dim3A_0 : vector<16xf32> to vector<1x16xf32>
      tpu.vector_store %arg10[%swap3A_111, %swap3A_112], %swap3A_115 {strides = array<i32>} : memref<32x128xf32, #tpu.memory_space<vmem>>, vector<1x16xf32>,
      %swap3A_116 = arith.index_cast %scan3A_96 : i32 to index
      %swap3A_117 = arith.constant 64 : index
      %swap3A_118 = tpu.vector_load %arg10[%swap3A_116, %swap3A_117] {strides = array<i32>} : memref<32x128xf32, #tpu.memory_space<vmem>>, vector<1x16xf32>,
      %swap3A_119 = vector.shape_cast %swap3A_118 : vector<1x16xf32> to vector<16xf32>
      %swap3A_120 = vector.shape_cast %broadcast_in_dim3A_0 : vector<16xf32> to vector<1x16xf32>
      tpu.vector_store %arg10[%swap3A_116, %swap3A_117], %swap3A_120 {strides = array<i32>} : memref<32x128xf32, #tpu.memory_space<vmem>>, vector<1x16xf32>,
      %swap3A_121 = arith.index_cast %scan3A_96 : i32 to index
      %swap3A_122 = arith.constant 80 : index
      %swap3A_123 = tpu.vector_load %arg10[%swap3A_121, %swap3A_122] {strides = array<i32>} : memref<32x128xf32, #tpu.memory_space<vmem>>, vector<1x16xf32>,
      %swap3A_124 = vector.shape_cast %swap3A_123 : vector<1x16xf32> to vector<16xf32>
      %swap3A_125 = vector.shape_cast %broadcast_in_dim3A_0 : vector<16xf32> to vector<1x16xf32>
      tpu.vector_store %arg10[%swap3A_121, %swap3A_122], %swap3A_125 {strides = array<i32>} : memref<32x128xf32, #tpu.memory_space<vmem>>, vector<1x16xf32>,
      %swap3A_126 = arith.index_cast %scan3A_96 : i32 to index
      %swap3A_127 = arith.constant 96 : index
      %swap3A_128 = tpu.vector_load %arg10[%swap3A_126, %swap3A_127] {strides = array<i32>} : memref<32x128xf32, #tpu.memory_space<vmem>>, vector<1x16xf32>,
      %swap3A_129 = vector.shape_cast %swap3A_128 : vector<1x16xf32> to vector<16xf32>
      %swap3A_130 = vector.shape_cast %broadcast_in_dim3A_0 : vector<16xf32> to vector<1x16xf32>
      tpu.vector_store %arg10[%swap3A_126, %swap3A_127], %swap3A_130 {strides = array<i32>} : memref<32x128xf32, #tpu.memory_space<vmem>>, vector<1x16xf32>,
      %swap3A_131 = arith.index_cast %scan3A_96 : i32 to index
      %swap3A_132 = arith.constant 112 : index
      %swap3A_133 = tpu.vector_load %arg10[%swap3A_131, %swap3A_132] {strides = array<i32>} : memref<32x128xf32, #tpu.memory_space<vmem>>, vector<1x16xf32>,
      %swap3A_134 = vector.shape_cast %swap3A_133 : vector<1x16xf32> to vector<16xf32>
      %swap3A_135 = vector.shape_cast %broadcast_in_dim3A_0 : vector<16xf32> to vector<1x16xf32>
      tpu.vector_store %arg10[%swap3A_131, %swap3A_132], %swap3A_135 {strides = array<i32>} : memref<32x128xf32, #tpu.memory_space<vmem>>, vector<1x16xf32>,
    }
    %scan3A_5 = arith.constant 32 : i32
    %mul3A = arith.constant 640 : i32
    %mul3A_6 = arith.muli %arg1, %mul3A : i32
    %add3A = arith.constant 0 : i32
    %add3A_7 = arith.addi %mul3A_6, %add3A : i32
    "tpu.region"() ({
      %run_scoped3A = tpu.sem_alloc : memref<!tpu.dma_semaphore, #tpu.memory_space<semaphore_mem>>
      %dma_start3A = arith.constant 0 : i32
      %dma_start3A_96 = tpu.memref_slice %arg6[%add3A_7, %dma_start3A] : memref<10240x128xf32, #tpu.memory_space<vmem_shared>> -> memref<32x128xf32, #tpu.memory_space<vmem_shared>>
      %dma_start3A_97 = arith.constant 0 : i32
      %dma_start3A_98 = tpu.memref_slice %arg6[%add3A_7, %dma_start3A_97] : memref<10240x128xf32, #tpu.memory_space<vmem_shared>> -> memref<32x128xf32, #tpu.memory_space<vmem_shared>>
      tpu.enqueue_dma source(%arg10 : memref<32x128xf32, #tpu.memory_space<vmem>>) target(%dma_start3A_98 : memref<32x128xf32, #tpu.memory_space<vmem_shared>>) target_semaphore(%run_scoped3A : memref<!tpu.dma_semaphore, #tpu.memory_space<semaphore_mem>>)
      %dma_wait3A = arith.constant 0 : i32
      %dma_wait3A_99 = tpu.memref_slice %arg6[%add3A_7, %dma_wait3A] : memref<10240x128xf32, #tpu.memory_space<vmem_shared>> -> memref<32x128xf32, #tpu.memory_space<vmem_shared>>
      %dma_wait3A_100 = arith.constant 0 : i32
      %dma_wait3A_101 = tpu.memref_slice %arg6[%add3A_7, %dma_wait3A_100] : memref<10240x128xf32, #tpu.memory_space<vmem_shared>> -> memref<32x128xf32, #tpu.memory_space<vmem_shared>>
      tpu.wait_dma2 semaphore(%run_scoped3A : memref<!tpu.dma_semaphore, #tpu.memory_space<semaphore_mem>>) src(%arg10 : memref<32x128xf32, #tpu.memory_space<vmem>>) dst(%dma_wait3A_101 : memref<32x128xf32, #tpu.memory_space<vmem_shared>>)
      tpu.yield
    }) : () -> ()
    %mul3A_8 = arith.constant 640 : i32
    %mul3A_9 = arith.muli %arg1, %mul3A_8 : i32
    %add3A_10 = arith.constant 32 : i32
    %add3A_11 = arith.addi %mul3A_9, %add3A_10 : i32
    "tpu.region"() ({
      %run_scoped3A = tpu.sem_alloc : memref<!tpu.dma_semaphore, #tpu.memory_space<semaphore_mem>>
      %dma_start3A = arith.constant 0 : i32
      %dma_start3A_96 = tpu.memref_slice %arg6[%add3A_11, %dma_start3A] : memref<10240x128xf32, #tpu.memory_space<vmem_shared>> -> memref<32x128xf32, #tpu.memory_space<vmem_shared>>
      %dma_start3A_97 = arith.constant 0 : i32
      %dma_start3A_98 = tpu.memref_slice %arg6[%add3A_11, %dma_start3A_97] : memref<10240x128xf32, #tpu.memory_space<vmem_shared>> -> memref<32x128xf32, #tpu.memory_space<vmem_shared>>
      tpu.enqueue_dma source(%arg10 : memref<32x128xf32, #tpu.memory_space<vmem>>) target(%dma_start3A_98 : memref<32x128xf32, #tpu.memory_space<vmem_shared>>) target_semaphore(%run_scoped3A : memref<!tpu.dma_semaphore, #tpu.memory_space<semaphore_mem>>)
      %dma_wait3A = arith.constant 0 : i32
      %dma_wait3A_99 = tpu.memref_slice %arg6[%add3A_11, %dma_wait3A] : memref<10240x128xf32, #tpu.memory_space<vmem_shared>> -> memref<32x128xf32, #tpu.memory_space<vmem_shared>>
      %dma_wait3A_100 = arith.constant 0 : i32
      %dma_wait3A_101 = tpu.memref_slice %arg6[%add3A_11, %dma_wait3A_100] : memref<10240x128xf32, #tpu.memory_space<vmem_shared>> -> memref<32x128xf32, #tpu.memory_space<vmem_shared>>
      tpu.wait_dma2 semaphore(%run_scoped3A : memref<!tpu.dma_semaphore, #tpu.memory_space<semaphore_mem>>) src(%arg10 : memref<32x128xf32, #tpu.memory_space<vmem>>) dst(%dma_wait3A_101 : memref<32x128xf32, #tpu.memory_space<vmem_shared>>)
      tpu.yield
    }) : () -> ()
    %mul3A_12 = arith.constant 640 : i32
    %mul3A_13 = arith.muli %arg1, %mul3A_12 : i32
    %add3A_14 = arith.constant 64 : i32
    %add3A_15 = arith.addi %mul3A_13, %add3A_14 : i32
    "tpu.region"() ({
      %run_scoped3A = tpu.sem_alloc : memref<!tpu.dma_semaphore, #tpu.memory_space<semaphore_mem>>
      %dma_start3A = arith.constant 0 : i32
      %dma_start3A_96 = tpu.memref_slice %arg6[%add3A_15, %dma_start3A] : memref<10240x128xf32, #tpu.memory_space<vmem_shared>> -> memref<32x128xf32, #tpu.memory_space<vmem_shared>>
      %dma_start3A_97 = arith.constant 0 : i32
      %dma_start3A_98 = tpu.memref_slice %arg6[%add3A_15, %dma_start3A_97] : memref<10240x128xf32, #tpu.memory_space<vmem_shared>> -> memref<32x128xf32, #tpu.memory_space<vmem_shared>>
      tpu.enqueue_dma source(%arg10 : memref<32x128xf32, #tpu.memory_space<vmem>>) target(%dma_start3A_98 : memref<32x128xf32, #tpu.memory_space<vmem_shared>>) target_semaphore(%run_scoped3A : memref<!tpu.dma_semaphore, #tpu.memory_space<semaphore_mem>>)
      %dma_wait3A = arith.constant 0 : i32
      %dma_wait3A_99 = tpu.memref_slice %arg6[%add3A_15, %dma_wait3A] : memref<10240x128xf32, #tpu.memory_space<vmem_shared>> -> memref<32x128xf32, #tpu.memory_space<vmem_shared>>
      %dma_wait3A_100 = arith.constant 0 : i32
      %dma_wait3A_101 = tpu.memref_slice %arg6[%add3A_15, %dma_wait3A_100] : memref<10240x128xf32, #tpu.memory_space<vmem_shared>> -> memref<32x128xf32, #tpu.memory_space<vmem_shared>>
      tpu.wait_dma2 semaphore(%run_scoped3A : memref<!tpu.dma_semaphore, #tpu.memory_space<semaphore_mem>>) src(%arg10 : memref<32x128xf32, #tpu.memory_space<vmem>>) dst(%dma_wait3A_101 : memref<32x128xf32, #tpu.memory_space<vmem_shared>>)
      tpu.yield
    }) : () -> ()
    %mul3A_16 = arith.constant 640 : i32
    %mul3A_17 = arith.muli %arg1, %mul3A_16 : i32
    %add3A_18 = arith.constant 96 : i32
    %add3A_19 = arith.addi %mul3A_17, %add3A_18 : i32
    "tpu.region"() ({
      %run_scoped3A = tpu.sem_alloc : memref<!tpu.dma_semaphore, #tpu.memory_space<semaphore_mem>>
      %dma_start3A = arith.constant 0 : i32
      %dma_start3A_96 = tpu.memref_slice %arg6[%add3A_19, %dma_start3A] : memref<10240x128xf32, #tpu.memory_space<vmem_shared>> -> memref<32x128xf32, #tpu.memory_space<vmem_shared>>
      %dma_start3A_97 = arith.constant 0 : i32
      %dma_start3A_98 = tpu.memref_slice %arg6[%add3A_19, %dma_start3A_97] : memref<10240x128xf32, #tpu.memory_space<vmem_shared>> -> memref<32x128xf32, #tpu.memory_space<vmem_shared>>
      tpu.enqueue_dma source(%arg10 : memref<32x128xf32, #tpu.memory_space<vmem>>) target(%dma_start3A_98 : memref<32x128xf32, #tpu.memory_space<vmem_shared>>) target_semaphore(%run_scoped3A : memref<!tpu.dma_semaphore, #tpu.memory_space<semaphore_mem>>)
      %dma_wait3A = arith.constant 0 : i32
      %dma_wait3A_99 = tpu.memref_slice %arg6[%add3A_19, %dma_wait3A] : memref<10240x128xf32, #tpu.memory_space<vmem_shared>> -> memref<32x128xf32, #tpu.memory_space<vmem_shared>>
      %dma_wait3A_100 = arith.constant 0 : i32
      %dma_wait3A_101 = tpu.memref_slice %arg6[%add3A_19, %dma_wait3A_100] : memref<10240x128xf32, #tpu.memory_space<vmem_shared>> -> memref<32x128xf32, #tpu.memory_space<vmem_shared>>
      tpu.wait_dma2 semaphore(%run_scoped3A : memref<!tpu.dma_semaphore, #tpu.memory_space<semaphore_mem>>) src(%arg10 : memref<32x128xf32, #tpu.memory_space<vmem>>) dst(%dma_wait3A_101 : memref<32x128xf32, #tpu.memory_space<vmem_shared>>)
      tpu.yield
    }) : () -> ()
    %mul3A_20 = arith.constant 640 : i32
    %mul3A_21 = arith.muli %arg1, %mul3A_20 : i32
    %add3A_22 = arith.constant 128 : i32
    %add3A_23 = arith.addi %mul3A_21, %add3A_22 : i32
    "tpu.region"() ({
      %run_scoped3A = tpu.sem_alloc : memref<!tpu.dma_semaphore, #tpu.memory_space<semaphore_mem>>
      %dma_start3A = arith.constant 0 : i32
      %dma_start3A_96 = tpu.memref_slice %arg6[%add3A_23, %dma_start3A] : memref<10240x128xf32, #tpu.memory_space<vmem_shared>> -> memref<32x128xf32, #tpu.memory_space<vmem_shared>>
      %dma_start3A_97 = arith.constant 0 : i32
      %dma_start3A_98 = tpu.memref_slice %arg6[%add3A_23, %dma_start3A_97] : memref<10240x128xf32, #tpu.memory_space<vmem_shared>> -> memref<32x128xf32, #tpu.memory_space<vmem_shared>>
      tpu.enqueue_dma source(%arg10 : memref<32x128xf32, #tpu.memory_space<vmem>>) target(%dma_start3A_98 : memref<32x128xf32, #tpu.memory_space<vmem_shared>>) target_semaphore(%run_scoped3A : memref<!tpu.dma_semaphore, #tpu.memory_space<semaphore_mem>>)
      %dma_wait3A = arith.constant 0 : i32
      %dma_wait3A_99 = tpu.memref_slice %arg6[%add3A_23, %dma_wait3A] : memref<10240x128xf32, #tpu.memory_space<vmem_shared>> -> memref<32x128xf32, #tpu.memory_space<vmem_shared>>
      %dma_wait3A_100 = arith.constant 0 : i32
      %dma_wait3A_101 = tpu.memref_slice %arg6[%add3A_23, %dma_wait3A_100] : memref<10240x128xf32, #tpu.memory_space<vmem_shared>> -> memref<32x128xf32, #tpu.memory_space<vmem_shared>>
      tpu.wait_dma2 semaphore(%run_scoped3A : memref<!tpu.dma_semaphore, #tpu.memory_space<semaphore_mem>>) src(%arg10 : memref<32x128xf32, #tpu.memory_space<vmem>>) dst(%dma_wait3A_101 : memref<32x128xf32, #tpu.memory_space<vmem_shared>>)
      tpu.yield
    }) : () -> ()
    %mul3A_24 = arith.constant 640 : i32
    %mul3A_25 = arith.muli %arg1, %mul3A_24 : i32
    %add3A_26 = arith.constant 160 : i32
    %add3A_27 = arith.addi %mul3A_25, %add3A_26 : i32
    "tpu.region"() ({
      %run_scoped3A = tpu.sem_alloc : memref<!tpu.dma_semaphore, #tpu.memory_space<semaphore_mem>>
      %dma_start3A = arith.constant 0 : i32
      %dma_start3A_96 = tpu.memref_slice %arg6[%add3A_27, %dma_start3A] : memref<10240x128xf32, #tpu.memory_space<vmem_shared>> -> memref<32x128xf32, #tpu.memory_space<vmem_shared>>
      %dma_start3A_97 = arith.constant 0 : i32
      %dma_start3A_98 = tpu.memref_slice %arg6[%add3A_27, %dma_start3A_97] : memref<10240x128xf32, #tpu.memory_space<vmem_shared>> -> memref<32x128xf32, #tpu.memory_space<vmem_shared>>
      tpu.enqueue_dma source(%arg10 : memref<32x128xf32, #tpu.memory_space<vmem>>) target(%dma_start3A_98 : memref<32x128xf32, #tpu.memory_space<vmem_shared>>) target_semaphore(%run_scoped3A : memref<!tpu.dma_semaphore, #tpu.memory_space<semaphore_mem>>)
      %dma_wait3A = arith.constant 0 : i32
      %dma_wait3A_99 = tpu.memref_slice %arg6[%add3A_27, %dma_wait3A] : memref<10240x128xf32, #tpu.memory_space<vmem_shared>> -> memref<32x128xf32, #tpu.memory_space<vmem_shared>>
      %dma_wait3A_100 = arith.constant 0 : i32
      %dma_wait3A_101 = tpu.memref_slice %arg6[%add3A_27, %dma_wait3A_100] : memref<10240x128xf32, #tpu.memory_space<vmem_shared>> -> memref<32x128xf32, #tpu.memory_space<vmem_shared>>
      tpu.wait_dma2 semaphore(%run_scoped3A : memref<!tpu.dma_semaphore, #tpu.memory_space<semaphore_mem>>) src(%arg10 : memref<32x128xf32, #tpu.memory_space<vmem>>) dst(%dma_wait3A_101 : memref<32x128xf32, #tpu.memory_space<vmem_shared>>)
      tpu.yield
    }) : () -> ()
    %mul3A_28 = arith.constant 640 : i32
    %mul3A_29 = arith.muli %arg1, %mul3A_28 : i32
    %add3A_30 = arith.constant 192 : i32
    %add3A_31 = arith.addi %mul3A_29, %add3A_30 : i32
    "tpu.region"() ({
      %run_scoped3A = tpu.sem_alloc : memref<!tpu.dma_semaphore, #tpu.memory_space<semaphore_mem>>
      %dma_start3A = arith.constant 0 : i32
      %dma_start3A_96 = tpu.memref_slice %arg6[%add3A_31, %dma_start3A] : memref<10240x128xf32, #tpu.memory_space<vmem_shared>> -> memref<32x128xf32, #tpu.memory_space<vmem_shared>>
      %dma_start3A_97 = arith.constant 0 : i32
      %dma_start3A_98 = tpu.memref_slice %arg6[%add3A_31, %dma_start3A_97] : memref<10240x128xf32, #tpu.memory_space<vmem_shared>> -> memref<32x128xf32, #tpu.memory_space<vmem_shared>>
      tpu.enqueue_dma source(%arg10 : memref<32x128xf32, #tpu.memory_space<vmem>>) target(%dma_start3A_98 : memref<32x128xf32, #tpu.memory_space<vmem_shared>>) target_semaphore(%run_scoped3A : memref<!tpu.dma_semaphore, #tpu.memory_space<semaphore_mem>>)
      %dma_wait3A = arith.constant 0 : i32
      %dma_wait3A_99 = tpu.memref_slice %arg6[%add3A_31, %dma_wait3A] : memref<10240x128xf32, #tpu.memory_space<vmem_shared>> -> memref<32x128xf32, #tpu.memory_space<vmem_shared>>
      %dma_wait3A_100 = arith.constant 0 : i32
      %dma_wait3A_101 = tpu.memref_slice %arg6[%add3A_31, %dma_wait3A_100] : memref<10240x128xf32, #tpu.memory_space<vmem_shared>> -> memref<32x128xf32, #tpu.memory_space<vmem_shared>>
      tpu.wait_dma2 semaphore(%run_scoped3A : memref<!tpu.dma_semaphore, #tpu.memory_space<semaphore_mem>>) src(%arg10 : memref<32x128xf32, #tpu.memory_space<vmem>>) dst(%dma_wait3A_101 : memref<32x128xf32, #tpu.memory_space<vmem_shared>>)
      tpu.yield
    }) : () -> ()
    %mul3A_32 = arith.constant 640 : i32
    %mul3A_33 = arith.muli %arg1, %mul3A_32 : i32
    %add3A_34 = arith.constant 224 : i32
    %add3A_35 = arith.addi %mul3A_33, %add3A_34 : i32
    "tpu.region"() ({
      %run_scoped3A = tpu.sem_alloc : memref<!tpu.dma_semaphore, #tpu.memory_space<semaphore_mem>>
      %dma_start3A = arith.constant 0 : i32
      %dma_start3A_96 = tpu.memref_slice %arg6[%add3A_35, %dma_start3A] : memref<10240x128xf32, #tpu.memory_space<vmem_shared>> -> memref<32x128xf32, #tpu.memory_space<vmem_shared>>
      %dma_start3A_97 = arith.constant 0 : i32
      %dma_start3A_98 = tpu.memref_slice %arg6[%add3A_35, %dma_start3A_97] : memref<10240x128xf32, #tpu.memory_space<vmem_shared>> -> memref<32x128xf32, #tpu.memory_space<vmem_shared>>
      tpu.enqueue_dma source(%arg10 : memref<32x128xf32, #tpu.memory_space<vmem>>) target(%dma_start3A_98 : memref<32x128xf32, #tpu.memory_space<vmem_shared>>) target_semaphore(%run_scoped3A : memref<!tpu.dma_semaphore, #tpu.memory_space<semaphore_mem>>)
      %dma_wait3A = arith.constant 0 : i32
      %dma_wait3A_99 = tpu.memref_slice %arg6[%add3A_35, %dma_wait3A] : memref<10240x128xf32, #tpu.memory_space<vmem_shared>> -> memref<32x128xf32, #tpu.memory_space<vmem_shared>>
      %dma_wait3A_100 = arith.constant 0 : i32
      %dma_wait3A_101 = tpu.memref_slice %arg6[%add3A_35, %dma_wait3A_100] : memref<10240x128xf32, #tpu.memory_space<vmem_shared>> -> memref<32x128xf32, #tpu.memory_space<vmem_shared>>
      tpu.wait_dma2 semaphore(%run_scoped3A : memref<!tpu.dma_semaphore, #tpu.memory_space<semaphore_mem>>) src(%arg10 : memref<32x128xf32, #tpu.memory_space<vmem>>) dst(%dma_wait3A_101 : memref<32x128xf32, #tpu.memory_space<vmem_shared>>)
      tpu.yield
    }) : () -> ()
    %mul3A_36 = arith.constant 640 : i32
    %mul3A_37 = arith.muli %arg1, %mul3A_36 : i32
    %add3A_38 = arith.constant 256 : i32
    %add3A_39 = arith.addi %mul3A_37, %add3A_38 : i32
    "tpu.region"() ({
      %run_scoped3A = tpu.sem_alloc : memref<!tpu.dma_semaphore, #tpu.memory_space<semaphore_mem>>
      %dma_start3A = arith.constant 0 : i32
      %dma_start3A_96 = tpu.memref_slice %arg6[%add3A_39, %dma_start3A] : memref<10240x128xf32, #tpu.memory_space<vmem_shared>> -> memref<32x128xf32, #tpu.memory_space<vmem_shared>>
      %dma_start3A_97 = arith.constant 0 : i32
      %dma_start3A_98 = tpu.memref_slice %arg6[%add3A_39, %dma_start3A_97] : memref<10240x128xf32, #tpu.memory_space<vmem_shared>> -> memref<32x128xf32, #tpu.memory_space<vmem_shared>>
      tpu.enqueue_dma source(%arg10 : memref<32x128xf32, #tpu.memory_space<vmem>>) target(%dma_start3A_98 : memref<32x128xf32, #tpu.memory_space<vmem_shared>>) target_semaphore(%run_scoped3A : memref<!tpu.dma_semaphore, #tpu.memory_space<semaphore_mem>>)
      %dma_wait3A = arith.constant 0 : i32
      %dma_wait3A_99 = tpu.memref_slice %arg6[%add3A_39, %dma_wait3A] : memref<10240x128xf32, #tpu.memory_space<vmem_shared>> -> memref<32x128xf32, #tpu.memory_space<vmem_shared>>
      %dma_wait3A_100 = arith.constant 0 : i32
      %dma_wait3A_101 = tpu.memref_slice %arg6[%add3A_39, %dma_wait3A_100] : memref<10240x128xf32, #tpu.memory_space<vmem_shared>> -> memref<32x128xf32, #tpu.memory_space<vmem_shared>>
      tpu.wait_dma2 semaphore(%run_scoped3A : memref<!tpu.dma_semaphore, #tpu.memory_space<semaphore_mem>>) src(%arg10 : memref<32x128xf32, #tpu.memory_space<vmem>>) dst(%dma_wait3A_101 : memref<32x128xf32, #tpu.memory_space<vmem_shared>>)
      tpu.yield
    }) : () -> ()
    %mul3A_40 = arith.constant 640 : i32
    %mul3A_41 = arith.muli %arg1, %mul3A_40 : i32
    %add3A_42 = arith.constant 288 : i32
    %add3A_43 = arith.addi %mul3A_41, %add3A_42 : i32
    "tpu.region"() ({
      %run_scoped3A = tpu.sem_alloc : memref<!tpu.dma_semaphore, #tpu.memory_space<semaphore_mem>>
      %dma_start3A = arith.constant 0 : i32
      %dma_start3A_96 = tpu.memref_slice %arg6[%add3A_43, %dma_start3A] : memref<10240x128xf32, #tpu.memory_space<vmem_shared>> -> memref<32x128xf32, #tpu.memory_space<vmem_shared>>
      %dma_start3A_97 = arith.constant 0 : i32
      %dma_start3A_98 = tpu.memref_slice %arg6[%add3A_43, %dma_start3A_97] : memref<10240x128xf32, #tpu.memory_space<vmem_shared>> -> memref<32x128xf32, #tpu.memory_space<vmem_shared>>
      tpu.enqueue_dma source(%arg10 : memref<32x128xf32, #tpu.memory_space<vmem>>) target(%dma_start3A_98 : memref<32x128xf32, #tpu.memory_space<vmem_shared>>) target_semaphore(%run_scoped3A : memref<!tpu.dma_semaphore, #tpu.memory_space<semaphore_mem>>)
      %dma_wait3A = arith.constant 0 : i32
      %dma_wait3A_99 = tpu.memref_slice %arg6[%add3A_43, %dma_wait3A] : memref<10240x128xf32, #tpu.memory_space<vmem_shared>> -> memref<32x128xf32, #tpu.memory_space<vmem_shared>>
      %dma_wait3A_100 = arith.constant 0 : i32
      %dma_wait3A_101 = tpu.memref_slice %arg6[%add3A_43, %dma_wait3A_100] : memref<10240x128xf32, #tpu.memory_space<vmem_shared>> -> memref<32x128xf32, #tpu.memory_space<vmem_shared>>
      tpu.wait_dma2 semaphore(%run_scoped3A : memref<!tpu.dma_semaphore, #tpu.memory_space<semaphore_mem>>) src(%arg10 : memref<32x128xf32, #tpu.memory_space<vmem>>) dst(%dma_wait3A_101 : memref<32x128xf32, #tpu.memory_space<vmem_shared>>)
      tpu.yield
    }) : () -> ()
    %mul3A_44 = arith.constant 640 : i32
    %mul3A_45 = arith.muli %arg1, %mul3A_44 : i32
    %add3A_46 = arith.constant 320 : i32
    %add3A_47 = arith.addi %mul3A_45, %add3A_46 : i32
    "tpu.region"() ({
      %run_scoped3A = tpu.sem_alloc : memref<!tpu.dma_semaphore, #tpu.memory_space<semaphore_mem>>
      %dma_start3A = arith.constant 0 : i32
      %dma_start3A_96 = tpu.memref_slice %arg6[%add3A_47, %dma_start3A] : memref<10240x128xf32, #tpu.memory_space<vmem_shared>> -> memref<32x128xf32, #tpu.memory_space<vmem_shared>>
      %dma_start3A_97 = arith.constant 0 : i32
      %dma_start3A_98 = tpu.memref_slice %arg6[%add3A_47, %dma_start3A_97] : memref<10240x128xf32, #tpu.memory_space<vmem_shared>> -> memref<32x128xf32, #tpu.memory_space<vmem_shared>>
      tpu.enqueue_dma source(%arg10 : memref<32x128xf32, #tpu.memory_space<vmem>>) target(%dma_start3A_98 : memref<32x128xf32, #tpu.memory_space<vmem_shared>>) target_semaphore(%run_scoped3A : memref<!tpu.dma_semaphore, #tpu.memory_space<semaphore_mem>>)
      %dma_wait3A = arith.constant 0 : i32
      %dma_wait3A_99 = tpu.memref_slice %arg6[%add3A_47, %dma_wait3A] : memref<10240x128xf32, #tpu.memory_space<vmem_shared>> -> memref<32x128xf32, #tpu.memory_space<vmem_shared>>
      %dma_wait3A_100 = arith.constant 0 : i32
      %dma_wait3A_101 = tpu.memref_slice %arg6[%add3A_47, %dma_wait3A_100] : memref<10240x128xf32, #tpu.memory_space<vmem_shared>> -> memref<32x128xf32, #tpu.memory_space<vmem_shared>>
      tpu.wait_dma2 semaphore(%run_scoped3A : memref<!tpu.dma_semaphore, #tpu.memory_space<semaphore_mem>>) src(%arg10 : memref<32x128xf32, #tpu.memory_space<vmem>>) dst(%dma_wait3A_101 : memref<32x128xf32, #tpu.memory_space<vmem_shared>>)
      tpu.yield
    }) : () -> ()
    %mul3A_48 = arith.constant 640 : i32
    %mul3A_49 = arith.muli %arg1, %mul3A_48 : i32
    %add3A_50 = arith.constant 352 : i32
    %add3A_51 = arith.addi %mul3A_49, %add3A_50 : i32
    "tpu.region"() ({
      %run_scoped3A = tpu.sem_alloc : memref<!tpu.dma_semaphore, #tpu.memory_space<semaphore_mem>>
      %dma_start3A = arith.constant 0 : i32
      %dma_start3A_96 = tpu.memref_slice %arg6[%add3A_51, %dma_start3A] : memref<10240x128xf32, #tpu.memory_space<vmem_shared>> -> memref<32x128xf32, #tpu.memory_space<vmem_shared>>
      %dma_start3A_97 = arith.constant 0 : i32
      %dma_start3A_98 = tpu.memref_slice %arg6[%add3A_51, %dma_start3A_97] : memref<10240x128xf32, #tpu.memory_space<vmem_shared>> -> memref<32x128xf32, #tpu.memory_space<vmem_shared>>
      tpu.enqueue_dma source(%arg10 : memref<32x128xf32, #tpu.memory_space<vmem>>) target(%dma_start3A_98 : memref<32x128xf32, #tpu.memory_space<vmem_shared>>) target_semaphore(%run_scoped3A : memref<!tpu.dma_semaphore, #tpu.memory_space<semaphore_mem>>)
      %dma_wait3A = arith.constant 0 : i32
      %dma_wait3A_99 = tpu.memref_slice %arg6[%add3A_51, %dma_wait3A] : memref<10240x128xf32, #tpu.memory_space<vmem_shared>> -> memref<32x128xf32, #tpu.memory_space<vmem_shared>>
      %dma_wait3A_100 = arith.constant 0 : i32
      %dma_wait3A_101 = tpu.memref_slice %arg6[%add3A_51, %dma_wait3A_100] : memref<10240x128xf32, #tpu.memory_space<vmem_shared>> -> memref<32x128xf32, #tpu.memory_space<vmem_shared>>
      tpu.wait_dma2 semaphore(%run_scoped3A : memref<!tpu.dma_semaphore, #tpu.memory_space<semaphore_mem>>) src(%arg10 : memref<32x128xf32, #tpu.memory_space<vmem>>) dst(%dma_wait3A_101 : memref<32x128xf32, #tpu.memory_space<vmem_shared>>)
      tpu.yield
    }) : () -> ()
    %mul3A_52 = arith.constant 640 : i32
    %mul3A_53 = arith.muli %arg1, %mul3A_52 : i32
    %add3A_54 = arith.constant 384 : i32
    %add3A_55 = arith.addi %mul3A_53, %add3A_54 : i32
    "tpu.region"() ({
      %run_scoped3A = tpu.sem_alloc : memref<!tpu.dma_semaphore, #tpu.memory_space<semaphore_mem>>
      %dma_start3A = arith.constant 0 : i32
      %dma_start3A_96 = tpu.memref_slice %arg6[%add3A_55, %dma_start3A] : memref<10240x128xf32, #tpu.memory_space<vmem_shared>> -> memref<32x128xf32, #tpu.memory_space<vmem_shared>>
      %dma_start3A_97 = arith.constant 0 : i32
      %dma_start3A_98 = tpu.memref_slice %arg6[%add3A_55, %dma_start3A_97] : memref<10240x128xf32, #tpu.memory_space<vmem_shared>> -> memref<32x128xf32, #tpu.memory_space<vmem_shared>>
      tpu.enqueue_dma source(%arg10 : memref<32x128xf32, #tpu.memory_space<vmem>>) target(%dma_start3A_98 : memref<32x128xf32, #tpu.memory_space<vmem_shared>>) target_semaphore(%run_scoped3A : memref<!tpu.dma_semaphore, #tpu.memory_space<semaphore_mem>>)
      %dma_wait3A = arith.constant 0 : i32
      %dma_wait3A_99 = tpu.memref_slice %arg6[%add3A_55, %dma_wait3A] : memref<10240x128xf32, #tpu.memory_space<vmem_shared>> -> memref<32x128xf32, #tpu.memory_space<vmem_shared>>
      %dma_wait3A_100 = arith.constant 0 : i32
      %dma_wait3A_101 = tpu.memref_slice %arg6[%add3A_55, %dma_wait3A_100] : memref<10240x128xf32, #tpu.memory_space<vmem_shared>> -> memref<32x128xf32, #tpu.memory_space<vmem_shared>>
      tpu.wait_dma2 semaphore(%run_scoped3A : memref<!tpu.dma_semaphore, #tpu.memory_space<semaphore_mem>>) src(%arg10 : memref<32x128xf32, #tpu.memory_space<vmem>>) dst(%dma_wait3A_101 : memref<32x128xf32, #tpu.memory_space<vmem_shared>>)
      tpu.yield
    }) : () -> ()
    %mul3A_56 = arith.constant 640 : i32
    %mul3A_57 = arith.muli %arg1, %mul3A_56 : i32
    %add3A_58 = arith.constant 416 : i32
    %add3A_59 = arith.addi %mul3A_57, %add3A_58 : i32
    "tpu.region"() ({
      %run_scoped3A = tpu.sem_alloc : memref<!tpu.dma_semaphore, #tpu.memory_space<semaphore_mem>>
      %dma_start3A = arith.constant 0 : i32
      %dma_start3A_96 = tpu.memref_slice %arg6[%add3A_59, %dma_start3A] : memref<10240x128xf32, #tpu.memory_space<vmem_shared>> -> memref<32x128xf32, #tpu.memory_space<vmem_shared>>
      %dma_start3A_97 = arith.constant 0 : i32
      %dma_start3A_98 = tpu.memref_slice %arg6[%add3A_59, %dma_start3A_97] : memref<10240x128xf32, #tpu.memory_space<vmem_shared>> -> memref<32x128xf32, #tpu.memory_space<vmem_shared>>
      tpu.enqueue_dma source(%arg10 : memref<32x128xf32, #tpu.memory_space<vmem>>) target(%dma_start3A_98 : memref<32x128xf32, #tpu.memory_space<vmem_shared>>) target_semaphore(%run_scoped3A : memref<!tpu.dma_semaphore, #tpu.memory_space<semaphore_mem>>)
      %dma_wait3A = arith.constant 0 : i32
      %dma_wait3A_99 = tpu.memref_slice %arg6[%add3A_59, %dma_wait3A] : memref<10240x128xf32, #tpu.memory_space<vmem_shared>> -> memref<32x128xf32, #tpu.memory_space<vmem_shared>>
      %dma_wait3A_100 = arith.constant 0 : i32
      %dma_wait3A_101 = tpu.memref_slice %arg6[%add3A_59, %dma_wait3A_100] : memref<10240x128xf32, #tpu.memory_space<vmem_shared>> -> memref<32x128xf32, #tpu.memory_space<vmem_shared>>
      tpu.wait_dma2 semaphore(%run_scoped3A : memref<!tpu.dma_semaphore, #tpu.memory_space<semaphore_mem>>) src(%arg10 : memref<32x128xf32, #tpu.memory_space<vmem>>) dst(%dma_wait3A_101 : memref<32x128xf32, #tpu.memory_space<vmem_shared>>)
      tpu.yield
    }) : () -> ()
    %mul3A_60 = arith.constant 640 : i32
    %mul3A_61 = arith.muli %arg1, %mul3A_60 : i32
    %add3A_62 = arith.constant 448 : i32
    %add3A_63 = arith.addi %mul3A_61, %add3A_62 : i32
    "tpu.region"() ({
      %run_scoped3A = tpu.sem_alloc : memref<!tpu.dma_semaphore, #tpu.memory_space<semaphore_mem>>
      %dma_start3A = arith.constant 0 : i32
      %dma_start3A_96 = tpu.memref_slice %arg6[%add3A_63, %dma_start3A] : memref<10240x128xf32, #tpu.memory_space<vmem_shared>> -> memref<32x128xf32, #tpu.memory_space<vmem_shared>>
      %dma_start3A_97 = arith.constant 0 : i32
      %dma_start3A_98 = tpu.memref_slice %arg6[%add3A_63, %dma_start3A_97] : memref<10240x128xf32, #tpu.memory_space<vmem_shared>> -> memref<32x128xf32, #tpu.memory_space<vmem_shared>>
      tpu.enqueue_dma source(%arg10 : memref<32x128xf32, #tpu.memory_space<vmem>>) target(%dma_start3A_98 : memref<32x128xf32, #tpu.memory_space<vmem_shared>>) target_semaphore(%run_scoped3A : memref<!tpu.dma_semaphore, #tpu.memory_space<semaphore_mem>>)
      %dma_wait3A = arith.constant 0 : i32
      %dma_wait3A_99 = tpu.memref_slice %arg6[%add3A_63, %dma_wait3A] : memref<10240x128xf32, #tpu.memory_space<vmem_shared>> -> memref<32x128xf32, #tpu.memory_space<vmem_shared>>
      %dma_wait3A_100 = arith.constant 0 : i32
      %dma_wait3A_101 = tpu.memref_slice %arg6[%add3A_63, %dma_wait3A_100] : memref<10240x128xf32, #tpu.memory_space<vmem_shared>> -> memref<32x128xf32, #tpu.memory_space<vmem_shared>>
      tpu.wait_dma2 semaphore(%run_scoped3A : memref<!tpu.dma_semaphore, #tpu.memory_space<semaphore_mem>>) src(%arg10 : memref<32x128xf32, #tpu.memory_space<vmem>>) dst(%dma_wait3A_101 : memref<32x128xf32, #tpu.memory_space<vmem_shared>>)
      tpu.yield
    }) : () -> ()
    %mul3A_64 = arith.constant 640 : i32
    %mul3A_65 = arith.muli %arg1, %mul3A_64 : i32
    %add3A_66 = arith.constant 480 : i32
    %add3A_67 = arith.addi %mul3A_65, %add3A_66 : i32
    "tpu.region"() ({
      %run_scoped3A = tpu.sem_alloc : memref<!tpu.dma_semaphore, #tpu.memory_space<semaphore_mem>>
      %dma_start3A = arith.constant 0 : i32
      %dma_start3A_96 = tpu.memref_slice %arg6[%add3A_67, %dma_start3A] : memref<10240x128xf32, #tpu.memory_space<vmem_shared>> -> memref<32x128xf32, #tpu.memory_space<vmem_shared>>
      %dma_start3A_97 = arith.constant 0 : i32
      %dma_start3A_98 = tpu.memref_slice %arg6[%add3A_67, %dma_start3A_97] : memref<10240x128xf32, #tpu.memory_space<vmem_shared>> -> memref<32x128xf32, #tpu.memory_space<vmem_shared>>
      tpu.enqueue_dma source(%arg10 : memref<32x128xf32, #tpu.memory_space<vmem>>) target(%dma_start3A_98 : memref<32x128xf32, #tpu.memory_space<vmem_shared>>) target_semaphore(%run_scoped3A : memref<!tpu.dma_semaphore, #tpu.memory_space<semaphore_mem>>)
      %dma_wait3A = arith.constant 0 : i32
      %dma_wait3A_99 = tpu.memref_slice %arg6[%add3A_67, %dma_wait3A] : memref<10240x128xf32, #tpu.memory_space<vmem_shared>> -> memref<32x128xf32, #tpu.memory_space<vmem_shared>>
      %dma_wait3A_100 = arith.constant 0 : i32
      %dma_wait3A_101 = tpu.memref_slice %arg6[%add3A_67, %dma_wait3A_100] : memref<10240x128xf32, #tpu.memory_space<vmem_shared>> -> memref<32x128xf32, #tpu.memory_space<vmem_shared>>
      tpu.wait_dma2 semaphore(%run_scoped3A : memref<!tpu.dma_semaphore, #tpu.memory_space<semaphore_mem>>) src(%arg10 : memref<32x128xf32, #tpu.memory_space<vmem>>) dst(%dma_wait3A_101 : memref<32x128xf32, #tpu.memory_space<vmem_shared>>)
      tpu.yield
    }) : () -> ()
    %mul3A_68 = arith.constant 640 : i32
    %mul3A_69 = arith.muli %arg1, %mul3A_68 : i32
    %add3A_70 = arith.constant 512 : i32
    %add3A_71 = arith.addi %mul3A_69, %add3A_70 : i32
    "tpu.region"() ({
      %run_scoped3A = tpu.sem_alloc : memref<!tpu.dma_semaphore, #tpu.memory_space<semaphore_mem>>
      %dma_start3A = arith.constant 0 : i32
      %dma_start3A_96 = tpu.memref_slice %arg6[%add3A_71, %dma_start3A] : memref<10240x128xf32, #tpu.memory_space<vmem_shared>> -> memref<32x128xf32, #tpu.memory_space<vmem_shared>>
      %dma_start3A_97 = arith.constant 0 : i32
      %dma_start3A_98 = tpu.memref_slice %arg6[%add3A_71, %dma_start3A_97] : memref<10240x128xf32, #tpu.memory_space<vmem_shared>> -> memref<32x128xf32, #tpu.memory_space<vmem_shared>>
      tpu.enqueue_dma source(%arg10 : memref<32x128xf32, #tpu.memory_space<vmem>>) target(%dma_start3A_98 : memref<32x128xf32, #tpu.memory_space<vmem_shared>>) target_semaphore(%run_scoped3A : memref<!tpu.dma_semaphore, #tpu.memory_space<semaphore_mem>>)
      %dma_wait3A = arith.constant 0 : i32
      %dma_wait3A_99 = tpu.memref_slice %arg6[%add3A_71, %dma_wait3A] : memref<10240x128xf32, #tpu.memory_space<vmem_shared>> -> memref<32x128xf32, #tpu.memory_space<vmem_shared>>
      %dma_wait3A_100 = arith.constant 0 : i32
      %dma_wait3A_101 = tpu.memref_slice %arg6[%add3A_71, %dma_wait3A_100] : memref<10240x128xf32, #tpu.memory_space<vmem_shared>> -> memref<32x128xf32, #tpu.memory_space<vmem_shared>>
      tpu.wait_dma2 semaphore(%run_scoped3A : memref<!tpu.dma_semaphore, #tpu.memory_space<semaphore_mem>>) src(%arg10 : memref<32x128xf32, #tpu.memory_space<vmem>>) dst(%dma_wait3A_101 : memref<32x128xf32, #tpu.memory_space<vmem_shared>>)
      tpu.yield
    }) : () -> ()
    %mul3A_72 = arith.constant 640 : i32
    %mul3A_73 = arith.muli %arg1, %mul3A_72 : i32
    %add3A_74 = arith.constant 544 : i32
    %add3A_75 = arith.addi %mul3A_73, %add3A_74 : i32
    "tpu.region"() ({
      %run_scoped3A = tpu.sem_alloc : memref<!tpu.dma_semaphore, #tpu.memory_space<semaphore_mem>>
      %dma_start3A = arith.constant 0 : i32
      %dma_start3A_96 = tpu.memref_slice %arg6[%add3A_75, %dma_start3A] : memref<10240x128xf32, #tpu.memory_space<vmem_shared>> -> memref<32x128xf32, #tpu.memory_space<vmem_shared>>
      %dma_start3A_97 = arith.constant 0 : i32
      %dma_start3A_98 = tpu.memref_slice %arg6[%add3A_75, %dma_start3A_97] : memref<10240x128xf32, #tpu.memory_space<vmem_shared>> -> memref<32x128xf32, #tpu.memory_space<vmem_shared>>
      tpu.enqueue_dma source(%arg10 : memref<32x128xf32, #tpu.memory_space<vmem>>) target(%dma_start3A_98 : memref<32x128xf32, #tpu.memory_space<vmem_shared>>) target_semaphore(%run_scoped3A : memref<!tpu.dma_semaphore, #tpu.memory_space<semaphore_mem>>)
      %dma_wait3A = arith.constant 0 : i32
      %dma_wait3A_99 = tpu.memref_slice %arg6[%add3A_75, %dma_wait3A] : memref<10240x128xf32, #tpu.memory_space<vmem_shared>> -> memref<32x128xf32, #tpu.memory_space<vmem_shared>>
      %dma_wait3A_100 = arith.constant 0 : i32
      %dma_wait3A_101 = tpu.memref_slice %arg6[%add3A_75, %dma_wait3A_100] : memref<10240x128xf32, #tpu.memory_space<vmem_shared>> -> memref<32x128xf32, #tpu.memory_space<vmem_shared>>
      tpu.wait_dma2 semaphore(%run_scoped3A : memref<!tpu.dma_semaphore, #tpu.memory_space<semaphore_mem>>) src(%arg10 : memref<32x128xf32, #tpu.memory_space<vmem>>) dst(%dma_wait3A_101 : memref<32x128xf32, #tpu.memory_space<vmem_shared>>)
      tpu.yield
    }) : () -> ()
    %mul3A_76 = arith.constant 640 : i32
    %mul3A_77 = arith.muli %arg1, %mul3A_76 : i32
    %add3A_78 = arith.constant 576 : i32
    %add3A_79 = arith.addi %mul3A_77, %add3A_78 : i32
    "tpu.region"() ({
      %run_scoped3A = tpu.sem_alloc : memref<!tpu.dma_semaphore, #tpu.memory_space<semaphore_mem>>
      %dma_start3A = arith.constant 0 : i32
      %dma_start3A_96 = tpu.memref_slice %arg6[%add3A_79, %dma_start3A] : memref<10240x128xf32, #tpu.memory_space<vmem_shared>> -> memref<32x128xf32, #tpu.memory_space<vmem_shared>>
      %dma_start3A_97 = arith.constant 0 : i32
      %dma_start3A_98 = tpu.memref_slice %arg6[%add3A_79, %dma_start3A_97] : memref<10240x128xf32, #tpu.memory_space<vmem_shared>> -> memref<32x128xf32, #tpu.memory_space<vmem_shared>>
      tpu.enqueue_dma source(%arg10 : memref<32x128xf32, #tpu.memory_space<vmem>>) target(%dma_start3A_98 : memref<32x128xf32, #tpu.memory_space<vmem_shared>>) target_semaphore(%run_scoped3A : memref<!tpu.dma_semaphore, #tpu.memory_space<semaphore_mem>>)
      %dma_wait3A = arith.constant 0 : i32
      %dma_wait3A_99 = tpu.memref_slice %arg6[%add3A_79, %dma_wait3A] : memref<10240x128xf32, #tpu.memory_space<vmem_shared>> -> memref<32x128xf32, #tpu.memory_space<vmem_shared>>
      %dma_wait3A_100 = arith.constant 0 : i32
      %dma_wait3A_101 = tpu.memref_slice %arg6[%add3A_79, %dma_wait3A_100] : memref<10240x128xf32, #tpu.memory_space<vmem_shared>> -> memref<32x128xf32, #tpu.memory_space<vmem_shared>>
      tpu.wait_dma2 semaphore(%run_scoped3A : memref<!tpu.dma_semaphore, #tpu.memory_space<semaphore_mem>>) src(%arg10 : memref<32x128xf32, #tpu.memory_space<vmem>>) dst(%dma_wait3A_101 : memref<32x128xf32, #tpu.memory_space<vmem_shared>>)
      tpu.yield
    }) : () -> ()
    %mul3A_80 = arith.constant 640 : i32
    %mul3A_81 = arith.muli %arg1, %mul3A_80 : i32
    %add3A_82 = arith.constant 608 : i32
    %add3A_83 = arith.addi %mul3A_81, %add3A_82 : i32
    "tpu.region"() ({
      %run_scoped3A = tpu.sem_alloc : memref<!tpu.dma_semaphore, #tpu.memory_space<semaphore_mem>>
      %dma_start3A = arith.constant 0 : i32
      %dma_start3A_96 = tpu.memref_slice %arg6[%add3A_83, %dma_start3A] : memref<10240x128xf32, #tpu.memory_space<vmem_shared>> -> memref<32x128xf32, #tpu.memory_space<vmem_shared>>
      %dma_start3A_97 = arith.constant 0 : i32
      %dma_start3A_98 = tpu.memref_slice %arg6[%add3A_83, %dma_start3A_97] : memref<10240x128xf32, #tpu.memory_space<vmem_shared>> -> memref<32x128xf32, #tpu.memory_space<vmem_shared>>
      tpu.enqueue_dma source(%arg10 : memref<32x128xf32, #tpu.memory_space<vmem>>) target(%dma_start3A_98 : memref<32x128xf32, #tpu.memory_space<vmem_shared>>) target_semaphore(%run_scoped3A : memref<!tpu.dma_semaphore, #tpu.memory_space<semaphore_mem>>)
      %dma_wait3A = arith.constant 0 : i32
      %dma_wait3A_99 = tpu.memref_slice %arg6[%add3A_83, %dma_wait3A] : memref<10240x128xf32, #tpu.memory_space<vmem_shared>> -> memref<32x128xf32, #tpu.memory_space<vmem_shared>>
      %dma_wait3A_100 = arith.constant 0 : i32
      %dma_wait3A_101 = tpu.memref_slice %arg6[%add3A_83, %dma_wait3A_100] : memref<10240x128xf32, #tpu.memory_space<vmem_shared>> -> memref<32x128xf32, #tpu.memory_space<vmem_shared>>
      tpu.wait_dma2 semaphore(%run_scoped3A : memref<!tpu.dma_semaphore, #tpu.memory_space<semaphore_mem>>) src(%arg10 : memref<32x128xf32, #tpu.memory_space<vmem>>) dst(%dma_wait3A_101 : memref<32x128xf32, #tpu.memory_space<vmem_shared>>)
      tpu.yield
    }) : () -> ()
    %barrier3A = arith.constant 0 : index
    tpu.barrier barrier_id(%barrier3A)
    %eq3A = arith.constant 0 : i32
    %eq3A_84 = arith.cmpi eq, %arg0, %eq3A : i32
    %convert_element_type3A = arith.extui %eq3A_84 : i1 to i32
    %cond3A = arith.constant 0 : i32
    %cond3A_85 = arith.cmpi ne, %convert_element_type3A, %cond3A : i32
    scf.if %cond3A_85 {
      "tpu.region"() ({
        %run_scoped3A = tpu.sem_alloc : memref<!tpu.dma_semaphore, #tpu.memory_space<semaphore_mem>>
        %dma_start3A_155 = arith.constant 0 : i32
        %dma_start3A_156 = arith.constant 0 : i32
        %dma_start3A_157 = tpu.memref_slice %arg8[%dma_start3A_155, %dma_start3A_156] : memref<32x128xi32, #tpu.memory_space<vmem>> -> memref<32x128xi32, #tpu.memory_space<vmem>>
        %dma_start3A_158 = arith.constant 0 : i32
        %dma_start3A_159 = arith.constant 0 : i32
        %dma_start3A_160 = tpu.memref_slice %arg3[%arg1, %dma_start3A_158, %dma_start3A_159] : memref<16x160x128xi32, #tpu.memory_space<hbm>> -> memref<1x32x128xi32, #tpu.memory_space<hbm>>
        %dma_start3A_161 = tpu.memref_squeeze %dma_start3A_160 : memref<1x32x128xi32, #tpu.memory_space<hbm>> -> memref<32x128xi32, #tpu.memory_space<hbm>>
        %dma_start3A_162 = arith.constant 0 : i32
        %dma_start3A_163 = arith.constant 0 : i32
        %dma_start3A_164 = tpu.memref_slice %arg8[%dma_start3A_162, %dma_start3A_163] : memref<32x128xi32, #tpu.memory_space<vmem>> -> memref<32x128xi32, #tpu.memory_space<vmem>>
        %dma_start3A_165 = arith.constant 0 : i32
        %dma_start3A_166 = arith.constant 0 : i32
        %dma_start3A_167 = tpu.memref_slice %arg3[%arg1, %dma_start3A_165, %dma_start3A_166] : memref<16x160x128xi32, #tpu.memory_space<hbm>> -> memref<1x32x128xi32, #tpu.memory_space<hbm>>
        %dma_start3A_168 = tpu.memref_squeeze %dma_start3A_167 : memref<1x32x128xi32, #tpu.memory_space<hbm>> -> memref<32x128xi32, #tpu.memory_space<hbm>>
        tpu.enqueue_dma source(%dma_start3A_168 : memref<32x128xi32, #tpu.memory_space<hbm>>) target(%dma_start3A_164 : memref<32x128xi32, #tpu.memory_space<vmem>>) target_semaphore(%run_scoped3A : memref<!tpu.dma_semaphore, #tpu.memory_space<semaphore_mem>>)
        %dma_wait3A = arith.constant 0 : i32
        %dma_wait3A_169 = arith.constant 0 : i32
        %dma_wait3A_170 = tpu.memref_slice %arg8[%dma_wait3A, %dma_wait3A_169] : memref<32x128xi32, #tpu.memory_space<vmem>> -> memref<32x128xi32, #tpu.memory_space<vmem>>
        %dma_wait3A_171 = arith.constant 0 : i32
        %dma_wait3A_172 = arith.constant 0 : i32
        %dma_wait3A_173 = tpu.memref_slice %arg3[%arg1, %dma_wait3A_171, %dma_wait3A_172] : memref<16x160x128xi32, #tpu.memory_space<hbm>> -> memref<1x32x128xi32, #tpu.memory_space<hbm>>
        %dma_wait3A_174 = tpu.memref_squeeze %dma_wait3A_173 : memref<1x32x128xi32, #tpu.memory_space<hbm>> -> memref<32x128xi32, #tpu.memory_space<hbm>>
        %dma_wait3A_175 = arith.constant 0 : i32
        %dma_wait3A_176 = arith.constant 0 : i32
        %dma_wait3A_177 = tpu.memref_slice %arg8[%dma_wait3A_175, %dma_wait3A_176] : memref<32x128xi32, #tpu.memory_space<vmem>> -> memref<32x128xi32, #tpu.memory_space<vmem>>
        %dma_wait3A_178 = arith.constant 0 : i32
        %dma_wait3A_179 = arith.constant 0 : i32
        %dma_wait3A_180 = tpu.memref_slice %arg3[%arg1, %dma_wait3A_178, %dma_wait3A_179] : memref<16x160x128xi32, #tpu.memory_space<hbm>> -> memref<1x32x128xi32, #tpu.memory_space<hbm>>
        %dma_wait3A_181 = tpu.memref_squeeze %dma_wait3A_180 : memref<1x32x128xi32, #tpu.memory_space<hbm>> -> memref<32x128xi32, #tpu.memory_space<hbm>>
        tpu.wait_dma2 semaphore(%run_scoped3A : memref<!tpu.dma_semaphore, #tpu.memory_space<semaphore_mem>>) src(%dma_wait3A_181 : memref<32x128xi32, #tpu.memory_space<hbm>>) dst(%dma_wait3A_177 : memref<32x128xi32, #tpu.memory_space<vmem>>)
        tpu.yield
      }) : () -> ()
      "tpu.region"() ({
        %run_scoped3A = tpu.sem_alloc : memref<!tpu.dma_semaphore, #tpu.memory_space<semaphore_mem>>
        %dma_start3A_155 = arith.constant 0 : i32
        %dma_start3A_156 = arith.constant 0 : i32
        %dma_start3A_157 = tpu.memref_slice %arg9[%dma_start3A_155, %dma_start3A_156] : memref<32x128xi32, #tpu.memory_space<vmem>> -> memref<32x128xi32, #tpu.memory_space<vmem>>
        %dma_start3A_158 = arith.constant 0 : i32
        %dma_start3A_159 = arith.constant 0 : i32
        %dma_start3A_160 = tpu.memref_slice %arg4[%arg1, %dma_start3A_158, %dma_start3A_159] : memref<16x160x128xi32, #tpu.memory_space<hbm>> -> memref<1x32x128xi32, #tpu.memory_space<hbm>>
        %dma_start3A_161 = tpu.memref_squeeze %dma_start3A_160 : memref<1x32x128xi32, #tpu.memory_space<hbm>> -> memref<32x128xi32, #tpu.memory_space<hbm>>
        %dma_start3A_162 = arith.constant 0 : i32
        %dma_start3A_163 = arith.constant 0 : i32
        %dma_start3A_164 = tpu.memref_slice %arg9[%dma_start3A_162, %dma_start3A_163] : memref<32x128xi32, #tpu.memory_space<vmem>> -> memref<32x128xi32, #tpu.memory_space<vmem>>
        %dma_start3A_165 = arith.constant 0 : i32
        %dma_start3A_166 = arith.constant 0 : i32
        %dma_start3A_167 = tpu.memref_slice %arg4[%arg1, %dma_start3A_165, %dma_start3A_166] : memref<16x160x128xi32, #tpu.memory_space<hbm>> -> memref<1x32x128xi32, #tpu.memory_space<hbm>>
        %dma_start3A_168 = tpu.memref_squeeze %dma_start3A_167 : memref<1x32x128xi32, #tpu.memory_space<hbm>> -> memref<32x128xi32, #tpu.memory_space<hbm>>
        tpu.enqueue_dma source(%dma_start3A_168 : memref<32x128xi32, #tpu.memory_space<hbm>>) target(%dma_start3A_164 : memref<32x128xi32, #tpu.memory_space<vmem>>) target_semaphore(%run_scoped3A : memref<!tpu.dma_semaphore, #tpu.memory_space<semaphore_mem>>)
        %dma_wait3A = arith.constant 0 : i32
        %dma_wait3A_169 = arith.constant 0 : i32
        %dma_wait3A_170 = tpu.memref_slice %arg9[%dma_wait3A, %dma_wait3A_169] : memref<32x128xi32, #tpu.memory_space<vmem>> -> memref<32x128xi32, #tpu.memory_space<vmem>>
        %dma_wait3A_171 = arith.constant 0 : i32
        %dma_wait3A_172 = arith.constant 0 : i32
        %dma_wait3A_173 = tpu.memref_slice %arg4[%arg1, %dma_wait3A_171, %dma_wait3A_172] : memref<16x160x128xi32, #tpu.memory_space<hbm>> -> memref<1x32x128xi32, #tpu.memory_space<hbm>>
        %dma_wait3A_174 = tpu.memref_squeeze %dma_wait3A_173 : memref<1x32x128xi32, #tpu.memory_space<hbm>> -> memref<32x128xi32, #tpu.memory_space<hbm>>
        %dma_wait3A_175 = arith.constant 0 : i32
        %dma_wait3A_176 = arith.constant 0 : i32
        %dma_wait3A_177 = tpu.memref_slice %arg9[%dma_wait3A_175, %dma_wait3A_176] : memref<32x128xi32, #tpu.memory_space<vmem>> -> memref<32x128xi32, #tpu.memory_space<vmem>>
        %dma_wait3A_178 = arith.constant 0 : i32
        %dma_wait3A_179 = arith.constant 0 : i32
        %dma_wait3A_180 = tpu.memref_slice %arg4[%arg1, %dma_wait3A_178, %dma_wait3A_179] : memref<16x160x128xi32, #tpu.memory_space<hbm>> -> memref<1x32x128xi32, #tpu.memory_space<hbm>>
        %dma_wait3A_181 = tpu.memref_squeeze %dma_wait3A_180 : memref<1x32x128xi32, #tpu.memory_space<hbm>> -> memref<32x128xi32, #tpu.memory_space<hbm>>
        tpu.wait_dma2 semaphore(%run_scoped3A : memref<!tpu.dma_semaphore, #tpu.memory_space<semaphore_mem>>) src(%dma_wait3A_181 : memref<32x128xi32, #tpu.memory_space<hbm>>) dst(%dma_wait3A_177 : memref<32x128xi32, #tpu.memory_space<vmem>>)
        tpu.yield
      }) : () -> ()
      %dma_start3A = arith.constant 0 : i32
      %dma_start3A_96 = arith.constant 0 : i32
      %dma_start3A_97 = arith.constant 0 : i32
      %dma_start3A_98 = arith.constant 0 : i32
      %dma_start3A_99 = tpu.memref_slice %arg7[%dma_start3A_96, %dma_start3A_97, %dma_start3A_98] : memref<2x128x128xf32, #tpu.memory_space<vmem>> -> memref<1x128x128xf32, #tpu.memory_space<vmem>>
      %dma_start3A_100 = tpu.memref_squeeze %dma_start3A_99 : memref<1x128x128xf32, #tpu.memory_space<vmem>> -> memref<128x128xf32, #tpu.memory_space<vmem>>
      %dma_start3A_101 = arith.constant 0 : i32
      %dma_start3A_102 = tpu.memref_slice %arg8[%dma_start3A, %dma_start3A_101] : memref<32x128xi32, #tpu.memory_space<vmem>> -> memref<1x128xi32, #tpu.memory_space<vmem>>
      %dma_start3A_103 = tpu.memref_squeeze %dma_start3A_102 : memref<1x128xi32, #tpu.memory_space<vmem>> -> memref<128xi32, #tpu.memory_space<vmem>>
      %dma_start3A_104 = arith.constant 0 : i32
      %dma_start3A_105 = arith.constant 0 : i32
      %dma_start3A_106 = tpu.memref_slice %arg2[%dma_start3A_104, %dma_start3A_105] : memref<10000x128xf32, #tpu.memory_space<hbm>> -> memref<10000x128xf32, #tpu.memory_space<hbm>>
      tpu.enqueue_indirect_dma source(%dma_start3A_106 : memref<10000x128xf32, #tpu.memory_space<hbm>>) target(%dma_start3A_100 : memref<128x128xf32, #tpu.memory_space<vmem>>) offsets(%dma_start3A_103 : memref<128xi32, #tpu.memory_space<vmem>>) semaphore(%arg11 : memref<!tpu.dma_semaphore, #tpu.memory_space<semaphore_mem>>)
      %dma_start3A_107 = arith.constant 1 : i32
      %dma_start3A_108 = arith.constant 1 : i32
      %dma_start3A_109 = arith.constant 0 : i32
      %dma_start3A_110 = arith.constant 0 : i32
      %dma_start3A_111 = tpu.memref_slice %arg7[%dma_start3A_108, %dma_start3A_109, %dma_start3A_110] : memref<2x128x128xf32, #tpu.memory_space<vmem>> -> memref<1x128x128xf32, #tpu.memory_space<vmem>>
      %dma_start3A_112 = tpu.memref_squeeze %dma_start3A_111 : memref<1x128x128xf32, #tpu.memory_space<vmem>> -> memref<128x128xf32, #tpu.memory_space<vmem>>
      %dma_start3A_113 = arith.constant 0 : i32
      %dma_start3A_114 = tpu.memref_slice %arg8[%dma_start3A_107, %dma_start3A_113] : memref<32x128xi32, #tpu.memory_space<vmem>> -> memref<1x128xi32, #tpu.memory_space<vmem>>
      %dma_start3A_115 = tpu.memref_squeeze %dma_start3A_114 : memref<1x128xi32, #tpu.memory_space<vmem>> -> memref<128xi32, #tpu.memory_space<vmem>>
      %dma_start3A_116 = arith.constant 0 : i32
      %dma_start3A_117 = arith.constant 0 : i32
      %dma_start3A_118 = tpu.memref_slice %arg2[%dma_start3A_116, %dma_start3A_117] : memref<10000x128xf32, #tpu.memory_space<hbm>> -> memref<10000x128xf32, #tpu.memory_space<hbm>>
      tpu.enqueue_indirect_dma source(%dma_start3A_118 : memref<10000x128xf32, #tpu.memory_space<hbm>>) target(%dma_start3A_112 : memref<128x128xf32, #tpu.memory_space<vmem>>) offsets(%dma_start3A_115 : memref<128xi32, #tpu.memory_space<vmem>>) semaphore(%arg12 : memref<!tpu.dma_semaphore, #tpu.memory_space<semaphore_mem>>)
      %scan3A_119 = arith.constant 0 : i32
      %scan3A_120 = arith.constant 0 : i32
      %scan3A_121 = arith.constant 16 : i32
      %scan3A_122 = arith.addi %scan3A_120, %scan3A_121 : i32
      %scan3A_123 = arith.constant 1 : i32
      scf.for %scan3A_155 = %scan3A_120 to %scan3A_122 step %scan3A_123  : i32 {
        %mul3A_156 = arith.constant 2 : i32
        %mul3A_157 = arith.muli %mul3A_156, %scan3A_155 : i32
        %dma_wait3A = arith.constant 0 : i32
        %dma_wait3A_158 = arith.constant 0 : i32
        %dma_wait3A_159 = arith.constant 0 : i32
        %dma_wait3A_160 = arith.constant 0 : i32
        %dma_wait3A_161 = tpu.memref_slice %arg7[%dma_wait3A_158, %dma_wait3A_159, %dma_wait3A_160] : memref<2x128x128xf32, #tpu.memory_space<vmem>> -> memref<1x128x128xf32, #tpu.memory_space<vmem>>
        %dma_wait3A_162 = tpu.memref_squeeze %dma_wait3A_161 : memref<1x128x128xf32, #tpu.memory_space<vmem>> -> memref<128x128xf32, #tpu.memory_space<vmem>>
        %dma_wait3A_163 = arith.constant 0 : i32
        %dma_wait3A_164 = tpu.memref_slice %arg8[%dma_wait3A, %dma_wait3A_163] : memref<32x128xi32, #tpu.memory_space<vmem>> -> memref<1x128xi32, #tpu.memory_space<vmem>>
        %dma_wait3A_165 = tpu.memref_squeeze %dma_wait3A_164 : memref<1x128xi32, #tpu.memory_space<vmem>> -> memref<128xi32, #tpu.memory_space<vmem>>
        %dma_wait3A_166 = arith.constant 0 : i32
        %dma_wait3A_167 = arith.constant 0 : i32
        %dma_wait3A_168 = tpu.memref_slice %arg2[%dma_wait3A_166, %dma_wait3A_167] : memref<10000x128xf32, #tpu.memory_space<hbm>> -> memref<10000x128xf32, #tpu.memory_space<hbm>>
        tpu.wait_indirect_dma semaphore(%arg11 : memref<!tpu.dma_semaphore, #tpu.memory_space<semaphore_mem>>) src(%dma_wait3A_168 : memref<10000x128xf32, #tpu.memory_space<hbm>>) dst(%dma_wait3A_162 : memref<128x128xf32, #tpu.memory_space<vmem>>)
        %run_scoped3A = arith.constant 0 : i32
        "tpu.region"() ({
          %run_scoped3A_193 = tpu.sem_alloc : memref<!tpu.dma_semaphore, #tpu.memory_space<semaphore_mem>>
          %dma_start3A_194 = arith.constant 0 : i32
          %dma_start3A_195 = arith.constant 0 : i32
          %dma_start3A_196 = tpu.memref_slice %arg7[%run_scoped3A, %dma_start3A_194, %dma_start3A_195] : memref<2x128x128xf32, #tpu.memory_space<vmem>> -> memref<1x128x128xf32, #tpu.memory_space<vmem>>
          %dma_start3A_197 = tpu.memref_squeeze %dma_start3A_196 : memref<1x128x128xf32, #tpu.memory_space<vmem>> -> memref<128x128xf32, #tpu.memory_space<vmem>>
          %dma_start3A_198 = arith.constant 0 : i32
          %dma_start3A_199 = tpu.memref_slice %arg9[%mul3A_157, %dma_start3A_198] : memref<32x128xi32, #tpu.memory_space<vmem>> -> memref<1x128xi32, #tpu.memory_space<vmem>>
          %dma_start3A_200 = tpu.memref_squeeze %dma_start3A_199 : memref<1x128xi32, #tpu.memory_space<vmem>> -> memref<128xi32, #tpu.memory_space<vmem>>
          %dma_start3A_201 = arith.constant 0 : i32
          %dma_start3A_202 = arith.constant 0 : i32
          %dma_start3A_203 = tpu.memref_slice %arg6[%dma_start3A_201, %dma_start3A_202] : memref<10240x128xf32, #tpu.memory_space<vmem_shared>> -> memref<10240x128xf32, #tpu.memory_space<vmem_shared>>
          tpu.enqueue_indirect_dma source(%dma_start3A_197 : memref<128x128xf32, #tpu.memory_space<vmem>>) target(%dma_start3A_203 : memref<10240x128xf32, #tpu.memory_space<vmem_shared>>) offsets(%dma_start3A_200 : memref<128xi32, #tpu.memory_space<vmem>>) semaphore(%run_scoped3A_193 : memref<!tpu.dma_semaphore, #tpu.memory_space<semaphore_mem>>) {add = true}
          %dma_wait3A_204 = arith.constant 0 : i32
          %dma_wait3A_205 = arith.constant 0 : i32
          %dma_wait3A_206 = tpu.memref_slice %arg7[%run_scoped3A, %dma_wait3A_204, %dma_wait3A_205] : memref<2x128x128xf32, #tpu.memory_space<vmem>> -> memref<1x128x128xf32, #tpu.memory_space<vmem>>
          %dma_wait3A_207 = tpu.memref_squeeze %dma_wait3A_206 : memref<1x128x128xf32, #tpu.memory_space<vmem>> -> memref<128x128xf32, #tpu.memory_space<vmem>>
          %dma_wait3A_208 = arith.constant 0 : i32
          %dma_wait3A_209 = tpu.memref_slice %arg9[%mul3A_157, %dma_wait3A_208] : memref<32x128xi32, #tpu.memory_space<vmem>> -> memref<1x128xi32, #tpu.memory_space<vmem>>
          %dma_wait3A_210 = tpu.memref_squeeze %dma_wait3A_209 : memref<1x128xi32, #tpu.memory_space<vmem>> -> memref<128xi32, #tpu.memory_space<vmem>>
          %dma_wait3A_211 = arith.constant 0 : i32
          %dma_wait3A_212 = arith.constant 0 : i32
          %dma_wait3A_213 = tpu.memref_slice %arg6[%dma_wait3A_211, %dma_wait3A_212] : memref<10240x128xf32, #tpu.memory_space<vmem_shared>> -> memref<10240x128xf32, #tpu.memory_space<vmem_shared>>
          tpu.wait_indirect_dma semaphore(%run_scoped3A_193 : memref<!tpu.dma_semaphore, #tpu.memory_space<semaphore_mem>>) src(%dma_wait3A_207 : memref<128x128xf32, #tpu.memory_space<vmem>>) dst(%dma_wait3A_213 : memref<10240x128xf32, #tpu.memory_space<vmem_shared>>)
          tpu.yield
        }) : () -> ()
        %lt3A = arith.constant 15 : i32
        %lt3A_169 = arith.cmpi slt, %scan3A_155, %lt3A : i32
        %convert_element_type3A_170 = arith.extui %lt3A_169 : i1 to i32
        %cond3A_171 = arith.constant 0 : i32
        %cond3A_172 = arith.cmpi ne, %convert_element_type3A_170, %cond3A_171 : i32
        scf.if %cond3A_172 {
          %add3A_193 = arith.constant 2 : i32
          %add3A_194 = arith.addi %mul3A_157, %add3A_193 : i32
          %dma_start3A_195 = arith.constant 0 : i32
          %dma_start3A_196 = arith.constant 0 : i32
          %dma_start3A_197 = arith.constant 0 : i32
          %dma_start3A_198 = tpu.memref_slice %arg7[%dma_start3A_195, %dma_start3A_196, %dma_start3A_197] : memref<2x128x128xf32, #tpu.memory_space<vmem>> -> memref<1x128x128xf32, #tpu.memory_space<vmem>>
          %dma_start3A_199 = tpu.memref_squeeze %dma_start3A_198 : memref<1x128x128xf32, #tpu.memory_space<vmem>> -> memref<128x128xf32, #tpu.memory_space<vmem>>
          %dma_start3A_200 = arith.constant 0 : i32
          %dma_start3A_201 = tpu.memref_slice %arg8[%add3A_194, %dma_start3A_200] : memref<32x128xi32, #tpu.memory_space<vmem>> -> memref<1x128xi32, #tpu.memory_space<vmem>>
          %dma_start3A_202 = tpu.memref_squeeze %dma_start3A_201 : memref<1x128xi32, #tpu.memory_space<vmem>> -> memref<128xi32, #tpu.memory_space<vmem>>
          %dma_start3A_203 = arith.constant 0 : i32
          %dma_start3A_204 = arith.constant 0 : i32
          %dma_start3A_205 = tpu.memref_slice %arg2[%dma_start3A_203, %dma_start3A_204] : memref<10000x128xf32, #tpu.memory_space<hbm>> -> memref<10000x128xf32, #tpu.memory_space<hbm>>
          tpu.enqueue_indirect_dma source(%dma_start3A_205 : memref<10000x128xf32, #tpu.memory_space<hbm>>) target(%dma_start3A_199 : memref<128x128xf32, #tpu.memory_space<vmem>>) offsets(%dma_start3A_202 : memref<128xi32, #tpu.memory_space<vmem>>) semaphore(%arg11 : memref<!tpu.dma_semaphore, #tpu.memory_space<semaphore_mem>>)
        } else {
        }
        %dma_wait3A_173 = arith.constant 1 : i32
        %dma_wait3A_174 = arith.constant 1 : i32
        %dma_wait3A_175 = arith.constant 0 : i32
        %dma_wait3A_176 = arith.constant 0 : i32
        %dma_wait3A_177 = tpu.memref_slice %arg7[%dma_wait3A_174, %dma_wait3A_175, %dma_wait3A_176] : memref<2x128x128xf32, #tpu.memory_space<vmem>> -> memref<1x128x128xf32, #tpu.memory_space<vmem>>
        %dma_wait3A_178 = tpu.memref_squeeze %dma_wait3A_177 : memref<1x128x128xf32, #tpu.memory_space<vmem>> -> memref<128x128xf32, #tpu.memory_space<vmem>>
        %dma_wait3A_179 = arith.constant 0 : i32
        %dma_wait3A_180 = tpu.memref_slice %arg8[%dma_wait3A_173, %dma_wait3A_179] : memref<32x128xi32, #tpu.memory_space<vmem>> -> memref<1x128xi32, #tpu.memory_space<vmem>>
        %dma_wait3A_181 = tpu.memref_squeeze %dma_wait3A_180 : memref<1x128xi32, #tpu.memory_space<vmem>> -> memref<128xi32, #tpu.memory_space<vmem>>
        %dma_wait3A_182 = arith.constant 0 : i32
        %dma_wait3A_183 = arith.constant 0 : i32
        %dma_wait3A_184 = tpu.memref_slice %arg2[%dma_wait3A_182, %dma_wait3A_183] : memref<10000x128xf32, #tpu.memory_space<hbm>> -> memref<10000x128xf32, #tpu.memory_space<hbm>>
        tpu.wait_indirect_dma semaphore(%arg12 : memref<!tpu.dma_semaphore, #tpu.memory_space<semaphore_mem>>) src(%dma_wait3A_184 : memref<10000x128xf32, #tpu.memory_space<hbm>>) dst(%dma_wait3A_178 : memref<128x128xf32, #tpu.memory_space<vmem>>)
        %add3A_185 = arith.constant 1 : i32
        %add3A_186 = arith.addi %mul3A_157, %add3A_185 : i32
        %run_scoped3A_187 = arith.constant 1 : i32
        "tpu.region"() ({
          %run_scoped3A_193 = tpu.sem_alloc : memref<!tpu.dma_semaphore, #tpu.memory_space<semaphore_mem>>
          %dma_start3A_194 = arith.constant 0 : i32
          %dma_start3A_195 = arith.constant 0 : i32
          %dma_start3A_196 = tpu.memref_slice %arg7[%run_scoped3A_187, %dma_start3A_194, %dma_start3A_195] : memref<2x128x128xf32, #tpu.memory_space<vmem>> -> memref<1x128x128xf32, #tpu.memory_space<vmem>>
          %dma_start3A_197 = tpu.memref_squeeze %dma_start3A_196 : memref<1x128x128xf32, #tpu.memory_space<vmem>> -> memref<128x128xf32, #tpu.memory_space<vmem>>
          %dma_start3A_198 = arith.constant 0 : i32
          %dma_start3A_199 = tpu.memref_slice %arg9[%add3A_186, %dma_start3A_198] : memref<32x128xi32, #tpu.memory_space<vmem>> -> memref<1x128xi32, #tpu.memory_space<vmem>>
          %dma_start3A_200 = tpu.memref_squeeze %dma_start3A_199 : memref<1x128xi32, #tpu.memory_space<vmem>> -> memref<128xi32, #tpu.memory_space<vmem>>
          %dma_start3A_201 = arith.constant 0 : i32
          %dma_start3A_202 = arith.constant 0 : i32
          %dma_start3A_203 = tpu.memref_slice %arg6[%dma_start3A_201, %dma_start3A_202] : memref<10240x128xf32, #tpu.memory_space<vmem_shared>> -> memref<10240x128xf32, #tpu.memory_space<vmem_shared>>
          tpu.enqueue_indirect_dma source(%dma_start3A_197 : memref<128x128xf32, #tpu.memory_space<vmem>>) target(%dma_start3A_203 : memref<10240x128xf32, #tpu.memory_space<vmem_shared>>) offsets(%dma_start3A_200 : memref<128xi32, #tpu.memory_space<vmem>>) semaphore(%run_scoped3A_193 : memref<!tpu.dma_semaphore, #tpu.memory_space<semaphore_mem>>) {add = true}
          %dma_wait3A_204 = arith.constant 0 : i32
          %dma_wait3A_205 = arith.constant 0 : i32
          %dma_wait3A_206 = tpu.memref_slice %arg7[%run_scoped3A_187, %dma_wait3A_204, %dma_wait3A_205] : memref<2x128x128xf32, #tpu.memory_space<vmem>> -> memref<1x128x128xf32, #tpu.memory_space<vmem>>
          %dma_wait3A_207 = tpu.memref_squeeze %dma_wait3A_206 : memref<1x128x128xf32, #tpu.memory_space<vmem>> -> memref<128x128xf32, #tpu.memory_space<vmem>>
          %dma_wait3A_208 = arith.constant 0 : i32
          %dma_wait3A_209 = tpu.memref_slice %arg9[%add3A_186, %dma_wait3A_208] : memref<32x128xi32, #tpu.memory_space<vmem>> -> memref<1x128xi32, #tpu.memory_space<vmem>>
          %dma_wait3A_210 = tpu.memref_squeeze %dma_wait3A_209 : memref<1x128xi32, #tpu.memory_space<vmem>> -> memref<128xi32, #tpu.memory_space<vmem>>
          %dma_wait3A_211 = arith.constant 0 : i32
          %dma_wait3A_212 = arith.constant 0 : i32
          %dma_wait3A_213 = tpu.memref_slice %arg6[%dma_wait3A_211, %dma_wait3A_212] : memref<10240x128xf32, #tpu.memory_space<vmem_shared>> -> memref<10240x128xf32, #tpu.memory_space<vmem_shared>>
          tpu.wait_indirect_dma semaphore(%run_scoped3A_193 : memref<!tpu.dma_semaphore, #tpu.memory_space<semaphore_mem>>) src(%dma_wait3A_207 : memref<128x128xf32, #tpu.memory_space<vmem>>) dst(%dma_wait3A_213 : memref<10240x128xf32, #tpu.memory_space<vmem_shared>>)
          tpu.yield
        }) : () -> ()
        %lt3A_188 = arith.constant 15 : i32
        %lt3A_189 = arith.cmpi slt, %scan3A_155, %lt3A_188 : i32
        %convert_element_type3A_190 = arith.extui %lt3A_189 : i1 to i32
        %cond3A_191 = arith.constant 0 : i32
        %cond3A_192 = arith.cmpi ne, %convert_element_type3A_190, %cond3A_191 : i32
        scf.if %cond3A_192 {
          %add3A_193 = arith.constant 3 : i32
          %add3A_194 = arith.addi %mul3A_157, %add3A_193 : i32
          %dma_start3A_195 = arith.constant 1 : i32
          %dma_start3A_196 = arith.constant 0 : i32
          %dma_start3A_197 = arith.constant 0 : i32
          %dma_start3A_198 = tpu.memref_slice %arg7[%dma_start3A_195, %dma_start3A_196, %dma_start3A_197] : memref<2x128x128xf32, #tpu.memory_space<vmem>> -> memref<1x128x128xf32, #tpu.memory_space<vmem>>
          %dma_start3A_199 = tpu.memref_squeeze %dma_start3A_198 : memref<1x128x128xf32, #tpu.memory_space<vmem>> -> memref<128x128xf32, #tpu.memory_space<vmem>>
          %dma_start3A_200 = arith.constant 0 : i32
          %dma_start3A_201 = tpu.memref_slice %arg8[%add3A_194, %dma_start3A_200] : memref<32x128xi32, #tpu.memory_space<vmem>> -> memref<1x128xi32, #tpu.memory_space<vmem>>
          %dma_start3A_202 = tpu.memref_squeeze %dma_start3A_201 : memref<1x128xi32, #tpu.memory_space<vmem>> -> memref<128xi32, #tpu.memory_space<vmem>>
          %dma_start3A_203 = arith.constant 0 : i32
          %dma_start3A_204 = arith.constant 0 : i32
          %dma_start3A_205 = tpu.memref_slice %arg2[%dma_start3A_203, %dma_start3A_204] : memref<10000x128xf32, #tpu.memory_space<hbm>> -> memref<10000x128xf32, #tpu.memory_space<hbm>>
          tpu.enqueue_indirect_dma source(%dma_start3A_205 : memref<10000x128xf32, #tpu.memory_space<hbm>>) target(%dma_start3A_199 : memref<128x128xf32, #tpu.memory_space<vmem>>) offsets(%dma_start3A_202 : memref<128xi32, #tpu.memory_space<vmem>>) semaphore(%arg12 : memref<!tpu.dma_semaphore, #tpu.memory_space<semaphore_mem>>)
        } else {
        }
      }
      %scan3A_124 = arith.constant 16 : i32
      "tpu.region"() ({
        %run_scoped3A = tpu.sem_alloc : memref<!tpu.dma_semaphore, #tpu.memory_space<semaphore_mem>>
        %dma_start3A_155 = arith.constant 0 : i32
        %dma_start3A_156 = arith.constant 0 : i32
        %dma_start3A_157 = tpu.memref_slice %arg8[%dma_start3A_155, %dma_start3A_156] : memref<32x128xi32, #tpu.memory_space<vmem>> -> memref<32x128xi32, #tpu.memory_space<vmem>>
        %dma_start3A_158 = arith.constant 32 : i32
        %dma_start3A_159 = arith.constant 0 : i32
        %dma_start3A_160 = tpu.memref_slice %arg3[%arg1, %dma_start3A_158, %dma_start3A_159] : memref<16x160x128xi32, #tpu.memory_space<hbm>> -> memref<1x32x128xi32, #tpu.memory_space<hbm>>
        %dma_start3A_161 = tpu.memref_squeeze %dma_start3A_160 : memref<1x32x128xi32, #tpu.memory_space<hbm>> -> memref<32x128xi32, #tpu.memory_space<hbm>>
        %dma_start3A_162 = arith.constant 0 : i32
        %dma_start3A_163 = arith.constant 0 : i32
        %dma_start3A_164 = tpu.memref_slice %arg8[%dma_start3A_162, %dma_start3A_163] : memref<32x128xi32, #tpu.memory_space<vmem>> -> memref<32x128xi32, #tpu.memory_space<vmem>>
        %dma_start3A_165 = arith.constant 32 : i32
        %dma_start3A_166 = arith.constant 0 : i32
        %dma_start3A_167 = tpu.memref_slice %arg3[%arg1, %dma_start3A_165, %dma_start3A_166] : memref<16x160x128xi32, #tpu.memory_space<hbm>> -> memref<1x32x128xi32, #tpu.memory_space<hbm>>
        %dma_start3A_168 = tpu.memref_squeeze %dma_start3A_167 : memref<1x32x128xi32, #tpu.memory_space<hbm>> -> memref<32x128xi32, #tpu.memory_space<hbm>>
        tpu.enqueue_dma source(%dma_start3A_168 : memref<32x128xi32, #tpu.memory_space<hbm>>) target(%dma_start3A_164 : memref<32x128xi32, #tpu.memory_space<vmem>>) target_semaphore(%run_scoped3A : memref<!tpu.dma_semaphore, #tpu.memory_space<semaphore_mem>>)
        %dma_wait3A = arith.constant 0 : i32
        %dma_wait3A_169 = arith.constant 0 : i32
        %dma_wait3A_170 = tpu.memref_slice %arg8[%dma_wait3A, %dma_wait3A_169] : memref<32x128xi32, #tpu.memory_space<vmem>> -> memref<32x128xi32, #tpu.memory_space<vmem>>
        %dma_wait3A_171 = arith.constant 32 : i32
        %dma_wait3A_172 = arith.constant 0 : i32
        %dma_wait3A_173 = tpu.memref_slice %arg3[%arg1, %dma_wait3A_171, %dma_wait3A_172] : memref<16x160x128xi32, #tpu.memory_space<hbm>> -> memref<1x32x128xi32, #tpu.memory_space<hbm>>
        %dma_wait3A_174 = tpu.memref_squeeze %dma_wait3A_173 : memref<1x32x128xi32, #tpu.memory_space<hbm>> -> memref<32x128xi32, #tpu.memory_space<hbm>>
        %dma_wait3A_175 = arith.constant 0 : i32
        %dma_wait3A_176 = arith.constant 0 : i32
        %dma_wait3A_177 = tpu.memref_slice %arg8[%dma_wait3A_175, %dma_wait3A_176] : memref<32x128xi32, #tpu.memory_space<vmem>> -> memref<32x128xi32, #tpu.memory_space<vmem>>
        %dma_wait3A_178 = arith.constant 32 : i32
        %dma_wait3A_179 = arith.constant 0 : i32
        %dma_wait3A_180 = tpu.memref_slice %arg3[%arg1, %dma_wait3A_178, %dma_wait3A_179] : memref<16x160x128xi32, #tpu.memory_space<hbm>> -> memref<1x32x128xi32, #tpu.memory_space<hbm>>
        %dma_wait3A_181 = tpu.memref_squeeze %dma_wait3A_180 : memref<1x32x128xi32, #tpu.memory_space<hbm>> -> memref<32x128xi32, #tpu.memory_space<hbm>>
        tpu.wait_dma2 semaphore(%run_scoped3A : memref<!tpu.dma_semaphore, #tpu.memory_space<semaphore_mem>>) src(%dma_wait3A_181 : memref<32x128xi32, #tpu.memory_space<hbm>>) dst(%dma_wait3A_177 : memref<32x128xi32, #tpu.memory_space<vmem>>)
        tpu.yield
      }) : () -> ()
      "tpu.region"() ({
        %run_scoped3A = tpu.sem_alloc : memref<!tpu.dma_semaphore, #tpu.memory_space<semaphore_mem>>
        %dma_start3A_155 = arith.constant 0 : i32
        %dma_start3A_156 = arith.constant 0 : i32
        %dma_start3A_157 = tpu.memref_slice %arg9[%dma_start3A_155, %dma_start3A_156] : memref<32x128xi32, #tpu.memory_space<vmem>> -> memref<32x128xi32, #tpu.memory_space<vmem>>
        %dma_start3A_158 = arith.constant 32 : i32
        %dma_start3A_159 = arith.constant 0 : i32
        %dma_start3A_160 = tpu.memref_slice %arg4[%arg1, %dma_start3A_158, %dma_start3A_159] : memref<16x160x128xi32, #tpu.memory_space<hbm>> -> memref<1x32x128xi32, #tpu.memory_space<hbm>>
        %dma_start3A_161 = tpu.memref_squeeze %dma_start3A_160 : memref<1x32x128xi32, #tpu.memory_space<hbm>> -> memref<32x128xi32, #tpu.memory_space<hbm>>
        %dma_start3A_162 = arith.constant 0 : i32
        %dma_start3A_163 = arith.constant 0 : i32
        %dma_start3A_164 = tpu.memref_slice %arg9[%dma_start3A_162, %dma_start3A_163] : memref<32x128xi32, #tpu.memory_space<vmem>> -> memref<32x128xi32, #tpu.memory_space<vmem>>
        %dma_start3A_165 = arith.constant 32 : i32
        %dma_start3A_166 = arith.constant 0 : i32
        %dma_start3A_167 = tpu.memref_slice %arg4[%arg1, %dma_start3A_165, %dma_start3A_166] : memref<16x160x128xi32, #tpu.memory_space<hbm>> -> memref<1x32x128xi32, #tpu.memory_space<hbm>>
        %dma_start3A_168 = tpu.memref_squeeze %dma_start3A_167 : memref<1x32x128xi32, #tpu.memory_space<hbm>> -> memref<32x128xi32, #tpu.memory_space<hbm>>
        tpu.enqueue_dma source(%dma_start3A_168 : memref<32x128xi32, #tpu.memory_space<hbm>>) target(%dma_start3A_164 : memref<32x128xi32, #tpu.memory_space<vmem>>) target_semaphore(%run_scoped3A : memref<!tpu.dma_semaphore, #tpu.memory_space<semaphore_mem>>)
        %dma_wait3A = arith.constant 0 : i32
        %dma_wait3A_169 = arith.constant 0 : i32
        %dma_wait3A_170 = tpu.memref_slice %arg9[%dma_wait3A, %dma_wait3A_169] : memref<32x128xi32, #tpu.memory_space<vmem>> -> memref<32x128xi32, #tpu.memory_space<vmem>>
        %dma_wait3A_171 = arith.constant 32 : i32
        %dma_wait3A_172 = arith.constant 0 : i32
        %dma_wait3A_173 = tpu.memref_slice %arg4[%arg1, %dma_wait3A_171, %dma_wait3A_172] : memref<16x160x128xi32, #tpu.memory_space<hbm>> -> memref<1x32x128xi32, #tpu.memory_space<hbm>>
        %dma_wait3A_174 = tpu.memref_squeeze %dma_wait3A_173 : memref<1x32x128xi32, #tpu.memory_space<hbm>> -> memref<32x128xi32, #tpu.memory_space<hbm>>
        %dma_wait3A_175 = arith.constant 0 : i32
        %dma_wait3A_176 = arith.constant 0 : i32
        %dma_wait3A_177 = tpu.memref_slice %arg9[%dma_wait3A_175, %dma_wait3A_176] : memref<32x128xi32, #tpu.memory_space<vmem>> -> memref<32x128xi32, #tpu.memory_space<vmem>>
        %dma_wait3A_178 = arith.constant 32 : i32
        %dma_wait3A_179 = arith.constant 0 : i32
        %dma_wait3A_180 = tpu.memref_slice %arg4[%arg1, %dma_wait3A_178, %dma_wait3A_179] : memref<16x160x128xi32, #tpu.memory_space<hbm>> -> memref<1x32x128xi32, #tpu.memory_space<hbm>>
        %dma_wait3A_181 = tpu.memref_squeeze %dma_wait3A_180 : memref<1x32x128xi32, #tpu.memory_space<hbm>> -> memref<32x128xi32, #tpu.memory_space<hbm>>
        tpu.wait_dma2 semaphore(%run_scoped3A : memref<!tpu.dma_semaphore, #tpu.memory_space<semaphore_mem>>) src(%dma_wait3A_181 : memref<32x128xi32, #tpu.memory_space<hbm>>) dst(%dma_wait3A_177 : memref<32x128xi32, #tpu.memory_space<vmem>>)
        tpu.yield
      }) : () -> ()
      %dma_start3A_125 = arith.constant 0 : i32
      %dma_start3A_126 = arith.constant 0 : i32
      %dma_start3A_127 = arith.constant 0 : i32
      %dma_start3A_128 = arith.constant 0 : i32
      %dma_start3A_129 = tpu.memref_slice %arg7[%dma_start3A_126, %dma_start3A_127, %dma_start3A_128] : memref<2x128x128xf32, #tpu.memory_space<vmem>> -> memref<1x128x128xf32, #tpu.memory_space<vmem>>
      %dma_start3A_130 = tpu.memref_squeeze %dma_start3A_129 : memref<1x128x128xf32, #tpu.memory_space<vmem>> -> memref<128x128xf32, #tpu.memory_space<vmem>>
      %dma_start3A_131 = arith.constant 0 : i32
      %dma_start3A_132 = tpu.memref_slice %arg8[%dma_start3A_125, %dma_start3A_131] : memref<32x128xi32, #tpu.memory_space<vmem>> -> memref<1x128xi32, #tpu.memory_space<vmem>>
      %dma_start3A_133 = tpu.memref_squeeze %dma_start3A_132 : memref<1x128xi32, #tpu.memory_space<vmem>> -> memref<128xi32, #tpu.memory_space<vmem>>
      %dma_start3A_134 = arith.constant 0 : i32
      %dma_start3A_135 = arith.constant 0 : i32
      %dma_start3A_136 = tpu.memref_slice %arg2[%dma_start3A_134, %dma_start3A_135] : memref<10000x128xf32, #tpu.memory_space<hbm>> -> memref<10000x128xf32, #tpu.memory_space<hbm>>
      tpu.enqueue_indirect_dma source(%dma_start3A_136 : memref<10000x128xf32, #tpu.memory_space<hbm>>) target(%dma_start3A_130 : memref<128x128xf32, #tpu.memory_space<vmem>>) offsets(%dma_start3A_133 : memref<128xi32, #tpu.memory_space<vmem>>) semaphore(%arg11 : memref<!tpu.dma_semaphore, #tpu.memory_space<semaphore_mem>>)
      %dma_start3A_137 = arith.constant 1 : i32
      %dma_start3A_138 = arith.constant 1 : i32
      %dma_start3A_139 = arith.constant 0 : i32
      %dma_start3A_140 = arith.constant 0 : i32
      %dma_start3A_141 = tpu.memref_slice %arg7[%dma_start3A_138, %dma_start3A_139, %dma_start3A_140] : memref<2x128x128xf32, #tpu.memory_space<vmem>> -> memref<1x128x128xf32, #tpu.memory_space<vmem>>
      %dma_start3A_142 = tpu.memref_squeeze %dma_start3A_141 : memref<1x128x128xf32, #tpu.memory_space<vmem>> -> memref<128x128xf32, #tpu.memory_space<vmem>>
      %dma_start3A_143 = arith.constant 0 : i32
      %dma_start3A_144 = tpu.memref_slice %arg8[%dma_start3A_137, %dma_start3A_143] : memref<32x128xi32, #tpu.memory_space<vmem>> -> memref<1x128xi32, #tpu.memory_space<vmem>>
      %dma_start3A_145 = tpu.memref_squeeze %dma_start3A_144 : memref<1x128xi32, #tpu.memory_space<vmem>> -> memref<128xi32, #tpu.memory_space<vmem>>
      %dma_start3A_146 = arith.constant 0 : i32
      %dma_start3A_147 = arith.constant 0 : i32
      %dma_start3A_148 = tpu.memref_slice %arg2[%dma_start3A_146, %dma_start3A_147] : memref<10000x128xf32, #tpu.memory_space<hbm>> -> memref<10000x128xf32, #tpu.memory_space<hbm>>
      tpu.enqueue_indirect_dma source(%dma_start3A_148 : memref<10000x128xf32, #tpu.memory_space<hbm>>) target(%dma_start3A_142 : memref<128x128xf32, #tpu.memory_space<vmem>>) offsets(%dma_start3A_145 : memref<128xi32, #tpu.memory_space<vmem>>) semaphore(%arg12 : memref<!tpu.dma_semaphore, #tpu.memory_space<semaphore_mem>>)
      %scan3A_149 = arith.constant 0 : i32
      %scan3A_150 = arith.constant 0 : i32
      %scan3A_151 = arith.constant 16 : i32
      %scan3A_152 = arith.addi %scan3A_150, %scan3A_151 : i32
      %scan3A_153 = arith.constant 1 : i32
      scf.for %scan3A_155 = %scan3A_150 to %scan3A_152 step %scan3A_153  : i32 {
        %mul3A_156 = arith.constant 2 : i32
        %mul3A_157 = arith.muli %mul3A_156, %scan3A_155 : i32
        %dma_wait3A = arith.constant 0 : i32
        %dma_wait3A_158 = arith.constant 0 : i32
        %dma_wait3A_159 = arith.constant 0 : i32
        %dma_wait3A_160 = arith.constant 0 : i32
        %dma_wait3A_161 = tpu.memref_slice %arg7[%dma_wait3A_158, %dma_wait3A_159, %dma_wait3A_160] : memref<2x128x128xf32, #tpu.memory_space<vmem>> -> memref<1x128x128xf32, #tpu.memory_space<vmem>>
        %dma_wait3A_162 = tpu.memref_squeeze %dma_wait3A_161 : memref<1x128x128xf32, #tpu.memory_space<vmem>> -> memref<128x128xf32, #tpu.memory_space<vmem>>
        %dma_wait3A_163 = arith.constant 0 : i32
        %dma_wait3A_164 = tpu.memref_slice %arg8[%dma_wait3A, %dma_wait3A_163] : memref<32x128xi32, #tpu.memory_space<vmem>> -> memref<1x128xi32, #tpu.memory_space<vmem>>
        %dma_wait3A_165 = tpu.memref_squeeze %dma_wait3A_164 : memref<1x128xi32, #tpu.memory_space<vmem>> -> memref<128xi32, #tpu.memory_space<vmem>>
        %dma_wait3A_166 = arith.constant 0 : i32
        %dma_wait3A_167 = arith.constant 0 : i32
        %dma_wait3A_168 = tpu.memref_slice %arg2[%dma_wait3A_166, %dma_wait3A_167] : memref<10000x128xf32, #tpu.memory_space<hbm>> -> memref<10000x128xf32, #tpu.memory_space<hbm>>
        tpu.wait_indirect_dma semaphore(%arg11 : memref<!tpu.dma_semaphore, #tpu.memory_space<semaphore_mem>>) src(%dma_wait3A_168 : memref<10000x128xf32, #tpu.memory_space<hbm>>) dst(%dma_wait3A_162 : memref<128x128xf32, #tpu.memory_space<vmem>>)
        %run_scoped3A = arith.constant 0 : i32
        "tpu.region"() ({
          %run_scoped3A_193 = tpu.sem_alloc : memref<!tpu.dma_semaphore, #tpu.memory_space<semaphore_mem>>
          %dma_start3A_194 = arith.constant 0 : i32
          %dma_start3A_195 = arith.constant 0 : i32
          %dma_start3A_196 = tpu.memref_slice %arg7[%run_scoped3A, %dma_start3A_194, %dma_start3A_195] : memref<2x128x128xf32, #tpu.memory_space<vmem>> -> memref<1x128x128xf32, #tpu.memory_space<vmem>>
          %dma_start3A_197 = tpu.memref_squeeze %dma_start3A_196 : memref<1x128x128xf32, #tpu.memory_space<vmem>> -> memref<128x128xf32, #tpu.memory_space<vmem>>
          %dma_start3A_198 = arith.constant 0 : i32
          %dma_start3A_199 = tpu.memref_slice %arg9[%mul3A_157, %dma_start3A_198] : memref<32x128xi32, #tpu.memory_space<vmem>> -> memref<1x128xi32, #tpu.memory_space<vmem>>
          %dma_start3A_200 = tpu.memref_squeeze %dma_start3A_199 : memref<1x128xi32, #tpu.memory_space<vmem>> -> memref<128xi32, #tpu.memory_space<vmem>>
          %dma_start3A_201 = arith.constant 0 : i32
          %dma_start3A_202 = arith.constant 0 : i32
          %dma_start3A_203 = tpu.memref_slice %arg6[%dma_start3A_201, %dma_start3A_202] : memref<10240x128xf32, #tpu.memory_space<vmem_shared>> -> memref<10240x128xf32, #tpu.memory_space<vmem_shared>>
          tpu.enqueue_indirect_dma source(%dma_start3A_197 : memref<128x128xf32, #tpu.memory_space<vmem>>) target(%dma_start3A_203 : memref<10240x128xf32, #tpu.memory_space<vmem_shared>>) offsets(%dma_start3A_200 : memref<128xi32, #tpu.memory_space<vmem>>) semaphore(%run_scoped3A_193 : memref<!tpu.dma_semaphore, #tpu.memory_space<semaphore_mem>>) {add = true}
          %dma_wait3A_204 = arith.constant 0 : i32
          %dma_wait3A_205 = arith.constant 0 : i32
          %dma_wait3A_206 = tpu.memref_slice %arg7[%run_scoped3A, %dma_wait3A_204, %dma_wait3A_205] : memref<2x128x128xf32, #tpu.memory_space<vmem>> -> memref<1x128x128xf32, #tpu.memory_space<vmem>>
          %dma_wait3A_207 = tpu.memref_squeeze %dma_wait3A_206 : memref<1x128x128xf32, #tpu.memory_space<vmem>> -> memref<128x128xf32, #tpu.memory_space<vmem>>
          %dma_wait3A_208 = arith.constant 0 : i32
          %dma_wait3A_209 = tpu.memref_slice %arg9[%mul3A_157, %dma_wait3A_208] : memref<32x128xi32, #tpu.memory_space<vmem>> -> memref<1x128xi32, #tpu.memory_space<vmem>>
          %dma_wait3A_210 = tpu.memref_squeeze %dma_wait3A_209 : memref<1x128xi32, #tpu.memory_space<vmem>> -> memref<128xi32, #tpu.memory_space<vmem>>
          %dma_wait3A_211 = arith.constant 0 : i32
          %dma_wait3A_212 = arith.constant 0 : i32
          %dma_wait3A_213 = tpu.memref_slice %arg6[%dma_wait3A_211, %dma_wait3A_212] : memref<10240x128xf32, #tpu.memory_space<vmem_shared>> -> memref<10240x128xf32, #tpu.memory_space<vmem_shared>>
          tpu.wait_indirect_dma semaphore(%run_scoped3A_193 : memref<!tpu.dma_semaphore, #tpu.memory_space<semaphore_mem>>) src(%dma_wait3A_207 : memref<128x128xf32, #tpu.memory_space<vmem>>) dst(%dma_wait3A_213 : memref<10240x128xf32, #tpu.memory_space<vmem_shared>>)
          tpu.yield
        }) : () -> ()
        %lt3A = arith.constant 15 : i32
        %lt3A_169 = arith.cmpi slt, %scan3A_155, %lt3A : i32
        %convert_element_type3A_170 = arith.extui %lt3A_169 : i1 to i32
        %cond3A_171 = arith.constant 0 : i32
        %cond3A_172 = arith.cmpi ne, %convert_element_type3A_170, %cond3A_171 : i32
        scf.if %cond3A_172 {
          %add3A_193 = arith.constant 2 : i32
          %add3A_194 = arith.addi %mul3A_157, %add3A_193 : i32
          %dma_start3A_195 = arith.constant 0 : i32
          %dma_start3A_196 = arith.constant 0 : i32
          %dma_start3A_197 = arith.constant 0 : i32
          %dma_start3A_198 = tpu.memref_slice %arg7[%dma_start3A_195, %dma_start3A_196, %dma_start3A_197] : memref<2x128x128xf32, #tpu.memory_space<vmem>> -> memref<1x128x128xf32, #tpu.memory_space<vmem>>
          %dma_start3A_199 = tpu.memref_squeeze %dma_start3A_198 : memref<1x128x128xf32, #tpu.memory_space<vmem>> -> memref<128x128xf32, #tpu.memory_space<vmem>>
          %dma_start3A_200 = arith.constant 0 : i32
          %dma_start3A_201 = tpu.memref_slice %arg8[%add3A_194, %dma_start3A_200] : memref<32x128xi32, #tpu.memory_space<vmem>> -> memref<1x128xi32, #tpu.memory_space<vmem>>
          %dma_start3A_202 = tpu.memref_squeeze %dma_start3A_201 : memref<1x128xi32, #tpu.memory_space<vmem>> -> memref<128xi32, #tpu.memory_space<vmem>>
          %dma_start3A_203 = arith.constant 0 : i32
          %dma_start3A_204 = arith.constant 0 : i32
          %dma_start3A_205 = tpu.memref_slice %arg2[%dma_start3A_203, %dma_start3A_204] : memref<10000x128xf32, #tpu.memory_space<hbm>> -> memref<10000x128xf32, #tpu.memory_space<hbm>>
          tpu.enqueue_indirect_dma source(%dma_start3A_205 : memref<10000x128xf32, #tpu.memory_space<hbm>>) target(%dma_start3A_199 : memref<128x128xf32, #tpu.memory_space<vmem>>) offsets(%dma_start3A_202 : memref<128xi32, #tpu.memory_space<vmem>>) semaphore(%arg11 : memref<!tpu.dma_semaphore, #tpu.memory_space<semaphore_mem>>)
        } else {
        }
        %dma_wait3A_173 = arith.constant 1 : i32
        %dma_wait3A_174 = arith.constant 1 : i32
        %dma_wait3A_175 = arith.constant 0 : i32
        %dma_wait3A_176 = arith.constant 0 : i32
        %dma_wait3A_177 = tpu.memref_slice %arg7[%dma_wait3A_174, %dma_wait3A_175, %dma_wait3A_176] : memref<2x128x128xf32, #tpu.memory_space<vmem>> -> memref<1x128x128xf32, #tpu.memory_space<vmem>>
        %dma_wait3A_178 = tpu.memref_squeeze %dma_wait3A_177 : memref<1x128x128xf32, #tpu.memory_space<vmem>> -> memref<128x128xf32, #tpu.memory_space<vmem>>
        %dma_wait3A_179 = arith.constant 0 : i32
        %dma_wait3A_180 = tpu.memref_slice %arg8[%dma_wait3A_173, %dma_wait3A_179] : memref<32x128xi32, #tpu.memory_space<vmem>> -> memref<1x128xi32, #tpu.memory_space<vmem>>
        %dma_wait3A_181 = tpu.memref_squeeze %dma_wait3A_180 : memref<1x128xi32, #tpu.memory_space<vmem>> -> memref<128xi32, #tpu.memory_space<vmem>>
        %dma_wait3A_182 = arith.constant 0 : i32
        %dma_wait3A_183 = arith.constant 0 : i32
        %dma_wait3A_184 = tpu.memref_slice %arg2[%dma_wait3A_182, %dma_wait3A_183] : memref<10000x128xf32, #tpu.memory_space<hbm>> -> memref<10000x128xf32, #tpu.memory_space<hbm>>
        tpu.wait_indirect_dma semaphore(%arg12 : memref<!tpu.dma_semaphore, #tpu.memory_space<semaphore_mem>>) src(%dma_wait3A_184 : memref<10000x128xf32, #tpu.memory_space<hbm>>) dst(%dma_wait3A_178 : memref<128x128xf32, #tpu.memory_space<vmem>>)
        %add3A_185 = arith.constant 1 : i32
        %add3A_186 = arith.addi %mul3A_157, %add3A_185 : i32
        %run_scoped3A_187 = arith.constant 1 : i32
        "tpu.region"() ({
          %run_scoped3A_193 = tpu.sem_alloc : memref<!tpu.dma_semaphore, #tpu.memory_space<semaphore_mem>>
          %dma_start3A_194 = arith.constant 0 : i32
          %dma_start3A_195 = arith.constant 0 : i32
          %dma_start3A_196 = tpu.memref_slice %arg7[%run_scoped3A_187, %dma_start3A_194, %dma_start3A_195] : memref<2x128x128xf32, #tpu.memory_space<vmem>> -> memref<1x128x128xf32, #tpu.memory_space<vmem>>
          %dma_start3A_197 = tpu.memref_squeeze %dma_start3A_196 : memref<1x128x128xf32, #tpu.memory_space<vmem>> -> memref<128x128xf32, #tpu.memory_space<vmem>>
          %dma_start3A_198 = arith.constant 0 : i32
          %dma_start3A_199 = tpu.memref_slice %arg9[%add3A_186, %dma_start3A_198] : memref<32x128xi32, #tpu.memory_space<vmem>> -> memref<1x128xi32, #tpu.memory_space<vmem>>
          %dma_start3A_200 = tpu.memref_squeeze %dma_start3A_199 : memref<1x128xi32, #tpu.memory_space<vmem>> -> memref<128xi32, #tpu.memory_space<vmem>>
          %dma_start3A_201 = arith.constant 0 : i32
          %dma_start3A_202 = arith.constant 0 : i32
          %dma_start3A_203 = tpu.memref_slice %arg6[%dma_start3A_201, %dma_start3A_202] : memref<10240x128xf32, #tpu.memory_space<vmem_shared>> -> memref<10240x128xf32, #tpu.memory_space<vmem_shared>>
          tpu.enqueue_indirect_dma source(%dma_start3A_197 : memref<128x128xf32, #tpu.memory_space<vmem>>) target(%dma_start3A_203 : memref<10240x128xf32, #tpu.memory_space<vmem_shared>>) offsets(%dma_start3A_200 : memref<128xi32, #tpu.memory_space<vmem>>) semaphore(%run_scoped3A_193 : memref<!tpu.dma_semaphore, #tpu.memory_space<semaphore_mem>>) {add = true}
          %dma_wait3A_204 = arith.constant 0 : i32
          %dma_wait3A_205 = arith.constant 0 : i32
          %dma_wait3A_206 = tpu.memref_slice %arg7[%run_scoped3A_187, %dma_wait3A_204, %dma_wait3A_205] : memref<2x128x128xf32, #tpu.memory_space<vmem>> -> memref<1x128x128xf32, #tpu.memory_space<vmem>>
          %dma_wait3A_207 = tpu.memref_squeeze %dma_wait3A_206 : memref<1x128x128xf32, #tpu.memory_space<vmem>> -> memref<128x128xf32, #tpu.memory_space<vmem>>
          %dma_wait3A_208 = arith.constant 0 : i32
          %dma_wait3A_209 = tpu.memref_slice %arg9[%add3A_186, %dma_wait3A_208] : memref<32x128xi32, #tpu.memory_space<vmem>> -> memref<1x128xi32, #tpu.memory_space<vmem>>
          %dma_wait3A_210 = tpu.memref_squeeze %dma_wait3A_209 : memref<1x128xi32, #tpu.memory_space<vmem>> -> memref<128xi32, #tpu.memory_space<vmem>>
          %dma_wait3A_211 = arith.constant 0 : i32
          %dma_wait3A_212 = arith.constant 0 : i32
          %dma_wait3A_213 = tpu.memref_slice %arg6[%dma_wait3A_211, %dma_wait3A_212] : memref<10240x128xf32, #tpu.memory_space<vmem_shared>> -> memref<10240x128xf32, #tpu.memory_space<vmem_shared>>
          tpu.wait_indirect_dma semaphore(%run_scoped3A_193 : memref<!tpu.dma_semaphore, #tpu.memory_space<semaphore_mem>>) src(%dma_wait3A_207 : memref<128x128xf32, #tpu.memory_space<vmem>>) dst(%dma_wait3A_213 : memref<10240x128xf32, #tpu.memory_space<vmem_shared>>)
          tpu.yield
        }) : () -> ()
        %lt3A_188 = arith.constant 15 : i32
        %lt3A_189 = arith.cmpi slt, %scan3A_155, %lt3A_188 : i32
        %convert_element_type3A_190 = arith.extui %lt3A_189 : i1 to i32
        %cond3A_191 = arith.constant 0 : i32
        %cond3A_192 = arith.cmpi ne, %convert_element_type3A_190, %cond3A_191 : i32
        scf.if %cond3A_192 {
          %add3A_193 = arith.constant 3 : i32
          %add3A_194 = arith.addi %mul3A_157, %add3A_193 : i32
          %dma_start3A_195 = arith.constant 1 : i32
          %dma_start3A_196 = arith.constant 0 : i32
          %dma_start3A_197 = arith.constant 0 : i32
          %dma_start3A_198 = tpu.memref_slice %arg7[%dma_start3A_195, %dma_start3A_196, %dma_start3A_197] : memref<2x128x128xf32, #tpu.memory_space<vmem>> -> memref<1x128x128xf32, #tpu.memory_space<vmem>>
          %dma_start3A_199 = tpu.memref_squeeze %dma_start3A_198 : memref<1x128x128xf32, #tpu.memory_space<vmem>> -> memref<128x128xf32, #tpu.memory_space<vmem>>
          %dma_start3A_200 = arith.constant 0 : i32
          %dma_start3A_201 = tpu.memref_slice %arg8[%add3A_194, %dma_start3A_200] : memref<32x128xi32, #tpu.memory_space<vmem>> -> memref<1x128xi32, #tpu.memory_space<vmem>>
          %dma_start3A_202 = tpu.memref_squeeze %dma_start3A_201 : memref<1x128xi32, #tpu.memory_space<vmem>> -> memref<128xi32, #tpu.memory_space<vmem>>
          %dma_start3A_203 = arith.constant 0 : i32
          %dma_start3A_204 = arith.constant 0 : i32
          %dma_start3A_205 = tpu.memref_slice %arg2[%dma_start3A_203, %dma_start3A_204] : memref<10000x128xf32, #tpu.memory_space<hbm>> -> memref<10000x128xf32, #tpu.memory_space<hbm>>
          tpu.enqueue_indirect_dma source(%dma_start3A_205 : memref<10000x128xf32, #tpu.memory_space<hbm>>) target(%dma_start3A_199 : memref<128x128xf32, #tpu.memory_space<vmem>>) offsets(%dma_start3A_202 : memref<128xi32, #tpu.memory_space<vmem>>) semaphore(%arg12 : memref<!tpu.dma_semaphore, #tpu.memory_space<semaphore_mem>>)
        } else {
        }
      }
      %scan3A_154 = arith.constant 16 : i32
    } else {
    }
    %eq3A_86 = arith.constant 1 : i32
    %eq3A_87 = arith.cmpi eq, %arg0, %eq3A_86 : i32
    %convert_element_type3A_88 = arith.extui %eq3A_87 : i1 to i32
    %cond3A_89 = arith.constant 0 : i32
    %cond3A_90 = arith.cmpi ne, %convert_element_type3A_88, %cond3A_89 : i32
    scf.if %cond3A_90 {
      "tpu.region"() ({
        %run_scoped3A = tpu.sem_alloc : memref<!tpu.dma_semaphore, #tpu.memory_space<semaphore_mem>>
        %dma_start3A_185 = arith.constant 0 : i32
        %dma_start3A_186 = arith.constant 0 : i32
        %dma_start3A_187 = tpu.memref_slice %arg8[%dma_start3A_185, %dma_start3A_186] : memref<32x128xi32, #tpu.memory_space<vmem>> -> memref<32x128xi32, #tpu.memory_space<vmem>>
        %dma_start3A_188 = arith.constant 64 : i32
        %dma_start3A_189 = arith.constant 0 : i32
        %dma_start3A_190 = tpu.memref_slice %arg3[%arg1, %dma_start3A_188, %dma_start3A_189] : memref<16x160x128xi32, #tpu.memory_space<hbm>> -> memref<1x32x128xi32, #tpu.memory_space<hbm>>
        %dma_start3A_191 = tpu.memref_squeeze %dma_start3A_190 : memref<1x32x128xi32, #tpu.memory_space<hbm>> -> memref<32x128xi32, #tpu.memory_space<hbm>>
        %dma_start3A_192 = arith.constant 0 : i32
        %dma_start3A_193 = arith.constant 0 : i32
        %dma_start3A_194 = tpu.memref_slice %arg8[%dma_start3A_192, %dma_start3A_193] : memref<32x128xi32, #tpu.memory_space<vmem>> -> memref<32x128xi32, #tpu.memory_space<vmem>>
        %dma_start3A_195 = arith.constant 64 : i32
        %dma_start3A_196 = arith.constant 0 : i32
        %dma_start3A_197 = tpu.memref_slice %arg3[%arg1, %dma_start3A_195, %dma_start3A_196] : memref<16x160x128xi32, #tpu.memory_space<hbm>> -> memref<1x32x128xi32, #tpu.memory_space<hbm>>
        %dma_start3A_198 = tpu.memref_squeeze %dma_start3A_197 : memref<1x32x128xi32, #tpu.memory_space<hbm>> -> memref<32x128xi32, #tpu.memory_space<hbm>>
        tpu.enqueue_dma source(%dma_start3A_198 : memref<32x128xi32, #tpu.memory_space<hbm>>) target(%dma_start3A_194 : memref<32x128xi32, #tpu.memory_space<vmem>>) target_semaphore(%run_scoped3A : memref<!tpu.dma_semaphore, #tpu.memory_space<semaphore_mem>>)
        %dma_wait3A = arith.constant 0 : i32
        %dma_wait3A_199 = arith.constant 0 : i32
        %dma_wait3A_200 = tpu.memref_slice %arg8[%dma_wait3A, %dma_wait3A_199] : memref<32x128xi32, #tpu.memory_space<vmem>> -> memref<32x128xi32, #tpu.memory_space<vmem>>
        %dma_wait3A_201 = arith.constant 64 : i32
        %dma_wait3A_202 = arith.constant 0 : i32
        %dma_wait3A_203 = tpu.memref_slice %arg3[%arg1, %dma_wait3A_201, %dma_wait3A_202] : memref<16x160x128xi32, #tpu.memory_space<hbm>> -> memref<1x32x128xi32, #tpu.memory_space<hbm>>
        %dma_wait3A_204 = tpu.memref_squeeze %dma_wait3A_203 : memref<1x32x128xi32, #tpu.memory_space<hbm>> -> memref<32x128xi32, #tpu.memory_space<hbm>>
        %dma_wait3A_205 = arith.constant 0 : i32
        %dma_wait3A_206 = arith.constant 0 : i32
        %dma_wait3A_207 = tpu.memref_slice %arg8[%dma_wait3A_205, %dma_wait3A_206] : memref<32x128xi32, #tpu.memory_space<vmem>> -> memref<32x128xi32, #tpu.memory_space<vmem>>
        %dma_wait3A_208 = arith.constant 64 : i32
        %dma_wait3A_209 = arith.constant 0 : i32
        %dma_wait3A_210 = tpu.memref_slice %arg3[%arg1, %dma_wait3A_208, %dma_wait3A_209] : memref<16x160x128xi32, #tpu.memory_space<hbm>> -> memref<1x32x128xi32, #tpu.memory_space<hbm>>
        %dma_wait3A_211 = tpu.memref_squeeze %dma_wait3A_210 : memref<1x32x128xi32, #tpu.memory_space<hbm>> -> memref<32x128xi32, #tpu.memory_space<hbm>>
        tpu.wait_dma2 semaphore(%run_scoped3A : memref<!tpu.dma_semaphore, #tpu.memory_space<semaphore_mem>>) src(%dma_wait3A_211 : memref<32x128xi32, #tpu.memory_space<hbm>>) dst(%dma_wait3A_207 : memref<32x128xi32, #tpu.memory_space<vmem>>)
        tpu.yield
      }) : () -> ()
      "tpu.region"() ({
        %run_scoped3A = tpu.sem_alloc : memref<!tpu.dma_semaphore, #tpu.memory_space<semaphore_mem>>
        %dma_start3A_185 = arith.constant 0 : i32
        %dma_start3A_186 = arith.constant 0 : i32
        %dma_start3A_187 = tpu.memref_slice %arg9[%dma_start3A_185, %dma_start3A_186] : memref<32x128xi32, #tpu.memory_space<vmem>> -> memref<32x128xi32, #tpu.memory_space<vmem>>
        %dma_start3A_188 = arith.constant 64 : i32
        %dma_start3A_189 = arith.constant 0 : i32
        %dma_start3A_190 = tpu.memref_slice %arg4[%arg1, %dma_start3A_188, %dma_start3A_189] : memref<16x160x128xi32, #tpu.memory_space<hbm>> -> memref<1x32x128xi32, #tpu.memory_space<hbm>>
        %dma_start3A_191 = tpu.memref_squeeze %dma_start3A_190 : memref<1x32x128xi32, #tpu.memory_space<hbm>> -> memref<32x128xi32, #tpu.memory_space<hbm>>
        %dma_start3A_192 = arith.constant 0 : i32
        %dma_start3A_193 = arith.constant 0 : i32
        %dma_start3A_194 = tpu.memref_slice %arg9[%dma_start3A_192, %dma_start3A_193] : memref<32x128xi32, #tpu.memory_space<vmem>> -> memref<32x128xi32, #tpu.memory_space<vmem>>
        %dma_start3A_195 = arith.constant 64 : i32
        %dma_start3A_196 = arith.constant 0 : i32
        %dma_start3A_197 = tpu.memref_slice %arg4[%arg1, %dma_start3A_195, %dma_start3A_196] : memref<16x160x128xi32, #tpu.memory_space<hbm>> -> memref<1x32x128xi32, #tpu.memory_space<hbm>>
        %dma_start3A_198 = tpu.memref_squeeze %dma_start3A_197 : memref<1x32x128xi32, #tpu.memory_space<hbm>> -> memref<32x128xi32, #tpu.memory_space<hbm>>
        tpu.enqueue_dma source(%dma_start3A_198 : memref<32x128xi32, #tpu.memory_space<hbm>>) target(%dma_start3A_194 : memref<32x128xi32, #tpu.memory_space<vmem>>) target_semaphore(%run_scoped3A : memref<!tpu.dma_semaphore, #tpu.memory_space<semaphore_mem>>)
        %dma_wait3A = arith.constant 0 : i32
        %dma_wait3A_199 = arith.constant 0 : i32
        %dma_wait3A_200 = tpu.memref_slice %arg9[%dma_wait3A, %dma_wait3A_199] : memref<32x128xi32, #tpu.memory_space<vmem>> -> memref<32x128xi32, #tpu.memory_space<vmem>>
        %dma_wait3A_201 = arith.constant 64 : i32
        %dma_wait3A_202 = arith.constant 0 : i32
        %dma_wait3A_203 = tpu.memref_slice %arg4[%arg1, %dma_wait3A_201, %dma_wait3A_202] : memref<16x160x128xi32, #tpu.memory_space<hbm>> -> memref<1x32x128xi32, #tpu.memory_space<hbm>>
        %dma_wait3A_204 = tpu.memref_squeeze %dma_wait3A_203 : memref<1x32x128xi32, #tpu.memory_space<hbm>> -> memref<32x128xi32, #tpu.memory_space<hbm>>
        %dma_wait3A_205 = arith.constant 0 : i32
        %dma_wait3A_206 = arith.constant 0 : i32
        %dma_wait3A_207 = tpu.memref_slice %arg9[%dma_wait3A_205, %dma_wait3A_206] : memref<32x128xi32, #tpu.memory_space<vmem>> -> memref<32x128xi32, #tpu.memory_space<vmem>>
        %dma_wait3A_208 = arith.constant 64 : i32
        %dma_wait3A_209 = arith.constant 0 : i32
        %dma_wait3A_210 = tpu.memref_slice %arg4[%arg1, %dma_wait3A_208, %dma_wait3A_209] : memref<16x160x128xi32, #tpu.memory_space<hbm>> -> memref<1x32x128xi32, #tpu.memory_space<hbm>>
        %dma_wait3A_211 = tpu.memref_squeeze %dma_wait3A_210 : memref<1x32x128xi32, #tpu.memory_space<hbm>> -> memref<32x128xi32, #tpu.memory_space<hbm>>
        tpu.wait_dma2 semaphore(%run_scoped3A : memref<!tpu.dma_semaphore, #tpu.memory_space<semaphore_mem>>) src(%dma_wait3A_211 : memref<32x128xi32, #tpu.memory_space<hbm>>) dst(%dma_wait3A_207 : memref<32x128xi32, #tpu.memory_space<vmem>>)
        tpu.yield
      }) : () -> ()
      %dma_start3A = arith.constant 0 : i32
      %dma_start3A_96 = arith.constant 0 : i32
      %dma_start3A_97 = arith.constant 0 : i32
      %dma_start3A_98 = arith.constant 0 : i32
      %dma_start3A_99 = tpu.memref_slice %arg7[%dma_start3A_96, %dma_start3A_97, %dma_start3A_98] : memref<2x128x128xf32, #tpu.memory_space<vmem>> -> memref<1x128x128xf32, #tpu.memory_space<vmem>>
      %dma_start3A_100 = tpu.memref_squeeze %dma_start3A_99 : memref<1x128x128xf32, #tpu.memory_space<vmem>> -> memref<128x128xf32, #tpu.memory_space<vmem>>
      %dma_start3A_101 = arith.constant 0 : i32
      %dma_start3A_102 = tpu.memref_slice %arg8[%dma_start3A, %dma_start3A_101] : memref<32x128xi32, #tpu.memory_space<vmem>> -> memref<1x128xi32, #tpu.memory_space<vmem>>
      %dma_start3A_103 = tpu.memref_squeeze %dma_start3A_102 : memref<1x128xi32, #tpu.memory_space<vmem>> -> memref<128xi32, #tpu.memory_space<vmem>>
      %dma_start3A_104 = arith.constant 0 : i32
      %dma_start3A_105 = arith.constant 0 : i32
      %dma_start3A_106 = tpu.memref_slice %arg2[%dma_start3A_104, %dma_start3A_105] : memref<10000x128xf32, #tpu.memory_space<hbm>> -> memref<10000x128xf32, #tpu.memory_space<hbm>>
      tpu.enqueue_indirect_dma source(%dma_start3A_106 : memref<10000x128xf32, #tpu.memory_space<hbm>>) target(%dma_start3A_100 : memref<128x128xf32, #tpu.memory_space<vmem>>) offsets(%dma_start3A_103 : memref<128xi32, #tpu.memory_space<vmem>>) semaphore(%arg11 : memref<!tpu.dma_semaphore, #tpu.memory_space<semaphore_mem>>)
      %dma_start3A_107 = arith.constant 1 : i32
      %dma_start3A_108 = arith.constant 1 : i32
      %dma_start3A_109 = arith.constant 0 : i32
      %dma_start3A_110 = arith.constant 0 : i32
      %dma_start3A_111 = tpu.memref_slice %arg7[%dma_start3A_108, %dma_start3A_109, %dma_start3A_110] : memref<2x128x128xf32, #tpu.memory_space<vmem>> -> memref<1x128x128xf32, #tpu.memory_space<vmem>>
      %dma_start3A_112 = tpu.memref_squeeze %dma_start3A_111 : memref<1x128x128xf32, #tpu.memory_space<vmem>> -> memref<128x128xf32, #tpu.memory_space<vmem>>
      %dma_start3A_113 = arith.constant 0 : i32
      %dma_start3A_114 = tpu.memref_slice %arg8[%dma_start3A_107, %dma_start3A_113] : memref<32x128xi32, #tpu.memory_space<vmem>> -> memref<1x128xi32, #tpu.memory_space<vmem>>
      %dma_start3A_115 = tpu.memref_squeeze %dma_start3A_114 : memref<1x128xi32, #tpu.memory_space<vmem>> -> memref<128xi32, #tpu.memory_space<vmem>>
      %dma_start3A_116 = arith.constant 0 : i32
      %dma_start3A_117 = arith.constant 0 : i32
      %dma_start3A_118 = tpu.memref_slice %arg2[%dma_start3A_116, %dma_start3A_117] : memref<10000x128xf32, #tpu.memory_space<hbm>> -> memref<10000x128xf32, #tpu.memory_space<hbm>>
      tpu.enqueue_indirect_dma source(%dma_start3A_118 : memref<10000x128xf32, #tpu.memory_space<hbm>>) target(%dma_start3A_112 : memref<128x128xf32, #tpu.memory_space<vmem>>) offsets(%dma_start3A_115 : memref<128xi32, #tpu.memory_space<vmem>>) semaphore(%arg12 : memref<!tpu.dma_semaphore, #tpu.memory_space<semaphore_mem>>)
      %scan3A_119 = arith.constant 0 : i32
      %scan3A_120 = arith.constant 0 : i32
      %scan3A_121 = arith.constant 16 : i32
      %scan3A_122 = arith.addi %scan3A_120, %scan3A_121 : i32
      %scan3A_123 = arith.constant 1 : i32
      scf.for %scan3A_185 = %scan3A_120 to %scan3A_122 step %scan3A_123  : i32 {
        %mul3A_186 = arith.constant 2 : i32
        %mul3A_187 = arith.muli %mul3A_186, %scan3A_185 : i32
        %dma_wait3A = arith.constant 0 : i32
        %dma_wait3A_188 = arith.constant 0 : i32
        %dma_wait3A_189 = arith.constant 0 : i32
        %dma_wait3A_190 = arith.constant 0 : i32
        %dma_wait3A_191 = tpu.memref_slice %arg7[%dma_wait3A_188, %dma_wait3A_189, %dma_wait3A_190] : memref<2x128x128xf32, #tpu.memory_space<vmem>> -> memref<1x128x128xf32, #tpu.memory_space<vmem>>
        %dma_wait3A_192 = tpu.memref_squeeze %dma_wait3A_191 : memref<1x128x128xf32, #tpu.memory_space<vmem>> -> memref<128x128xf32, #tpu.memory_space<vmem>>
        %dma_wait3A_193 = arith.constant 0 : i32
        %dma_wait3A_194 = tpu.memref_slice %arg8[%dma_wait3A, %dma_wait3A_193] : memref<32x128xi32, #tpu.memory_space<vmem>> -> memref<1x128xi32, #tpu.memory_space<vmem>>
        %dma_wait3A_195 = tpu.memref_squeeze %dma_wait3A_194 : memref<1x128xi32, #tpu.memory_space<vmem>> -> memref<128xi32, #tpu.memory_space<vmem>>
        %dma_wait3A_196 = arith.constant 0 : i32
        %dma_wait3A_197 = arith.constant 0 : i32
        %dma_wait3A_198 = tpu.memref_slice %arg2[%dma_wait3A_196, %dma_wait3A_197] : memref<10000x128xf32, #tpu.memory_space<hbm>> -> memref<10000x128xf32, #tpu.memory_space<hbm>>
        tpu.wait_indirect_dma semaphore(%arg11 : memref<!tpu.dma_semaphore, #tpu.memory_space<semaphore_mem>>) src(%dma_wait3A_198 : memref<10000x128xf32, #tpu.memory_space<hbm>>) dst(%dma_wait3A_192 : memref<128x128xf32, #tpu.memory_space<vmem>>)
        %run_scoped3A = arith.constant 0 : i32
        "tpu.region"() ({
          %run_scoped3A_223 = tpu.sem_alloc : memref<!tpu.dma_semaphore, #tpu.memory_space<semaphore_mem>>
          %dma_start3A_224 = arith.constant 0 : i32
          %dma_start3A_225 = arith.constant 0 : i32
          %dma_start3A_226 = tpu.memref_slice %arg7[%run_scoped3A, %dma_start3A_224, %dma_start3A_225] : memref<2x128x128xf32, #tpu.memory_space<vmem>> -> memref<1x128x128xf32, #tpu.memory_space<vmem>>
          %dma_start3A_227 = tpu.memref_squeeze %dma_start3A_226 : memref<1x128x128xf32, #tpu.memory_space<vmem>> -> memref<128x128xf32, #tpu.memory_space<vmem>>
          %dma_start3A_228 = arith.constant 0 : i32
          %dma_start3A_229 = tpu.memref_slice %arg9[%mul3A_187, %dma_start3A_228] : memref<32x128xi32, #tpu.memory_space<vmem>> -> memref<1x128xi32, #tpu.memory_space<vmem>>
          %dma_start3A_230 = tpu.memref_squeeze %dma_start3A_229 : memref<1x128xi32, #tpu.memory_space<vmem>> -> memref<128xi32, #tpu.memory_space<vmem>>
          %dma_start3A_231 = arith.constant 0 : i32
          %dma_start3A_232 = arith.constant 0 : i32
          %dma_start3A_233 = tpu.memref_slice %arg6[%dma_start3A_231, %dma_start3A_232] : memref<10240x128xf32, #tpu.memory_space<vmem_shared>> -> memref<10240x128xf32, #tpu.memory_space<vmem_shared>>
          tpu.enqueue_indirect_dma source(%dma_start3A_227 : memref<128x128xf32, #tpu.memory_space<vmem>>) target(%dma_start3A_233 : memref<10240x128xf32, #tpu.memory_space<vmem_shared>>) offsets(%dma_start3A_230 : memref<128xi32, #tpu.memory_space<vmem>>) semaphore(%run_scoped3A_223 : memref<!tpu.dma_semaphore, #tpu.memory_space<semaphore_mem>>) {add = true}
          %dma_wait3A_234 = arith.constant 0 : i32
          %dma_wait3A_235 = arith.constant 0 : i32
          %dma_wait3A_236 = tpu.memref_slice %arg7[%run_scoped3A, %dma_wait3A_234, %dma_wait3A_235] : memref<2x128x128xf32, #tpu.memory_space<vmem>> -> memref<1x128x128xf32, #tpu.memory_space<vmem>>
          %dma_wait3A_237 = tpu.memref_squeeze %dma_wait3A_236 : memref<1x128x128xf32, #tpu.memory_space<vmem>> -> memref<128x128xf32, #tpu.memory_space<vmem>>
          %dma_wait3A_238 = arith.constant 0 : i32
          %dma_wait3A_239 = tpu.memref_slice %arg9[%mul3A_187, %dma_wait3A_238] : memref<32x128xi32, #tpu.memory_space<vmem>> -> memref<1x128xi32, #tpu.memory_space<vmem>>
          %dma_wait3A_240 = tpu.memref_squeeze %dma_wait3A_239 : memref<1x128xi32, #tpu.memory_space<vmem>> -> memref<128xi32, #tpu.memory_space<vmem>>
          %dma_wait3A_241 = arith.constant 0 : i32
          %dma_wait3A_242 = arith.constant 0 : i32
          %dma_wait3A_243 = tpu.memref_slice %arg6[%dma_wait3A_241, %dma_wait3A_242] : memref<10240x128xf32, #tpu.memory_space<vmem_shared>> -> memref<10240x128xf32, #tpu.memory_space<vmem_shared>>
          tpu.wait_indirect_dma semaphore(%run_scoped3A_223 : memref<!tpu.dma_semaphore, #tpu.memory_space<semaphore_mem>>) src(%dma_wait3A_237 : memref<128x128xf32, #tpu.memory_space<vmem>>) dst(%dma_wait3A_243 : memref<10240x128xf32, #tpu.memory_space<vmem_shared>>)
          tpu.yield
        }) : () -> ()
        %lt3A = arith.constant 15 : i32
        %lt3A_199 = arith.cmpi slt, %scan3A_185, %lt3A : i32
        %convert_element_type3A_200 = arith.extui %lt3A_199 : i1 to i32
        %cond3A_201 = arith.constant 0 : i32
        %cond3A_202 = arith.cmpi ne, %convert_element_type3A_200, %cond3A_201 : i32
        scf.if %cond3A_202 {
          %add3A_223 = arith.constant 2 : i32
          %add3A_224 = arith.addi %mul3A_187, %add3A_223 : i32
          %dma_start3A_225 = arith.constant 0 : i32
          %dma_start3A_226 = arith.constant 0 : i32
          %dma_start3A_227 = arith.constant 0 : i32
          %dma_start3A_228 = tpu.memref_slice %arg7[%dma_start3A_225, %dma_start3A_226, %dma_start3A_227] : memref<2x128x128xf32, #tpu.memory_space<vmem>> -> memref<1x128x128xf32, #tpu.memory_space<vmem>>
          %dma_start3A_229 = tpu.memref_squeeze %dma_start3A_228 : memref<1x128x128xf32, #tpu.memory_space<vmem>> -> memref<128x128xf32, #tpu.memory_space<vmem>>
          %dma_start3A_230 = arith.constant 0 : i32
          %dma_start3A_231 = tpu.memref_slice %arg8[%add3A_224, %dma_start3A_230] : memref<32x128xi32, #tpu.memory_space<vmem>> -> memref<1x128xi32, #tpu.memory_space<vmem>>
          %dma_start3A_232 = tpu.memref_squeeze %dma_start3A_231 : memref<1x128xi32, #tpu.memory_space<vmem>> -> memref<128xi32, #tpu.memory_space<vmem>>
          %dma_start3A_233 = arith.constant 0 : i32
          %dma_start3A_234 = arith.constant 0 : i32
          %dma_start3A_235 = tpu.memref_slice %arg2[%dma_start3A_233, %dma_start3A_234] : memref<10000x128xf32, #tpu.memory_space<hbm>> -> memref<10000x128xf32, #tpu.memory_space<hbm>>
          tpu.enqueue_indirect_dma source(%dma_start3A_235 : memref<10000x128xf32, #tpu.memory_space<hbm>>) target(%dma_start3A_229 : memref<128x128xf32, #tpu.memory_space<vmem>>) offsets(%dma_start3A_232 : memref<128xi32, #tpu.memory_space<vmem>>) semaphore(%arg11 : memref<!tpu.dma_semaphore, #tpu.memory_space<semaphore_mem>>)
        } else {
        }
        %dma_wait3A_203 = arith.constant 1 : i32
        %dma_wait3A_204 = arith.constant 1 : i32
        %dma_wait3A_205 = arith.constant 0 : i32
        %dma_wait3A_206 = arith.constant 0 : i32
        %dma_wait3A_207 = tpu.memref_slice %arg7[%dma_wait3A_204, %dma_wait3A_205, %dma_wait3A_206] : memref<2x128x128xf32, #tpu.memory_space<vmem>> -> memref<1x128x128xf32, #tpu.memory_space<vmem>>
        %dma_wait3A_208 = tpu.memref_squeeze %dma_wait3A_207 : memref<1x128x128xf32, #tpu.memory_space<vmem>> -> memref<128x128xf32, #tpu.memory_space<vmem>>
        %dma_wait3A_209 = arith.constant 0 : i32
        %dma_wait3A_210 = tpu.memref_slice %arg8[%dma_wait3A_203, %dma_wait3A_209] : memref<32x128xi32, #tpu.memory_space<vmem>> -> memref<1x128xi32, #tpu.memory_space<vmem>>
        %dma_wait3A_211 = tpu.memref_squeeze %dma_wait3A_210 : memref<1x128xi32, #tpu.memory_space<vmem>> -> memref<128xi32, #tpu.memory_space<vmem>>
        %dma_wait3A_212 = arith.constant 0 : i32
        %dma_wait3A_213 = arith.constant 0 : i32
        %dma_wait3A_214 = tpu.memref_slice %arg2[%dma_wait3A_212, %dma_wait3A_213] : memref<10000x128xf32, #tpu.memory_space<hbm>> -> memref<10000x128xf32, #tpu.memory_space<hbm>>
        tpu.wait_indirect_dma semaphore(%arg12 : memref<!tpu.dma_semaphore, #tpu.memory_space<semaphore_mem>>) src(%dma_wait3A_214 : memref<10000x128xf32, #tpu.memory_space<hbm>>) dst(%dma_wait3A_208 : memref<128x128xf32, #tpu.memory_space<vmem>>)
        %add3A_215 = arith.constant 1 : i32
        %add3A_216 = arith.addi %mul3A_187, %add3A_215 : i32
        %run_scoped3A_217 = arith.constant 1 : i32
        "tpu.region"() ({
          %run_scoped3A_223 = tpu.sem_alloc : memref<!tpu.dma_semaphore, #tpu.memory_space<semaphore_mem>>
          %dma_start3A_224 = arith.constant 0 : i32
          %dma_start3A_225 = arith.constant 0 : i32
          %dma_start3A_226 = tpu.memref_slice %arg7[%run_scoped3A_217, %dma_start3A_224, %dma_start3A_225] : memref<2x128x128xf32, #tpu.memory_space<vmem>> -> memref<1x128x128xf32, #tpu.memory_space<vmem>>
          %dma_start3A_227 = tpu.memref_squeeze %dma_start3A_226 : memref<1x128x128xf32, #tpu.memory_space<vmem>> -> memref<128x128xf32, #tpu.memory_space<vmem>>
          %dma_start3A_228 = arith.constant 0 : i32
          %dma_start3A_229 = tpu.memref_slice %arg9[%add3A_216, %dma_start3A_228] : memref<32x128xi32, #tpu.memory_space<vmem>> -> memref<1x128xi32, #tpu.memory_space<vmem>>
          %dma_start3A_230 = tpu.memref_squeeze %dma_start3A_229 : memref<1x128xi32, #tpu.memory_space<vmem>> -> memref<128xi32, #tpu.memory_space<vmem>>
          %dma_start3A_231 = arith.constant 0 : i32
          %dma_start3A_232 = arith.constant 0 : i32
          %dma_start3A_233 = tpu.memref_slice %arg6[%dma_start3A_231, %dma_start3A_232] : memref<10240x128xf32, #tpu.memory_space<vmem_shared>> -> memref<10240x128xf32, #tpu.memory_space<vmem_shared>>
          tpu.enqueue_indirect_dma source(%dma_start3A_227 : memref<128x128xf32, #tpu.memory_space<vmem>>) target(%dma_start3A_233 : memref<10240x128xf32, #tpu.memory_space<vmem_shared>>) offsets(%dma_start3A_230 : memref<128xi32, #tpu.memory_space<vmem>>) semaphore(%run_scoped3A_223 : memref<!tpu.dma_semaphore, #tpu.memory_space<semaphore_mem>>) {add = true}
          %dma_wait3A_234 = arith.constant 0 : i32
          %dma_wait3A_235 = arith.constant 0 : i32
          %dma_wait3A_236 = tpu.memref_slice %arg7[%run_scoped3A_217, %dma_wait3A_234, %dma_wait3A_235] : memref<2x128x128xf32, #tpu.memory_space<vmem>> -> memref<1x128x128xf32, #tpu.memory_space<vmem>>
          %dma_wait3A_237 = tpu.memref_squeeze %dma_wait3A_236 : memref<1x128x128xf32, #tpu.memory_space<vmem>> -> memref<128x128xf32, #tpu.memory_space<vmem>>
          %dma_wait3A_238 = arith.constant 0 : i32
          %dma_wait3A_239 = tpu.memref_slice %arg9[%add3A_216, %dma_wait3A_238] : memref<32x128xi32, #tpu.memory_space<vmem>> -> memref<1x128xi32, #tpu.memory_space<vmem>>
          %dma_wait3A_240 = tpu.memref_squeeze %dma_wait3A_239 : memref<1x128xi32, #tpu.memory_space<vmem>> -> memref<128xi32, #tpu.memory_space<vmem>>
          %dma_wait3A_241 = arith.constant 0 : i32
          %dma_wait3A_242 = arith.constant 0 : i32
          %dma_wait3A_243 = tpu.memref_slice %arg6[%dma_wait3A_241, %dma_wait3A_242] : memref<10240x128xf32, #tpu.memory_space<vmem_shared>> -> memref<10240x128xf32, #tpu.memory_space<vmem_shared>>
          tpu.wait_indirect_dma semaphore(%run_scoped3A_223 : memref<!tpu.dma_semaphore, #tpu.memory_space<semaphore_mem>>) src(%dma_wait3A_237 : memref<128x128xf32, #tpu.memory_space<vmem>>) dst(%dma_wait3A_243 : memref<10240x128xf32, #tpu.memory_space<vmem_shared>>)
          tpu.yield
        }) : () -> ()
        %lt3A_218 = arith.constant 15 : i32
        %lt3A_219 = arith.cmpi slt, %scan3A_185, %lt3A_218 : i32
        %convert_element_type3A_220 = arith.extui %lt3A_219 : i1 to i32
        %cond3A_221 = arith.constant 0 : i32
        %cond3A_222 = arith.cmpi ne, %convert_element_type3A_220, %cond3A_221 : i32
        scf.if %cond3A_222 {
          %add3A_223 = arith.constant 3 : i32
          %add3A_224 = arith.addi %mul3A_187, %add3A_223 : i32
          %dma_start3A_225 = arith.constant 1 : i32
          %dma_start3A_226 = arith.constant 0 : i32
          %dma_start3A_227 = arith.constant 0 : i32
          %dma_start3A_228 = tpu.memref_slice %arg7[%dma_start3A_225, %dma_start3A_226, %dma_start3A_227] : memref<2x128x128xf32, #tpu.memory_space<vmem>> -> memref<1x128x128xf32, #tpu.memory_space<vmem>>
          %dma_start3A_229 = tpu.memref_squeeze %dma_start3A_228 : memref<1x128x128xf32, #tpu.memory_space<vmem>> -> memref<128x128xf32, #tpu.memory_space<vmem>>
          %dma_start3A_230 = arith.constant 0 : i32
          %dma_start3A_231 = tpu.memref_slice %arg8[%add3A_224, %dma_start3A_230] : memref<32x128xi32, #tpu.memory_space<vmem>> -> memref<1x128xi32, #tpu.memory_space<vmem>>
          %dma_start3A_232 = tpu.memref_squeeze %dma_start3A_231 : memref<1x128xi32, #tpu.memory_space<vmem>> -> memref<128xi32, #tpu.memory_space<vmem>>
          %dma_start3A_233 = arith.constant 0 : i32
          %dma_start3A_234 = arith.constant 0 : i32
          %dma_start3A_235 = tpu.memref_slice %arg2[%dma_start3A_233, %dma_start3A_234] : memref<10000x128xf32, #tpu.memory_space<hbm>> -> memref<10000x128xf32, #tpu.memory_space<hbm>>
          tpu.enqueue_indirect_dma source(%dma_start3A_235 : memref<10000x128xf32, #tpu.memory_space<hbm>>) target(%dma_start3A_229 : memref<128x128xf32, #tpu.memory_space<vmem>>) offsets(%dma_start3A_232 : memref<128xi32, #tpu.memory_space<vmem>>) semaphore(%arg12 : memref<!tpu.dma_semaphore, #tpu.memory_space<semaphore_mem>>)
        } else {
        }
      }
      %scan3A_124 = arith.constant 16 : i32
      "tpu.region"() ({
        %run_scoped3A = tpu.sem_alloc : memref<!tpu.dma_semaphore, #tpu.memory_space<semaphore_mem>>
        %dma_start3A_185 = arith.constant 0 : i32
        %dma_start3A_186 = arith.constant 0 : i32
        %dma_start3A_187 = tpu.memref_slice %arg8[%dma_start3A_185, %dma_start3A_186] : memref<32x128xi32, #tpu.memory_space<vmem>> -> memref<32x128xi32, #tpu.memory_space<vmem>>
        %dma_start3A_188 = arith.constant 96 : i32
        %dma_start3A_189 = arith.constant 0 : i32
        %dma_start3A_190 = tpu.memref_slice %arg3[%arg1, %dma_start3A_188, %dma_start3A_189] : memref<16x160x128xi32, #tpu.memory_space<hbm>> -> memref<1x32x128xi32, #tpu.memory_space<hbm>>
        %dma_start3A_191 = tpu.memref_squeeze %dma_start3A_190 : memref<1x32x128xi32, #tpu.memory_space<hbm>> -> memref<32x128xi32, #tpu.memory_space<hbm>>
        %dma_start3A_192 = arith.constant 0 : i32
        %dma_start3A_193 = arith.constant 0 : i32
        %dma_start3A_194 = tpu.memref_slice %arg8[%dma_start3A_192, %dma_start3A_193] : memref<32x128xi32, #tpu.memory_space<vmem>> -> memref<32x128xi32, #tpu.memory_space<vmem>>
        %dma_start3A_195 = arith.constant 96 : i32
        %dma_start3A_196 = arith.constant 0 : i32
        %dma_start3A_197 = tpu.memref_slice %arg3[%arg1, %dma_start3A_195, %dma_start3A_196] : memref<16x160x128xi32, #tpu.memory_space<hbm>> -> memref<1x32x128xi32, #tpu.memory_space<hbm>>
        %dma_start3A_198 = tpu.memref_squeeze %dma_start3A_197 : memref<1x32x128xi32, #tpu.memory_space<hbm>> -> memref<32x128xi32, #tpu.memory_space<hbm>>
        tpu.enqueue_dma source(%dma_start3A_198 : memref<32x128xi32, #tpu.memory_space<hbm>>) target(%dma_start3A_194 : memref<32x128xi32, #tpu.memory_space<vmem>>) target_semaphore(%run_scoped3A : memref<!tpu.dma_semaphore, #tpu.memory_space<semaphore_mem>>)
        %dma_wait3A = arith.constant 0 : i32
        %dma_wait3A_199 = arith.constant 0 : i32
        %dma_wait3A_200 = tpu.memref_slice %arg8[%dma_wait3A, %dma_wait3A_199] : memref<32x128xi32, #tpu.memory_space<vmem>> -> memref<32x128xi32, #tpu.memory_space<vmem>>
        %dma_wait3A_201 = arith.constant 96 : i32
        %dma_wait3A_202 = arith.constant 0 : i32
        %dma_wait3A_203 = tpu.memref_slice %arg3[%arg1, %dma_wait3A_201, %dma_wait3A_202] : memref<16x160x128xi32, #tpu.memory_space<hbm>> -> memref<1x32x128xi32, #tpu.memory_space<hbm>>
        %dma_wait3A_204 = tpu.memref_squeeze %dma_wait3A_203 : memref<1x32x128xi32, #tpu.memory_space<hbm>> -> memref<32x128xi32, #tpu.memory_space<hbm>>
        %dma_wait3A_205 = arith.constant 0 : i32
        %dma_wait3A_206 = arith.constant 0 : i32
        %dma_wait3A_207 = tpu.memref_slice %arg8[%dma_wait3A_205, %dma_wait3A_206] : memref<32x128xi32, #tpu.memory_space<vmem>> -> memref<32x128xi32, #tpu.memory_space<vmem>>
        %dma_wait3A_208 = arith.constant 96 : i32
        %dma_wait3A_209 = arith.constant 0 : i32
        %dma_wait3A_210 = tpu.memref_slice %arg3[%arg1, %dma_wait3A_208, %dma_wait3A_209] : memref<16x160x128xi32, #tpu.memory_space<hbm>> -> memref<1x32x128xi32, #tpu.memory_space<hbm>>
        %dma_wait3A_211 = tpu.memref_squeeze %dma_wait3A_210 : memref<1x32x128xi32, #tpu.memory_space<hbm>> -> memref<32x128xi32, #tpu.memory_space<hbm>>
        tpu.wait_dma2 semaphore(%run_scoped3A : memref<!tpu.dma_semaphore, #tpu.memory_space<semaphore_mem>>) src(%dma_wait3A_211 : memref<32x128xi32, #tpu.memory_space<hbm>>) dst(%dma_wait3A_207 : memref<32x128xi32, #tpu.memory_space<vmem>>)
        tpu.yield
      }) : () -> ()
      "tpu.region"() ({
        %run_scoped3A = tpu.sem_alloc : memref<!tpu.dma_semaphore, #tpu.memory_space<semaphore_mem>>
        %dma_start3A_185 = arith.constant 0 : i32
        %dma_start3A_186 = arith.constant 0 : i32
        %dma_start3A_187 = tpu.memref_slice %arg9[%dma_start3A_185, %dma_start3A_186] : memref<32x128xi32, #tpu.memory_space<vmem>> -> memref<32x128xi32, #tpu.memory_space<vmem>>
        %dma_start3A_188 = arith.constant 96 : i32
        %dma_start3A_189 = arith.constant 0 : i32
        %dma_start3A_190 = tpu.memref_slice %arg4[%arg1, %dma_start3A_188, %dma_start3A_189] : memref<16x160x128xi32, #tpu.memory_space<hbm>> -> memref<1x32x128xi32, #tpu.memory_space<hbm>>
        %dma_start3A_191 = tpu.memref_squeeze %dma_start3A_190 : memref<1x32x128xi32, #tpu.memory_space<hbm>> -> memref<32x128xi32, #tpu.memory_space<hbm>>
        %dma_start3A_192 = arith.constant 0 : i32
        %dma_start3A_193 = arith.constant 0 : i32
        %dma_start3A_194 = tpu.memref_slice %arg9[%dma_start3A_192, %dma_start3A_193] : memref<32x128xi32, #tpu.memory_space<vmem>> -> memref<32x128xi32, #tpu.memory_space<vmem>>
        %dma_start3A_195 = arith.constant 96 : i32
        %dma_start3A_196 = arith.constant 0 : i32
        %dma_start3A_197 = tpu.memref_slice %arg4[%arg1, %dma_start3A_195, %dma_start3A_196] : memref<16x160x128xi32, #tpu.memory_space<hbm>> -> memref<1x32x128xi32, #tpu.memory_space<hbm>>
        %dma_start3A_198 = tpu.memref_squeeze %dma_start3A_197 : memref<1x32x128xi32, #tpu.memory_space<hbm>> -> memref<32x128xi32, #tpu.memory_space<hbm>>
        tpu.enqueue_dma source(%dma_start3A_198 : memref<32x128xi32, #tpu.memory_space<hbm>>) target(%dma_start3A_194 : memref<32x128xi32, #tpu.memory_space<vmem>>) target_semaphore(%run_scoped3A : memref<!tpu.dma_semaphore, #tpu.memory_space<semaphore_mem>>)
        %dma_wait3A = arith.constant 0 : i32
        %dma_wait3A_199 = arith.constant 0 : i32
        %dma_wait3A_200 = tpu.memref_slice %arg9[%dma_wait3A, %dma_wait3A_199] : memref<32x128xi32, #tpu.memory_space<vmem>> -> memref<32x128xi32, #tpu.memory_space<vmem>>
        %dma_wait3A_201 = arith.constant 96 : i32
        %dma_wait3A_202 = arith.constant 0 : i32
        %dma_wait3A_203 = tpu.memref_slice %arg4[%arg1, %dma_wait3A_201, %dma_wait3A_202] : memref<16x160x128xi32, #tpu.memory_space<hbm>> -> memref<1x32x128xi32, #tpu.memory_space<hbm>>
        %dma_wait3A_204 = tpu.memref_squeeze %dma_wait3A_203 : memref<1x32x128xi32, #tpu.memory_space<hbm>> -> memref<32x128xi32, #tpu.memory_space<hbm>>
        %dma_wait3A_205 = arith.constant 0 : i32
        %dma_wait3A_206 = arith.constant 0 : i32
        %dma_wait3A_207 = tpu.memref_slice %arg9[%dma_wait3A_205, %dma_wait3A_206] : memref<32x128xi32, #tpu.memory_space<vmem>> -> memref<32x128xi32, #tpu.memory_space<vmem>>
        %dma_wait3A_208 = arith.constant 96 : i32
        %dma_wait3A_209 = arith.constant 0 : i32
        %dma_wait3A_210 = tpu.memref_slice %arg4[%arg1, %dma_wait3A_208, %dma_wait3A_209] : memref<16x160x128xi32, #tpu.memory_space<hbm>> -> memref<1x32x128xi32, #tpu.memory_space<hbm>>
        %dma_wait3A_211 = tpu.memref_squeeze %dma_wait3A_210 : memref<1x32x128xi32, #tpu.memory_space<hbm>> -> memref<32x128xi32, #tpu.memory_space<hbm>>
        tpu.wait_dma2 semaphore(%run_scoped3A : memref<!tpu.dma_semaphore, #tpu.memory_space<semaphore_mem>>) src(%dma_wait3A_211 : memref<32x128xi32, #tpu.memory_space<hbm>>) dst(%dma_wait3A_207 : memref<32x128xi32, #tpu.memory_space<vmem>>)
        tpu.yield
      }) : () -> ()
      %dma_start3A_125 = arith.constant 0 : i32
      %dma_start3A_126 = arith.constant 0 : i32
      %dma_start3A_127 = arith.constant 0 : i32
      %dma_start3A_128 = arith.constant 0 : i32
      %dma_start3A_129 = tpu.memref_slice %arg7[%dma_start3A_126, %dma_start3A_127, %dma_start3A_128] : memref<2x128x128xf32, #tpu.memory_space<vmem>> -> memref<1x128x128xf32, #tpu.memory_space<vmem>>
      %dma_start3A_130 = tpu.memref_squeeze %dma_start3A_129 : memref<1x128x128xf32, #tpu.memory_space<vmem>> -> memref<128x128xf32, #tpu.memory_space<vmem>>
      %dma_start3A_131 = arith.constant 0 : i32
      %dma_start3A_132 = tpu.memref_slice %arg8[%dma_start3A_125, %dma_start3A_131] : memref<32x128xi32, #tpu.memory_space<vmem>> -> memref<1x128xi32, #tpu.memory_space<vmem>>
      %dma_start3A_133 = tpu.memref_squeeze %dma_start3A_132 : memref<1x128xi32, #tpu.memory_space<vmem>> -> memref<128xi32, #tpu.memory_space<vmem>>
      %dma_start3A_134 = arith.constant 0 : i32
      %dma_start3A_135 = arith.constant 0 : i32
      %dma_start3A_136 = tpu.memref_slice %arg2[%dma_start3A_134, %dma_start3A_135] : memref<10000x128xf32, #tpu.memory_space<hbm>> -> memref<10000x128xf32, #tpu.memory_space<hbm>>
      tpu.enqueue_indirect_dma source(%dma_start3A_136 : memref<10000x128xf32, #tpu.memory_space<hbm>>) target(%dma_start3A_130 : memref<128x128xf32, #tpu.memory_space<vmem>>) offsets(%dma_start3A_133 : memref<128xi32, #tpu.memory_space<vmem>>) semaphore(%arg11 : memref<!tpu.dma_semaphore, #tpu.memory_space<semaphore_mem>>)
      %dma_start3A_137 = arith.constant 1 : i32
      %dma_start3A_138 = arith.constant 1 : i32
      %dma_start3A_139 = arith.constant 0 : i32
      %dma_start3A_140 = arith.constant 0 : i32
      %dma_start3A_141 = tpu.memref_slice %arg7[%dma_start3A_138, %dma_start3A_139, %dma_start3A_140] : memref<2x128x128xf32, #tpu.memory_space<vmem>> -> memref<1x128x128xf32, #tpu.memory_space<vmem>>
      %dma_start3A_142 = tpu.memref_squeeze %dma_start3A_141 : memref<1x128x128xf32, #tpu.memory_space<vmem>> -> memref<128x128xf32, #tpu.memory_space<vmem>>
      %dma_start3A_143 = arith.constant 0 : i32
      %dma_start3A_144 = tpu.memref_slice %arg8[%dma_start3A_137, %dma_start3A_143] : memref<32x128xi32, #tpu.memory_space<vmem>> -> memref<1x128xi32, #tpu.memory_space<vmem>>
      %dma_start3A_145 = tpu.memref_squeeze %dma_start3A_144 : memref<1x128xi32, #tpu.memory_space<vmem>> -> memref<128xi32, #tpu.memory_space<vmem>>
      %dma_start3A_146 = arith.constant 0 : i32
      %dma_start3A_147 = arith.constant 0 : i32
      %dma_start3A_148 = tpu.memref_slice %arg2[%dma_start3A_146, %dma_start3A_147] : memref<10000x128xf32, #tpu.memory_space<hbm>> -> memref<10000x128xf32, #tpu.memory_space<hbm>>
      tpu.enqueue_indirect_dma source(%dma_start3A_148 : memref<10000x128xf32, #tpu.memory_space<hbm>>) target(%dma_start3A_142 : memref<128x128xf32, #tpu.memory_space<vmem>>) offsets(%dma_start3A_145 : memref<128xi32, #tpu.memory_space<vmem>>) semaphore(%arg12 : memref<!tpu.dma_semaphore, #tpu.memory_space<semaphore_mem>>)
      %scan3A_149 = arith.constant 0 : i32
      %scan3A_150 = arith.constant 0 : i32
      %scan3A_151 = arith.constant 16 : i32
      %scan3A_152 = arith.addi %scan3A_150, %scan3A_151 : i32
      %scan3A_153 = arith.constant 1 : i32
      scf.for %scan3A_185 = %scan3A_150 to %scan3A_152 step %scan3A_153  : i32 {
        %mul3A_186 = arith.constant 2 : i32
        %mul3A_187 = arith.muli %mul3A_186, %scan3A_185 : i32
        %dma_wait3A = arith.constant 0 : i32
        %dma_wait3A_188 = arith.constant 0 : i32
        %dma_wait3A_189 = arith.constant 0 : i32
        %dma_wait3A_190 = arith.constant 0 : i32
        %dma_wait3A_191 = tpu.memref_slice %arg7[%dma_wait3A_188, %dma_wait3A_189, %dma_wait3A_190] : memref<2x128x128xf32, #tpu.memory_space<vmem>> -> memref<1x128x128xf32, #tpu.memory_space<vmem>>
        %dma_wait3A_192 = tpu.memref_squeeze %dma_wait3A_191 : memref<1x128x128xf32, #tpu.memory_space<vmem>> -> memref<128x128xf32, #tpu.memory_space<vmem>>
        %dma_wait3A_193 = arith.constant 0 : i32
        %dma_wait3A_194 = tpu.memref_slice %arg8[%dma_wait3A, %dma_wait3A_193] : memref<32x128xi32, #tpu.memory_space<vmem>> -> memref<1x128xi32, #tpu.memory_space<vmem>>
        %dma_wait3A_195 = tpu.memref_squeeze %dma_wait3A_194 : memref<1x128xi32, #tpu.memory_space<vmem>> -> memref<128xi32, #tpu.memory_space<vmem>>
        %dma_wait3A_196 = arith.constant 0 : i32
        %dma_wait3A_197 = arith.constant 0 : i32
        %dma_wait3A_198 = tpu.memref_slice %arg2[%dma_wait3A_196, %dma_wait3A_197] : memref<10000x128xf32, #tpu.memory_space<hbm>> -> memref<10000x128xf32, #tpu.memory_space<hbm>>
        tpu.wait_indirect_dma semaphore(%arg11 : memref<!tpu.dma_semaphore, #tpu.memory_space<semaphore_mem>>) src(%dma_wait3A_198 : memref<10000x128xf32, #tpu.memory_space<hbm>>) dst(%dma_wait3A_192 : memref<128x128xf32, #tpu.memory_space<vmem>>)
        %run_scoped3A = arith.constant 0 : i32
        "tpu.region"() ({
          %run_scoped3A_223 = tpu.sem_alloc : memref<!tpu.dma_semaphore, #tpu.memory_space<semaphore_mem>>
          %dma_start3A_224 = arith.constant 0 : i32
          %dma_start3A_225 = arith.constant 0 : i32
          %dma_start3A_226 = tpu.memref_slice %arg7[%run_scoped3A, %dma_start3A_224, %dma_start3A_225] : memref<2x128x128xf32, #tpu.memory_space<vmem>> -> memref<1x128x128xf32, #tpu.memory_space<vmem>>
          %dma_start3A_227 = tpu.memref_squeeze %dma_start3A_226 : memref<1x128x128xf32, #tpu.memory_space<vmem>> -> memref<128x128xf32, #tpu.memory_space<vmem>>
          %dma_start3A_228 = arith.constant 0 : i32
          %dma_start3A_229 = tpu.memref_slice %arg9[%mul3A_187, %dma_start3A_228] : memref<32x128xi32, #tpu.memory_space<vmem>> -> memref<1x128xi32, #tpu.memory_space<vmem>>
          %dma_start3A_230 = tpu.memref_squeeze %dma_start3A_229 : memref<1x128xi32, #tpu.memory_space<vmem>> -> memref<128xi32, #tpu.memory_space<vmem>>
          %dma_start3A_231 = arith.constant 0 : i32
          %dma_start3A_232 = arith.constant 0 : i32
          %dma_start3A_233 = tpu.memref_slice %arg6[%dma_start3A_231, %dma_start3A_232] : memref<10240x128xf32, #tpu.memory_space<vmem_shared>> -> memref<10240x128xf32, #tpu.memory_space<vmem_shared>>
          tpu.enqueue_indirect_dma source(%dma_start3A_227 : memref<128x128xf32, #tpu.memory_space<vmem>>) target(%dma_start3A_233 : memref<10240x128xf32, #tpu.memory_space<vmem_shared>>) offsets(%dma_start3A_230 : memref<128xi32, #tpu.memory_space<vmem>>) semaphore(%run_scoped3A_223 : memref<!tpu.dma_semaphore, #tpu.memory_space<semaphore_mem>>) {add = true}
          %dma_wait3A_234 = arith.constant 0 : i32
          %dma_wait3A_235 = arith.constant 0 : i32
          %dma_wait3A_236 = tpu.memref_slice %arg7[%run_scoped3A, %dma_wait3A_234, %dma_wait3A_235] : memref<2x128x128xf32, #tpu.memory_space<vmem>> -> memref<1x128x128xf32, #tpu.memory_space<vmem>>
          %dma_wait3A_237 = tpu.memref_squeeze %dma_wait3A_236 : memref<1x128x128xf32, #tpu.memory_space<vmem>> -> memref<128x128xf32, #tpu.memory_space<vmem>>
          %dma_wait3A_238 = arith.constant 0 : i32
          %dma_wait3A_239 = tpu.memref_slice %arg9[%mul3A_187, %dma_wait3A_238] : memref<32x128xi32, #tpu.memory_space<vmem>> -> memref<1x128xi32, #tpu.memory_space<vmem>>
          %dma_wait3A_240 = tpu.memref_squeeze %dma_wait3A_239 : memref<1x128xi32, #tpu.memory_space<vmem>> -> memref<128xi32, #tpu.memory_space<vmem>>
          %dma_wait3A_241 = arith.constant 0 : i32
          %dma_wait3A_242 = arith.constant 0 : i32
          %dma_wait3A_243 = tpu.memref_slice %arg6[%dma_wait3A_241, %dma_wait3A_242] : memref<10240x128xf32, #tpu.memory_space<vmem_shared>> -> memref<10240x128xf32, #tpu.memory_space<vmem_shared>>
          tpu.wait_indirect_dma semaphore(%run_scoped3A_223 : memref<!tpu.dma_semaphore, #tpu.memory_space<semaphore_mem>>) src(%dma_wait3A_237 : memref<128x128xf32, #tpu.memory_space<vmem>>) dst(%dma_wait3A_243 : memref<10240x128xf32, #tpu.memory_space<vmem_shared>>)
          tpu.yield
        }) : () -> ()
        %lt3A = arith.constant 15 : i32
        %lt3A_199 = arith.cmpi slt, %scan3A_185, %lt3A : i32
        %convert_element_type3A_200 = arith.extui %lt3A_199 : i1 to i32
        %cond3A_201 = arith.constant 0 : i32
        %cond3A_202 = arith.cmpi ne, %convert_element_type3A_200, %cond3A_201 : i32
        scf.if %cond3A_202 {
          %add3A_223 = arith.constant 2 : i32
          %add3A_224 = arith.addi %mul3A_187, %add3A_223 : i32
          %dma_start3A_225 = arith.constant 0 : i32
          %dma_start3A_226 = arith.constant 0 : i32
          %dma_start3A_227 = arith.constant 0 : i32
          %dma_start3A_228 = tpu.memref_slice %arg7[%dma_start3A_225, %dma_start3A_226, %dma_start3A_227] : memref<2x128x128xf32, #tpu.memory_space<vmem>> -> memref<1x128x128xf32, #tpu.memory_space<vmem>>
          %dma_start3A_229 = tpu.memref_squeeze %dma_start3A_228 : memref<1x128x128xf32, #tpu.memory_space<vmem>> -> memref<128x128xf32, #tpu.memory_space<vmem>>
          %dma_start3A_230 = arith.constant 0 : i32
          %dma_start3A_231 = tpu.memref_slice %arg8[%add3A_224, %dma_start3A_230] : memref<32x128xi32, #tpu.memory_space<vmem>> -> memref<1x128xi32, #tpu.memory_space<vmem>>
          %dma_start3A_232 = tpu.memref_squeeze %dma_start3A_231 : memref<1x128xi32, #tpu.memory_space<vmem>> -> memref<128xi32, #tpu.memory_space<vmem>>
          %dma_start3A_233 = arith.constant 0 : i32
          %dma_start3A_234 = arith.constant 0 : i32
          %dma_start3A_235 = tpu.memref_slice %arg2[%dma_start3A_233, %dma_start3A_234] : memref<10000x128xf32, #tpu.memory_space<hbm>> -> memref<10000x128xf32, #tpu.memory_space<hbm>>
          tpu.enqueue_indirect_dma source(%dma_start3A_235 : memref<10000x128xf32, #tpu.memory_space<hbm>>) target(%dma_start3A_229 : memref<128x128xf32, #tpu.memory_space<vmem>>) offsets(%dma_start3A_232 : memref<128xi32, #tpu.memory_space<vmem>>) semaphore(%arg11 : memref<!tpu.dma_semaphore, #tpu.memory_space<semaphore_mem>>)
        } else {
        }
        %dma_wait3A_203 = arith.constant 1 : i32
        %dma_wait3A_204 = arith.constant 1 : i32
        %dma_wait3A_205 = arith.constant 0 : i32
        %dma_wait3A_206 = arith.constant 0 : i32
        %dma_wait3A_207 = tpu.memref_slice %arg7[%dma_wait3A_204, %dma_wait3A_205, %dma_wait3A_206] : memref<2x128x128xf32, #tpu.memory_space<vmem>> -> memref<1x128x128xf32, #tpu.memory_space<vmem>>
        %dma_wait3A_208 = tpu.memref_squeeze %dma_wait3A_207 : memref<1x128x128xf32, #tpu.memory_space<vmem>> -> memref<128x128xf32, #tpu.memory_space<vmem>>
        %dma_wait3A_209 = arith.constant 0 : i32
        %dma_wait3A_210 = tpu.memref_slice %arg8[%dma_wait3A_203, %dma_wait3A_209] : memref<32x128xi32, #tpu.memory_space<vmem>> -> memref<1x128xi32, #tpu.memory_space<vmem>>
        %dma_wait3A_211 = tpu.memref_squeeze %dma_wait3A_210 : memref<1x128xi32, #tpu.memory_space<vmem>> -> memref<128xi32, #tpu.memory_space<vmem>>
        %dma_wait3A_212 = arith.constant 0 : i32
        %dma_wait3A_213 = arith.constant 0 : i32
        %dma_wait3A_214 = tpu.memref_slice %arg2[%dma_wait3A_212, %dma_wait3A_213] : memref<10000x128xf32, #tpu.memory_space<hbm>> -> memref<10000x128xf32, #tpu.memory_space<hbm>>
        tpu.wait_indirect_dma semaphore(%arg12 : memref<!tpu.dma_semaphore, #tpu.memory_space<semaphore_mem>>) src(%dma_wait3A_214 : memref<10000x128xf32, #tpu.memory_space<hbm>>) dst(%dma_wait3A_208 : memref<128x128xf32, #tpu.memory_space<vmem>>)
        %add3A_215 = arith.constant 1 : i32
        %add3A_216 = arith.addi %mul3A_187, %add3A_215 : i32
        %run_scoped3A_217 = arith.constant 1 : i32
        "tpu.region"() ({
          %run_scoped3A_223 = tpu.sem_alloc : memref<!tpu.dma_semaphore, #tpu.memory_space<semaphore_mem>>
          %dma_start3A_224 = arith.constant 0 : i32
          %dma_start3A_225 = arith.constant 0 : i32
          %dma_start3A_226 = tpu.memref_slice %arg7[%run_scoped3A_217, %dma_start3A_224, %dma_start3A_225] : memref<2x128x128xf32, #tpu.memory_space<vmem>> -> memref<1x128x128xf32, #tpu.memory_space<vmem>>
          %dma_start3A_227 = tpu.memref_squeeze %dma_start3A_226 : memref<1x128x128xf32, #tpu.memory_space<vmem>> -> memref<128x128xf32, #tpu.memory_space<vmem>>
          %dma_start3A_228 = arith.constant 0 : i32
          %dma_start3A_229 = tpu.memref_slice %arg9[%add3A_216, %dma_start3A_228] : memref<32x128xi32, #tpu.memory_space<vmem>> -> memref<1x128xi32, #tpu.memory_space<vmem>>
          %dma_start3A_230 = tpu.memref_squeeze %dma_start3A_229 : memref<1x128xi32, #tpu.memory_space<vmem>> -> memref<128xi32, #tpu.memory_space<vmem>>
          %dma_start3A_231 = arith.constant 0 : i32
          %dma_start3A_232 = arith.constant 0 : i32
          %dma_start3A_233 = tpu.memref_slice %arg6[%dma_start3A_231, %dma_start3A_232] : memref<10240x128xf32, #tpu.memory_space<vmem_shared>> -> memref<10240x128xf32, #tpu.memory_space<vmem_shared>>
          tpu.enqueue_indirect_dma source(%dma_start3A_227 : memref<128x128xf32, #tpu.memory_space<vmem>>) target(%dma_start3A_233 : memref<10240x128xf32, #tpu.memory_space<vmem_shared>>) offsets(%dma_start3A_230 : memref<128xi32, #tpu.memory_space<vmem>>) semaphore(%run_scoped3A_223 : memref<!tpu.dma_semaphore, #tpu.memory_space<semaphore_mem>>) {add = true}
          %dma_wait3A_234 = arith.constant 0 : i32
          %dma_wait3A_235 = arith.constant 0 : i32
          %dma_wait3A_236 = tpu.memref_slice %arg7[%run_scoped3A_217, %dma_wait3A_234, %dma_wait3A_235] : memref<2x128x128xf32, #tpu.memory_space<vmem>> -> memref<1x128x128xf32, #tpu.memory_space<vmem>>
          %dma_wait3A_237 = tpu.memref_squeeze %dma_wait3A_236 : memref<1x128x128xf32, #tpu.memory_space<vmem>> -> memref<128x128xf32, #tpu.memory_space<vmem>>
          %dma_wait3A_238 = arith.constant 0 : i32
          %dma_wait3A_239 = tpu.memref_slice %arg9[%add3A_216, %dma_wait3A_238] : memref<32x128xi32, #tpu.memory_space<vmem>> -> memref<1x128xi32, #tpu.memory_space<vmem>>
          %dma_wait3A_240 = tpu.memref_squeeze %dma_wait3A_239 : memref<1x128xi32, #tpu.memory_space<vmem>> -> memref<128xi32, #tpu.memory_space<vmem>>
          %dma_wait3A_241 = arith.constant 0 : i32
          %dma_wait3A_242 = arith.constant 0 : i32
          %dma_wait3A_243 = tpu.memref_slice %arg6[%dma_wait3A_241, %dma_wait3A_242] : memref<10240x128xf32, #tpu.memory_space<vmem_shared>> -> memref<10240x128xf32, #tpu.memory_space<vmem_shared>>
          tpu.wait_indirect_dma semaphore(%run_scoped3A_223 : memref<!tpu.dma_semaphore, #tpu.memory_space<semaphore_mem>>) src(%dma_wait3A_237 : memref<128x128xf32, #tpu.memory_space<vmem>>) dst(%dma_wait3A_243 : memref<10240x128xf32, #tpu.memory_space<vmem_shared>>)
          tpu.yield
        }) : () -> ()
        %lt3A_218 = arith.constant 15 : i32
        %lt3A_219 = arith.cmpi slt, %scan3A_185, %lt3A_218 : i32
        %convert_element_type3A_220 = arith.extui %lt3A_219 : i1 to i32
        %cond3A_221 = arith.constant 0 : i32
        %cond3A_222 = arith.cmpi ne, %convert_element_type3A_220, %cond3A_221 : i32
        scf.if %cond3A_222 {
          %add3A_223 = arith.constant 3 : i32
          %add3A_224 = arith.addi %mul3A_187, %add3A_223 : i32
          %dma_start3A_225 = arith.constant 1 : i32
          %dma_start3A_226 = arith.constant 0 : i32
          %dma_start3A_227 = arith.constant 0 : i32
          %dma_start3A_228 = tpu.memref_slice %arg7[%dma_start3A_225, %dma_start3A_226, %dma_start3A_227] : memref<2x128x128xf32, #tpu.memory_space<vmem>> -> memref<1x128x128xf32, #tpu.memory_space<vmem>>
          %dma_start3A_229 = tpu.memref_squeeze %dma_start3A_228 : memref<1x128x128xf32, #tpu.memory_space<vmem>> -> memref<128x128xf32, #tpu.memory_space<vmem>>
          %dma_start3A_230 = arith.constant 0 : i32
          %dma_start3A_231 = tpu.memref_slice %arg8[%add3A_224, %dma_start3A_230] : memref<32x128xi32, #tpu.memory_space<vmem>> -> memref<1x128xi32, #tpu.memory_space<vmem>>
          %dma_start3A_232 = tpu.memref_squeeze %dma_start3A_231 : memref<1x128xi32, #tpu.memory_space<vmem>> -> memref<128xi32, #tpu.memory_space<vmem>>
          %dma_start3A_233 = arith.constant 0 : i32
          %dma_start3A_234 = arith.constant 0 : i32
          %dma_start3A_235 = tpu.memref_slice %arg2[%dma_start3A_233, %dma_start3A_234] : memref<10000x128xf32, #tpu.memory_space<hbm>> -> memref<10000x128xf32, #tpu.memory_space<hbm>>
          tpu.enqueue_indirect_dma source(%dma_start3A_235 : memref<10000x128xf32, #tpu.memory_space<hbm>>) target(%dma_start3A_229 : memref<128x128xf32, #tpu.memory_space<vmem>>) offsets(%dma_start3A_232 : memref<128xi32, #tpu.memory_space<vmem>>) semaphore(%arg12 : memref<!tpu.dma_semaphore, #tpu.memory_space<semaphore_mem>>)
        } else {
        }
      }
      %scan3A_154 = arith.constant 16 : i32
      "tpu.region"() ({
        %run_scoped3A = tpu.sem_alloc : memref<!tpu.dma_semaphore, #tpu.memory_space<semaphore_mem>>
        %dma_start3A_185 = arith.constant 0 : i32
        %dma_start3A_186 = arith.constant 0 : i32
        %dma_start3A_187 = tpu.memref_slice %arg8[%dma_start3A_185, %dma_start3A_186] : memref<32x128xi32, #tpu.memory_space<vmem>> -> memref<32x128xi32, #tpu.memory_space<vmem>>
        %dma_start3A_188 = arith.constant 128 : i32
        %dma_start3A_189 = arith.constant 0 : i32
        %dma_start3A_190 = tpu.memref_slice %arg3[%arg1, %dma_start3A_188, %dma_start3A_189] : memref<16x160x128xi32, #tpu.memory_space<hbm>> -> memref<1x32x128xi32, #tpu.memory_space<hbm>>
        %dma_start3A_191 = tpu.memref_squeeze %dma_start3A_190 : memref<1x32x128xi32, #tpu.memory_space<hbm>> -> memref<32x128xi32, #tpu.memory_space<hbm>>
        %dma_start3A_192 = arith.constant 0 : i32
        %dma_start3A_193 = arith.constant 0 : i32
        %dma_start3A_194 = tpu.memref_slice %arg8[%dma_start3A_192, %dma_start3A_193] : memref<32x128xi32, #tpu.memory_space<vmem>> -> memref<32x128xi32, #tpu.memory_space<vmem>>
        %dma_start3A_195 = arith.constant 128 : i32
        %dma_start3A_196 = arith.constant 0 : i32
        %dma_start3A_197 = tpu.memref_slice %arg3[%arg1, %dma_start3A_195, %dma_start3A_196] : memref<16x160x128xi32, #tpu.memory_space<hbm>> -> memref<1x32x128xi32, #tpu.memory_space<hbm>>
        %dma_start3A_198 = tpu.memref_squeeze %dma_start3A_197 : memref<1x32x128xi32, #tpu.memory_space<hbm>> -> memref<32x128xi32, #tpu.memory_space<hbm>>
        tpu.enqueue_dma source(%dma_start3A_198 : memref<32x128xi32, #tpu.memory_space<hbm>>) target(%dma_start3A_194 : memref<32x128xi32, #tpu.memory_space<vmem>>) target_semaphore(%run_scoped3A : memref<!tpu.dma_semaphore, #tpu.memory_space<semaphore_mem>>)
        %dma_wait3A = arith.constant 0 : i32
        %dma_wait3A_199 = arith.constant 0 : i32
        %dma_wait3A_200 = tpu.memref_slice %arg8[%dma_wait3A, %dma_wait3A_199] : memref<32x128xi32, #tpu.memory_space<vmem>> -> memref<32x128xi32, #tpu.memory_space<vmem>>
        %dma_wait3A_201 = arith.constant 128 : i32
        %dma_wait3A_202 = arith.constant 0 : i32
        %dma_wait3A_203 = tpu.memref_slice %arg3[%arg1, %dma_wait3A_201, %dma_wait3A_202] : memref<16x160x128xi32, #tpu.memory_space<hbm>> -> memref<1x32x128xi32, #tpu.memory_space<hbm>>
        %dma_wait3A_204 = tpu.memref_squeeze %dma_wait3A_203 : memref<1x32x128xi32, #tpu.memory_space<hbm>> -> memref<32x128xi32, #tpu.memory_space<hbm>>
        %dma_wait3A_205 = arith.constant 0 : i32
        %dma_wait3A_206 = arith.constant 0 : i32
        %dma_wait3A_207 = tpu.memref_slice %arg8[%dma_wait3A_205, %dma_wait3A_206] : memref<32x128xi32, #tpu.memory_space<vmem>> -> memref<32x128xi32, #tpu.memory_space<vmem>>
        %dma_wait3A_208 = arith.constant 128 : i32
        %dma_wait3A_209 = arith.constant 0 : i32
        %dma_wait3A_210 = tpu.memref_slice %arg3[%arg1, %dma_wait3A_208, %dma_wait3A_209] : memref<16x160x128xi32, #tpu.memory_space<hbm>> -> memref<1x32x128xi32, #tpu.memory_space<hbm>>
        %dma_wait3A_211 = tpu.memref_squeeze %dma_wait3A_210 : memref<1x32x128xi32, #tpu.memory_space<hbm>> -> memref<32x128xi32, #tpu.memory_space<hbm>>
        tpu.wait_dma2 semaphore(%run_scoped3A : memref<!tpu.dma_semaphore, #tpu.memory_space<semaphore_mem>>) src(%dma_wait3A_211 : memref<32x128xi32, #tpu.memory_space<hbm>>) dst(%dma_wait3A_207 : memref<32x128xi32, #tpu.memory_space<vmem>>)
        tpu.yield
      }) : () -> ()
      "tpu.region"() ({
        %run_scoped3A = tpu.sem_alloc : memref<!tpu.dma_semaphore, #tpu.memory_space<semaphore_mem>>
        %dma_start3A_185 = arith.constant 0 : i32
        %dma_start3A_186 = arith.constant 0 : i32
        %dma_start3A_187 = tpu.memref_slice %arg9[%dma_start3A_185, %dma_start3A_186] : memref<32x128xi32, #tpu.memory_space<vmem>> -> memref<32x128xi32, #tpu.memory_space<vmem>>
        %dma_start3A_188 = arith.constant 128 : i32
        %dma_start3A_189 = arith.constant 0 : i32
        %dma_start3A_190 = tpu.memref_slice %arg4[%arg1, %dma_start3A_188, %dma_start3A_189] : memref<16x160x128xi32, #tpu.memory_space<hbm>> -> memref<1x32x128xi32, #tpu.memory_space<hbm>>
        %dma_start3A_191 = tpu.memref_squeeze %dma_start3A_190 : memref<1x32x128xi32, #tpu.memory_space<hbm>> -> memref<32x128xi32, #tpu.memory_space<hbm>>
        %dma_start3A_192 = arith.constant 0 : i32
        %dma_start3A_193 = arith.constant 0 : i32
        %dma_start3A_194 = tpu.memref_slice %arg9[%dma_start3A_192, %dma_start3A_193] : memref<32x128xi32, #tpu.memory_space<vmem>> -> memref<32x128xi32, #tpu.memory_space<vmem>>
        %dma_start3A_195 = arith.constant 128 : i32
        %dma_start3A_196 = arith.constant 0 : i32
        %dma_start3A_197 = tpu.memref_slice %arg4[%arg1, %dma_start3A_195, %dma_start3A_196] : memref<16x160x128xi32, #tpu.memory_space<hbm>> -> memref<1x32x128xi32, #tpu.memory_space<hbm>>
        %dma_start3A_198 = tpu.memref_squeeze %dma_start3A_197 : memref<1x32x128xi32, #tpu.memory_space<hbm>> -> memref<32x128xi32, #tpu.memory_space<hbm>>
        tpu.enqueue_dma source(%dma_start3A_198 : memref<32x128xi32, #tpu.memory_space<hbm>>) target(%dma_start3A_194 : memref<32x128xi32, #tpu.memory_space<vmem>>) target_semaphore(%run_scoped3A : memref<!tpu.dma_semaphore, #tpu.memory_space<semaphore_mem>>)
        %dma_wait3A = arith.constant 0 : i32
        %dma_wait3A_199 = arith.constant 0 : i32
        %dma_wait3A_200 = tpu.memref_slice %arg9[%dma_wait3A, %dma_wait3A_199] : memref<32x128xi32, #tpu.memory_space<vmem>> -> memref<32x128xi32, #tpu.memory_space<vmem>>
        %dma_wait3A_201 = arith.constant 128 : i32
        %dma_wait3A_202 = arith.constant 0 : i32
        %dma_wait3A_203 = tpu.memref_slice %arg4[%arg1, %dma_wait3A_201, %dma_wait3A_202] : memref<16x160x128xi32, #tpu.memory_space<hbm>> -> memref<1x32x128xi32, #tpu.memory_space<hbm>>
        %dma_wait3A_204 = tpu.memref_squeeze %dma_wait3A_203 : memref<1x32x128xi32, #tpu.memory_space<hbm>> -> memref<32x128xi32, #tpu.memory_space<hbm>>
        %dma_wait3A_205 = arith.constant 0 : i32
        %dma_wait3A_206 = arith.constant 0 : i32
        %dma_wait3A_207 = tpu.memref_slice %arg9[%dma_wait3A_205, %dma_wait3A_206] : memref<32x128xi32, #tpu.memory_space<vmem>> -> memref<32x128xi32, #tpu.memory_space<vmem>>
        %dma_wait3A_208 = arith.constant 128 : i32
        %dma_wait3A_209 = arith.constant 0 : i32
        %dma_wait3A_210 = tpu.memref_slice %arg4[%arg1, %dma_wait3A_208, %dma_wait3A_209] : memref<16x160x128xi32, #tpu.memory_space<hbm>> -> memref<1x32x128xi32, #tpu.memory_space<hbm>>
        %dma_wait3A_211 = tpu.memref_squeeze %dma_wait3A_210 : memref<1x32x128xi32, #tpu.memory_space<hbm>> -> memref<32x128xi32, #tpu.memory_space<hbm>>
        tpu.wait_dma2 semaphore(%run_scoped3A : memref<!tpu.dma_semaphore, #tpu.memory_space<semaphore_mem>>) src(%dma_wait3A_211 : memref<32x128xi32, #tpu.memory_space<hbm>>) dst(%dma_wait3A_207 : memref<32x128xi32, #tpu.memory_space<vmem>>)
        tpu.yield
      }) : () -> ()
      %dma_start3A_155 = arith.constant 0 : i32
      %dma_start3A_156 = arith.constant 0 : i32
      %dma_start3A_157 = arith.constant 0 : i32
      %dma_start3A_158 = arith.constant 0 : i32
      %dma_start3A_159 = tpu.memref_slice %arg7[%dma_start3A_156, %dma_start3A_157, %dma_start3A_158] : memref<2x128x128xf32, #tpu.memory_space<vmem>> -> memref<1x128x128xf32, #tpu.memory_space<vmem>>
      %dma_start3A_160 = tpu.memref_squeeze %dma_start3A_159 : memref<1x128x128xf32, #tpu.memory_space<vmem>> -> memref<128x128xf32, #tpu.memory_space<vmem>>
      %dma_start3A_161 = arith.constant 0 : i32
      %dma_start3A_162 = tpu.memref_slice %arg8[%dma_start3A_155, %dma_start3A_161] : memref<32x128xi32, #tpu.memory_space<vmem>> -> memref<1x128xi32, #tpu.memory_space<vmem>>
      %dma_start3A_163 = tpu.memref_squeeze %dma_start3A_162 : memref<1x128xi32, #tpu.memory_space<vmem>> -> memref<128xi32, #tpu.memory_space<vmem>>
      %dma_start3A_164 = arith.constant 0 : i32
      %dma_start3A_165 = arith.constant 0 : i32
      %dma_start3A_166 = tpu.memref_slice %arg2[%dma_start3A_164, %dma_start3A_165] : memref<10000x128xf32, #tpu.memory_space<hbm>> -> memref<10000x128xf32, #tpu.memory_space<hbm>>
      tpu.enqueue_indirect_dma source(%dma_start3A_166 : memref<10000x128xf32, #tpu.memory_space<hbm>>) target(%dma_start3A_160 : memref<128x128xf32, #tpu.memory_space<vmem>>) offsets(%dma_start3A_163 : memref<128xi32, #tpu.memory_space<vmem>>) semaphore(%arg11 : memref<!tpu.dma_semaphore, #tpu.memory_space<semaphore_mem>>)
      %dma_start3A_167 = arith.constant 1 : i32
      %dma_start3A_168 = arith.constant 1 : i32
      %dma_start3A_169 = arith.constant 0 : i32
      %dma_start3A_170 = arith.constant 0 : i32
      %dma_start3A_171 = tpu.memref_slice %arg7[%dma_start3A_168, %dma_start3A_169, %dma_start3A_170] : memref<2x128x128xf32, #tpu.memory_space<vmem>> -> memref<1x128x128xf32, #tpu.memory_space<vmem>>
      %dma_start3A_172 = tpu.memref_squeeze %dma_start3A_171 : memref<1x128x128xf32, #tpu.memory_space<vmem>> -> memref<128x128xf32, #tpu.memory_space<vmem>>
      %dma_start3A_173 = arith.constant 0 : i32
      %dma_start3A_174 = tpu.memref_slice %arg8[%dma_start3A_167, %dma_start3A_173] : memref<32x128xi32, #tpu.memory_space<vmem>> -> memref<1x128xi32, #tpu.memory_space<vmem>>
      %dma_start3A_175 = tpu.memref_squeeze %dma_start3A_174 : memref<1x128xi32, #tpu.memory_space<vmem>> -> memref<128xi32, #tpu.memory_space<vmem>>
      %dma_start3A_176 = arith.constant 0 : i32
      %dma_start3A_177 = arith.constant 0 : i32
      %dma_start3A_178 = tpu.memref_slice %arg2[%dma_start3A_176, %dma_start3A_177] : memref<10000x128xf32, #tpu.memory_space<hbm>> -> memref<10000x128xf32, #tpu.memory_space<hbm>>
      tpu.enqueue_indirect_dma source(%dma_start3A_178 : memref<10000x128xf32, #tpu.memory_space<hbm>>) target(%dma_start3A_172 : memref<128x128xf32, #tpu.memory_space<vmem>>) offsets(%dma_start3A_175 : memref<128xi32, #tpu.memory_space<vmem>>) semaphore(%arg12 : memref<!tpu.dma_semaphore, #tpu.memory_space<semaphore_mem>>)
      %scan3A_179 = arith.constant 0 : i32
      %scan3A_180 = arith.constant 0 : i32
      %scan3A_181 = arith.constant 16 : i32
      %scan3A_182 = arith.addi %scan3A_180, %scan3A_181 : i32
      %scan3A_183 = arith.constant 1 : i32
      scf.for %scan3A_185 = %scan3A_180 to %scan3A_182 step %scan3A_183  : i32 {
        %mul3A_186 = arith.constant 2 : i32
        %mul3A_187 = arith.muli %mul3A_186, %scan3A_185 : i32
        %dma_wait3A = arith.constant 0 : i32
        %dma_wait3A_188 = arith.constant 0 : i32
        %dma_wait3A_189 = arith.constant 0 : i32
        %dma_wait3A_190 = arith.constant 0 : i32
        %dma_wait3A_191 = tpu.memref_slice %arg7[%dma_wait3A_188, %dma_wait3A_189, %dma_wait3A_190] : memref<2x128x128xf32, #tpu.memory_space<vmem>> -> memref<1x128x128xf32, #tpu.memory_space<vmem>>
        %dma_wait3A_192 = tpu.memref_squeeze %dma_wait3A_191 : memref<1x128x128xf32, #tpu.memory_space<vmem>> -> memref<128x128xf32, #tpu.memory_space<vmem>>
        %dma_wait3A_193 = arith.constant 0 : i32
        %dma_wait3A_194 = tpu.memref_slice %arg8[%dma_wait3A, %dma_wait3A_193] : memref<32x128xi32, #tpu.memory_space<vmem>> -> memref<1x128xi32, #tpu.memory_space<vmem>>
        %dma_wait3A_195 = tpu.memref_squeeze %dma_wait3A_194 : memref<1x128xi32, #tpu.memory_space<vmem>> -> memref<128xi32, #tpu.memory_space<vmem>>
        %dma_wait3A_196 = arith.constant 0 : i32
        %dma_wait3A_197 = arith.constant 0 : i32
        %dma_wait3A_198 = tpu.memref_slice %arg2[%dma_wait3A_196, %dma_wait3A_197] : memref<10000x128xf32, #tpu.memory_space<hbm>> -> memref<10000x128xf32, #tpu.memory_space<hbm>>
        tpu.wait_indirect_dma semaphore(%arg11 : memref<!tpu.dma_semaphore, #tpu.memory_space<semaphore_mem>>) src(%dma_wait3A_198 : memref<10000x128xf32, #tpu.memory_space<hbm>>) dst(%dma_wait3A_192 : memref<128x128xf32, #tpu.memory_space<vmem>>)
        %run_scoped3A = arith.constant 0 : i32
        "tpu.region"() ({
          %run_scoped3A_223 = tpu.sem_alloc : memref<!tpu.dma_semaphore, #tpu.memory_space<semaphore_mem>>
          %dma_start3A_224 = arith.constant 0 : i32
          %dma_start3A_225 = arith.constant 0 : i32
          %dma_start3A_226 = tpu.memref_slice %arg7[%run_scoped3A, %dma_start3A_224, %dma_start3A_225] : memref<2x128x128xf32, #tpu.memory_space<vmem>> -> memref<1x128x128xf32, #tpu.memory_space<vmem>>
          %dma_start3A_227 = tpu.memref_squeeze %dma_start3A_226 : memref<1x128x128xf32, #tpu.memory_space<vmem>> -> memref<128x128xf32, #tpu.memory_space<vmem>>
          %dma_start3A_228 = arith.constant 0 : i32
          %dma_start3A_229 = tpu.memref_slice %arg9[%mul3A_187, %dma_start3A_228] : memref<32x128xi32, #tpu.memory_space<vmem>> -> memref<1x128xi32, #tpu.memory_space<vmem>>
          %dma_start3A_230 = tpu.memref_squeeze %dma_start3A_229 : memref<1x128xi32, #tpu.memory_space<vmem>> -> memref<128xi32, #tpu.memory_space<vmem>>
          %dma_start3A_231 = arith.constant 0 : i32
          %dma_start3A_232 = arith.constant 0 : i32
          %dma_start3A_233 = tpu.memref_slice %arg6[%dma_start3A_231, %dma_start3A_232] : memref<10240x128xf32, #tpu.memory_space<vmem_shared>> -> memref<10240x128xf32, #tpu.memory_space<vmem_shared>>
          tpu.enqueue_indirect_dma source(%dma_start3A_227 : memref<128x128xf32, #tpu.memory_space<vmem>>) target(%dma_start3A_233 : memref<10240x128xf32, #tpu.memory_space<vmem_shared>>) offsets(%dma_start3A_230 : memref<128xi32, #tpu.memory_space<vmem>>) semaphore(%run_scoped3A_223 : memref<!tpu.dma_semaphore, #tpu.memory_space<semaphore_mem>>) {add = true}
          %dma_wait3A_234 = arith.constant 0 : i32
          %dma_wait3A_235 = arith.constant 0 : i32
          %dma_wait3A_236 = tpu.memref_slice %arg7[%run_scoped3A, %dma_wait3A_234, %dma_wait3A_235] : memref<2x128x128xf32, #tpu.memory_space<vmem>> -> memref<1x128x128xf32, #tpu.memory_space<vmem>>
          %dma_wait3A_237 = tpu.memref_squeeze %dma_wait3A_236 : memref<1x128x128xf32, #tpu.memory_space<vmem>> -> memref<128x128xf32, #tpu.memory_space<vmem>>
          %dma_wait3A_238 = arith.constant 0 : i32
          %dma_wait3A_239 = tpu.memref_slice %arg9[%mul3A_187, %dma_wait3A_238] : memref<32x128xi32, #tpu.memory_space<vmem>> -> memref<1x128xi32, #tpu.memory_space<vmem>>
          %dma_wait3A_240 = tpu.memref_squeeze %dma_wait3A_239 : memref<1x128xi32, #tpu.memory_space<vmem>> -> memref<128xi32, #tpu.memory_space<vmem>>
          %dma_wait3A_241 = arith.constant 0 : i32
          %dma_wait3A_242 = arith.constant 0 : i32
          %dma_wait3A_243 = tpu.memref_slice %arg6[%dma_wait3A_241, %dma_wait3A_242] : memref<10240x128xf32, #tpu.memory_space<vmem_shared>> -> memref<10240x128xf32, #tpu.memory_space<vmem_shared>>
          tpu.wait_indirect_dma semaphore(%run_scoped3A_223 : memref<!tpu.dma_semaphore, #tpu.memory_space<semaphore_mem>>) src(%dma_wait3A_237 : memref<128x128xf32, #tpu.memory_space<vmem>>) dst(%dma_wait3A_243 : memref<10240x128xf32, #tpu.memory_space<vmem_shared>>)
          tpu.yield
        }) : () -> ()
        %lt3A = arith.constant 15 : i32
        %lt3A_199 = arith.cmpi slt, %scan3A_185, %lt3A : i32
        %convert_element_type3A_200 = arith.extui %lt3A_199 : i1 to i32
        %cond3A_201 = arith.constant 0 : i32
        %cond3A_202 = arith.cmpi ne, %convert_element_type3A_200, %cond3A_201 : i32
        scf.if %cond3A_202 {
          %add3A_223 = arith.constant 2 : i32
          %add3A_224 = arith.addi %mul3A_187, %add3A_223 : i32
          %dma_start3A_225 = arith.constant 0 : i32
          %dma_start3A_226 = arith.constant 0 : i32
          %dma_start3A_227 = arith.constant 0 : i32
          %dma_start3A_228 = tpu.memref_slice %arg7[%dma_start3A_225, %dma_start3A_226, %dma_start3A_227] : memref<2x128x128xf32, #tpu.memory_space<vmem>> -> memref<1x128x128xf32, #tpu.memory_space<vmem>>
          %dma_start3A_229 = tpu.memref_squeeze %dma_start3A_228 : memref<1x128x128xf32, #tpu.memory_space<vmem>> -> memref<128x128xf32, #tpu.memory_space<vmem>>
          %dma_start3A_230 = arith.constant 0 : i32
          %dma_start3A_231 = tpu.memref_slice %arg8[%add3A_224, %dma_start3A_230] : memref<32x128xi32, #tpu.memory_space<vmem>> -> memref<1x128xi32, #tpu.memory_space<vmem>>
          %dma_start3A_232 = tpu.memref_squeeze %dma_start3A_231 : memref<1x128xi32, #tpu.memory_space<vmem>> -> memref<128xi32, #tpu.memory_space<vmem>>
          %dma_start3A_233 = arith.constant 0 : i32
          %dma_start3A_234 = arith.constant 0 : i32
          %dma_start3A_235 = tpu.memref_slice %arg2[%dma_start3A_233, %dma_start3A_234] : memref<10000x128xf32, #tpu.memory_space<hbm>> -> memref<10000x128xf32, #tpu.memory_space<hbm>>
          tpu.enqueue_indirect_dma source(%dma_start3A_235 : memref<10000x128xf32, #tpu.memory_space<hbm>>) target(%dma_start3A_229 : memref<128x128xf32, #tpu.memory_space<vmem>>) offsets(%dma_start3A_232 : memref<128xi32, #tpu.memory_space<vmem>>) semaphore(%arg11 : memref<!tpu.dma_semaphore, #tpu.memory_space<semaphore_mem>>)
        } else {
        }
        %dma_wait3A_203 = arith.constant 1 : i32
        %dma_wait3A_204 = arith.constant 1 : i32
        %dma_wait3A_205 = arith.constant 0 : i32
        %dma_wait3A_206 = arith.constant 0 : i32
        %dma_wait3A_207 = tpu.memref_slice %arg7[%dma_wait3A_204, %dma_wait3A_205, %dma_wait3A_206] : memref<2x128x128xf32, #tpu.memory_space<vmem>> -> memref<1x128x128xf32, #tpu.memory_space<vmem>>
        %dma_wait3A_208 = tpu.memref_squeeze %dma_wait3A_207 : memref<1x128x128xf32, #tpu.memory_space<vmem>> -> memref<128x128xf32, #tpu.memory_space<vmem>>
        %dma_wait3A_209 = arith.constant 0 : i32
        %dma_wait3A_210 = tpu.memref_slice %arg8[%dma_wait3A_203, %dma_wait3A_209] : memref<32x128xi32, #tpu.memory_space<vmem>> -> memref<1x128xi32, #tpu.memory_space<vmem>>
        %dma_wait3A_211 = tpu.memref_squeeze %dma_wait3A_210 : memref<1x128xi32, #tpu.memory_space<vmem>> -> memref<128xi32, #tpu.memory_space<vmem>>
        %dma_wait3A_212 = arith.constant 0 : i32
        %dma_wait3A_213 = arith.constant 0 : i32
        %dma_wait3A_214 = tpu.memref_slice %arg2[%dma_wait3A_212, %dma_wait3A_213] : memref<10000x128xf32, #tpu.memory_space<hbm>> -> memref<10000x128xf32, #tpu.memory_space<hbm>>
        tpu.wait_indirect_dma semaphore(%arg12 : memref<!tpu.dma_semaphore, #tpu.memory_space<semaphore_mem>>) src(%dma_wait3A_214 : memref<10000x128xf32, #tpu.memory_space<hbm>>) dst(%dma_wait3A_208 : memref<128x128xf32, #tpu.memory_space<vmem>>)
        %add3A_215 = arith.constant 1 : i32
        %add3A_216 = arith.addi %mul3A_187, %add3A_215 : i32
        %run_scoped3A_217 = arith.constant 1 : i32
        "tpu.region"() ({
          %run_scoped3A_223 = tpu.sem_alloc : memref<!tpu.dma_semaphore, #tpu.memory_space<semaphore_mem>>
          %dma_start3A_224 = arith.constant 0 : i32
          %dma_start3A_225 = arith.constant 0 : i32
          %dma_start3A_226 = tpu.memref_slice %arg7[%run_scoped3A_217, %dma_start3A_224, %dma_start3A_225] : memref<2x128x128xf32, #tpu.memory_space<vmem>> -> memref<1x128x128xf32, #tpu.memory_space<vmem>>
          %dma_start3A_227 = tpu.memref_squeeze %dma_start3A_226 : memref<1x128x128xf32, #tpu.memory_space<vmem>> -> memref<128x128xf32, #tpu.memory_space<vmem>>
          %dma_start3A_228 = arith.constant 0 : i32
          %dma_start3A_229 = tpu.memref_slice %arg9[%add3A_216, %dma_start3A_228] : memref<32x128xi32, #tpu.memory_space<vmem>> -> memref<1x128xi32, #tpu.memory_space<vmem>>
          %dma_start3A_230 = tpu.memref_squeeze %dma_start3A_229 : memref<1x128xi32, #tpu.memory_space<vmem>> -> memref<128xi32, #tpu.memory_space<vmem>>
          %dma_start3A_231 = arith.constant 0 : i32
          %dma_start3A_232 = arith.constant 0 : i32
          %dma_start3A_233 = tpu.memref_slice %arg6[%dma_start3A_231, %dma_start3A_232] : memref<10240x128xf32, #tpu.memory_space<vmem_shared>> -> memref<10240x128xf32, #tpu.memory_space<vmem_shared>>
          tpu.enqueue_indirect_dma source(%dma_start3A_227 : memref<128x128xf32, #tpu.memory_space<vmem>>) target(%dma_start3A_233 : memref<10240x128xf32, #tpu.memory_space<vmem_shared>>) offsets(%dma_start3A_230 : memref<128xi32, #tpu.memory_space<vmem>>) semaphore(%run_scoped3A_223 : memref<!tpu.dma_semaphore, #tpu.memory_space<semaphore_mem>>) {add = true}
          %dma_wait3A_234 = arith.constant 0 : i32
          %dma_wait3A_235 = arith.constant 0 : i32
          %dma_wait3A_236 = tpu.memref_slice %arg7[%run_scoped3A_217, %dma_wait3A_234, %dma_wait3A_235] : memref<2x128x128xf32, #tpu.memory_space<vmem>> -> memref<1x128x128xf32, #tpu.memory_space<vmem>>
          %dma_wait3A_237 = tpu.memref_squeeze %dma_wait3A_236 : memref<1x128x128xf32, #tpu.memory_space<vmem>> -> memref<128x128xf32, #tpu.memory_space<vmem>>
          %dma_wait3A_238 = arith.constant 0 : i32
          %dma_wait3A_239 = tpu.memref_slice %arg9[%add3A_216, %dma_wait3A_238] : memref<32x128xi32, #tpu.memory_space<vmem>> -> memref<1x128xi32, #tpu.memory_space<vmem>>
          %dma_wait3A_240 = tpu.memref_squeeze %dma_wait3A_239 : memref<1x128xi32, #tpu.memory_space<vmem>> -> memref<128xi32, #tpu.memory_space<vmem>>
          %dma_wait3A_241 = arith.constant 0 : i32
          %dma_wait3A_242 = arith.constant 0 : i32
          %dma_wait3A_243 = tpu.memref_slice %arg6[%dma_wait3A_241, %dma_wait3A_242] : memref<10240x128xf32, #tpu.memory_space<vmem_shared>> -> memref<10240x128xf32, #tpu.memory_space<vmem_shared>>
          tpu.wait_indirect_dma semaphore(%run_scoped3A_223 : memref<!tpu.dma_semaphore, #tpu.memory_space<semaphore_mem>>) src(%dma_wait3A_237 : memref<128x128xf32, #tpu.memory_space<vmem>>) dst(%dma_wait3A_243 : memref<10240x128xf32, #tpu.memory_space<vmem_shared>>)
          tpu.yield
        }) : () -> ()
        %lt3A_218 = arith.constant 15 : i32
        %lt3A_219 = arith.cmpi slt, %scan3A_185, %lt3A_218 : i32
        %convert_element_type3A_220 = arith.extui %lt3A_219 : i1 to i32
        %cond3A_221 = arith.constant 0 : i32
        %cond3A_222 = arith.cmpi ne, %convert_element_type3A_220, %cond3A_221 : i32
        scf.if %cond3A_222 {
          %add3A_223 = arith.constant 3 : i32
          %add3A_224 = arith.addi %mul3A_187, %add3A_223 : i32
          %dma_start3A_225 = arith.constant 1 : i32
          %dma_start3A_226 = arith.constant 0 : i32
          %dma_start3A_227 = arith.constant 0 : i32
          %dma_start3A_228 = tpu.memref_slice %arg7[%dma_start3A_225, %dma_start3A_226, %dma_start3A_227] : memref<2x128x128xf32, #tpu.memory_space<vmem>> -> memref<1x128x128xf32, #tpu.memory_space<vmem>>
          %dma_start3A_229 = tpu.memref_squeeze %dma_start3A_228 : memref<1x128x128xf32, #tpu.memory_space<vmem>> -> memref<128x128xf32, #tpu.memory_space<vmem>>
          %dma_start3A_230 = arith.constant 0 : i32
          %dma_start3A_231 = tpu.memref_slice %arg8[%add3A_224, %dma_start3A_230] : memref<32x128xi32, #tpu.memory_space<vmem>> -> memref<1x128xi32, #tpu.memory_space<vmem>>
          %dma_start3A_232 = tpu.memref_squeeze %dma_start3A_231 : memref<1x128xi32, #tpu.memory_space<vmem>> -> memref<128xi32, #tpu.memory_space<vmem>>
          %dma_start3A_233 = arith.constant 0 : i32
          %dma_start3A_234 = arith.constant 0 : i32
          %dma_start3A_235 = tpu.memref_slice %arg2[%dma_start3A_233, %dma_start3A_234] : memref<10000x128xf32, #tpu.memory_space<hbm>> -> memref<10000x128xf32, #tpu.memory_space<hbm>>
          tpu.enqueue_indirect_dma source(%dma_start3A_235 : memref<10000x128xf32, #tpu.memory_space<hbm>>) target(%dma_start3A_229 : memref<128x128xf32, #tpu.memory_space<vmem>>) offsets(%dma_start3A_232 : memref<128xi32, #tpu.memory_space<vmem>>) semaphore(%arg12 : memref<!tpu.dma_semaphore, #tpu.memory_space<semaphore_mem>>)
        } else {
        }
      }
      %scan3A_184 = arith.constant 16 : i32
    } else {
    }
    %barrier3A_91 = arith.constant 0 : index
    tpu.barrier barrier_id(%barrier3A_91)
    %mul3A_92 = arith.constant 640 : i32
    %mul3A_93 = arith.muli %arg1, %mul3A_92 : i32
    %mul3A_94 = arith.constant 640 : i32
    %mul3A_95 = arith.muli %arg1, %mul3A_94 : i32
    "tpu.region"() ({
      %run_scoped3A = tpu.sem_alloc : memref<!tpu.dma_semaphore, #tpu.memory_space<semaphore_mem>>
      %dma_start3A = arith.constant 0 : i32
      %dma_start3A_96 = tpu.memref_slice %arg5[%arg0, %mul3A_95, %dma_start3A] : memref<2x10240x128xf32, #tpu.memory_space<hbm>> -> memref<1x640x128xf32, #tpu.memory_space<hbm>>
      %dma_start3A_97 = tpu.memref_squeeze %dma_start3A_96 : memref<1x640x128xf32, #tpu.memory_space<hbm>> -> memref<640x128xf32, #tpu.memory_space<hbm>>
      %dma_start3A_98 = arith.constant 0 : i32
      %dma_start3A_99 = tpu.memref_slice %arg6[%mul3A_93, %dma_start3A_98] : memref<10240x128xf32, #tpu.memory_space<vmem_shared>> -> memref<640x128xf32, #tpu.memory_space<vmem_shared>>
      tpu.enqueue_dma source(%dma_start3A_99 : memref<640x128xf32, #tpu.memory_space<vmem_shared>>) target(%dma_start3A_97 : memref<640x128xf32, #tpu.memory_space<hbm>>) target_semaphore(%run_scoped3A : memref<!tpu.dma_semaphore, #tpu.memory_space<semaphore_mem>>)
      %dma_wait3A = arith.constant 0 : i32
      %dma_wait3A_100 = tpu.memref_slice %arg5[%arg0, %mul3A_95, %dma_wait3A] : memref<2x10240x128xf32, #tpu.memory_space<hbm>> -> memref<1x640x128xf32, #tpu.memory_space<hbm>>
      %dma_wait3A_101 = tpu.memref_squeeze %dma_wait3A_100 : memref<1x640x128xf32, #tpu.memory_space<hbm>> -> memref<640x128xf32, #tpu.memory_space<hbm>>
      %dma_wait3A_102 = arith.constant 0 : i32
      %dma_wait3A_103 = tpu.memref_slice %arg6[%mul3A_93, %dma_wait3A_102] : memref<10240x128xf32, #tpu.memory_space<vmem_shared>> -> memref<640x128xf32, #tpu.memory_space<vmem_shared>>
      tpu.wait_dma2 semaphore(%run_scoped3A : memref<!tpu.dma_semaphore, #tpu.memory_space<semaphore_mem>>) src(%dma_wait3A_103 : memref<640x128xf32, #tpu.memory_space<vmem_shared>>) dst(%dma_wait3A_101 : memref<640x128xf32, #tpu.memory_space<hbm>>)
      tpu.yield
    }) : () -> ()
    return
  }
}

module attributes {stable_mosaic.version = 14 : i64} {
  func.func @_tc1_body(%arg0: i32, %arg1: memref<2000x128xf32, #tpu.memory_space<vmem>>, %arg2: memref<128x128xf32, #tpu.memory_space<vmem>>, %arg3: memref<2000x2xf32, #tpu.memory_space<vmem>>, %arg4: memref<2000x128xf32, #tpu.memory_space<vmem>>, %arg5: memref<2000x1xf32, #tpu.memory_space<vmem>>) attributes {dimension_semantics = [#tpu.dimension_semantics<arbitrary>], iteration_bounds = array<i64: 5>, scalar_prefetch = 0 : i64, scratch_operands = 0 : i64, tpu.core_type = #tpu.core_type<tc>, window_params = [{transform_indices = @transform_0, window_bounds = array<i64: 2000, 128>}, {pipeline_mode = #tpu.pipeline_mode<synchronous>, transform_indices = @transform_1, window_bounds = array<i64: 128, 128>}, {transform_indices = @transform_2, window_bounds = array<i64: 2000, 2>}, {transform_indices = @transform_3, window_bounds = array<i64: 2000, 128>}, {transform_indices = @transform_4, window_bounds = array<i64: 2000, 1>}]} {
    %get3A = arith.constant 0 : index
    %get3A_0 = arith.constant 0 : index
    %get3A_1 = vector.load %arg3[%get3A, %get3A_0] : memref<2000x2xf32, #tpu.memory_space<vmem>>, vector<2000x1xf32>
    %get3A_2 = arith.constant 0 : index
    %get3A_3 = arith.constant 1 : index
    %get3A_4 = vector.load %arg3[%get3A_2, %get3A_3] : memref<2000x2xf32, #tpu.memory_space<vmem>>, vector<2000x1xf32>
    %add3A = arith.addf %get3A_1, %get3A_4 : vector<2000x1xf32>
    %add3A_5 = arith.constant 5.000000e-01 : f32
    %add3A_6 = vector.broadcast %add3A_5 : f32 to vector<2000x1xf32>
    %add3A_7 = arith.addf %add3A, %add3A_6 : vector<2000x1xf32>
    %rsqrt3A = math.rsqrt %add3A_7 : vector<2000x1xf32>
    %get3A_8 = arith.constant 0 : index
    %get3A_9 = arith.constant 0 : index
    %get3A_10 = vector.load %arg1[%get3A_8, %get3A_9] : memref<2000x128xf32, #tpu.memory_space<vmem>>, vector<2000x128xf32>
    %get3A_11 = arith.constant 0 : index
    %get3A_12 = arith.constant 0 : index
    %get3A_13 = vector.load %arg2[%get3A_11, %get3A_12] : memref<128x128xf32, #tpu.memory_space<vmem>>, vector<128x128xf32>
    %dot_general3A = arith.constant dense<0.000000e+00> : vector<2000x128xf32>
    %dot_general3A_14 = tpu.matmul %get3A_10, %get3A_13, %dot_general3A {dimension_numbers = #tpu.dot_dimension_numbers<[1], [0], [0], [1], [0, 0, 1, 1], [], []>, transpose_lhs_hint = false} : vector<2000x128xf32>, vector<128x128xf32>, vector<2000x128xf32> -> vector<2000x128xf32>
    %mul3A = vector.broadcast %rsqrt3A : vector<2000x1xf32> to vector<2000x128xf32>
    %mul3A_15 = arith.mulf %dot_general3A_14, %mul3A : vector<2000x128xf32>
    %swap3A = arith.constant 0 : index
    %swap3A_16 = arith.constant 0 : index
    %swap3A_17 = vector.load %arg4[%swap3A, %swap3A_16] : memref<2000x128xf32, #tpu.memory_space<vmem>>, vector<2000x128xf32>
    tpu.vector_store %arg4[%swap3A, %swap3A_16], %mul3A_15 {strides = array<i32>} : memref<2000x128xf32, #tpu.memory_space<vmem>>, vector<2000x128xf32>,
    %swap3A_18 = arith.constant 0 : index
    %swap3A_19 = arith.constant 0 : index
    %swap3A_20 = vector.load %arg5[%swap3A_18, %swap3A_19] : memref<2000x1xf32, #tpu.memory_space<vmem>>, vector<2000x1xf32>
    tpu.vector_store %arg5[%swap3A_18, %swap3A_19], %rsqrt3A {strides = array<i32>} : memref<2000x1xf32, #tpu.memory_space<vmem>>, vector<2000x1xf32>,
    return
  }
  func.func @transform_0(%arg0: i32) -> (i32, i32) {
    %c0_i32 = arith.constant 0 : i32
    %c0_i32_0 = arith.constant 0 : i32
    return %arg0, %c0_i32 : i32, i32
  }
  func.func @transform_1(%arg0: i32) -> (i32, i32) {
    %c0_i32 = arith.constant 0 : i32
    %c0_i32_0 = arith.constant 0 : i32
    %c0_i32_1 = arith.constant 0 : i32
    return %c0_i32, %c0_i32_0 : i32, i32
  }
  func.func @transform_2(%arg0: i32) -> (i32, i32) {
    %c0_i32 = arith.constant 0 : i32
    %c0_i32_0 = arith.constant 0 : i32
    return %arg0, %c0_i32 : i32, i32
  }
  func.func @transform_3(%arg0: i32) -> (i32, i32) {
    %c0_i32 = arith.constant 0 : i32
    %c0_i32_0 = arith.constant 0 : i32
    return %arg0, %c0_i32 : i32, i32
  }
  func.func @transform_4(%arg0: i32) -> (i32, i32) {
    %c0_i32 = arith.constant 0 : i32
    %c0_i32_0 = arith.constant 0 : i32
    return %arg0, %c0_i32 : i32, i32
  }
}

module attributes {stable_mosaic.version = 14 : i64} {
  func.func @_tc2_body(%arg0: i32, %arg1: memref<2x2000x128xf32, #tpu.memory_space<vmem>>, %arg2: memref<2000x128xf32, #tpu.memory_space<vmem>>, %arg3: memref<2000x1xf32, #tpu.memory_space<vmem>>, %arg4: memref<1x128xf32, #tpu.memory_space<vmem>>, %arg5: memref<128x128xf32, #tpu.memory_space<vmem>>, %arg6: memref<2000x128xf32, #tpu.memory_space<vmem>>) attributes {dimension_semantics = [#tpu.dimension_semantics<arbitrary>], iteration_bounds = array<i64: 5>, scalar_prefetch = 0 : i64, scratch_operands = 0 : i64, tpu.core_type = #tpu.core_type<tc>, window_params = [{transform_indices = @transform_0, window_bounds = array<i64: 2, 2000, 128>}, {transform_indices = @transform_1, window_bounds = array<i64: 2000, 128>}, {transform_indices = @transform_2, window_bounds = array<i64: 2000, 1>}, {pipeline_mode = #tpu.pipeline_mode<synchronous>, transform_indices = @transform_3, window_bounds = array<i64: 1, 128>}, {pipeline_mode = #tpu.pipeline_mode<synchronous>, transform_indices = @transform_4, window_bounds = array<i64: 128, 128>}, {transform_indices = @transform_5, window_bounds = array<i64: 2000, 128>}]} {
    %get3A = arith.constant 0 : index
    %get3A_0 = arith.constant 0 : index
    %get3A_1 = arith.constant 0 : index
    %get3A_2 = vector.load %arg1[%get3A, %get3A_0, %get3A_1] : memref<2x2000x128xf32, #tpu.memory_space<vmem>>, vector<1x2000x128xf32>
    %get3A_3 = vector.shape_cast %get3A_2 : vector<1x2000x128xf32> to vector<2000x128xf32>
    %get3A_4 = arith.constant 1 : index
    %get3A_5 = arith.constant 0 : index
    %get3A_6 = arith.constant 0 : index
    %get3A_7 = vector.load %arg1[%get3A_4, %get3A_5, %get3A_6] : memref<2x2000x128xf32, #tpu.memory_space<vmem>>, vector<1x2000x128xf32>
    %get3A_8 = vector.shape_cast %get3A_7 : vector<1x2000x128xf32> to vector<2000x128xf32>
    %add3A = arith.addf %get3A_3, %get3A_8 : vector<2000x128xf32>
    %get3A_9 = arith.constant 0 : index
    %get3A_10 = arith.constant 0 : index
    %get3A_11 = vector.load %arg3[%get3A_9, %get3A_10] : memref<2000x1xf32, #tpu.memory_space<vmem>>, vector<2000x1xf32>
    %get3A_12 = arith.constant 0 : index
    %get3A_13 = arith.constant 0 : index
    %get3A_14 = vector.load %arg2[%get3A_12, %get3A_13] : memref<2000x128xf32, #tpu.memory_space<vmem>>, vector<2000x128xf32>
    %mul3A = arith.constant 5.000000e-01 : f32
    %mul3A_15 = vector.broadcast %mul3A : f32 to vector<2000x128xf32>
    %mul3A_16 = arith.mulf %mul3A_15, %get3A_14 : vector<2000x128xf32>
    %add3A_17 = arith.addf %add3A, %mul3A_16 : vector<2000x128xf32>
    %mul3A_18 = vector.broadcast %get3A_11 : vector<2000x1xf32> to vector<2000x128xf32>
    %mul3A_19 = arith.mulf %mul3A_18, %add3A_17 : vector<2000x128xf32>
    %get3A_20 = arith.constant 0 : index
    %get3A_21 = arith.constant 0 : index
    %get3A_22 = vector.load %arg4[%get3A_20, %get3A_21] : memref<1x128xf32, #tpu.memory_space<vmem>>, vector<1x128xf32>
    %add3A_23 = vector.broadcast %get3A_22 : vector<1x128xf32> to vector<2000x128xf32>
    %add3A_24 = arith.addf %mul3A_19, %add3A_23 : vector<2000x128xf32>
    %max3A = arith.constant 0.000000e+00 : f32
    %max3A_25 = vector.broadcast %max3A : f32 to vector<2000x128xf32>
    %max3A_26 = arith.maximumf %add3A_24, %max3A_25 : vector<2000x128xf32>
    %get3A_27 = arith.constant 0 : index
    %get3A_28 = arith.constant 0 : index
    %get3A_29 = vector.load %arg5[%get3A_27, %get3A_28] : memref<128x128xf32, #tpu.memory_space<vmem>>, vector<128x128xf32>
    %dot_general3A = arith.constant dense<0.000000e+00> : vector<2000x128xf32>
    %dot_general3A_30 = tpu.matmul %max3A_26, %get3A_29, %dot_general3A {dimension_numbers = #tpu.dot_dimension_numbers<[1], [0], [0], [1], [0, 0, 1, 1], [], []>, transpose_lhs_hint = false} : vector<2000x128xf32>, vector<128x128xf32>, vector<2000x128xf32> -> vector<2000x128xf32>
    %mul3A_31 = vector.broadcast %get3A_11 : vector<2000x1xf32> to vector<2000x128xf32>
    %mul3A_32 = arith.mulf %dot_general3A_30, %mul3A_31 : vector<2000x128xf32>
    %swap3A = arith.constant 0 : index
    %swap3A_33 = arith.constant 0 : index
    %swap3A_34 = vector.load %arg6[%swap3A, %swap3A_33] : memref<2000x128xf32, #tpu.memory_space<vmem>>, vector<2000x128xf32>
    tpu.vector_store %arg6[%swap3A, %swap3A_33], %mul3A_32 {strides = array<i32>} : memref<2000x128xf32, #tpu.memory_space<vmem>>, vector<2000x128xf32>,
    return
  }
  func.func @transform_0(%arg0: i32) -> (i32, i32, i32) {
    %c0_i32 = arith.constant 0 : i32
    %c0_i32_0 = arith.constant 0 : i32
    %c0_i32_1 = arith.constant 0 : i32
    return %c0_i32, %arg0, %c0_i32_0 : i32, i32, i32
  }
  func.func @transform_1(%arg0: i32) -> (i32, i32) {
    %c0_i32 = arith.constant 0 : i32
    %c0_i32_0 = arith.constant 0 : i32
    return %arg0, %c0_i32 : i32, i32
  }
  func.func @transform_2(%arg0: i32) -> (i32, i32) {
    %c0_i32 = arith.constant 0 : i32
    %c0_i32_0 = arith.constant 0 : i32
    return %arg0, %c0_i32 : i32, i32
  }
  func.func @transform_3(%arg0: i32) -> (i32, i32) {
    %c0_i32 = arith.constant 0 : i32
    %c0_i32_0 = arith.constant 0 : i32
    %c0_i32_1 = arith.constant 0 : i32
    return %c0_i32, %c0_i32_0 : i32, i32
  }
  func.func @transform_4(%arg0: i32) -> (i32, i32) {
    %c0_i32 = arith.constant 0 : i32
    %c0_i32_0 = arith.constant 0 : i32
    %c0_i32_1 = arith.constant 0 : i32
    return %c0_i32, %c0_i32_0 : i32, i32
  }
  func.func @transform_5(%arg0: i32) -> (i32, i32) {
    %c0_i32 = arith.constant 0 : i32
    %c0_i32_0 = arith.constant 0 : i32
    return %arg0, %c0_i32 : i32, i32
  }
}

module attributes {stable_mosaic.version = 14 : i64} {
  func.func @_tc3_body(%arg0: i32, %arg1: memref<2x2000x128xf32, #tpu.memory_space<vmem>>, %arg2: memref<2000x128xf32, #tpu.memory_space<vmem>>, %arg3: memref<2000x1xf32, #tpu.memory_space<vmem>>, %arg4: memref<1x128xf32, #tpu.memory_space<vmem>>, %arg5: memref<2000x128xf32, #tpu.memory_space<vmem>>) attributes {dimension_semantics = [#tpu.dimension_semantics<arbitrary>], iteration_bounds = array<i64: 5>, scalar_prefetch = 0 : i64, scratch_operands = 0 : i64, tpu.core_type = #tpu.core_type<tc>, window_params = [{transform_indices = @transform_0, window_bounds = array<i64: 2, 2000, 128>}, {transform_indices = @transform_1, window_bounds = array<i64: 2000, 128>}, {transform_indices = @transform_2, window_bounds = array<i64: 2000, 1>}, {pipeline_mode = #tpu.pipeline_mode<synchronous>, transform_indices = @transform_3, window_bounds = array<i64: 1, 128>}, {transform_indices = @transform_4, window_bounds = array<i64: 2000, 128>}]} {
    %get3A = arith.constant 0 : index
    %get3A_0 = arith.constant 0 : index
    %get3A_1 = arith.constant 0 : index
    %get3A_2 = vector.load %arg1[%get3A, %get3A_0, %get3A_1] : memref<2x2000x128xf32, #tpu.memory_space<vmem>>, vector<1x2000x128xf32>
    %get3A_3 = vector.shape_cast %get3A_2 : vector<1x2000x128xf32> to vector<2000x128xf32>
    %get3A_4 = arith.constant 1 : index
    %get3A_5 = arith.constant 0 : index
    %get3A_6 = arith.constant 0 : index
    %get3A_7 = vector.load %arg1[%get3A_4, %get3A_5, %get3A_6] : memref<2x2000x128xf32, #tpu.memory_space<vmem>>, vector<1x2000x128xf32>
    %get3A_8 = vector.shape_cast %get3A_7 : vector<1x2000x128xf32> to vector<2000x128xf32>
    %add3A = arith.addf %get3A_3, %get3A_8 : vector<2000x128xf32>
    %get3A_9 = arith.constant 0 : index
    %get3A_10 = arith.constant 0 : index
    %get3A_11 = vector.load %arg3[%get3A_9, %get3A_10] : memref<2000x1xf32, #tpu.memory_space<vmem>>, vector<2000x1xf32>
    %get3A_12 = arith.constant 0 : index
    %get3A_13 = arith.constant 0 : index
    %get3A_14 = vector.load %arg2[%get3A_12, %get3A_13] : memref<2000x128xf32, #tpu.memory_space<vmem>>, vector<2000x128xf32>
    %mul3A = arith.constant 5.000000e-01 : f32
    %mul3A_15 = vector.broadcast %mul3A : f32 to vector<2000x128xf32>
    %mul3A_16 = arith.mulf %mul3A_15, %get3A_14 : vector<2000x128xf32>
    %add3A_17 = arith.addf %add3A, %mul3A_16 : vector<2000x128xf32>
    %mul3A_18 = vector.broadcast %get3A_11 : vector<2000x1xf32> to vector<2000x128xf32>
    %mul3A_19 = arith.mulf %mul3A_18, %add3A_17 : vector<2000x128xf32>
    %get3A_20 = arith.constant 0 : index
    %get3A_21 = arith.constant 0 : index
    %get3A_22 = vector.load %arg4[%get3A_20, %get3A_21] : memref<1x128xf32, #tpu.memory_space<vmem>>, vector<1x128xf32>
    %add3A_23 = vector.broadcast %get3A_22 : vector<1x128xf32> to vector<2000x128xf32>
    %add3A_24 = arith.addf %mul3A_19, %add3A_23 : vector<2000x128xf32>
    %swap3A = arith.constant 0 : index
    %swap3A_25 = arith.constant 0 : index
    %swap3A_26 = vector.load %arg5[%swap3A, %swap3A_25] : memref<2000x128xf32, #tpu.memory_space<vmem>>, vector<2000x128xf32>
    tpu.vector_store %arg5[%swap3A, %swap3A_25], %add3A_24 {strides = array<i32>} : memref<2000x128xf32, #tpu.memory_space<vmem>>, vector<2000x128xf32>,
    return
  }
  func.func @transform_0(%arg0: i32) -> (i32, i32, i32) {
    %c0_i32 = arith.constant 0 : i32
    %c0_i32_0 = arith.constant 0 : i32
    %c0_i32_1 = arith.constant 0 : i32
    return %c0_i32, %arg0, %c0_i32_0 : i32, i32, i32
  }
  func.func @transform_1(%arg0: i32) -> (i32, i32) {
    %c0_i32 = arith.constant 0 : i32
    %c0_i32_0 = arith.constant 0 : i32
    return %arg0, %c0_i32 : i32, i32
  }
  func.func @transform_2(%arg0: i32) -> (i32, i32) {
    %c0_i32 = arith.constant 0 : i32
    %c0_i32_0 = arith.constant 0 : i32
    return %arg0, %c0_i32 : i32, i32
  }
  func.func @transform_3(%arg0: i32) -> (i32, i32) {
    %c0_i32 = arith.constant 0 : i32
    %c0_i32_0 = arith.constant 0 : i32
    %c0_i32_1 = arith.constant 0 : i32
    return %c0_i32, %c0_i32_0 : i32, i32
  }
  func.func @transform_4(%arg0: i32) -> (i32, i32) {
    %c0_i32 = arith.constant 0 : i32
    %c0_i32_0 = arith.constant 0 : i32
    return %arg0, %c0_i32 : i32, i32
  }
}

</mosaic_0001>

<sc_bundles>
// kernel: kernel.11.cloned.1.call-start
scs
__scs_entry_jumppad:
0x0: {  	(pc) =	sbr.rel $0x88, $3  }
0x1: {  	(tag) =	ssettag $0x0;
	lr =	simm.s32 $0x1  }
0x2: {  	[smem:$0x3F9B] =	sst lr;
	_ =	strace $0xD0000000  }
0x3: {  	_ = 	snop  }
0x4: {  	_ = 	snop  }
0x5: {  	_ = 	snop  }
0x6: {  	_ = 	snop  }
0x7: {  	_ = 	snop  }
__scs_overlays_trampoline_lowered:
0x8: {  	[smem:$0x3FAA] =	sst s0  }
0x9: {  	[smem:$0x3FAB] =	sst s1  }
0xa: {  	[smem:$0x3FAC] =	sst s2  }
0xb: {  	[smem:$0x3FAD] =	sst s3  }
0xc: {  	[smem:$0x3FAE] =	sst s4  }
0xd: {  	[smem:$0x3FAF] =	sst s5  }
0xe: {  	[smem:$0x3FB0] =	sst s6  }
0xf: {  	[smem:$0x3FB1] =	sst s7  }
0x10: {  	[smem:$0x3FB2] =	sst s8  }
0x11: {  	[smem:$0x3FB3] =	sst s9;
	s0 =	simm.s32 @!p0 $0x0  }
0x12: {  	s1 =	sld [smem:$0x3F99];
	s0 =	simm.s32 @p0 $0x1  }
0x13: {  	[smem:$0x3FB4] =	sst s0;
	s0 =	simm.s32 @!p1 $0x0  }
0x14: {  	s2 =	sld [smem:$0x3F98];
	s0 =	simm.s32 @p1 $0x1  }
0x15: {  	[smem:$0x3FB5] =	sst s0;
	s0 =	simm.s32 @!p2 $0x0  }
0x16: {  	s3 =	sld [smem:$0x3FDB];
	s0 =	simm.s32 @p2 $0x1  }
0x17: {  	s4 =	simm.s32 $0x1BF5;
	[smem:$0x3FB7] =	sst s0  }
0x18: {  	s0 =	sld [smem:$0x3F9A];
	_ =	swait.ge [sflag:s4], $0x0  }
0x19: {  	s7 =	sld [smem:$0x3F9B]  }
0x1a: {  	s8 =	sadd.s32 $0xFFFFE003, lr  }
0x1b: {  	s9 =	sadd.s32 $0xFFFFFEF7, lr;
	s5 =	simm.s32 $0xFFFFFFFF;
	p2 =	slt.u32 s8, $0xFFFFF086  }
0x1c: {  	p1 =	slt.u32 s9, $0xF7A;
	s5 =	simm.s32 @!p2 $0x0  }
0x1d: {  	s5 =	simm.s32 @p1 $0x1;
	p0 =	seq.s32 s7, s2  }
0x1e: {  	s7 =	smul.u32 @!p0 $0xF7A, s2;
	p2 =	seq.s32 @!p0 s5, $0x0  }
0x1f: {  	s9 =	smul.u32 $0xF7A, s1;
	s8 =	simm.s32 @!p0 $0x1BF5;
	p2 =	por !p2, p0  }
0x20: {  	[sflag:s8] =	ssyncset.s32 @!p0 $0xFFFFF086;
	s6 =	sadd.s32 @!p0 s3, s7;
	s7 =	simm.s32 @!p0 $0x108  }
0x21: {  	s3 =	sadd.s32 s3, s9;
	s6 =	sadd.s32 @!p0 $0x88, s6;
	s7 =	simm.s32 @p2 $0x1082  }
0x22: {  	[simem:s7], [sflag:s8] =	dma.local @!p0 [hbm:s6], $0xF7A  }
0x23: {  	s9 =	sor.u32 $0xD0000000, s2;
	s6 =	simm.s32 $0x108;
	_ =	swait.ge @!p0 [sflag:s8], $0x0  }
0x24: {  	s3 =	sadd.s32 $0x88, s3;
	s6 =	simm.s32 @!p1 $0x1082;
	[sflag:s4] =	ssyncset.s32 $0xFFFFF086  }
0x25: {  	[simem:s6], [sflag:s4] =	dma.local [hbm:s3], $0xF7A  }
0x26: {  	[smem:$0x3F9B] =	sst s1;
	(tag) =	ssettag s2;
	_ =	strace s9  }
0x27: {  	s1 =	sld [smem:$0x3FAB]  }
0x28: {  	s2 =	sld [smem:$0x3FAC]  }
0x29: {  	s4 =	sld [smem:$0x3FAE]  }
0x2a: {  	p0 =	seq.s32 s5, $0x0;
	s5 =	sld [smem:$0x3FAF]  }
0x2b: {  	s6 =	sld [smem:$0x3FB0]  }
0x2c: {  	s7 =	sld [smem:$0x3FB1]  }
0x2d: {  	s3 =	simm.s32 $0x108;
	s8 =	sld [smem:$0x3FB2]  }
0x2e: {  	s3 =	simm.s32 @!p0 $0x1082;
	s9 =	sld [smem:$0x3FB3]  }
0x2f: {  	lr =	sadd.s32 s0, s3;
	s0 =	sld [smem:$0x3FAA]  }
0x30: {  	s3 =	sld [smem:$0x3FAD]  }
0x31: {  	[smem:$0x3FB6] =	sst s10  }
0x32: {  	s10 =	sld [smem:$0x3FB4];
	_ =	sdelay $0x3  }
0x33: {  	p0 =	seq.s32 s10, $0x1;
	s10 =	sld [smem:$0x3FB6];
	_ =	sdelay $0x3  }
0x34: {  	[smem:$0x3FB6] =	sst s10  }
0x35: {  	s10 =	sld [smem:$0x3FB5];
	_ =	sdelay $0x3  }
0x36: {  	p1 =	seq.s32 s10, $0x1;
	s10 =	sld [smem:$0x3FB6];
	_ =	sdelay $0x3  }
0x37: {  	[smem:$0x3FB6] =	sst s10  }
0x38: {  	s10 =	sld [smem:$0x3FB7]  }
0x39: {  	_ = 	snop;
	(pc) =	sbr.ind lr, $3  }
0x3a: {  	_ = 	snop  }
0x3b: {  	_ = 	snop  }
0x3c: {  	p2 =	seq.s32 s10, $0x1;
	s10 =	sld [smem:$0x3FB6]  }
0x3d: {  	_ =	shalt  }
0x3e: {  	_ =	shalt  }
0x3f: {  	_ =	shalt  }
0x40: {  	_ =	shalt  }
0x41: {  	_ =	shalt  }
0x42: {  	_ =	shalt  }
0x43: {  	_ =	shalt  }
0x44: {  	_ =	shalt  }
0x45: {  	_ =	shalt  }
0x46: {  	_ =	shalt  }
0x47: {  	_ =	shalt  }
0x48: {  	_ =	shalt  }
0x49: {  	_ =	shalt  }
0x4a: {  	_ =	shalt  }
0x4b: {  	_ =	shalt  }
0x4c: {  	_ =	shalt  }
0x4d: {  	_ =	shalt  }
0x4e: {  	_ =	shalt  }
0x4f: {  	_ =	shalt  }
0x50: {  	_ =	shalt  }
0x51: {  	_ =	shalt  }
0x52: {  	_ =	shalt  }
0x53: {  	_ =	shalt  }
0x54: {  	_ =	shalt  }
0x55: {  	_ =	shalt  }
0x56: {  	_ =	shalt  }
0x57: {  	_ =	shalt  }
0x58: {  	_ =	shalt  }
0x59: {  	_ =	shalt  }
0x5a: {  	_ =	shalt  }
0x5b: {  	_ =	shalt  }
0x5c: {  	_ =	shalt  }
0x5d: {  	_ =	shalt  }
0x5e: {  	_ =	shalt  }
0x5f: {  	_ =	shalt  }
0x60: {  	_ =	shalt  }
0x61: {  	_ =	shalt  }
0x62: {  	_ =	shalt  }
0x63: {  	_ =	shalt  }
0x64: {  	_ =	shalt  }
0x65: {  	_ =	shalt  }
0x66: {  	_ =	shalt  }
0x67: {  	_ =	shalt  }
0x68: {  	_ =	shalt  }
0x69: {  	_ =	shalt  }
0x6a: {  	_ =	shalt  }
0x6b: {  	_ =	shalt  }
0x6c: {  	_ =	shalt  }
0x6d: {  	_ =	shalt  }
0x6e: {  	_ =	shalt  }
0x6f: {  	_ =	shalt  }
0x70: {  	_ =	shalt  }
0x71: {  	_ =	shalt  }
0x72: {  	_ =	shalt  }
0x73: {  	_ =	shalt  }
0x74: {  	_ =	shalt  }
0x75: {  	_ =	shalt  }
0x76: {  	_ =	shalt  }
0x77: {  	_ =	shalt  }
0x78: {  	_ =	shalt  }
0x79: {  	_ =	shalt  }
0x7a: {  	_ =	shalt  }
0x7b: {  	_ =	shalt  }
0x7c: {  	_ =	shalt  }
0x7d: {  	_ =	shalt  }
0x7e: {  	_ =	shalt  }
0x7f: {  	_ =	shalt  }
0x80: {  	_ =	shalt  }
0x81: {  	_ =	shalt  }
0x82: {  	_ =	shalt  }
0x83: {  	_ =	shalt  }
0x84: {  	_ =	shalt  }
0x85: {  	_ =	shalt  }
0x86: {  	_ =	shalt  }
0x87: {  	_ =	shalt  }
.Lfunc_end0:
.L_simem_size_0:
called_computation.1_lowered:
.L_overlay_start_0:
0x88: {  	s2 =	sld [smem:$0x3FD9]  }
0x89: {  	s3 =	sld [smem:$0x3FFE];
	_ =	sdelay $0x1  }
0x8a: {  	s1 =	srdreg.scid  }
0x8b: {  	s0 =	sand.u32 $0x1, s1  }
0x8c: {  	s17 =	sshll.u32 s0, $0xA;
	s2 =	sadd.s32 s3, s2  }
0x8d: {  	s2 =	sadd.s32 s2, s17  }
0x8e: {  	[smem:$0x3FC2] =	sst s2  }
0x8f: {  	_ = 	snop  }
0x90: {  	s2 =	sld [smem:$0x3FD0];
	(tm) =	ssettm $0x1  }
0x91: {  	s18 =	sld [smem:$0x3FFB];
	_ =	sdelay $0x3  }
0x92: {  	_ =	strace s18  }
0x93: {  	s3 =	sld [smem:$0x3FFC];
	_ =	sdelay $0x3  }
0x94: {  	_ =	strace s3  }
0x95: {  	s3 =	sld [smem:$0x3FFD];
	_ =	sdelay $0x3  }
0x96: {  	_ =	strace s3  }
0x97: {  	_ =	strace $0x8FFFFFFF  }
0x98: {  	s19 =	sld [smem:$0x3FDB];
	_ =	sdelay $0x1  }
0x99: {  	s4 =	simm.s32 $_scs_section_size  }
0x9a: {  	s5 =	simm.s32 $_size__tile_overlayer_lowered;
	s6 =	simm.s32 $_tile_overlayer_lowered  }
0x9b: {  	s22 =	simm.s32 $0x1BFF;
	s21 =	sshll.u32 s6, $0x1;
	s3 =	sadd.s32 s4, s19  }
0x9c: {  	s7 =	simm.s32 $0x0;
	s20 =	sshll.u32 s5, $0x1;
	s5 =	sadd.s32 s21, s3  }
0x9d: {  	[timem:s7], [sflag:s22] =	dma.local [hbm:s5], s20  }
0x9e: {  	_ =	swait.ge [sflag:s22], s20  }
0x9f: {  	s4 =	ssub.s32 $0x0, s20;
	[sflag:s22] =	ssyncset.done $0x0  }
0xa0: {  	[sflag:s22] =	ssyncadd.s32 s4;
	_ =	sdelay $0x1  }
0xa1: {  	s23 =	simm.s32 $0x1B8B  }
0xa2: {  	_ =	swait.ge [sflag:s23], $0x1  }
0xa3: {  	[sflag:s23] =	ssyncset.done $0x0  }
0xa4: {  	s25 =	simm.s32 $0x1B8E;
	s24 =	sld [smem:$0x3FFE];
	[sflag:s23] =	ssyncadd.s32 $0xFFFFFFFF  }
0xa5: {  	s26 =	simm.s32 $execute0_lowered;
	[smem:$0x3FD2] =	sst s25  }
0xa6: {  	s5 =	sshll.u32 s26, $0x1;
	_ =	strace $0x80000049;
	[dreg:$0x1] =	wrdreg $0xFFFFFFFF  }
0xa7: {  	s28 =	simm.s32 $_size_execute0_lowered;
	s3 =	sadd.s32 s3, s5;
	[dreg:$0x0] =	wrdreg $0x0  }
0xa8: {  	s5 =	sshll.u32 s28, $0x1;
	[dreg:$0x2] =	wrdreg s3  }
0xa9: {  	[dreg:$0x3] =	wrdreg s5  }
0xaa: {  	[dreg:$0x4] =	wrdreg $0xC0  }
0xab: {  	_ =	task [dreg:s7], $0x5FFFF  }
0xac: {  	[dreg:$0x1] =	wrdreg $0xFFFFFFFF  }
0xad: {  	[dreg:$0x0] =	wrdreg $0x60  }
0xae: {  	[dreg:$0x2] =	wrdreg s2  }
0xaf: {  	[dreg:$0x3] =	wrdreg s24  }
0xb0: {  	[dreg:$0x4] =	wrdreg $0x0  }
0xb1: {  	[dreg:$0x5] =	wrdreg $0x9  }
0xb2: {  	_ =	task.clear_ibuf [dreg:s7], $0x6FFFF;
	_ =	strace $0x90000049  }
0xb3: {  	s29 =	simm.s32 $0x9;
	_ =	strace $0x8000004B  }
0xb4: {  	_ =	swait.ge [sflag:s29], $0x1  }
0xb5: {  	[sflag:s29] =	ssyncadd.s32 $0xFFFFFFFF  }
0xb6: {  	_ =	strace $0x9000004B  }
0xb7: {  	_ =	sfence  }
0xb8: {  	s30 =	sld [smem:$0x0];
	_ =	sdelay $0x2  }
0xb9: {  	s31 =	sshll.u32 s1, $0xD;
	s1 =	sshrl.u32 s1, $0x2  }
0xba: {  	s3 =	sand.u32 $0x4000, s31;
	s1 =	sadd.s32 s1, s30  }
0xbb: {  	s0 =	sor.u32 s3, s0;
	s1 =	sshll.u32 s1, $0x11  }
0xbc: {  	s0 =	sor.u32 s1, s0  }
0xbd: {  	s0 =	sadd.s32 $0x8F2B, s0  }
0xbe: {  	[sflag:s0] =	ssyncadd.remote.s32 $0x1  }
0xbf: {  	_ =	sfence.sel $0xFFFF  }
0xc0: {  	[dreg:$0x0] =	wrdreg $0xFFFFFFFF;
	(pc) =	sbr.abs _section_cstart, $3  }
0xc1: {  	[dreg:$0x1] =	wrdreg $0xFFFFFFFF  }
0xc2: {  	_ =	task.clear_ibuf [dreg:s7], $0x2FFFF;
	_ =	strace $0x9FFFFFFF  }
0xc3: {  	(tm) =	ssettm $0x7FFFFFFF  }
tec
execute0_lowered:
.L_overlay_start_1:
0x0: {  	(tag) =	ssettag $0x1  }
0x1: {  	s1 =	rddreg [dreg:$0x0]  }
0x2: {  	s3 =	srdreg.scid;
	s11 =	stileid.u32  }
0x3: {  	s0 =	rddreg [dreg:$0x1];
	s3 =	sand.u32 $0x1, s3;
	s6 =	smul.u32 $0x14000, s11  }
0x4: {  	s2 =	rddreg [dreg:$0x2];
	s4 =	simm.s32 $0x0;
	s5 =	smul.u32 $0x140000, s3  }
0x5: {  	[smem:$0x7FF] =	sst s4;
	s7 =	smul.u32 $0x50000, s11  }
0x6: {  	s8 =	sadd.s32 $0x2800, s0;
	s9 =	sadd.s32 $0xC800, s0;
	s5 =	sadd.s32 s6, s5  }
0x7: {  	s24 =	smul.u32 $0x5000, s11;
	s7 =	sshrl.u32 s7, $0x2;
	s5 =	sshrl.u32 s5, $0x3  }
0x8: {  	_ =	strace $0x8000004A;
	s0 =	sadd.s32 s5, s0;
	s5 =	sadd.s32 s7, s2  }
0x9: {  	s23 =	ssub.s32 $0x2, s3;
	p0 =	seq.s32 s3, $0x1;
	s7 =	sadd.s32 $0x1000, s5  }
0xa: {  	s10 =	sshrl.u32 s23, $0x1;
	s25 =	sadd.s32 $0x2000, s5;
	[dreg:$0x4] =	wrdreg s7  }
0xb: {  	s6 =	ssub.s32 s23, s10;
	s26 =	sadd.s32 $0x3000, s5;
	[dreg:$0x5] =	wrdreg s25  }
0xc: {  	s10 =	simm.s32 $0x1DF00;
	s11 =	sadd.s32 $0x4000, s5;
	[dreg:$0x6] =	wrdreg s26  }
0xd: {  	s12 =	sadd.s32 $0x5000, s5;
	s13 =	sadd.s32 $0x6000, s5;
	[dreg:$0x7] =	wrdreg s11  }
0xe: {  	s14 =	sadd.s32 $0x7000, s5;
	s0 =	sadd.s32 $0x16800, s0;
	[dreg:$0x8] =	wrdreg s12  }
0xf: {  	s28 =	sadd.s32 $0xA000, s5;
	s29 =	sadd.s32 $0xB000, s5;
	[dreg:$0x9] =	wrdreg s13  }
0x10: {  	s30 =	sadd.s32 $0xC000, s5;
	s31 =	sadd.s32 $0xD000, s5;
	[dreg:$0xa] =	wrdreg s14  }
0x11: {  	s7 =	sshrl.u32 s24, $0x3;
	s26 =	sadd.s32 $0x8000, s5;
	[dreg:$0x16] =	wrdreg s0  }
0x12: {  	s0 =	sadd.s32 $0xE000, s5;
	s13 =	sadd.s32 $0xF000, s5;
	s14 =	sadd.s32 $0x10000, s5  }
0x13: {  	s11 =	simm.s32 $0x1DF80;
	s15 =	sadd.s32 s8, s7;
	s16 =	sadd.s32 s9, s7  }
0x14: {  	s17 =	sadd.s32 $0x200, s7;
	s18 =	sadd.s32 $0x400, s7;
	[dreg:$0x15] =	wrdreg s26  }
0x15: {  	s22 =	sadd.s32 $0x600, s7;
	s7 =	sadd.s32 $0x800, s7;
	[dreg:$0xb] =	wrdreg s15  }
0x16: {  	s26 =	sadd.s32 $0x9000, s5;
	[dreg:$0xc] =	wrdreg s16;
	s19 =	sadd.s32 s8, s17  }
0x17: {  	s3 =	sadd.s32 s9, s17;
	s20 =	sadd.s32 s8, s18;
	[dreg:$0xd] =	wrdreg s19  }
0x18: {  	s21 =	sadd.s32 s9, s18;
	s23 =	sadd.s32 s8, s22;
	[dreg:$0xe] =	wrdreg s3  }
0x19: {  	s24 =	sadd.s32 s8, s7;
	s25 =	sadd.s32 s9, s7;
	[dreg:$0xf] =	wrdreg s20  }
0x1a: {  	s15 =	sadd.s32 $0x11000, s5;
	s16 =	sadd.s32 $0x12000, s5;
	[dreg:$0x10] =	wrdreg s21  }
0x1b: {  	s17 =	sadd.s32 $0x13000, s5;
	s18 =	simm.s32 $0x1E000;
	[dreg:$0x11] =	wrdreg s23  }
.Ltmp0:
0x1c: {  	s7 =	simm.s32 $0x18000;
	[dreg:$0x13] =	wrdreg s24;
	(pc) =	sbr.rel .LBB2_1-.Ltmp0, $4  }
0x1d: {  	s8 =	simm.s32 $0x1;
	s3 =	sadd.s32 s9, s22;
	[dreg:$0x14] =	wrdreg s25  }
0x1e: {  	s25 =	smax.u32 s6, $0x1;
	s19 =	simm.s32 $0x3;
	s20 =	simm.s32 $0x1C000  }
0x1f: {  	s21 =	simm.s32 $0x1D000;
	s22 =	simm.s32 $0x80;
	s6 =	simm.s32 $0x1C080  }
0x20: {  	v0 =	vimm.f32 $0.0e+00;
	s9 =	simm.s32 $0x2;
	[dreg:$0x12] =	wrdreg s3;
	s3 =	simm.s32 $0x14000  }
.LBB2_8:
0x21: {  	[tilespmem:s7], [sflag:$0x2] =	stream.indirect.gather [hbm4b:s1+s22], $0x80, s23, s22, $0xb8;
	[tilespmem:$0x1F000] =	vst v63  }
.LBB2_16:
0x22: {  	_ =	swait.ge [sflag:s8], $0x4000  }
0x23: {  	[sflag:s8] =	ssyncset.done $0x0  }
0x24: {  	[sflag:s8] =	ssyncadd.s32 $0xFFFFC000  }
0x25: {  	[spmem:s2] =	stream.indirect.scatter.add.f32 [tilespmem:s3], [sflag:$0x3], $0x80, s10, s22, $0xb8;
	[tilespmem:$0x1F000] =	vst v63  }
0x26: {  	_ =	swait.ge [sflag:s19], $0x4000  }
0x27: {  	[sflag:s19] =	ssyncset.done $0x0  }
0x28: {  	[sflag:s19] =	ssyncadd.s32 $0xFFFFC000  }
0x29: {  	_ =	swait.ge [sflag:s9], $0x4000  }
0x2a: {  	[sflag:s9] =	ssyncset.done $0x0  }
0x2b: {  	[sflag:s9] =	ssyncadd.s32 $0xFFFFC000  }
0x2c: {  	[spmem:s2] =	stream.indirect.scatter.add.f32 [tilespmem:s7], [sflag:$0x3], $0x80, s11, s22, $0xb8;
	[tilespmem:$0x1F000] =	vst v63  }
0x2d: {  	_ =	swait.ge [sflag:s19], $0x4000  }
0x2e: {  	s12 =	stileid.u32;
	[sflag:s19] =	ssyncset.done $0x0  }
0x2f: {  	s23 =	sshrl.u32 s5, $0x3;
	s4 =	sadd.s32 $0x1, s4;
	[sflag:s19] =	ssyncadd.s32 $0xFFFFC000  }
0x30: {  	s12 =	sshll.u32 s12, $0x6;
	p1 =	sne.s32 s4, s25;
	[bflag:$0x0] =	sbarrier.arrive $0xFFFF  }
.Ltmp1:
0x31: {  	s12 =	sor.u32 $0x1C03, s12;
	s24 =	rddreg [dreg:$0x16];
	(pc) =	sbr.rel @!p1 .LBB2_17-.Ltmp1, $4  }
0x32: {  	[hbm:s24], [sflag:s12] =	dma.local [spmem:s23], $0x2800  }
0x33: {  	_ =	swait.ge [sflag:s19], $0x2800  }
0x34: {  	[sflag:s19] =	ssyncset.done $0x0  }
0x35: {  	[sflag:s19] =	ssyncadd.s32 $0xFFFFD800  }
.LBB2_1:
0x36: {  	s12 =	simm.s32 $0x0;
	s23 =	simm.s32 $0x200  }
.LBB2_2:
0x37: {  	p1 =	sne.s32 s23, $0x3E00;
	[tilespmem:s12+$0x1E070] =	vst v0  }
0x38: {  	[tilespmem:s12+$0x1E000] =	vst v0  }
0x39: {  	[tilespmem:s12+$0x1E010] =	vst v0  }
.Ltmp2:
0x3a: {  	[tilespmem:s12+$0x1E020] =	vst v0;
	(pc) =	sbr.rel @p1 .LBB2_2-.Ltmp2, $4  }
0x3b: {  	[tilespmem:s12+$0x1E030] =	vst v0  }
0x3c: {  	[tilespmem:s12+$0x1E040] =	vst v0  }
0x3d: {  	[tilespmem:s12+$0x1E050] =	vst v0  }
0x3e: {  	[tilespmem:s12+$0x1E060] =	vst v0;
	s12 =	sshra.s32 s23, $0x2;
	s23 =	sadd.s32 $0x200, s23  }
0x3f: {  	[tilespmem:s12+$0x1E070] =	vst v0  }
0x40: {  	[tilespmem:s12+$0x1E000] =	vst v0  }
0x41: {  	[tilespmem:s12+$0x1E010] =	vst v0  }
0x42: {  	[tilespmem:s12+$0x1E020] =	vst v0  }
0x43: {  	[tilespmem:s12+$0x1E030] =	vst v0  }
0x44: {  	[tilespmem:s12+$0x1E040] =	vst v0  }
0x45: {  	[tilespmem:s12+$0x1E050] =	vst v0  }
0x46: {  	[tilespmem:s12+$0x1E060] =	vst v0  }
0x47: {  	[spmem:s5] =	stream.linear.scatter [tilespmem:s18], [sflag:$0x3], $0x1000, $0x38;
	[tilespmem:$0x1F000] =	vst v63  }
0x48: {  	_ =	swait.ge [sflag:s19], $0x1000  }
0x49: {  	[sflag:s19] =	ssyncset.done $0x0  }
0x4a: {  	s23 =	rddreg [dreg:$0x4];
	[sflag:s19] =	ssyncadd.s32 $0xFFFFF000  }
0x4b: {  	[spmem:s23] =	stream.linear.scatter [tilespmem:s18], [sflag:$0x3], $0x1000, $0x38;
	[tilespmem:$0x1F000] =	vst v63  }
0x4c: {  	_ =	swait.ge [sflag:s19], $0x1000  }
0x4d: {  	[sflag:s19] =	ssyncset.done $0x0  }
0x4e: {  	s24 =	rddreg [dreg:$0x5];
	[sflag:s19] =	ssyncadd.s32 $0xFFFFF000  }
0x4f: {  	[spmem:s24] =	stream.linear.scatter [tilespmem:s18], [sflag:$0x3], $0x1000, $0x38;
	[tilespmem:$0x1F000] =	vst v63  }
0x50: {  	_ =	swait.ge [sflag:s19], $0x1000  }
0x51: {  	[sflag:s19] =	ssyncset.done $0x0  }
0x52: {  	s23 =	rddreg [dreg:$0x6];
	[sflag:s19] =	ssyncadd.s32 $0xFFFFF000  }
0x53: {  	[spmem:s23] =	stream.linear.scatter [tilespmem:s18], [sflag:$0x3], $0x1000, $0x38;
	[tilespmem:$0x1F000] =	vst v63  }
0x54: {  	_ =	swait.ge [sflag:s19], $0x1000  }
0x55: {  	[sflag:s19] =	ssyncset.done $0x0  }
0x56: {  	s24 =	rddreg [dreg:$0x7];
	[sflag:s19] =	ssyncadd.s32 $0xFFFFF000  }
0x57: {  	[spmem:s24] =	stream.linear.scatter [tilespmem:s18], [sflag:$0x3], $0x1000, $0x38;
	[tilespmem:$0x1F000] =	vst v63  }
0x58: {  	_ =	swait.ge [sflag:s19], $0x1000  }
0x59: {  	[sflag:s19] =	ssyncset.done $0x0  }
0x5a: {  	s23 =	rddreg [dreg:$0x8];
	[sflag:s19] =	ssyncadd.s32 $0xFFFFF000  }
0x5b: {  	[spmem:s23] =	stream.linear.scatter [tilespmem:s18], [sflag:$0x3], $0x1000, $0x38;
	[tilespmem:$0x1F000] =	vst v63  }
0x5c: {  	_ =	swait.ge [sflag:s19], $0x1000  }
0x5d: {  	[sflag:s19] =	ssyncset.done $0x0  }
0x5e: {  	s24 =	rddreg [dreg:$0x9];
	[sflag:s19] =	ssyncadd.s32 $0xFFFFF000  }
0x5f: {  	[spmem:s24] =	stream.linear.scatter [tilespmem:s18], [sflag:$0x3], $0x1000, $0x38;
	[tilespmem:$0x1F000] =	vst v63  }
0x60: {  	_ =	swait.ge [sflag:s19], $0x1000  }
0x61: {  	[sflag:s19] =	ssyncset.done $0x0  }
0x62: {  	s23 =	rddreg [dreg:$0xa];
	[sflag:s19] =	ssyncadd.s32 $0xFFFFF000  }
0x63: {  	[spmem:s23] =	stream.linear.scatter [tilespmem:s18], [sflag:$0x3], $0x1000, $0x38;
	[tilespmem:$0x1F000] =	vst v63  }
0x64: {  	_ =	swait.ge [sflag:s19], $0x1000  }
0x65: {  	[sflag:s19] =	ssyncset.done $0x0  }
0x66: {  	s24 =	rddreg [dreg:$0x15];
	[sflag:s19] =	ssyncadd.s32 $0xFFFFF000  }
0x67: {  	[spmem:s24] =	stream.linear.scatter [tilespmem:s18], [sflag:$0x3], $0x1000, $0x38;
	[tilespmem:$0x1F000] =	vst v63  }
0x68: {  	_ =	swait.ge [sflag:s19], $0x1000  }
0x69: {  	[sflag:s19] =	ssyncset.done $0x0  }
0x6a: {  	[sflag:s19] =	ssyncadd.s32 $0xFFFFF000  }
0x6b: {  	[spmem:s26] =	stream.linear.scatter [tilespmem:s18], [sflag:$0x3], $0x1000, $0x38;
	[tilespmem:$0x1F000] =	vst v63  }
0x6c: {  	_ =	swait.ge [sflag:s19], $0x1000  }
0x6d: {  	[sflag:s19] =	ssyncset.done $0x0  }
0x6e: {  	[sflag:s19] =	ssyncadd.s32 $0xFFFFF000  }
0x6f: {  	[spmem:s28] =	stream.linear.scatter [tilespmem:s18], [sflag:$0x3], $0x1000, $0x38;
	[tilespmem:$0x1F000] =	vst v63  }
0x70: {  	_ =	swait.ge [sflag:s19], $0x1000  }
0x71: {  	[sflag:s19] =	ssyncset.done $0x0  }
0x72: {  	[sflag:s19] =	ssyncadd.s32 $0xFFFFF000  }
0x73: {  	[spmem:s29] =	stream.linear.scatter [tilespmem:s18], [sflag:$0x3], $0x1000, $0x38;
	[tilespmem:$0x1F000] =	vst v63  }
0x74: {  	_ =	swait.ge [sflag:s19], $0x1000  }
0x75: {  	[sflag:s19] =	ssyncset.done $0x0  }
0x76: {  	[sflag:s19] =	ssyncadd.s32 $0xFFFFF000  }
0x77: {  	[spmem:s30] =	stream.linear.scatter [tilespmem:s18], [sflag:$0x3], $0x1000, $0x38;
	[tilespmem:$0x1F000] =	vst v63  }
0x78: {  	_ =	swait.ge [sflag:s19], $0x1000  }
0x79: {  	[sflag:s19] =	ssyncset.done $0x0  }
0x7a: {  	[sflag:s19] =	ssyncadd.s32 $0xFFFFF000  }
0x7b: {  	[spmem:s31] =	stream.linear.scatter [tilespmem:s18], [sflag:$0x3], $0x1000, $0x38;
	[tilespmem:$0x1F000] =	vst v63  }
0x7c: {  	_ =	swait.ge [sflag:s19], $0x1000  }
0x7d: {  	[sflag:s19] =	ssyncset.done $0x0  }
0x7e: {  	[sflag:s19] =	ssyncadd.s32 $0xFFFFF000  }
0x7f: {  	[spmem:s0] =	stream.linear.scatter [tilespmem:s18], [sflag:$0x3], $0x1000, $0x38;
	[tilespmem:$0x1F000] =	vst v63  }
0x80: {  	_ =	swait.ge [sflag:s19], $0x1000  }
0x81: {  	[sflag:s19] =	ssyncset.done $0x0  }
0x82: {  	[sflag:s19] =	ssyncadd.s32 $0xFFFFF000  }
0x83: {  	[spmem:s13] =	stream.linear.scatter [tilespmem:s18], [sflag:$0x3], $0x1000, $0x38;
	[tilespmem:$0x1F000] =	vst v63  }
0x84: {  	_ =	swait.ge [sflag:s19], $0x1000  }
0x85: {  	[sflag:s19] =	ssyncset.done $0x0  }
0x86: {  	[sflag:s19] =	ssyncadd.s32 $0xFFFFF000  }
0x87: {  	[spmem:s14] =	stream.linear.scatter [tilespmem:s18], [sflag:$0x3], $0x1000, $0x38;
	[tilespmem:$0x1F000] =	vst v63  }
0x88: {  	_ =	swait.ge [sflag:s19], $0x1000  }
0x89: {  	[sflag:s19] =	ssyncset.done $0x0  }
0x8a: {  	[sflag:s19] =	ssyncadd.s32 $0xFFFFF000  }
0x8b: {  	[spmem:s15] =	stream.linear.scatter [tilespmem:s18], [sflag:$0x3], $0x1000, $0x38;
	[tilespmem:$0x1F000] =	vst v63  }
0x8c: {  	_ =	swait.ge [sflag:s19], $0x1000  }
0x8d: {  	[sflag:s19] =	ssyncset.done $0x0  }
0x8e: {  	[sflag:s19] =	ssyncadd.s32 $0xFFFFF000  }
0x8f: {  	[spmem:s16] =	stream.linear.scatter [tilespmem:s18], [sflag:$0x3], $0x1000, $0x38;
	[tilespmem:$0x1F000] =	vst v63  }
0x90: {  	_ =	swait.ge [sflag:s19], $0x1000  }
0x91: {  	[sflag:s19] =	ssyncset.done $0x0  }
0x92: {  	[sflag:s19] =	ssyncadd.s32 $0xFFFFF000  }
0x93: {  	[spmem:s17] =	stream.linear.scatter [tilespmem:s18], [sflag:$0x3], $0x1000, $0x38;
	[tilespmem:$0x1F000] =	vst v63  }
.Ltmp3:
0x94: {  	_ =	swait.ge [sflag:s19], $0x1000;
	(pc) =	sbr.rel @!p0 .LBB2_4-.Ltmp3, $4  }
0x95: {  	[sflag:s19] =	ssyncset.done $0x0  }
0x96: {  	[sflag:s19] =	ssyncadd.s32 $0xFFFFF000  }
0x97: {  	[bflag:$0x0] =	sbarrier.arrive $0xFFFF  }
0x98: {  	s12 =	simm.s32 $0x0  }
0x99: {  	s23 =	rddreg [dreg:$0xf]  }
0x9a: {  	[tilespmem:s20], [sflag:$0x3] =	stream.linear.gather [hbm4b:s23+s12], $0x1000, $0x38;
	[tilespmem:$0x1F000] =	vst v63  }
0x9b: {  	_ =	swait.ge [sflag:s19], $0x1000  }
0x9c: {  	[sflag:s19] =	ssyncset.done $0x0  }
0x9d: {  	s24 =	rddreg [dreg:$0x10];
	[sflag:s19] =	ssyncadd.s32 $0xFFFFF000  }
0x9e: {  	[tilespmem:s21], [sflag:$0x3] =	stream.linear.gather [hbm4b:s24+s12], $0x1000, $0x38;
	[tilespmem:$0x1F000] =	vst v63  }
0x9f: {  	_ =	swait.ge [sflag:s19], $0x1000  }
0xa0: {  	[sflag:s19] =	ssyncset.done $0x0  }
0xa1: {  	[sflag:s19] =	ssyncadd.s32 $0xFFFFF000  }
0xa2: {  	[tilespmem:s3], [sflag:$0x1] =	stream.indirect.gather [hbm4b:s1+s22], $0x80, s20, s22, $0xb8;
	[tilespmem:$0x1F000] =	vst v63  }
0xa3: {  	_ = 	snop  }
0xa4: {  	[tilespmem:s7], [sflag:$0x2] =	stream.indirect.gather [hbm4b:s1+s22], $0x80, s6, s22, $0xb8;
	[tilespmem:$0x1F000] =	vst v63  }
0xa5: {  	_ =	swait.ge [sflag:s8], $0x4000  }
0xa6: {  	[sflag:s8] =	ssyncset.done $0x0  }
0xa7: {  	s24 =	simm.s32 $0x1D000;
	[sflag:s8] =	ssyncadd.s32 $0xFFFFC000  }
0xa8: {  	[spmem:s2] =	stream.indirect.scatter.add.f32 [tilespmem:s3], [sflag:$0x3], $0x80, s24, s22, $0xb8;
	[tilespmem:$0x1F000] =	vst v63  }
0xa9: {  	_ =	swait.ge [sflag:s19], $0x4000  }
0xaa: {  	[sflag:s19] =	ssyncset.done $0x0  }
0xab: {  	s23 =	simm.s32 $0x1C100;
	[sflag:s19] =	ssyncadd.s32 $0xFFFFC000  }
0xac: {  	[tilespmem:s3], [sflag:$0x1] =	stream.indirect.gather [hbm4b:s1+s22], $0x80, s23, s22, $0xb8;
	[tilespmem:$0x1F000] =	vst v63  }
0xad: {  	_ =	swait.ge [sflag:s9], $0x4000  }
0xae: {  	[sflag:s9] =	ssyncset.done $0x0  }
0xaf: {  	s24 =	simm.s32 $0x1D080;
	[sflag:s9] =	ssyncadd.s32 $0xFFFFC000  }
0xb0: {  	[spmem:s2] =	stream.indirect.scatter.add.f32 [tilespmem:s7], [sflag:$0x3], $0x80, s24, s22, $0xb8;
	[tilespmem:$0x1F000] =	vst v63  }
0xb1: {  	_ =	swait.ge [sflag:s19], $0x4000  }
0xb2: {  	[sflag:s19] =	ssyncset.done $0x0  }
0xb3: {  	s12 =	simm.s32 $0x400;
	s23 =	simm.s32 $0x1C180;
	[sflag:s19] =	ssyncadd.s32 $0xFFFFC000  }
.LBB2_10:
0xb4: {  	[tilespmem:s7], [sflag:$0x2] =	stream.indirect.gather [hbm4b:s1+s22], $0x80, s23, s22, $0xb8;
	[tilespmem:$0x1F000] =	vst v63  }
0xb5: {  	s23 =	smov.u32 s12  }
0xb6: {  	p1 =	sne.s32 s12, $0x3800;
	s12 =	sadd.s32 $0x400, s12;
	_ =	swait.ge [sflag:s8], $0x4000  }
0xb7: {  	s23 =	sshra.s32 s23, $0x2;
	[sflag:s8] =	ssyncset.done $0x0  }
0xb8: {  	s24 =	sadd.s32 $0x1D000, s23;
	[sflag:s8] =	ssyncadd.s32 $0xFFFFC000  }
0xb9: {  	[spmem:s2] =	stream.indirect.scatter.add.f32 [tilespmem:s3], [sflag:$0x3], $0x80, s24, s22, $0xb8;
	[tilespmem:$0x1F000] =	vst v63  }
0xba: {  	_ =	swait.ge [sflag:s19], $0x4000  }
0xbb: {  	[sflag:s19] =	ssyncset.done $0x0  }
0xbc: {  	s24 =	sadd.s32 $0x1C100, s23;
	[sflag:s19] =	ssyncadd.s32 $0xFFFFC000  }
0xbd: {  	[tilespmem:s3], [sflag:$0x1] =	stream.indirect.gather [hbm4b:s1+s22], $0x80, s24, s22, $0xb8;
	[tilespmem:$0x1F000] =	vst v63  }
0xbe: {  	_ =	swait.ge [sflag:s9], $0x4000  }
0xbf: {  	[sflag:s9] =	ssyncset.done $0x0  }
.Ltmp4:
0xc0: {  	s24 =	sadd.s32 $0x1D080, s23;
	[sflag:s9] =	ssyncadd.s32 $0xFFFFC000;
	(pc) =	sbr.rel @p1 .LBB2_10-.Ltmp4, $4  }
0xc1: {  	[spmem:s2] =	stream.indirect.scatter.add.f32 [tilespmem:s7], [sflag:$0x3], $0x80, s24, s22, $0xb8;
	[tilespmem:$0x1F000] =	vst v63  }
0xc2: {  	_ =	swait.ge [sflag:s19], $0x4000  }
0xc3: {  	[sflag:s19] =	ssyncset.done $0x0  }
0xc4: {  	s23 =	sadd.s32 $0x1C180, s23;
	[sflag:s19] =	ssyncadd.s32 $0xFFFFC000  }
0xc5: {  	[tilespmem:s7], [sflag:$0x2] =	stream.indirect.gather [hbm4b:s1+s22], $0x80, s23, s22, $0xb8;
	[tilespmem:$0x1F000] =	vst v63  }
0xc6: {  	_ =	swait.ge [sflag:s8], $0x4000  }
0xc7: {  	[sflag:s8] =	ssyncset.done $0x0  }
0xc8: {  	[sflag:s8] =	ssyncadd.s32 $0xFFFFC000  }
0xc9: {  	[spmem:s2] =	stream.indirect.scatter.add.f32 [tilespmem:s3], [sflag:$0x3], $0x80, s10, s22, $0xb8;
	[tilespmem:$0x1F000] =	vst v63  }
0xca: {  	_ =	swait.ge [sflag:s19], $0x4000  }
0xcb: {  	[sflag:s19] =	ssyncset.done $0x0  }
0xcc: {  	[sflag:s19] =	ssyncadd.s32 $0xFFFFC000  }
0xcd: {  	_ =	swait.ge [sflag:s9], $0x4000  }
0xce: {  	[sflag:s9] =	ssyncset.done $0x0  }
0xcf: {  	[sflag:s9] =	ssyncadd.s32 $0xFFFFC000  }
0xd0: {  	[spmem:s2] =	stream.indirect.scatter.add.f32 [tilespmem:s7], [sflag:$0x3], $0x80, s11, s22, $0xb8;
	[tilespmem:$0x1F000] =	vst v63  }
0xd1: {  	_ =	swait.ge [sflag:s19], $0x4000  }
0xd2: {  	[sflag:s19] =	ssyncset.done $0x0  }
0xd3: {  	s12 =	simm.s32 $0x0;
	s24 =	rddreg [dreg:$0x11];
	[sflag:s19] =	ssyncadd.s32 $0xFFFFC000  }
0xd4: {  	[tilespmem:s20], [sflag:$0x3] =	stream.linear.gather [hbm4b:s24+s12], $0x1000, $0x38;
	[tilespmem:$0x1F000] =	vst v63  }
0xd5: {  	_ =	swait.ge [sflag:s19], $0x1000  }
0xd6: {  	[sflag:s19] =	ssyncset.done $0x0  }
0xd7: {  	s24 =	rddreg [dreg:$0x12];
	[sflag:s19] =	ssyncadd.s32 $0xFFFFF000  }
0xd8: {  	[tilespmem:s21], [sflag:$0x3] =	stream.linear.gather [hbm4b:s24+s12], $0x1000, $0x38;
	[tilespmem:$0x1F000] =	vst v63  }
0xd9: {  	_ =	swait.ge [sflag:s19], $0x1000  }
0xda: {  	[sflag:s19] =	ssyncset.done $0x0  }
0xdb: {  	[sflag:s19] =	ssyncadd.s32 $0xFFFFF000  }
0xdc: {  	[tilespmem:s3], [sflag:$0x1] =	stream.indirect.gather [hbm4b:s1+s22], $0x80, s20, s22, $0xb8;
	[tilespmem:$0x1F000] =	vst v63  }
0xdd: {  	_ = 	snop  }
0xde: {  	[tilespmem:s7], [sflag:$0x2] =	stream.indirect.gather [hbm4b:s1+s22], $0x80, s6, s22, $0xb8;
	[tilespmem:$0x1F000] =	vst v63  }
0xdf: {  	_ =	swait.ge [sflag:s8], $0x4000  }
0xe0: {  	[sflag:s8] =	ssyncset.done $0x0  }
0xe1: {  	s24 =	simm.s32 $0x1D000;
	[sflag:s8] =	ssyncadd.s32 $0xFFFFC000  }
0xe2: {  	[spmem:s2] =	stream.indirect.scatter.add.f32 [tilespmem:s3], [sflag:$0x3], $0x80, s24, s22, $0xb8;
	[tilespmem:$0x1F000] =	vst v63  }
0xe3: {  	_ =	swait.ge [sflag:s19], $0x4000  }
0xe4: {  	[sflag:s19] =	ssyncset.done $0x0  }
0xe5: {  	s23 =	simm.s32 $0x1C100;
	[sflag:s19] =	ssyncadd.s32 $0xFFFFC000  }
0xe6: {  	[tilespmem:s3], [sflag:$0x1] =	stream.indirect.gather [hbm4b:s1+s22], $0x80, s23, s22, $0xb8;
	[tilespmem:$0x1F000] =	vst v63  }
0xe7: {  	_ =	swait.ge [sflag:s9], $0x4000  }
0xe8: {  	[sflag:s9] =	ssyncset.done $0x0  }
0xe9: {  	s24 =	simm.s32 $0x1D080;
	[sflag:s9] =	ssyncadd.s32 $0xFFFFC000  }
0xea: {  	[spmem:s2] =	stream.indirect.scatter.add.f32 [tilespmem:s7], [sflag:$0x3], $0x80, s24, s22, $0xb8;
	[tilespmem:$0x1F000] =	vst v63  }
0xeb: {  	_ =	swait.ge [sflag:s19], $0x4000  }
0xec: {  	[sflag:s19] =	ssyncset.done $0x0  }
0xed: {  	s12 =	simm.s32 $0x400;
	s23 =	simm.s32 $0x1C180;
	[sflag:s19] =	ssyncadd.s32 $0xFFFFC000  }
.LBB2_12:
0xee: {  	[tilespmem:s7], [sflag:$0x2] =	stream.indirect.gather [hbm4b:s1+s22], $0x80, s23, s22, $0xb8;
	[tilespmem:$0x1F000] =	vst v63  }
0xef: {  	s23 =	smov.u32 s12  }
0xf0: {  	p1 =	sne.s32 s12, $0x3800;
	s12 =	sadd.s32 $0x400, s12;
	_ =	swait.ge [sflag:s8], $0x4000  }
0xf1: {  	s23 =	sshra.s32 s23, $0x2;
	[sflag:s8] =	ssyncset.done $0x0  }
0xf2: {  	s24 =	sadd.s32 $0x1D000, s23;
	[sflag:s8] =	ssyncadd.s32 $0xFFFFC000  }
0xf3: {  	[spmem:s2] =	stream.indirect.scatter.add.f32 [tilespmem:s3], [sflag:$0x3], $0x80, s24, s22, $0xb8;
	[tilespmem:$0x1F000] =	vst v63  }
0xf4: {  	_ =	swait.ge [sflag:s19], $0x4000  }
0xf5: {  	[sflag:s19] =	ssyncset.done $0x0  }
0xf6: {  	s24 =	sadd.s32 $0x1C100, s23;
	[sflag:s19] =	ssyncadd.s32 $0xFFFFC000  }
0xf7: {  	[tilespmem:s3], [sflag:$0x1] =	stream.indirect.gather [hbm4b:s1+s22], $0x80, s24, s22, $0xb8;
	[tilespmem:$0x1F000] =	vst v63  }
0xf8: {  	_ =	swait.ge [sflag:s9], $0x4000  }
0xf9: {  	[sflag:s9] =	ssyncset.done $0x0  }
.Ltmp5:
0xfa: {  	s24 =	sadd.s32 $0x1D080, s23;
	[sflag:s9] =	ssyncadd.s32 $0xFFFFC000;
	(pc) =	sbr.rel @p1 .LBB2_12-.Ltmp5, $4  }
0xfb: {  	[spmem:s2] =	stream.indirect.scatter.add.f32 [tilespmem:s7], [sflag:$0x3], $0x80, s24, s22, $0xb8;
	[tilespmem:$0x1F000] =	vst v63  }
0xfc: {  	_ =	swait.ge [sflag:s19], $0x4000  }
0xfd: {  	[sflag:s19] =	ssyncset.done $0x0  }
0xfe: {  	s23 =	sadd.s32 $0x1C180, s23;
	[sflag:s19] =	ssyncadd.s32 $0xFFFFC000  }
0xff: {  	[tilespmem:s7], [sflag:$0x2] =	stream.indirect.gather [hbm4b:s1+s22], $0x80, s23, s22, $0xb8;
	[tilespmem:$0x1F000] =	vst v63  }
0x100: {  	_ =	swait.ge [sflag:s8], $0x4000  }
0x101: {  	[sflag:s8] =	ssyncset.done $0x0  }
0x102: {  	[sflag:s8] =	ssyncadd.s32 $0xFFFFC000  }
0x103: {  	[spmem:s2] =	stream.indirect.scatter.add.f32 [tilespmem:s3], [sflag:$0x3], $0x80, s10, s22, $0xb8;
	[tilespmem:$0x1F000] =	vst v63  }
0x104: {  	_ =	swait.ge [sflag:s19], $0x4000  }
0x105: {  	[sflag:s19] =	ssyncset.done $0x0  }
0x106: {  	[sflag:s19] =	ssyncadd.s32 $0xFFFFC000  }
0x107: {  	_ =	swait.ge [sflag:s9], $0x4000  }
0x108: {  	[sflag:s9] =	ssyncset.done $0x0  }
0x109: {  	[sflag:s9] =	ssyncadd.s32 $0xFFFFC000  }
0x10a: {  	[spmem:s2] =	stream.indirect.scatter.add.f32 [tilespmem:s7], [sflag:$0x3], $0x80, s11, s22, $0xb8;
	[tilespmem:$0x1F000] =	vst v63  }
0x10b: {  	_ =	swait.ge [sflag:s19], $0x4000  }
0x10c: {  	[sflag:s19] =	ssyncset.done $0x0  }
0x10d: {  	s12 =	simm.s32 $0x0;
	s24 =	rddreg [dreg:$0x13];
	[sflag:s19] =	ssyncadd.s32 $0xFFFFC000  }
0x10e: {  	[tilespmem:s20], [sflag:$0x3] =	stream.linear.gather [hbm4b:s24+s12], $0x1000, $0x38;
	[tilespmem:$0x1F000] =	vst v63  }
0x10f: {  	_ =	swait.ge [sflag:s19], $0x1000  }
0x110: {  	[sflag:s19] =	ssyncset.done $0x0  }
0x111: {  	s24 =	rddreg [dreg:$0x14];
	[sflag:s19] =	ssyncadd.s32 $0xFFFFF000  }
0x112: {  	[tilespmem:s21], [sflag:$0x3] =	stream.linear.gather [hbm4b:s24+s12], $0x1000, $0x38;
	[tilespmem:$0x1F000] =	vst v63  }
0x113: {  	_ =	swait.ge [sflag:s19], $0x1000  }
0x114: {  	[sflag:s19] =	ssyncset.done $0x0  }
0x115: {  	[sflag:s19] =	ssyncadd.s32 $0xFFFFF000  }
0x116: {  	[tilespmem:s3], [sflag:$0x1] =	stream.indirect.gather [hbm4b:s1+s22], $0x80, s20, s22, $0xb8;
	[tilespmem:$0x1F000] =	vst v63  }
0x117: {  	_ = 	snop  }
0x118: {  	[tilespmem:s7], [sflag:$0x2] =	stream.indirect.gather [hbm4b:s1+s22], $0x80, s6, s22, $0xb8;
	[tilespmem:$0x1F000] =	vst v63  }
0x119: {  	_ =	swait.ge [sflag:s8], $0x4000  }
0x11a: {  	[sflag:s8] =	ssyncset.done $0x0  }
0x11b: {  	s24 =	simm.s32 $0x1D000;
	[sflag:s8] =	ssyncadd.s32 $0xFFFFC000  }
0x11c: {  	[spmem:s2] =	stream.indirect.scatter.add.f32 [tilespmem:s3], [sflag:$0x3], $0x80, s24, s22, $0xb8;
	[tilespmem:$0x1F000] =	vst v63  }
0x11d: {  	_ =	swait.ge [sflag:s19], $0x4000  }
0x11e: {  	[sflag:s19] =	ssyncset.done $0x0  }
0x11f: {  	s23 =	simm.s32 $0x1C100;
	[sflag:s19] =	ssyncadd.s32 $0xFFFFC000  }
0x120: {  	[tilespmem:s3], [sflag:$0x1] =	stream.indirect.gather [hbm4b:s1+s22], $0x80, s23, s22, $0xb8;
	[tilespmem:$0x1F000] =	vst v63  }
0x121: {  	_ =	swait.ge [sflag:s9], $0x4000  }
0x122: {  	[sflag:s9] =	ssyncset.done $0x0  }
0x123: {  	s24 =	simm.s32 $0x1D080;
	[sflag:s9] =	ssyncadd.s32 $0xFFFFC000  }
0x124: {  	[spmem:s2] =	stream.indirect.scatter.add.f32 [tilespmem:s7], [sflag:$0x3], $0x80, s24, s22, $0xb8;
	[tilespmem:$0x1F000] =	vst v63  }
0x125: {  	_ =	swait.ge [sflag:s19], $0x4000  }
0x126: {  	[sflag:s19] =	ssyncset.done $0x0  }
0x127: {  	s12 =	simm.s32 $0x400;
	s23 =	simm.s32 $0x1C180;
	[sflag:s19] =	ssyncadd.s32 $0xFFFFC000  }
.LBB2_14:
0x128: {  	[tilespmem:s7], [sflag:$0x2] =	stream.indirect.gather [hbm4b:s1+s22], $0x80, s23, s22, $0xb8;
	[tilespmem:$0x1F000] =	vst v63  }
0x129: {  	s23 =	smov.u32 s12  }
0x12a: {  	p1 =	sne.s32 s12, $0x3800;
	s12 =	sadd.s32 $0x400, s12;
	_ =	swait.ge [sflag:s8], $0x4000  }
0x12b: {  	s23 =	sshra.s32 s23, $0x2;
	[sflag:s8] =	ssyncset.done $0x0  }
0x12c: {  	s24 =	sadd.s32 $0x1D000, s23;
	[sflag:s8] =	ssyncadd.s32 $0xFFFFC000  }
0x12d: {  	[spmem:s2] =	stream.indirect.scatter.add.f32 [tilespmem:s3], [sflag:$0x3], $0x80, s24, s22, $0xb8;
	[tilespmem:$0x1F000] =	vst v63  }
0x12e: {  	_ =	swait.ge [sflag:s19], $0x4000  }
0x12f: {  	[sflag:s19] =	ssyncset.done $0x0  }
0x130: {  	s24 =	sadd.s32 $0x1C100, s23;
	[sflag:s19] =	ssyncadd.s32 $0xFFFFC000  }
0x131: {  	[tilespmem:s3], [sflag:$0x1] =	stream.indirect.gather [hbm4b:s1+s22], $0x80, s24, s22, $0xb8;
	[tilespmem:$0x1F000] =	vst v63  }
0x132: {  	_ =	swait.ge [sflag:s9], $0x4000  }
0x133: {  	[sflag:s9] =	ssyncset.done $0x0  }
.Ltmp6:
0x134: {  	s24 =	sadd.s32 $0x1D080, s23;
	[sflag:s9] =	ssyncadd.s32 $0xFFFFC000;
	(pc) =	sbr.rel @p1 .LBB2_14-.Ltmp6, $4  }
0x135: {  	[spmem:s2] =	stream.indirect.scatter.add.f32 [tilespmem:s7], [sflag:$0x3], $0x80, s24, s22, $0xb8;
	[tilespmem:$0x1F000] =	vst v63  }
0x136: {  	_ =	swait.ge [sflag:s19], $0x4000  }
0x137: {  	[sflag:s19] =	ssyncset.done $0x0  }
0x138: {  	s23 =	sadd.s32 $0x1C180, s23;
	[sflag:s19] =	ssyncadd.s32 $0xFFFFC000  }
.Ltmp7:
0x139: {  	(pc) =	sbr.rel .LBB2_16-.Ltmp7, $2  }
0x13a: {  	_ =	sdelay $0x2  }
0x13b: {  	[tilespmem:s7], [sflag:$0x2] =	stream.indirect.gather [hbm4b:s1+s22], $0x80, s23, s22, $0xb8;
	[tilespmem:$0x1F000] =	vst v63  }
.LBB2_4:
0x13c: {  	s23 =	rddreg [dreg:$0xb]  }
0x13d: {  	[tilespmem:s20], [sflag:$0x3] =	stream.linear.gather [hbm4b:s23+s12], $0x1000, $0x38;
	[tilespmem:$0x1F000] =	vst v63  }
0x13e: {  	_ =	swait.ge [sflag:s19], $0x1000  }
0x13f: {  	[sflag:s19] =	ssyncset.done $0x0  }
0x140: {  	s24 =	rddreg [dreg:$0xc];
	[sflag:s19] =	ssyncadd.s32 $0xFFFFF000  }
0x141: {  	[tilespmem:s21], [sflag:$0x3] =	stream.linear.gather [hbm4b:s24+s12], $0x1000, $0x38;
	[tilespmem:$0x1F000] =	vst v63  }
0x142: {  	_ =	swait.ge [sflag:s19], $0x1000  }
0x143: {  	[sflag:s19] =	ssyncset.done $0x0  }
0x144: {  	[sflag:s19] =	ssyncadd.s32 $0xFFFFF000  }
0x145: {  	[tilespmem:s3], [sflag:$0x1] =	stream.indirect.gather [hbm4b:s1+s22], $0x80, s20, s22, $0xb8;
	[tilespmem:$0x1F000] =	vst v63  }
0x146: {  	_ = 	snop  }
0x147: {  	[tilespmem:s7], [sflag:$0x2] =	stream.indirect.gather [hbm4b:s1+s22], $0x80, s6, s22, $0xb8;
	[tilespmem:$0x1F000] =	vst v63  }
0x148: {  	_ =	swait.ge [sflag:s8], $0x4000  }
0x149: {  	[sflag:s8] =	ssyncset.done $0x0  }
0x14a: {  	s24 =	simm.s32 $0x1D000;
	[sflag:s8] =	ssyncadd.s32 $0xFFFFC000  }
0x14b: {  	[spmem:s2] =	stream.indirect.scatter.add.f32 [tilespmem:s3], [sflag:$0x3], $0x80, s24, s22, $0xb8;
	[tilespmem:$0x1F000] =	vst v63  }
0x14c: {  	_ =	swait.ge [sflag:s19], $0x4000  }
0x14d: {  	[sflag:s19] =	ssyncset.done $0x0  }
0x14e: {  	s23 =	simm.s32 $0x1C100;
	[sflag:s19] =	ssyncadd.s32 $0xFFFFC000  }
0x14f: {  	[tilespmem:s3], [sflag:$0x1] =	stream.indirect.gather [hbm4b:s1+s22], $0x80, s23, s22, $0xb8;
	[tilespmem:$0x1F000] =	vst v63  }
0x150: {  	_ =	swait.ge [sflag:s9], $0x4000  }
0x151: {  	[sflag:s9] =	ssyncset.done $0x0  }
0x152: {  	s24 =	simm.s32 $0x1D080;
	[sflag:s9] =	ssyncadd.s32 $0xFFFFC000  }
0x153: {  	[spmem:s2] =	stream.indirect.scatter.add.f32 [tilespmem:s7], [sflag:$0x3], $0x80, s24, s22, $0xb8;
	[tilespmem:$0x1F000] =	vst v63  }
0x154: {  	_ =	swait.ge [sflag:s19], $0x4000  }
0x155: {  	[sflag:s19] =	ssyncset.done $0x0  }
0x156: {  	s12 =	simm.s32 $0x400;
	s23 =	simm.s32 $0x1C180;
	[sflag:s19] =	ssyncadd.s32 $0xFFFFC000  }
.LBB2_5:
0x157: {  	[tilespmem:s7], [sflag:$0x2] =	stream.indirect.gather [hbm4b:s1+s22], $0x80, s23, s22, $0xb8;
	[tilespmem:$0x1F000] =	vst v63  }
0x158: {  	s23 =	smov.u32 s12  }
0x159: {  	p1 =	sne.s32 s12, $0x3800;
	s12 =	sadd.s32 $0x400, s12;
	_ =	swait.ge [sflag:s8], $0x4000  }
0x15a: {  	s23 =	sshra.s32 s23, $0x2;
	[sflag:s8] =	ssyncset.done $0x0  }
0x15b: {  	s24 =	sadd.s32 $0x1D000, s23;
	[sflag:s8] =	ssyncadd.s32 $0xFFFFC000  }
0x15c: {  	[spmem:s2] =	stream.indirect.scatter.add.f32 [tilespmem:s3], [sflag:$0x3], $0x80, s24, s22, $0xb8;
	[tilespmem:$0x1F000] =	vst v63  }
0x15d: {  	_ =	swait.ge [sflag:s19], $0x4000  }
0x15e: {  	[sflag:s19] =	ssyncset.done $0x0  }
0x15f: {  	s24 =	sadd.s32 $0x1C100, s23;
	[sflag:s19] =	ssyncadd.s32 $0xFFFFC000  }
0x160: {  	[tilespmem:s3], [sflag:$0x1] =	stream.indirect.gather [hbm4b:s1+s22], $0x80, s24, s22, $0xb8;
	[tilespmem:$0x1F000] =	vst v63  }
0x161: {  	_ =	swait.ge [sflag:s9], $0x4000  }
0x162: {  	[sflag:s9] =	ssyncset.done $0x0  }
.Ltmp8:
0x163: {  	s24 =	sadd.s32 $0x1D080, s23;
	[sflag:s9] =	ssyncadd.s32 $0xFFFFC000;
	(pc) =	sbr.rel @p1 .LBB2_5-.Ltmp8, $4  }
0x164: {  	[spmem:s2] =	stream.indirect.scatter.add.f32 [tilespmem:s7], [sflag:$0x3], $0x80, s24, s22, $0xb8;
	[tilespmem:$0x1F000] =	vst v63  }
0x165: {  	_ =	swait.ge [sflag:s19], $0x4000  }
0x166: {  	[sflag:s19] =	ssyncset.done $0x0  }
0x167: {  	s23 =	sadd.s32 $0x1C180, s23;
	[sflag:s19] =	ssyncadd.s32 $0xFFFFC000  }
0x168: {  	[tilespmem:s7], [sflag:$0x2] =	stream.indirect.gather [hbm4b:s1+s22], $0x80, s23, s22, $0xb8;
	[tilespmem:$0x1F000] =	vst v63  }
0x169: {  	_ =	swait.ge [sflag:s8], $0x4000  }
0x16a: {  	[sflag:s8] =	ssyncset.done $0x0  }
0x16b: {  	[sflag:s8] =	ssyncadd.s32 $0xFFFFC000  }
0x16c: {  	[spmem:s2] =	stream.indirect.scatter.add.f32 [tilespmem:s3], [sflag:$0x3], $0x80, s10, s22, $0xb8;
	[tilespmem:$0x1F000] =	vst v63  }
0x16d: {  	_ =	swait.ge [sflag:s19], $0x4000  }
0x16e: {  	[sflag:s19] =	ssyncset.done $0x0  }
0x16f: {  	[sflag:s19] =	ssyncadd.s32 $0xFFFFC000  }
0x170: {  	_ =	swait.ge [sflag:s9], $0x4000  }
0x171: {  	[sflag:s9] =	ssyncset.done $0x0  }
0x172: {  	[sflag:s9] =	ssyncadd.s32 $0xFFFFC000  }
0x173: {  	[spmem:s2] =	stream.indirect.scatter.add.f32 [tilespmem:s7], [sflag:$0x3], $0x80, s11, s22, $0xb8;
	[tilespmem:$0x1F000] =	vst v63  }
0x174: {  	_ =	swait.ge [sflag:s19], $0x4000  }
0x175: {  	[sflag:s19] =	ssyncset.done $0x0  }
0x176: {  	s12 =	simm.s32 $0x0;
	s24 =	rddreg [dreg:$0xd];
	[sflag:s19] =	ssyncadd.s32 $0xFFFFC000  }
0x177: {  	[tilespmem:s20], [sflag:$0x3] =	stream.linear.gather [hbm4b:s24+s12], $0x1000, $0x38;
	[tilespmem:$0x1F000] =	vst v63  }
0x178: {  	_ =	swait.ge [sflag:s19], $0x1000  }
0x179: {  	[sflag:s19] =	ssyncset.done $0x0  }
0x17a: {  	s24 =	rddreg [dreg:$0xe];
	[sflag:s19] =	ssyncadd.s32 $0xFFFFF000  }
0x17b: {  	[tilespmem:s21], [sflag:$0x3] =	stream.linear.gather [hbm4b:s24+s12], $0x1000, $0x38;
	[tilespmem:$0x1F000] =	vst v63  }
0x17c: {  	_ =	swait.ge [sflag:s19], $0x1000  }
0x17d: {  	[sflag:s19] =	ssyncset.done $0x0  }
0x17e: {  	[sflag:s19] =	ssyncadd.s32 $0xFFFFF000  }
0x17f: {  	[tilespmem:s3], [sflag:$0x1] =	stream.indirect.gather [hbm4b:s1+s22], $0x80, s20, s22, $0xb8;
	[tilespmem:$0x1F000] =	vst v63  }
0x180: {  	_ = 	snop  }
0x181: {  	[tilespmem:s7], [sflag:$0x2] =	stream.indirect.gather [hbm4b:s1+s22], $0x80, s6, s22, $0xb8;
	[tilespmem:$0x1F000] =	vst v63  }
0x182: {  	_ =	swait.ge [sflag:s8], $0x4000  }
0x183: {  	[sflag:s8] =	ssyncset.done $0x0  }
0x184: {  	s24 =	simm.s32 $0x1D000;
	[sflag:s8] =	ssyncadd.s32 $0xFFFFC000  }
0x185: {  	[spmem:s2] =	stream.indirect.scatter.add.f32 [tilespmem:s3], [sflag:$0x3], $0x80, s24, s22, $0xb8;
	[tilespmem:$0x1F000] =	vst v63  }
0x186: {  	_ =	swait.ge [sflag:s19], $0x4000  }
0x187: {  	[sflag:s19] =	ssyncset.done $0x0  }
0x188: {  	s23 =	simm.s32 $0x1C100;
	[sflag:s19] =	ssyncadd.s32 $0xFFFFC000  }
0x189: {  	[tilespmem:s3], [sflag:$0x1] =	stream.indirect.gather [hbm4b:s1+s22], $0x80, s23, s22, $0xb8;
	[tilespmem:$0x1F000] =	vst v63  }
0x18a: {  	_ =	swait.ge [sflag:s9], $0x4000  }
0x18b: {  	[sflag:s9] =	ssyncset.done $0x0  }
0x18c: {  	s24 =	simm.s32 $0x1D080;
	[sflag:s9] =	ssyncadd.s32 $0xFFFFC000  }
0x18d: {  	[spmem:s2] =	stream.indirect.scatter.add.f32 [tilespmem:s7], [sflag:$0x3], $0x80, s24, s22, $0xb8;
	[tilespmem:$0x1F000] =	vst v63  }
0x18e: {  	_ =	swait.ge [sflag:s19], $0x4000  }
0x18f: {  	[sflag:s19] =	ssyncset.done $0x0  }
0x190: {  	s12 =	simm.s32 $0x400;
	s23 =	simm.s32 $0x1C180;
	[sflag:s19] =	ssyncadd.s32 $0xFFFFC000  }
.LBB2_7:
0x191: {  	[tilespmem:s7], [sflag:$0x2] =	stream.indirect.gather [hbm4b:s1+s22], $0x80, s23, s22, $0xb8;
	[tilespmem:$0x1F000] =	vst v63  }
0x192: {  	s23 =	smov.u32 s12  }
0x193: {  	p1 =	seq.s32 s12, $0x3800;
	s12 =	sadd.s32 $0x400, s12;
	_ =	swait.ge [sflag:s8], $0x4000  }
0x194: {  	s23 =	sshra.s32 s23, $0x2;
	[sflag:s8] =	ssyncset.done $0x0  }
0x195: {  	s24 =	sadd.s32 $0x1D000, s23;
	[sflag:s8] =	ssyncadd.s32 $0xFFFFC000  }
0x196: {  	[spmem:s2] =	stream.indirect.scatter.add.f32 [tilespmem:s3], [sflag:$0x3], $0x80, s24, s22, $0xb8;
	[tilespmem:$0x1F000] =	vst v63  }
0x197: {  	_ =	swait.ge [sflag:s19], $0x4000  }
0x198: {  	[sflag:s19] =	ssyncset.done $0x0  }
0x199: {  	s24 =	sadd.s32 $0x1C100, s23;
	[sflag:s19] =	ssyncadd.s32 $0xFFFFC000  }
0x19a: {  	[tilespmem:s3], [sflag:$0x1] =	stream.indirect.gather [hbm4b:s1+s22], $0x80, s24, s22, $0xb8;
	[tilespmem:$0x1F000] =	vst v63  }
0x19b: {  	_ =	swait.ge [sflag:s9], $0x4000  }
0x19c: {  	[sflag:s9] =	ssyncset.done $0x0  }
.Ltmp9:
0x19d: {  	s24 =	sadd.s32 $0x1D080, s23;
	[sflag:s9] =	ssyncadd.s32 $0xFFFFC000;
	(pc) =	sbr.rel @!p1 .LBB2_7-.Ltmp9, $4  }
0x19e: {  	[spmem:s2] =	stream.indirect.scatter.add.f32 [tilespmem:s7], [sflag:$0x3], $0x80, s24, s22, $0xb8;
	[tilespmem:$0x1F000] =	vst v63  }
0x19f: {  	_ =	swait.ge [sflag:s19], $0x4000  }
0x1a0: {  	[sflag:s19] =	ssyncset.done $0x0  }
0x1a1: {  	s23 =	sadd.s32 $0x1C180, s23;
	[sflag:s19] =	ssyncadd.s32 $0xFFFFC000  }
.Ltmp10:
0x1a2: {  	_ = 	snop;
	(pc) =	sbr.rel .LBB2_8-.Ltmp10, $1  }
0x1a3: {  	_ =	sdelay $0x3  }
.LBB2_17:
0x1a4: {  	_ =	sfence.sel $0x180000  }
0x1a5: {  	[bflag:$0x0] =	sbarrier.arrive $0xFFFF  }
0x1a6: {  	_ =	strace $0x9000004A  }
0x1a7: {  	s0 =	stileid.u32;
	[bflag:$0x2] =	sbarrier.arrive $0xFFFF  }
0x1a8: {  	p0 =	sne.s32 s0, $0x0;
	s0 =	rddreg [dreg:$0x3]  }
0x1a9: {  	s0 =	sadd.s32 @!p0 $0x100000, s0  }
0x1aa: {  	[sflag:s0] =	ssyncadd.tile.s32 @!p0 $0x1;
	_ =	shalt  }
.Lfunc_end2:
_tile_overlayer_lowered:
.L_overlay_start_2:
0x1ab: {  	(tag) =	ssettag $0x2  }
0x1ac: {  	s0 =	rddreg [dreg:$0x0];
	s2 =	stileid.u32  }
0x1ad: {  	s1 =	rddreg [dreg:$0x1];
	p0 =	sne.s32 s2, $0x0  }
0x1ae: {  	s3 =	rddreg [dreg:$0x2];
	[bflag:$0x3] =	sbarrier.arrive $0xFFFF;
	s2 =	simm.s32 @!p0 $0x1C03  }
0x1af: {  	[timem:s3], [sflag:s2] =	dma.local @!p0 [hbm:s0], s1  }
0x1b0: {  	s0 =	simm.s32 @!p0 $0x3  }
0x1b1: {  	_ =	swait.ge @!p0 [sflag:s0], s1  }
0x1b2: {  	s1 =	ssub.s32 @!p0 $0x0, s1;
	[sflag:s0] =	ssyncset.done @!p0 $0x0  }
0x1b3: {  	[sflag:s0] =	ssyncadd.s32 @!p0 s1  }
0x1b4: {  	[bflag:$0x3] =	sbarrier.arrive $0xFFFF  }
0x1b5: {  	_ =	shalt  }

// kernel: kernel.14.cloned.1.call-start
scs
__scs_entry_jumppad:
0x0: {  	(pc) =	sbr.rel $0x88, $3  }
0x1: {  	(tag) =	ssettag $0x0;
	lr =	simm.s32 $0x1  }
0x2: {  	[smem:$0x3F9B] =	sst lr;
	_ =	strace $0xD0000000  }
0x3: {  	_ = 	snop  }
0x4: {  	_ = 	snop  }
0x5: {  	_ = 	snop  }
0x6: {  	_ = 	snop  }
0x7: {  	_ = 	snop  }
__scs_overlays_trampoline_lowered:
0x8: {  	[smem:$0x3FAA] =	sst s0  }
0x9: {  	[smem:$0x3FAB] =	sst s1  }
0xa: {  	[smem:$0x3FAC] =	sst s2  }
0xb: {  	[smem:$0x3FAD] =	sst s3  }
0xc: {  	[smem:$0x3FAE] =	sst s4  }
0xd: {  	[smem:$0x3FAF] =	sst s5  }
0xe: {  	[smem:$0x3FB0] =	sst s6  }
0xf: {  	[smem:$0x3FB1] =	sst s7  }
0x10: {  	[smem:$0x3FB2] =	sst s8  }
0x11: {  	[smem:$0x3FB3] =	sst s9;
	s0 =	simm.s32 @!p0 $0x0  }
0x12: {  	s1 =	sld [smem:$0x3F99];
	s0 =	simm.s32 @p0 $0x1  }
0x13: {  	[smem:$0x3FB4] =	sst s0;
	s0 =	simm.s32 @!p1 $0x0  }
0x14: {  	s2 =	sld [smem:$0x3F98];
	s0 =	simm.s32 @p1 $0x1  }
0x15: {  	[smem:$0x3FB5] =	sst s0;
	s0 =	simm.s32 @!p2 $0x0  }
0x16: {  	s3 =	sld [smem:$0x3FDB];
	s0 =	simm.s32 @p2 $0x1  }
0x17: {  	s4 =	simm.s32 $0x1BF5;
	[smem:$0x3FB7] =	sst s0  }
0x18: {  	s0 =	sld [smem:$0x3F9A];
	_ =	swait.ge [sflag:s4], $0x0  }
0x19: {  	s7 =	sld [smem:$0x3F9B]  }
0x1a: {  	s8 =	sadd.s32 $0xFFFFE003, lr  }
0x1b: {  	s9 =	sadd.s32 $0xFFFFFEF7, lr;
	s5 =	simm.s32 $0xFFFFFFFF;
	p2 =	slt.u32 s8, $0xFFFFF086  }
0x1c: {  	p1 =	slt.u32 s9, $0xF7A;
	s5 =	simm.s32 @!p2 $0x0  }
0x1d: {  	s5 =	simm.s32 @p1 $0x1;
	p0 =	seq.s32 s7, s2  }
0x1e: {  	s7 =	smul.u32 @!p0 $0xF7A, s2;
	p2 =	seq.s32 @!p0 s5, $0x0  }
0x1f: {  	s9 =	smul.u32 $0xF7A, s1;
	s8 =	simm.s32 @!p0 $0x1BF5;
	p2 =	por !p2, p0  }
0x20: {  	[sflag:s8] =	ssyncset.s32 @!p0 $0xFFFFF086;
	s6 =	sadd.s32 @!p0 s3, s7;
	s7 =	simm.s32 @!p0 $0x108  }
0x21: {  	s3 =	sadd.s32 s3, s9;
	s6 =	sadd.s32 @!p0 $0x88, s6;
	s7 =	simm.s32 @p2 $0x1082  }
0x22: {  	[simem:s7], [sflag:s8] =	dma.local @!p0 [hbm:s6], $0xF7A  }
0x23: {  	s9 =	sor.u32 $0xD0000000, s2;
	s6 =	simm.s32 $0x108;
	_ =	swait.ge @!p0 [sflag:s8], $0x0  }
0x24: {  	s3 =	sadd.s32 $0x88, s3;
	s6 =	simm.s32 @!p1 $0x1082;
	[sflag:s4] =	ssyncset.s32 $0xFFFFF086  }
0x25: {  	[simem:s6], [sflag:s4] =	dma.local [hbm:s3], $0xF7A  }
0x26: {  	[smem:$0x3F9B] =	sst s1;
	(tag) =	ssettag s2;
	_ =	strace s9  }
0x27: {  	s1 =	sld [smem:$0x3FAB]  }
0x28: {  	s2 =	sld [smem:$0x3FAC]  }
0x29: {  	s4 =	sld [smem:$0x3FAE]  }
0x2a: {  	p0 =	seq.s32 s5, $0x0;
	s5 =	sld [smem:$0x3FAF]  }
0x2b: {  	s6 =	sld [smem:$0x3FB0]  }
0x2c: {  	s7 =	sld [smem:$0x3FB1]  }
0x2d: {  	s3 =	simm.s32 $0x108;
	s8 =	sld [smem:$0x3FB2]  }
0x2e: {  	s3 =	simm.s32 @!p0 $0x1082;
	s9 =	sld [smem:$0x3FB3]  }
0x2f: {  	lr =	sadd.s32 s0, s3;
	s0 =	sld [smem:$0x3FAA]  }
0x30: {  	s3 =	sld [smem:$0x3FAD]  }
0x31: {  	[smem:$0x3FB6] =	sst s10  }
0x32: {  	s10 =	sld [smem:$0x3FB4];
	_ =	sdelay $0x3  }
0x33: {  	p0 =	seq.s32 s10, $0x1;
	s10 =	sld [smem:$0x3FB6];
	_ =	sdelay $0x3  }
0x34: {  	[smem:$0x3FB6] =	sst s10  }
0x35: {  	s10 =	sld [smem:$0x3FB5];
	_ =	sdelay $0x3  }
0x36: {  	p1 =	seq.s32 s10, $0x1;
	s10 =	sld [smem:$0x3FB6];
	_ =	sdelay $0x3  }
0x37: {  	[smem:$0x3FB6] =	sst s10  }
0x38: {  	s10 =	sld [smem:$0x3FB7]  }
0x39: {  	_ = 	snop;
	(pc) =	sbr.ind lr, $3  }
0x3a: {  	_ = 	snop  }
0x3b: {  	_ = 	snop  }
0x3c: {  	p2 =	seq.s32 s10, $0x1;
	s10 =	sld [smem:$0x3FB6]  }
0x3d: {  	_ =	shalt  }
0x3e: {  	_ =	shalt  }
0x3f: {  	_ =	shalt  }
0x40: {  	_ =	shalt  }
0x41: {  	_ =	shalt  }
0x42: {  	_ =	shalt  }
0x43: {  	_ =	shalt  }
0x44: {  	_ =	shalt  }
0x45: {  	_ =	shalt  }
0x46: {  	_ =	shalt  }
0x47: {  	_ =	shalt  }
0x48: {  	_ =	shalt  }
0x49: {  	_ =	shalt  }
0x4a: {  	_ =	shalt  }
0x4b: {  	_ =	shalt  }
0x4c: {  	_ =	shalt  }
0x4d: {  	_ =	shalt  }
0x4e: {  	_ =	shalt  }
0x4f: {  	_ =	shalt  }
0x50: {  	_ =	shalt  }
0x51: {  	_ =	shalt  }
0x52: {  	_ =	shalt  }
0x53: {  	_ =	shalt  }
0x54: {  	_ =	shalt  }
0x55: {  	_ =	shalt  }
0x56: {  	_ =	shalt  }
0x57: {  	_ =	shalt  }
0x58: {  	_ =	shalt  }
0x59: {  	_ =	shalt  }
0x5a: {  	_ =	shalt  }
0x5b: {  	_ =	shalt  }
0x5c: {  	_ =	shalt  }
0x5d: {  	_ =	shalt  }
0x5e: {  	_ =	shalt  }
0x5f: {  	_ =	shalt  }
0x60: {  	_ =	shalt  }
0x61: {  	_ =	shalt  }
0x62: {  	_ =	shalt  }
0x63: {  	_ =	shalt  }
0x64: {  	_ =	shalt  }
0x65: {  	_ =	shalt  }
0x66: {  	_ =	shalt  }
0x67: {  	_ =	shalt  }
0x68: {  	_ =	shalt  }
0x69: {  	_ =	shalt  }
0x6a: {  	_ =	shalt  }
0x6b: {  	_ =	shalt  }
0x6c: {  	_ =	shalt  }
0x6d: {  	_ =	shalt  }
0x6e: {  	_ =	shalt  }
0x6f: {  	_ =	shalt  }
0x70: {  	_ =	shalt  }
0x71: {  	_ =	shalt  }
0x72: {  	_ =	shalt  }
0x73: {  	_ =	shalt  }
0x74: {  	_ =	shalt  }
0x75: {  	_ =	shalt  }
0x76: {  	_ =	shalt  }
0x77: {  	_ =	shalt  }
0x78: {  	_ =	shalt  }
0x79: {  	_ =	shalt  }
0x7a: {  	_ =	shalt  }
0x7b: {  	_ =	shalt  }
0x7c: {  	_ =	shalt  }
0x7d: {  	_ =	shalt  }
0x7e: {  	_ =	shalt  }
0x7f: {  	_ =	shalt  }
0x80: {  	_ =	shalt  }
0x81: {  	_ =	shalt  }
0x82: {  	_ =	shalt  }
0x83: {  	_ =	shalt  }
0x84: {  	_ =	shalt  }
0x85: {  	_ =	shalt  }
0x86: {  	_ =	shalt  }
0x87: {  	_ =	shalt  }
.Lfunc_end0:
.L_simem_size_0:
called_computation.2_lowered:
.L_overlay_start_0:
0x88: {  	s2 =	sld [smem:$0x3FD9]  }
0x89: {  	s3 =	sld [smem:$0x3FFE];
	_ =	sdelay $0x1  }
0x8a: {  	s1 =	srdreg.scid  }
0x8b: {  	s0 =	sand.u32 $0x1, s1  }
0x8c: {  	s17 =	sshll.u32 s0, $0xA;
	s2 =	sadd.s32 s3, s2  }
0x8d: {  	s2 =	sadd.s32 s2, s17  }
0x8e: {  	[smem:$0x3FC2] =	sst s2  }
0x8f: {  	_ = 	snop  }
0x90: {  	s2 =	sld [smem:$0x3FD0];
	(tm) =	ssettm $0x1  }
0x91: {  	s18 =	sld [smem:$0x3FFB];
	_ =	sdelay $0x3  }
0x92: {  	_ =	strace s18  }
0x93: {  	s3 =	sld [smem:$0x3FFC];
	_ =	sdelay $0x3  }
0x94: {  	_ =	strace s3  }
0x95: {  	s3 =	sld [smem:$0x3FFD];
	_ =	sdelay $0x3  }
0x96: {  	_ =	strace s3  }
0x97: {  	_ =	strace $0x8FFFFFFF  }
0x98: {  	s19 =	sld [smem:$0x3FDB];
	_ =	sdelay $0x1  }
0x99: {  	s4 =	simm.s32 $_scs_section_size  }
0x9a: {  	s5 =	simm.s32 $_size__tile_overlayer_lowered;
	s6 =	simm.s32 $_tile_overlayer_lowered  }
0x9b: {  	s22 =	simm.s32 $0x1BFF;
	s21 =	sshll.u32 s6, $0x1;
	s3 =	sadd.s32 s4, s19  }
0x9c: {  	s7 =	simm.s32 $0x0;
	s20 =	sshll.u32 s5, $0x1;
	s5 =	sadd.s32 s21, s3  }
0x9d: {  	[timem:s7], [sflag:s22] =	dma.local [hbm:s5], s20  }
0x9e: {  	_ =	swait.ge [sflag:s22], s20  }
0x9f: {  	s4 =	ssub.s32 $0x0, s20;
	[sflag:s22] =	ssyncset.done $0x0  }
0xa0: {  	[sflag:s22] =	ssyncadd.s32 s4;
	_ =	sdelay $0x1  }
0xa1: {  	s23 =	simm.s32 $0x1B8B  }
0xa2: {  	_ =	swait.ge [sflag:s23], $0x1  }
0xa3: {  	[sflag:s23] =	ssyncset.done $0x0  }
0xa4: {  	s25 =	simm.s32 $0x1B8E;
	s24 =	sld [smem:$0x3FFE];
	[sflag:s23] =	ssyncadd.s32 $0xFFFFFFFF  }
0xa5: {  	s26 =	simm.s32 $execute0_lowered;
	[smem:$0x3FD2] =	sst s25  }
0xa6: {  	s5 =	sshll.u32 s26, $0x1;
	_ =	strace $0x8000004C;
	[dreg:$0x1] =	wrdreg $0xFFFFFFFF  }
0xa7: {  	s28 =	simm.s32 $_size_execute0_lowered;
	s3 =	sadd.s32 s3, s5;
	[dreg:$0x0] =	wrdreg $0x0  }
0xa8: {  	s5 =	sshll.u32 s28, $0x1;
	[dreg:$0x2] =	wrdreg s3  }
0xa9: {  	[dreg:$0x3] =	wrdreg s5  }
0xaa: {  	[dreg:$0x4] =	wrdreg $0xC0  }
0xab: {  	_ =	task [dreg:s7], $0x5FFFF  }
0xac: {  	[dreg:$0x1] =	wrdreg $0xFFFFFFFF  }
0xad: {  	[dreg:$0x0] =	wrdreg $0x60  }
0xae: {  	[dreg:$0x2] =	wrdreg s2  }
0xaf: {  	[dreg:$0x3] =	wrdreg s24  }
0xb0: {  	[dreg:$0x4] =	wrdreg $0x0  }
0xb1: {  	[dreg:$0x5] =	wrdreg $0x9  }
0xb2: {  	_ =	task.clear_ibuf [dreg:s7], $0x6FFFF;
	_ =	strace $0x9000004C  }
0xb3: {  	s29 =	simm.s32 $0x9;
	_ =	strace $0x8000004E  }
0xb4: {  	_ =	swait.ge [sflag:s29], $0x1  }
0xb5: {  	[sflag:s29] =	ssyncadd.s32 $0xFFFFFFFF  }
0xb6: {  	_ =	strace $0x9000004E  }
0xb7: {  	_ =	sfence  }
0xb8: {  	s30 =	sld [smem:$0x0];
	_ =	sdelay $0x2  }
0xb9: {  	s31 =	sshll.u32 s1, $0xD;
	s1 =	sshrl.u32 s1, $0x2  }
0xba: {  	s3 =	sand.u32 $0x4000, s31;
	s1 =	sadd.s32 s1, s30  }
0xbb: {  	s0 =	sor.u32 s3, s0;
	s1 =	sshll.u32 s1, $0x11  }
0xbc: {  	s0 =	sor.u32 s1, s0  }
0xbd: {  	s0 =	sadd.s32 $0x8F2B, s0  }
0xbe: {  	[sflag:s0] =	ssyncadd.remote.s32 $0x1  }
0xbf: {  	_ =	sfence.sel $0xFFFF  }
0xc0: {  	[dreg:$0x0] =	wrdreg $0xFFFFFFFF;
	(pc) =	sbr.abs _section_cstart, $3  }
0xc1: {  	[dreg:$0x1] =	wrdreg $0xFFFFFFFF  }
0xc2: {  	_ =	task.clear_ibuf [dreg:s7], $0x2FFFF;
	_ =	strace $0x9FFFFFFF  }
0xc3: {  	(tm) =	ssettm $0x7FFFFFFF  }
tec
execute0_lowered:
.L_overlay_start_1:
0x0: {  	(tag) =	ssettag $0x1  }
0x1: {  	s1 =	rddreg [dreg:$0x0]  }
0x2: {  	s3 =	srdreg.scid;
	s11 =	stileid.u32  }
0x3: {  	s0 =	rddreg [dreg:$0x1];
	s3 =	sand.u32 $0x1, s3;
	s6 =	smul.u32 $0x14000, s11  }
0x4: {  	s2 =	rddreg [dreg:$0x2];
	s4 =	simm.s32 $0x0;
	s5 =	smul.u32 $0x140000, s3  }
0x5: {  	[smem:$0x7FF] =	sst s4;
	s7 =	smul.u32 $0x50000, s11  }
0x6: {  	s8 =	sadd.s32 $0x2800, s0;
	s9 =	sadd.s32 $0xC800, s0;
	s5 =	sadd.s32 s6, s5  }
0x7: {  	s24 =	smul.u32 $0x5000, s11;
	s7 =	sshrl.u32 s7, $0x2;
	s5 =	sshrl.u32 s5, $0x3  }
0x8: {  	_ =	strace $0x8000004D;
	s0 =	sadd.s32 s5, s0;
	s5 =	sadd.s32 s7, s2  }
0x9: {  	s23 =	ssub.s32 $0x2, s3;
	p0 =	seq.s32 s3, $0x1;
	s7 =	sadd.s32 $0x1000, s5  }
0xa: {  	s10 =	sshrl.u32 s23, $0x1;
	s25 =	sadd.s32 $0x2000, s5;
	[dreg:$0x4] =	wrdreg s7  }
0xb: {  	s6 =	ssub.s32 s23, s10;
	s26 =	sadd.s32 $0x3000, s5;
	[dreg:$0x5] =	wrdreg s25  }
0xc: {  	s10 =	simm.s32 $0x1DF00;
	s11 =	sadd.s32 $0x4000, s5;
	[dreg:$0x6] =	wrdreg s26  }
0xd: {  	s12 =	sadd.s32 $0x5000, s5;
	s13 =	sadd.s32 $0x6000, s5;
	[dreg:$0x7] =	wrdreg s11  }
0xe: {  	s14 =	sadd.s32 $0x7000, s5;
	s0 =	sadd.s32 $0x16800, s0;
	[dreg:$0x8] =	wrdreg s12  }
0xf: {  	s28 =	sadd.s32 $0xA000, s5;
	s29 =	sadd.s32 $0xB000, s5;
	[dreg:$0x9] =	wrdreg s13  }
0x10: {  	s30 =	sadd.s32 $0xC000, s5;
	s31 =	sadd.s32 $0xD000, s5;
	[dreg:$0xa] =	wrdreg s14  }
0x11: {  	s7 =	sshrl.u32 s24, $0x3;
	s26 =	sadd.s32 $0x8000, s5;
	[dreg:$0x16] =	wrdreg s0  }
0x12: {  	s0 =	sadd.s32 $0xE000, s5;
	s13 =	sadd.s32 $0xF000, s5;
	s14 =	sadd.s32 $0x10000, s5  }
0x13: {  	s11 =	simm.s32 $0x1DF80;
	s15 =	sadd.s32 s8, s7;
	s16 =	sadd.s32 s9, s7  }
0x14: {  	s17 =	sadd.s32 $0x200, s7;
	s18 =	sadd.s32 $0x400, s7;
	[dreg:$0x15] =	wrdreg s26  }
0x15: {  	s22 =	sadd.s32 $0x600, s7;
	s7 =	sadd.s32 $0x800, s7;
	[dreg:$0xb] =	wrdreg s15  }
0x16: {  	s26 =	sadd.s32 $0x9000, s5;
	[dreg:$0xc] =	wrdreg s16;
	s19 =	sadd.s32 s8, s17  }
0x17: {  	s3 =	sadd.s32 s9, s17;
	s20 =	sadd.s32 s8, s18;
	[dreg:$0xd] =	wrdreg s19  }
0x18: {  	s21 =	sadd.s32 s9, s18;
	s23 =	sadd.s32 s8, s22;
	[dreg:$0xe] =	wrdreg s3  }
0x19: {  	s24 =	sadd.s32 s8, s7;
	s25 =	sadd.s32 s9, s7;
	[dreg:$0xf] =	wrdreg s20  }
0x1a: {  	s15 =	sadd.s32 $0x11000, s5;
	s16 =	sadd.s32 $0x12000, s5;
	[dreg:$0x10] =	wrdreg s21  }
0x1b: {  	s17 =	sadd.s32 $0x13000, s5;
	s18 =	simm.s32 $0x1E000;
	[dreg:$0x11] =	wrdreg s23  }
.Ltmp0:
0x1c: {  	s7 =	simm.s32 $0x18000;
	[dreg:$0x13] =	wrdreg s24;
	(pc) =	sbr.rel .LBB2_1-.Ltmp0, $4  }
0x1d: {  	s8 =	simm.s32 $0x1;
	s3 =	sadd.s32 s9, s22;
	[dreg:$0x14] =	wrdreg s25  }
0x1e: {  	s25 =	smax.u32 s6, $0x1;
	s19 =	simm.s32 $0x3;
	s20 =	simm.s32 $0x1C000  }
0x1f: {  	s21 =	simm.s32 $0x1D000;
	s22 =	simm.s32 $0x80;
	s6 =	simm.s32 $0x1C080  }
0x20: {  	v0 =	vimm.f32 $0.0e+00;
	s9 =	simm.s32 $0x2;
	[dreg:$0x12] =	wrdreg s3;
	s3 =	simm.s32 $0x14000  }
.LBB2_8:
0x21: {  	[tilespmem:s7], [sflag:$0x2] =	stream.indirect.gather [hbm4b:s1+s22], $0x80, s23, s22, $0xb8;
	[tilespmem:$0x1F000] =	vst v63  }
.LBB2_16:
0x22: {  	_ =	swait.ge [sflag:s8], $0x4000  }
0x23: {  	[sflag:s8] =	ssyncset.done $0x0  }
0x24: {  	[sflag:s8] =	ssyncadd.s32 $0xFFFFC000  }
0x25: {  	[spmem:s2] =	stream.indirect.scatter.add.f32 [tilespmem:s3], [sflag:$0x3], $0x80, s10, s22, $0xb8;
	[tilespmem:$0x1F000] =	vst v63  }
0x26: {  	_ =	swait.ge [sflag:s19], $0x4000  }
0x27: {  	[sflag:s19] =	ssyncset.done $0x0  }
0x28: {  	[sflag:s19] =	ssyncadd.s32 $0xFFFFC000  }
0x29: {  	_ =	swait.ge [sflag:s9], $0x4000  }
0x2a: {  	[sflag:s9] =	ssyncset.done $0x0  }
0x2b: {  	[sflag:s9] =	ssyncadd.s32 $0xFFFFC000  }
0x2c: {  	[spmem:s2] =	stream.indirect.scatter.add.f32 [tilespmem:s7], [sflag:$0x3], $0x80, s11, s22, $0xb8;
	[tilespmem:$0x1F000] =	vst v63  }
0x2d: {  	_ =	swait.ge [sflag:s19], $0x4000  }
0x2e: {  	s12 =	stileid.u32;
	[sflag:s19] =	ssyncset.done $0x0  }
0x2f: {  	s23 =	sshrl.u32 s5, $0x3;
	s4 =	sadd.s32 $0x1, s4;
	[sflag:s19] =	ssyncadd.s32 $0xFFFFC000  }
0x30: {  	s12 =	sshll.u32 s12, $0x6;
	p1 =	sne.s32 s4, s25;
	[bflag:$0x0] =	sbarrier.arrive $0xFFFF  }
.Ltmp1:
0x31: {  	s12 =	sor.u32 $0x1C03, s12;
	s24 =	rddreg [dreg:$0x16];
	(pc) =	sbr.rel @!p1 .LBB2_17-.Ltmp1, $4  }
0x32: {  	[hbm:s24], [sflag:s12] =	dma.local [spmem:s23], $0x2800  }
0x33: {  	_ =	swait.ge [sflag:s19], $0x2800  }
0x34: {  	[sflag:s19] =	ssyncset.done $0x0  }
0x35: {  	[sflag:s19] =	ssyncadd.s32 $0xFFFFD800  }
.LBB2_1:
0x36: {  	s12 =	simm.s32 $0x0;
	s23 =	simm.s32 $0x200  }
.LBB2_2:
0x37: {  	p1 =	sne.s32 s23, $0x3E00;
	[tilespmem:s12+$0x1E070] =	vst v0  }
0x38: {  	[tilespmem:s12+$0x1E000] =	vst v0  }
0x39: {  	[tilespmem:s12+$0x1E010] =	vst v0  }
.Ltmp2:
0x3a: {  	[tilespmem:s12+$0x1E020] =	vst v0;
	(pc) =	sbr.rel @p1 .LBB2_2-.Ltmp2, $4  }
0x3b: {  	[tilespmem:s12+$0x1E030] =	vst v0  }
0x3c: {  	[tilespmem:s12+$0x1E040] =	vst v0  }
0x3d: {  	[tilespmem:s12+$0x1E050] =	vst v0  }
0x3e: {  	[tilespmem:s12+$0x1E060] =	vst v0;
	s12 =	sshra.s32 s23, $0x2;
	s23 =	sadd.s32 $0x200, s23  }
0x3f: {  	[tilespmem:s12+$0x1E070] =	vst v0  }
0x40: {  	[tilespmem:s12+$0x1E000] =	vst v0  }
0x41: {  	[tilespmem:s12+$0x1E010] =	vst v0  }
0x42: {  	[tilespmem:s12+$0x1E020] =	vst v0  }
0x43: {  	[tilespmem:s12+$0x1E030] =	vst v0  }
0x44: {  	[tilespmem:s12+$0x1E040] =	vst v0  }
0x45: {  	[tilespmem:s12+$0x1E050] =	vst v0  }
0x46: {  	[tilespmem:s12+$0x1E060] =	vst v0  }
0x47: {  	[spmem:s5] =	stream.linear.scatter [tilespmem:s18], [sflag:$0x3], $0x1000, $0x38;
	[tilespmem:$0x1F000] =	vst v63  }
0x48: {  	_ =	swait.ge [sflag:s19], $0x1000  }
0x49: {  	[sflag:s19] =	ssyncset.done $0x0  }
0x4a: {  	s23 =	rddreg [dreg:$0x4];
	[sflag:s19] =	ssyncadd.s32 $0xFFFFF000  }
0x4b: {  	[spmem:s23] =	stream.linear.scatter [tilespmem:s18], [sflag:$0x3], $0x1000, $0x38;
	[tilespmem:$0x1F000] =	vst v63  }
0x4c: {  	_ =	swait.ge [sflag:s19], $0x1000  }
0x4d: {  	[sflag:s19] =	ssyncset.done $0x0  }
0x4e: {  	s24 =	rddreg [dreg:$0x5];
	[sflag:s19] =	ssyncadd.s32 $0xFFFFF000  }
0x4f: {  	[spmem:s24] =	stream.linear.scatter [tilespmem:s18], [sflag:$0x3], $0x1000, $0x38;
	[tilespmem:$0x1F000] =	vst v63  }
0x50: {  	_ =	swait.ge [sflag:s19], $0x1000  }
0x51: {  	[sflag:s19] =	ssyncset.done $0x0  }
0x52: {  	s23 =	rddreg [dreg:$0x6];
	[sflag:s19] =	ssyncadd.s32 $0xFFFFF000  }
0x53: {  	[spmem:s23] =	stream.linear.scatter [tilespmem:s18], [sflag:$0x3], $0x1000, $0x38;
	[tilespmem:$0x1F000] =	vst v63  }
0x54: {  	_ =	swait.ge [sflag:s19], $0x1000  }
0x55: {  	[sflag:s19] =	ssyncset.done $0x0  }
0x56: {  	s24 =	rddreg [dreg:$0x7];
	[sflag:s19] =	ssyncadd.s32 $0xFFFFF000  }
0x57: {  	[spmem:s24] =	stream.linear.scatter [tilespmem:s18], [sflag:$0x3], $0x1000, $0x38;
	[tilespmem:$0x1F000] =	vst v63  }
0x58: {  	_ =	swait.ge [sflag:s19], $0x1000  }
0x59: {  	[sflag:s19] =	ssyncset.done $0x0  }
0x5a: {  	s23 =	rddreg [dreg:$0x8];
	[sflag:s19] =	ssyncadd.s32 $0xFFFFF000  }
0x5b: {  	[spmem:s23] =	stream.linear.scatter [tilespmem:s18], [sflag:$0x3], $0x1000, $0x38;
	[tilespmem:$0x1F000] =	vst v63  }
0x5c: {  	_ =	swait.ge [sflag:s19], $0x1000  }
0x5d: {  	[sflag:s19] =	ssyncset.done $0x0  }
0x5e: {  	s24 =	rddreg [dreg:$0x9];
	[sflag:s19] =	ssyncadd.s32 $0xFFFFF000  }
0x5f: {  	[spmem:s24] =	stream.linear.scatter [tilespmem:s18], [sflag:$0x3], $0x1000, $0x38;
	[tilespmem:$0x1F000] =	vst v63  }
0x60: {  	_ =	swait.ge [sflag:s19], $0x1000  }
0x61: {  	[sflag:s19] =	ssyncset.done $0x0  }
0x62: {  	s23 =	rddreg [dreg:$0xa];
	[sflag:s19] =	ssyncadd.s32 $0xFFFFF000  }
0x63: {  	[spmem:s23] =	stream.linear.scatter [tilespmem:s18], [sflag:$0x3], $0x1000, $0x38;
	[tilespmem:$0x1F000] =	vst v63  }
0x64: {  	_ =	swait.ge [sflag:s19], $0x1000  }
0x65: {  	[sflag:s19] =	ssyncset.done $0x0  }
0x66: {  	s24 =	rddreg [dreg:$0x15];
	[sflag:s19] =	ssyncadd.s32 $0xFFFFF000  }
0x67: {  	[spmem:s24] =	stream.linear.scatter [tilespmem:s18], [sflag:$0x3], $0x1000, $0x38;
	[tilespmem:$0x1F000] =	vst v63  }
0x68: {  	_ =	swait.ge [sflag:s19], $0x1000  }
0x69: {  	[sflag:s19] =	ssyncset.done $0x0  }
0x6a: {  	[sflag:s19] =	ssyncadd.s32 $0xFFFFF000  }
0x6b: {  	[spmem:s26] =	stream.linear.scatter [tilespmem:s18], [sflag:$0x3], $0x1000, $0x38;
	[tilespmem:$0x1F000] =	vst v63  }
0x6c: {  	_ =	swait.ge [sflag:s19], $0x1000  }
0x6d: {  	[sflag:s19] =	ssyncset.done $0x0  }
0x6e: {  	[sflag:s19] =	ssyncadd.s32 $0xFFFFF000  }
0x6f: {  	[spmem:s28] =	stream.linear.scatter [tilespmem:s18], [sflag:$0x3], $0x1000, $0x38;
	[tilespmem:$0x1F000] =	vst v63  }
0x70: {  	_ =	swait.ge [sflag:s19], $0x1000  }
0x71: {  	[sflag:s19] =	ssyncset.done $0x0  }
0x72: {  	[sflag:s19] =	ssyncadd.s32 $0xFFFFF000  }
0x73: {  	[spmem:s29] =	stream.linear.scatter [tilespmem:s18], [sflag:$0x3], $0x1000, $0x38;
	[tilespmem:$0x1F000] =	vst v63  }
0x74: {  	_ =	swait.ge [sflag:s19], $0x1000  }
0x75: {  	[sflag:s19] =	ssyncset.done $0x0  }
0x76: {  	[sflag:s19] =	ssyncadd.s32 $0xFFFFF000  }
0x77: {  	[spmem:s30] =	stream.linear.scatter [tilespmem:s18], [sflag:$0x3], $0x1000, $0x38;
	[tilespmem:$0x1F000] =	vst v63  }
0x78: {  	_ =	swait.ge [sflag:s19], $0x1000  }
0x79: {  	[sflag:s19] =	ssyncset.done $0x0  }
0x7a: {  	[sflag:s19] =	ssyncadd.s32 $0xFFFFF000  }
0x7b: {  	[spmem:s31] =	stream.linear.scatter [tilespmem:s18], [sflag:$0x3], $0x1000, $0x38;
	[tilespmem:$0x1F000] =	vst v63  }
0x7c: {  	_ =	swait.ge [sflag:s19], $0x1000  }
0x7d: {  	[sflag:s19] =	ssyncset.done $0x0  }
0x7e: {  	[sflag:s19] =	ssyncadd.s32 $0xFFFFF000  }
0x7f: {  	[spmem:s0] =	stream.linear.scatter [tilespmem:s18], [sflag:$0x3], $0x1000, $0x38;
	[tilespmem:$0x1F000] =	vst v63  }
0x80: {  	_ =	swait.ge [sflag:s19], $0x1000  }
0x81: {  	[sflag:s19] =	ssyncset.done $0x0  }
0x82: {  	[sflag:s19] =	ssyncadd.s32 $0xFFFFF000  }
0x83: {  	[spmem:s13] =	stream.linear.scatter [tilespmem:s18], [sflag:$0x3], $0x1000, $0x38;
	[tilespmem:$0x1F000] =	vst v63  }
0x84: {  	_ =	swait.ge [sflag:s19], $0x1000  }
0x85: {  	[sflag:s19] =	ssyncset.done $0x0  }
0x86: {  	[sflag:s19] =	ssyncadd.s32 $0xFFFFF000  }
0x87: {  	[spmem:s14] =	stream.linear.scatter [tilespmem:s18], [sflag:$0x3], $0x1000, $0x38;
	[tilespmem:$0x1F000] =	vst v63  }
0x88: {  	_ =	swait.ge [sflag:s19], $0x1000  }
0x89: {  	[sflag:s19] =	ssyncset.done $0x0  }
0x8a: {  	[sflag:s19] =	ssyncadd.s32 $0xFFFFF000  }
0x8b: {  	[spmem:s15] =	stream.linear.scatter [tilespmem:s18], [sflag:$0x3], $0x1000, $0x38;
	[tilespmem:$0x1F000] =	vst v63  }
0x8c: {  	_ =	swait.ge [sflag:s19], $0x1000  }
0x8d: {  	[sflag:s19] =	ssyncset.done $0x0  }
0x8e: {  	[sflag:s19] =	ssyncadd.s32 $0xFFFFF000  }
0x8f: {  	[spmem:s16] =	stream.linear.scatter [tilespmem:s18], [sflag:$0x3], $0x1000, $0x38;
	[tilespmem:$0x1F000] =	vst v63  }
0x90: {  	_ =	swait.ge [sflag:s19], $0x1000  }
0x91: {  	[sflag:s19] =	ssyncset.done $0x0  }
0x92: {  	[sflag:s19] =	ssyncadd.s32 $0xFFFFF000  }
0x93: {  	[spmem:s17] =	stream.linear.scatter [tilespmem:s18], [sflag:$0x3], $0x1000, $0x38;
	[tilespmem:$0x1F000] =	vst v63  }
.Ltmp3:
0x94: {  	_ =	swait.ge [sflag:s19], $0x1000;
	(pc) =	sbr.rel @!p0 .LBB2_4-.Ltmp3, $4  }
0x95: {  	[sflag:s19] =	ssyncset.done $0x0  }
0x96: {  	[sflag:s19] =	ssyncadd.s32 $0xFFFFF000  }
0x97: {  	[bflag:$0x0] =	sbarrier.arrive $0xFFFF  }
0x98: {  	s12 =	simm.s32 $0x0  }
0x99: {  	s23 =	rddreg [dreg:$0xf]  }
0x9a: {  	[tilespmem:s20], [sflag:$0x3] =	stream.linear.gather [hbm4b:s23+s12], $0x1000, $0x38;
	[tilespmem:$0x1F000] =	vst v63  }
0x9b: {  	_ =	swait.ge [sflag:s19], $0x1000  }
0x9c: {  	[sflag:s19] =	ssyncset.done $0x0  }
0x9d: {  	s24 =	rddreg [dreg:$0x10];
	[sflag:s19] =	ssyncadd.s32 $0xFFFFF000  }
0x9e: {  	[tilespmem:s21], [sflag:$0x3] =	stream.linear.gather [hbm4b:s24+s12], $0x1000, $0x38;
	[tilespmem:$0x1F000] =	vst v63  }
0x9f: {  	_ =	swait.ge [sflag:s19], $0x1000  }
0xa0: {  	[sflag:s19] =	ssyncset.done $0x0  }
0xa1: {  	[sflag:s19] =	ssyncadd.s32 $0xFFFFF000  }
0xa2: {  	[tilespmem:s3], [sflag:$0x1] =	stream.indirect.gather [hbm4b:s1+s22], $0x80, s20, s22, $0xb8;
	[tilespmem:$0x1F000] =	vst v63  }
0xa3: {  	_ = 	snop  }
0xa4: {  	[tilespmem:s7], [sflag:$0x2] =	stream.indirect.gather [hbm4b:s1+s22], $0x80, s6, s22, $0xb8;
	[tilespmem:$0x1F000] =	vst v63  }
0xa5: {  	_ =	swait.ge [sflag:s8], $0x4000  }
0xa6: {  	[sflag:s8] =	ssyncset.done $0x0  }
0xa7: {  	s24 =	simm.s32 $0x1D000;
	[sflag:s8] =	ssyncadd.s32 $0xFFFFC000  }
0xa8: {  	[spmem:s2] =	stream.indirect.scatter.add.f32 [tilespmem:s3], [sflag:$0x3], $0x80, s24, s22, $0xb8;
	[tilespmem:$0x1F000] =	vst v63  }
0xa9: {  	_ =	swait.ge [sflag:s19], $0x4000  }
0xaa: {  	[sflag:s19] =	ssyncset.done $0x0  }
0xab: {  	s23 =	simm.s32 $0x1C100;
	[sflag:s19] =	ssyncadd.s32 $0xFFFFC000  }
0xac: {  	[tilespmem:s3], [sflag:$0x1] =	stream.indirect.gather [hbm4b:s1+s22], $0x80, s23, s22, $0xb8;
	[tilespmem:$0x1F000] =	vst v63  }
0xad: {  	_ =	swait.ge [sflag:s9], $0x4000  }
0xae: {  	[sflag:s9] =	ssyncset.done $0x0  }
0xaf: {  	s24 =	simm.s32 $0x1D080;
	[sflag:s9] =	ssyncadd.s32 $0xFFFFC000  }
0xb0: {  	[spmem:s2] =	stream.indirect.scatter.add.f32 [tilespmem:s7], [sflag:$0x3], $0x80, s24, s22, $0xb8;
	[tilespmem:$0x1F000] =	vst v63  }
0xb1: {  	_ =	swait.ge [sflag:s19], $0x4000  }
0xb2: {  	[sflag:s19] =	ssyncset.done $0x0  }
0xb3: {  	s12 =	simm.s32 $0x400;
	s23 =	simm.s32 $0x1C180;
	[sflag:s19] =	ssyncadd.s32 $0xFFFFC000  }
.LBB2_10:
0xb4: {  	[tilespmem:s7], [sflag:$0x2] =	stream.indirect.gather [hbm4b:s1+s22], $0x80, s23, s22, $0xb8;
	[tilespmem:$0x1F000] =	vst v63  }
0xb5: {  	s23 =	smov.u32 s12  }
0xb6: {  	p1 =	sne.s32 s12, $0x3800;
	s12 =	sadd.s32 $0x400, s12;
	_ =	swait.ge [sflag:s8], $0x4000  }
0xb7: {  	s23 =	sshra.s32 s23, $0x2;
	[sflag:s8] =	ssyncset.done $0x0  }
0xb8: {  	s24 =	sadd.s32 $0x1D000, s23;
	[sflag:s8] =	ssyncadd.s32 $0xFFFFC000  }
0xb9: {  	[spmem:s2] =	stream.indirect.scatter.add.f32 [tilespmem:s3], [sflag:$0x3], $0x80, s24, s22, $0xb8;
	[tilespmem:$0x1F000] =	vst v63  }
0xba: {  	_ =	swait.ge [sflag:s19], $0x4000  }
0xbb: {  	[sflag:s19] =	ssyncset.done $0x0  }
0xbc: {  	s24 =	sadd.s32 $0x1C100, s23;
	[sflag:s19] =	ssyncadd.s32 $0xFFFFC000  }
0xbd: {  	[tilespmem:s3], [sflag:$0x1] =	stream.indirect.gather [hbm4b:s1+s22], $0x80, s24, s22, $0xb8;
	[tilespmem:$0x1F000] =	vst v63  }
0xbe: {  	_ =	swait.ge [sflag:s9], $0x4000  }
0xbf: {  	[sflag:s9] =	ssyncset.done $0x0  }
.Ltmp4:
0xc0: {  	s24 =	sadd.s32 $0x1D080, s23;
	[sflag:s9] =	ssyncadd.s32 $0xFFFFC000;
	(pc) =	sbr.rel @p1 .LBB2_10-.Ltmp4, $4  }
0xc1: {  	[spmem:s2] =	stream.indirect.scatter.add.f32 [tilespmem:s7], [sflag:$0x3], $0x80, s24, s22, $0xb8;
	[tilespmem:$0x1F000] =	vst v63  }
0xc2: {  	_ =	swait.ge [sflag:s19], $0x4000  }
0xc3: {  	[sflag:s19] =	ssyncset.done $0x0  }
0xc4: {  	s23 =	sadd.s32 $0x1C180, s23;
	[sflag:s19] =	ssyncadd.s32 $0xFFFFC000  }
0xc5: {  	[tilespmem:s7], [sflag:$0x2] =	stream.indirect.gather [hbm4b:s1+s22], $0x80, s23, s22, $0xb8;
	[tilespmem:$0x1F000] =	vst v63  }
0xc6: {  	_ =	swait.ge [sflag:s8], $0x4000  }
0xc7: {  	[sflag:s8] =	ssyncset.done $0x0  }
0xc8: {  	[sflag:s8] =	ssyncadd.s32 $0xFFFFC000  }
0xc9: {  	[spmem:s2] =	stream.indirect.scatter.add.f32 [tilespmem:s3], [sflag:$0x3], $0x80, s10, s22, $0xb8;
	[tilespmem:$0x1F000] =	vst v63  }
0xca: {  	_ =	swait.ge [sflag:s19], $0x4000  }
0xcb: {  	[sflag:s19] =	ssyncset.done $0x0  }
0xcc: {  	[sflag:s19] =	ssyncadd.s32 $0xFFFFC000  }
0xcd: {  	_ =	swait.ge [sflag:s9], $0x4000  }
0xce: {  	[sflag:s9] =	ssyncset.done $0x0  }
0xcf: {  	[sflag:s9] =	ssyncadd.s32 $0xFFFFC000  }
0xd0: {  	[spmem:s2] =	stream.indirect.scatter.add.f32 [tilespmem:s7], [sflag:$0x3], $0x80, s11, s22, $0xb8;
	[tilespmem:$0x1F000] =	vst v63  }
0xd1: {  	_ =	swait.ge [sflag:s19], $0x4000  }
0xd2: {  	[sflag:s19] =	ssyncset.done $0x0  }
0xd3: {  	s12 =	simm.s32 $0x0;
	s24 =	rddreg [dreg:$0x11];
	[sflag:s19] =	ssyncadd.s32 $0xFFFFC000  }
0xd4: {  	[tilespmem:s20], [sflag:$0x3] =	stream.linear.gather [hbm4b:s24+s12], $0x1000, $0x38;
	[tilespmem:$0x1F000] =	vst v63  }
0xd5: {  	_ =	swait.ge [sflag:s19], $0x1000  }
0xd6: {  	[sflag:s19] =	ssyncset.done $0x0  }
0xd7: {  	s24 =	rddreg [dreg:$0x12];
	[sflag:s19] =	ssyncadd.s32 $0xFFFFF000  }
0xd8: {  	[tilespmem:s21], [sflag:$0x3] =	stream.linear.gather [hbm4b:s24+s12], $0x1000, $0x38;
	[tilespmem:$0x1F000] =	vst v63  }
0xd9: {  	_ =	swait.ge [sflag:s19], $0x1000  }
0xda: {  	[sflag:s19] =	ssyncset.done $0x0  }
0xdb: {  	[sflag:s19] =	ssyncadd.s32 $0xFFFFF000  }
0xdc: {  	[tilespmem:s3], [sflag:$0x1] =	stream.indirect.gather [hbm4b:s1+s22], $0x80, s20, s22, $0xb8;
	[tilespmem:$0x1F000] =	vst v63  }
0xdd: {  	_ = 	snop  }
0xde: {  	[tilespmem:s7], [sflag:$0x2] =	stream.indirect.gather [hbm4b:s1+s22], $0x80, s6, s22, $0xb8;
	[tilespmem:$0x1F000] =	vst v63  }
0xdf: {  	_ =	swait.ge [sflag:s8], $0x4000  }
0xe0: {  	[sflag:s8] =	ssyncset.done $0x0  }
0xe1: {  	s24 =	simm.s32 $0x1D000;
	[sflag:s8] =	ssyncadd.s32 $0xFFFFC000  }
0xe2: {  	[spmem:s2] =	stream.indirect.scatter.add.f32 [tilespmem:s3], [sflag:$0x3], $0x80, s24, s22, $0xb8;
	[tilespmem:$0x1F000] =	vst v63  }
0xe3: {  	_ =	swait.ge [sflag:s19], $0x4000  }
0xe4: {  	[sflag:s19] =	ssyncset.done $0x0  }
0xe5: {  	s23 =	simm.s32 $0x1C100;
	[sflag:s19] =	ssyncadd.s32 $0xFFFFC000  }
0xe6: {  	[tilespmem:s3], [sflag:$0x1] =	stream.indirect.gather [hbm4b:s1+s22], $0x80, s23, s22, $0xb8;
	[tilespmem:$0x1F000] =	vst v63  }
0xe7: {  	_ =	swait.ge [sflag:s9], $0x4000  }
0xe8: {  	[sflag:s9] =	ssyncset.done $0x0  }
0xe9: {  	s24 =	simm.s32 $0x1D080;
	[sflag:s9] =	ssyncadd.s32 $0xFFFFC000  }
0xea: {  	[spmem:s2] =	stream.indirect.scatter.add.f32 [tilespmem:s7], [sflag:$0x3], $0x80, s24, s22, $0xb8;
	[tilespmem:$0x1F000] =	vst v63  }
0xeb: {  	_ =	swait.ge [sflag:s19], $0x4000  }
0xec: {  	[sflag:s19] =	ssyncset.done $0x0  }
0xed: {  	s12 =	simm.s32 $0x400;
	s23 =	simm.s32 $0x1C180;
	[sflag:s19] =	ssyncadd.s32 $0xFFFFC000  }
.LBB2_12:
0xee: {  	[tilespmem:s7], [sflag:$0x2] =	stream.indirect.gather [hbm4b:s1+s22], $0x80, s23, s22, $0xb8;
	[tilespmem:$0x1F000] =	vst v63  }
0xef: {  	s23 =	smov.u32 s12  }
0xf0: {  	p1 =	sne.s32 s12, $0x3800;
	s12 =	sadd.s32 $0x400, s12;
	_ =	swait.ge [sflag:s8], $0x4000  }
0xf1: {  	s23 =	sshra.s32 s23, $0x2;
	[sflag:s8] =	ssyncset.done $0x0  }
0xf2: {  	s24 =	sadd.s32 $0x1D000, s23;
	[sflag:s8] =	ssyncadd.s32 $0xFFFFC000  }
0xf3: {  	[spmem:s2] =	stream.indirect.scatter.add.f32 [tilespmem:s3], [sflag:$0x3], $0x80, s24, s22, $0xb8;
	[tilespmem:$0x1F000] =	vst v63  }
0xf4: {  	_ =	swait.ge [sflag:s19], $0x4000  }
0xf5: {  	[sflag:s19] =	ssyncset.done $0x0  }
0xf6: {  	s24 =	sadd.s32 $0x1C100, s23;
	[sflag:s19] =	ssyncadd.s32 $0xFFFFC000  }
0xf7: {  	[tilespmem:s3], [sflag:$0x1] =	stream.indirect.gather [hbm4b:s1+s22], $0x80, s24, s22, $0xb8;
	[tilespmem:$0x1F000] =	vst v63  }
0xf8: {  	_ =	swait.ge [sflag:s9], $0x4000  }
0xf9: {  	[sflag:s9] =	ssyncset.done $0x0  }
.Ltmp5:
0xfa: {  	s24 =	sadd.s32 $0x1D080, s23;
	[sflag:s9] =	ssyncadd.s32 $0xFFFFC000;
	(pc) =	sbr.rel @p1 .LBB2_12-.Ltmp5, $4  }
0xfb: {  	[spmem:s2] =	stream.indirect.scatter.add.f32 [tilespmem:s7], [sflag:$0x3], $0x80, s24, s22, $0xb8;
	[tilespmem:$0x1F000] =	vst v63  }
0xfc: {  	_ =	swait.ge [sflag:s19], $0x4000  }
0xfd: {  	[sflag:s19] =	ssyncset.done $0x0  }
0xfe: {  	s23 =	sadd.s32 $0x1C180, s23;
	[sflag:s19] =	ssyncadd.s32 $0xFFFFC000  }
0xff: {  	[tilespmem:s7], [sflag:$0x2] =	stream.indirect.gather [hbm4b:s1+s22], $0x80, s23, s22, $0xb8;
	[tilespmem:$0x1F000] =	vst v63  }
0x100: {  	_ =	swait.ge [sflag:s8], $0x4000  }
0x101: {  	[sflag:s8] =	ssyncset.done $0x0  }
0x102: {  	[sflag:s8] =	ssyncadd.s32 $0xFFFFC000  }
0x103: {  	[spmem:s2] =	stream.indirect.scatter.add.f32 [tilespmem:s3], [sflag:$0x3], $0x80, s10, s22, $0xb8;
	[tilespmem:$0x1F000] =	vst v63  }
0x104: {  	_ =	swait.ge [sflag:s19], $0x4000  }
0x105: {  	[sflag:s19] =	ssyncset.done $0x0  }
0x106: {  	[sflag:s19] =	ssyncadd.s32 $0xFFFFC000  }
0x107: {  	_ =	swait.ge [sflag:s9], $0x4000  }
0x108: {  	[sflag:s9] =	ssyncset.done $0x0  }
0x109: {  	[sflag:s9] =	ssyncadd.s32 $0xFFFFC000  }
0x10a: {  	[spmem:s2] =	stream.indirect.scatter.add.f32 [tilespmem:s7], [sflag:$0x3], $0x80, s11, s22, $0xb8;
	[tilespmem:$0x1F000] =	vst v63  }
0x10b: {  	_ =	swait.ge [sflag:s19], $0x4000  }
0x10c: {  	[sflag:s19] =	ssyncset.done $0x0  }
0x10d: {  	s12 =	simm.s32 $0x0;
	s24 =	rddreg [dreg:$0x13];
	[sflag:s19] =	ssyncadd.s32 $0xFFFFC000  }
0x10e: {  	[tilespmem:s20], [sflag:$0x3] =	stream.linear.gather [hbm4b:s24+s12], $0x1000, $0x38;
	[tilespmem:$0x1F000] =	vst v63  }
0x10f: {  	_ =	swait.ge [sflag:s19], $0x1000  }
0x110: {  	[sflag:s19] =	ssyncset.done $0x0  }
0x111: {  	s24 =	rddreg [dreg:$0x14];
	[sflag:s19] =	ssyncadd.s32 $0xFFFFF000  }
0x112: {  	[tilespmem:s21], [sflag:$0x3] =	stream.linear.gather [hbm4b:s24+s12], $0x1000, $0x38;
	[tilespmem:$0x1F000] =	vst v63  }
0x113: {  	_ =	swait.ge [sflag:s19], $0x1000  }
0x114: {  	[sflag:s19] =	ssyncset.done $0x0  }
0x115: {  	[sflag:s19] =	ssyncadd.s32 $0xFFFFF000  }
0x116: {  	[tilespmem:s3], [sflag:$0x1] =	stream.indirect.gather [hbm4b:s1+s22], $0x80, s20, s22, $0xb8;
	[tilespmem:$0x1F000] =	vst v63  }
0x117: {  	_ = 	snop  }
0x118: {  	[tilespmem:s7], [sflag:$0x2] =	stream.indirect.gather [hbm4b:s1+s22], $0x80, s6, s22, $0xb8;
	[tilespmem:$0x1F000] =	vst v63  }
0x119: {  	_ =	swait.ge [sflag:s8], $0x4000  }
0x11a: {  	[sflag:s8] =	ssyncset.done $0x0  }
0x11b: {  	s24 =	simm.s32 $0x1D000;
	[sflag:s8] =	ssyncadd.s32 $0xFFFFC000  }
0x11c: {  	[spmem:s2] =	stream.indirect.scatter.add.f32 [tilespmem:s3], [sflag:$0x3], $0x80, s24, s22, $0xb8;
	[tilespmem:$0x1F000] =	vst v63  }
0x11d: {  	_ =	swait.ge [sflag:s19], $0x4000  }
0x11e: {  	[sflag:s19] =	ssyncset.done $0x0  }
0x11f: {  	s23 =	simm.s32 $0x1C100;
	[sflag:s19] =	ssyncadd.s32 $0xFFFFC000  }
0x120: {  	[tilespmem:s3], [sflag:$0x1] =	stream.indirect.gather [hbm4b:s1+s22], $0x80, s23, s22, $0xb8;
	[tilespmem:$0x1F000] =	vst v63  }
0x121: {  	_ =	swait.ge [sflag:s9], $0x4000  }
0x122: {  	[sflag:s9] =	ssyncset.done $0x0  }
0x123: {  	s24 =	simm.s32 $0x1D080;
	[sflag:s9] =	ssyncadd.s32 $0xFFFFC000  }
0x124: {  	[spmem:s2] =	stream.indirect.scatter.add.f32 [tilespmem:s7], [sflag:$0x3], $0x80, s24, s22, $0xb8;
	[tilespmem:$0x1F000] =	vst v63  }
0x125: {  	_ =	swait.ge [sflag:s19], $0x4000  }
0x126: {  	[sflag:s19] =	ssyncset.done $0x0  }
0x127: {  	s12 =	simm.s32 $0x400;
	s23 =	simm.s32 $0x1C180;
	[sflag:s19] =	ssyncadd.s32 $0xFFFFC000  }
.LBB2_14:
0x128: {  	[tilespmem:s7], [sflag:$0x2] =	stream.indirect.gather [hbm4b:s1+s22], $0x80, s23, s22, $0xb8;
	[tilespmem:$0x1F000] =	vst v63  }
0x129: {  	s23 =	smov.u32 s12  }
0x12a: {  	p1 =	sne.s32 s12, $0x3800;
	s12 =	sadd.s32 $0x400, s12;
	_ =	swait.ge [sflag:s8], $0x4000  }
0x12b: {  	s23 =	sshra.s32 s23, $0x2;
	[sflag:s8] =	ssyncset.done $0x0  }
0x12c: {  	s24 =	sadd.s32 $0x1D000, s23;
	[sflag:s8] =	ssyncadd.s32 $0xFFFFC000  }
0x12d: {  	[spmem:s2] =	stream.indirect.scatter.add.f32 [tilespmem:s3], [sflag:$0x3], $0x80, s24, s22, $0xb8;
	[tilespmem:$0x1F000] =	vst v63  }
0x12e: {  	_ =	swait.ge [sflag:s19], $0x4000  }
0x12f: {  	[sflag:s19] =	ssyncset.done $0x0  }
0x130: {  	s24 =	sadd.s32 $0x1C100, s23;
	[sflag:s19] =	ssyncadd.s32 $0xFFFFC000  }
0x131: {  	[tilespmem:s3], [sflag:$0x1] =	stream.indirect.gather [hbm4b:s1+s22], $0x80, s24, s22, $0xb8;
	[tilespmem:$0x1F000] =	vst v63  }
0x132: {  	_ =	swait.ge [sflag:s9], $0x4000  }
0x133: {  	[sflag:s9] =	ssyncset.done $0x0  }
.Ltmp6:
0x134: {  	s24 =	sadd.s32 $0x1D080, s23;
	[sflag:s9] =	ssyncadd.s32 $0xFFFFC000;
	(pc) =	sbr.rel @p1 .LBB2_14-.Ltmp6, $4  }
0x135: {  	[spmem:s2] =	stream.indirect.scatter.add.f32 [tilespmem:s7], [sflag:$0x3], $0x80, s24, s22, $0xb8;
	[tilespmem:$0x1F000] =	vst v63  }
0x136: {  	_ =	swait.ge [sflag:s19], $0x4000  }
0x137: {  	[sflag:s19] =	ssyncset.done $0x0  }
0x138: {  	s23 =	sadd.s32 $0x1C180, s23;
	[sflag:s19] =	ssyncadd.s32 $0xFFFFC000  }
.Ltmp7:
0x139: {  	(pc) =	sbr.rel .LBB2_16-.Ltmp7, $2  }
0x13a: {  	_ =	sdelay $0x2  }
0x13b: {  	[tilespmem:s7], [sflag:$0x2] =	stream.indirect.gather [hbm4b:s1+s22], $0x80, s23, s22, $0xb8;
	[tilespmem:$0x1F000] =	vst v63  }
.LBB2_4:
0x13c: {  	s23 =	rddreg [dreg:$0xb]  }
0x13d: {  	[tilespmem:s20], [sflag:$0x3] =	stream.linear.gather [hbm4b:s23+s12], $0x1000, $0x38;
	[tilespmem:$0x1F000] =	vst v63  }
0x13e: {  	_ =	swait.ge [sflag:s19], $0x1000  }
0x13f: {  	[sflag:s19] =	ssyncset.done $0x0  }
0x140: {  	s24 =	rddreg [dreg:$0xc];
	[sflag:s19] =	ssyncadd.s32 $0xFFFFF000  }
0x141: {  	[tilespmem:s21], [sflag:$0x3] =	stream.linear.gather [hbm4b:s24+s12], $0x1000, $0x38;
	[tilespmem:$0x1F000] =	vst v63  }
0x142: {  	_ =	swait.ge [sflag:s19], $0x1000  }
0x143: {  	[sflag:s19] =	ssyncset.done $0x0  }
0x144: {  	[sflag:s19] =	ssyncadd.s32 $0xFFFFF000  }
0x145: {  	[tilespmem:s3], [sflag:$0x1] =	stream.indirect.gather [hbm4b:s1+s22], $0x80, s20, s22, $0xb8;
	[tilespmem:$0x1F000] =	vst v63  }
0x146: {  	_ = 	snop  }
0x147: {  	[tilespmem:s7], [sflag:$0x2] =	stream.indirect.gather [hbm4b:s1+s22], $0x80, s6, s22, $0xb8;
	[tilespmem:$0x1F000] =	vst v63  }
0x148: {  	_ =	swait.ge [sflag:s8], $0x4000  }
0x149: {  	[sflag:s8] =	ssyncset.done $0x0  }
0x14a: {  	s24 =	simm.s32 $0x1D000;
	[sflag:s8] =	ssyncadd.s32 $0xFFFFC000  }
0x14b: {  	[spmem:s2] =	stream.indirect.scatter.add.f32 [tilespmem:s3], [sflag:$0x3], $0x80, s24, s22, $0xb8;
	[tilespmem:$0x1F000] =	vst v63  }
0x14c: {  	_ =	swait.ge [sflag:s19], $0x4000  }
0x14d: {  	[sflag:s19] =	ssyncset.done $0x0  }
0x14e: {  	s23 =	simm.s32 $0x1C100;
	[sflag:s19] =	ssyncadd.s32 $0xFFFFC000  }
0x14f: {  	[tilespmem:s3], [sflag:$0x1] =	stream.indirect.gather [hbm4b:s1+s22], $0x80, s23, s22, $0xb8;
	[tilespmem:$0x1F000] =	vst v63  }
0x150: {  	_ =	swait.ge [sflag:s9], $0x4000  }
0x151: {  	[sflag:s9] =	ssyncset.done $0x0  }
0x152: {  	s24 =	simm.s32 $0x1D080;
	[sflag:s9] =	ssyncadd.s32 $0xFFFFC000  }
0x153: {  	[spmem:s2] =	stream.indirect.scatter.add.f32 [tilespmem:s7], [sflag:$0x3], $0x80, s24, s22, $0xb8;
	[tilespmem:$0x1F000] =	vst v63  }
0x154: {  	_ =	swait.ge [sflag:s19], $0x4000  }
0x155: {  	[sflag:s19] =	ssyncset.done $0x0  }
0x156: {  	s12 =	simm.s32 $0x400;
	s23 =	simm.s32 $0x1C180;
	[sflag:s19] =	ssyncadd.s32 $0xFFFFC000  }
.LBB2_5:
0x157: {  	[tilespmem:s7], [sflag:$0x2] =	stream.indirect.gather [hbm4b:s1+s22], $0x80, s23, s22, $0xb8;
	[tilespmem:$0x1F000] =	vst v63  }
0x158: {  	s23 =	smov.u32 s12  }
0x159: {  	p1 =	sne.s32 s12, $0x3800;
	s12 =	sadd.s32 $0x400, s12;
	_ =	swait.ge [sflag:s8], $0x4000  }
0x15a: {  	s23 =	sshra.s32 s23, $0x2;
	[sflag:s8] =	ssyncset.done $0x0  }
0x15b: {  	s24 =	sadd.s32 $0x1D000, s23;
	[sflag:s8] =	ssyncadd.s32 $0xFFFFC000  }
0x15c: {  	[spmem:s2] =	stream.indirect.scatter.add.f32 [tilespmem:s3], [sflag:$0x3], $0x80, s24, s22, $0xb8;
	[tilespmem:$0x1F000] =	vst v63  }
0x15d: {  	_ =	swait.ge [sflag:s19], $0x4000  }
0x15e: {  	[sflag:s19] =	ssyncset.done $0x0  }
0x15f: {  	s24 =	sadd.s32 $0x1C100, s23;
	[sflag:s19] =	ssyncadd.s32 $0xFFFFC000  }
0x160: {  	[tilespmem:s3], [sflag:$0x1] =	stream.indirect.gather [hbm4b:s1+s22], $0x80, s24, s22, $0xb8;
	[tilespmem:$0x1F000] =	vst v63  }
0x161: {  	_ =	swait.ge [sflag:s9], $0x4000  }
0x162: {  	[sflag:s9] =	ssyncset.done $0x0  }
.Ltmp8:
0x163: {  	s24 =	sadd.s32 $0x1D080, s23;
	[sflag:s9] =	ssyncadd.s32 $0xFFFFC000;
	(pc) =	sbr.rel @p1 .LBB2_5-.Ltmp8, $4  }
0x164: {  	[spmem:s2] =	stream.indirect.scatter.add.f32 [tilespmem:s7], [sflag:$0x3], $0x80, s24, s22, $0xb8;
	[tilespmem:$0x1F000] =	vst v63  }
0x165: {  	_ =	swait.ge [sflag:s19], $0x4000  }
0x166: {  	[sflag:s19] =	ssyncset.done $0x0  }
0x167: {  	s23 =	sadd.s32 $0x1C180, s23;
	[sflag:s19] =	ssyncadd.s32 $0xFFFFC000  }
0x168: {  	[tilespmem:s7], [sflag:$0x2] =	stream.indirect.gather [hbm4b:s1+s22], $0x80, s23, s22, $0xb8;
	[tilespmem:$0x1F000] =	vst v63  }
0x169: {  	_ =	swait.ge [sflag:s8], $0x4000  }
0x16a: {  	[sflag:s8] =	ssyncset.done $0x0  }
0x16b: {  	[sflag:s8] =	ssyncadd.s32 $0xFFFFC000  }
0x16c: {  	[spmem:s2] =	stream.indirect.scatter.add.f32 [tilespmem:s3], [sflag:$0x3], $0x80, s10, s22, $0xb8;
	[tilespmem:$0x1F000] =	vst v63  }
0x16d: {  	_ =	swait.ge [sflag:s19], $0x4000  }
0x16e: {  	[sflag:s19] =	ssyncset.done $0x0  }
0x16f: {  	[sflag:s19] =	ssyncadd.s32 $0xFFFFC000  }
0x170: {  	_ =	swait.ge [sflag:s9], $0x4000  }
0x171: {  	[sflag:s9] =	ssyncset.done $0x0  }
0x172: {  	[sflag:s9] =	ssyncadd.s32 $0xFFFFC000  }
0x173: {  	[spmem:s2] =	stream.indirect.scatter.add.f32 [tilespmem:s7], [sflag:$0x3], $0x80, s11, s22, $0xb8;
	[tilespmem:$0x1F000] =	vst v63  }
0x174: {  	_ =	swait.ge [sflag:s19], $0x4000  }
0x175: {  	[sflag:s19] =	ssyncset.done $0x0  }
0x176: {  	s12 =	simm.s32 $0x0;
	s24 =	rddreg [dreg:$0xd];
	[sflag:s19] =	ssyncadd.s32 $0xFFFFC000  }
0x177: {  	[tilespmem:s20], [sflag:$0x3] =	stream.linear.gather [hbm4b:s24+s12], $0x1000, $0x38;
	[tilespmem:$0x1F000] =	vst v63  }
0x178: {  	_ =	swait.ge [sflag:s19], $0x1000  }
0x179: {  	[sflag:s19] =	ssyncset.done $0x0  }
0x17a: {  	s24 =	rddreg [dreg:$0xe];
	[sflag:s19] =	ssyncadd.s32 $0xFFFFF000  }
0x17b: {  	[tilespmem:s21], [sflag:$0x3] =	stream.linear.gather [hbm4b:s24+s12], $0x1000, $0x38;
	[tilespmem:$0x1F000] =	vst v63  }
0x17c: {  	_ =	swait.ge [sflag:s19], $0x1000  }
0x17d: {  	[sflag:s19] =	ssyncset.done $0x0  }
0x17e: {  	[sflag:s19] =	ssyncadd.s32 $0xFFFFF000  }
0x17f: {  	[tilespmem:s3], [sflag:$0x1] =	stream.indirect.gather [hbm4b:s1+s22], $0x80, s20, s22, $0xb8;
	[tilespmem:$0x1F000] =	vst v63  }
0x180: {  	_ = 	snop  }
0x181: {  	[tilespmem:s7], [sflag:$0x2] =	stream.indirect.gather [hbm4b:s1+s22], $0x80, s6, s22, $0xb8;
	[tilespmem:$0x1F000] =	vst v63  }
0x182: {  	_ =	swait.ge [sflag:s8], $0x4000  }
0x183: {  	[sflag:s8] =	ssyncset.done $0x0  }
0x184: {  	s24 =	simm.s32 $0x1D000;
	[sflag:s8] =	ssyncadd.s32 $0xFFFFC000  }
0x185: {  	[spmem:s2] =	stream.indirect.scatter.add.f32 [tilespmem:s3], [sflag:$0x3], $0x80, s24, s22, $0xb8;
	[tilespmem:$0x1F000] =	vst v63  }
0x186: {  	_ =	swait.ge [sflag:s19], $0x4000  }
0x187: {  	[sflag:s19] =	ssyncset.done $0x0  }
0x188: {  	s23 =	simm.s32 $0x1C100;
	[sflag:s19] =	ssyncadd.s32 $0xFFFFC000  }
0x189: {  	[tilespmem:s3], [sflag:$0x1] =	stream.indirect.gather [hbm4b:s1+s22], $0x80, s23, s22, $0xb8;
	[tilespmem:$0x1F000] =	vst v63  }
0x18a: {  	_ =	swait.ge [sflag:s9], $0x4000  }
0x18b: {  	[sflag:s9] =	ssyncset.done $0x0  }
0x18c: {  	s24 =	simm.s32 $0x1D080;
	[sflag:s9] =	ssyncadd.s32 $0xFFFFC000  }
0x18d: {  	[spmem:s2] =	stream.indirect.scatter.add.f32 [tilespmem:s7], [sflag:$0x3], $0x80, s24, s22, $0xb8;
	[tilespmem:$0x1F000] =	vst v63  }
0x18e: {  	_ =	swait.ge [sflag:s19], $0x4000  }
0x18f: {  	[sflag:s19] =	ssyncset.done $0x0  }
0x190: {  	s12 =	simm.s32 $0x400;
	s23 =	simm.s32 $0x1C180;
	[sflag:s19] =	ssyncadd.s32 $0xFFFFC000  }
.LBB2_7:
0x191: {  	[tilespmem:s7], [sflag:$0x2] =	stream.indirect.gather [hbm4b:s1+s22], $0x80, s23, s22, $0xb8;
	[tilespmem:$0x1F000] =	vst v63  }
0x192: {  	s23 =	smov.u32 s12  }
0x193: {  	p1 =	seq.s32 s12, $0x3800;
	s12 =	sadd.s32 $0x400, s12;
	_ =	swait.ge [sflag:s8], $0x4000  }
0x194: {  	s23 =	sshra.s32 s23, $0x2;
	[sflag:s8] =	ssyncset.done $0x0  }
0x195: {  	s24 =	sadd.s32 $0x1D000, s23;
	[sflag:s8] =	ssyncadd.s32 $0xFFFFC000  }
0x196: {  	[spmem:s2] =	stream.indirect.scatter.add.f32 [tilespmem:s3], [sflag:$0x3], $0x80, s24, s22, $0xb8;
	[tilespmem:$0x1F000] =	vst v63  }
0x197: {  	_ =	swait.ge [sflag:s19], $0x4000  }
0x198: {  	[sflag:s19] =	ssyncset.done $0x0  }
0x199: {  	s24 =	sadd.s32 $0x1C100, s23;
	[sflag:s19] =	ssyncadd.s32 $0xFFFFC000  }
0x19a: {  	[tilespmem:s3], [sflag:$0x1] =	stream.indirect.gather [hbm4b:s1+s22], $0x80, s24, s22, $0xb8;
	[tilespmem:$0x1F000] =	vst v63  }
0x19b: {  	_ =	swait.ge [sflag:s9], $0x4000  }
0x19c: {  	[sflag:s9] =	ssyncset.done $0x0  }
.Ltmp9:
0x19d: {  	s24 =	sadd.s32 $0x1D080, s23;
	[sflag:s9] =	ssyncadd.s32 $0xFFFFC000;
	(pc) =	sbr.rel @!p1 .LBB2_7-.Ltmp9, $4  }
0x19e: {  	[spmem:s2] =	stream.indirect.scatter.add.f32 [tilespmem:s7], [sflag:$0x3], $0x80, s24, s22, $0xb8;
	[tilespmem:$0x1F000] =	vst v63  }
0x19f: {  	_ =	swait.ge [sflag:s19], $0x4000  }
0x1a0: {  	[sflag:s19] =	ssyncset.done $0x0  }
0x1a1: {  	s23 =	sadd.s32 $0x1C180, s23;
	[sflag:s19] =	ssyncadd.s32 $0xFFFFC000  }
.Ltmp10:
0x1a2: {  	_ = 	snop;
	(pc) =	sbr.rel .LBB2_8-.Ltmp10, $1  }
0x1a3: {  	_ =	sdelay $0x3  }
.LBB2_17:
0x1a4: {  	_ =	sfence.sel $0x180000  }
0x1a5: {  	[bflag:$0x0] =	sbarrier.arrive $0xFFFF  }
0x1a6: {  	_ =	strace $0x9000004D  }
0x1a7: {  	s0 =	stileid.u32;
	[bflag:$0x2] =	sbarrier.arrive $0xFFFF  }
0x1a8: {  	p0 =	sne.s32 s0, $0x0;
	s0 =	rddreg [dreg:$0x3]  }
0x1a9: {  	s0 =	sadd.s32 @!p0 $0x100000, s0  }
0x1aa: {  	[sflag:s0] =	ssyncadd.tile.s32 @!p0 $0x1;
	_ =	shalt  }
.Lfunc_end2:
_tile_overlayer_lowered:
.L_overlay_start_2:
0x1ab: {  	(tag) =	ssettag $0x2  }
0x1ac: {  	s0 =	rddreg [dreg:$0x0];
	s2 =	stileid.u32  }
0x1ad: {  	s1 =	rddreg [dreg:$0x1];
	p0 =	sne.s32 s2, $0x0  }
0x1ae: {  	s3 =	rddreg [dreg:$0x2];
	[bflag:$0x3] =	sbarrier.arrive $0xFFFF;
	s2 =	simm.s32 @!p0 $0x1C03  }
0x1af: {  	[timem:s3], [sflag:s2] =	dma.local @!p0 [hbm:s0], s1  }
0x1b0: {  	s0 =	simm.s32 @!p0 $0x3  }
0x1b1: {  	_ =	swait.ge @!p0 [sflag:s0], s1  }
0x1b2: {  	s1 =	ssub.s32 @!p0 $0x0, s1;
	[sflag:s0] =	ssyncset.done @!p0 $0x0  }
0x1b3: {  	[sflag:s0] =	ssyncadd.s32 @!p0 s1  }
0x1b4: {  	[bflag:$0x3] =	sbarrier.arrive $0xFFFF  }
0x1b5: {  	_ =	shalt  }

// kernel: kernel.8.cloned.1.call-start
scs
__scs_entry_jumppad:
0x0: {  	(pc) =	sbr.rel $0x88, $3  }
0x1: {  	(tag) =	ssettag $0x0;
	lr =	simm.s32 $0x1  }
0x2: {  	[smem:$0x3F9B] =	sst lr;
	_ =	strace $0xD0000000  }
0x3: {  	_ = 	snop  }
0x4: {  	_ = 	snop  }
0x5: {  	_ = 	snop  }
0x6: {  	_ = 	snop  }
0x7: {  	_ = 	snop  }
__scs_overlays_trampoline_lowered:
0x8: {  	[smem:$0x3FAA] =	sst s0  }
0x9: {  	[smem:$0x3FAB] =	sst s1  }
0xa: {  	[smem:$0x3FAC] =	sst s2  }
0xb: {  	[smem:$0x3FAD] =	sst s3  }
0xc: {  	[smem:$0x3FAE] =	sst s4  }
0xd: {  	[smem:$0x3FAF] =	sst s5  }
0xe: {  	[smem:$0x3FB0] =	sst s6  }
0xf: {  	[smem:$0x3FB1] =	sst s7  }
0x10: {  	[smem:$0x3FB2] =	sst s8  }
0x11: {  	[smem:$0x3FB3] =	sst s9;
	s0 =	simm.s32 @!p0 $0x0  }
0x12: {  	s1 =	sld [smem:$0x3F99];
	s0 =	simm.s32 @p0 $0x1  }
0x13: {  	[smem:$0x3FB4] =	sst s0;
	s0 =	simm.s32 @!p1 $0x0  }
0x14: {  	s2 =	sld [smem:$0x3F98];
	s0 =	simm.s32 @p1 $0x1  }
0x15: {  	[smem:$0x3FB5] =	sst s0;
	s0 =	simm.s32 @!p2 $0x0  }
0x16: {  	s3 =	sld [smem:$0x3FDB];
	s0 =	simm.s32 @p2 $0x1  }
0x17: {  	s4 =	simm.s32 $0x1BF5;
	[smem:$0x3FB7] =	sst s0  }
0x18: {  	s0 =	sld [smem:$0x3F9A];
	_ =	swait.ge [sflag:s4], $0x0  }
0x19: {  	s7 =	sld [smem:$0x3F9B]  }
0x1a: {  	s8 =	sadd.s32 $0xFFFFE003, lr  }
0x1b: {  	s9 =	sadd.s32 $0xFFFFFEF7, lr;
	s5 =	simm.s32 $0xFFFFFFFF;
	p2 =	slt.u32 s8, $0xFFFFF086  }
0x1c: {  	p1 =	slt.u32 s9, $0xF7A;
	s5 =	simm.s32 @!p2 $0x0  }
0x1d: {  	s5 =	simm.s32 @p1 $0x1;
	p0 =	seq.s32 s7, s2  }
0x1e: {  	s7 =	smul.u32 @!p0 $0xF7A, s2;
	p2 =	seq.s32 @!p0 s5, $0x0  }
0x1f: {  	s9 =	smul.u32 $0xF7A, s1;
	s8 =	simm.s32 @!p0 $0x1BF5;
	p2 =	por !p2, p0  }
0x20: {  	[sflag:s8] =	ssyncset.s32 @!p0 $0xFFFFF086;
	s6 =	sadd.s32 @!p0 s3, s7;
	s7 =	simm.s32 @!p0 $0x108  }
0x21: {  	s3 =	sadd.s32 s3, s9;
	s6 =	sadd.s32 @!p0 $0x88, s6;
	s7 =	simm.s32 @p2 $0x1082  }
0x22: {  	[simem:s7], [sflag:s8] =	dma.local @!p0 [hbm:s6], $0xF7A  }
0x23: {  	s9 =	sor.u32 $0xD0000000, s2;
	s6 =	simm.s32 $0x108;
	_ =	swait.ge @!p0 [sflag:s8], $0x0  }
0x24: {  	s3 =	sadd.s32 $0x88, s3;
	s6 =	simm.s32 @!p1 $0x1082;
	[sflag:s4] =	ssyncset.s32 $0xFFFFF086  }
0x25: {  	[simem:s6], [sflag:s4] =	dma.local [hbm:s3], $0xF7A  }
0x26: {  	[smem:$0x3F9B] =	sst s1;
	(tag) =	ssettag s2;
	_ =	strace s9  }
0x27: {  	s1 =	sld [smem:$0x3FAB]  }
0x28: {  	s2 =	sld [smem:$0x3FAC]  }
0x29: {  	s4 =	sld [smem:$0x3FAE]  }
0x2a: {  	p0 =	seq.s32 s5, $0x0;
	s5 =	sld [smem:$0x3FAF]  }
0x2b: {  	s6 =	sld [smem:$0x3FB0]  }
0x2c: {  	s7 =	sld [smem:$0x3FB1]  }
0x2d: {  	s3 =	simm.s32 $0x108;
	s8 =	sld [smem:$0x3FB2]  }
0x2e: {  	s3 =	simm.s32 @!p0 $0x1082;
	s9 =	sld [smem:$0x3FB3]  }
0x2f: {  	lr =	sadd.s32 s0, s3;
	s0 =	sld [smem:$0x3FAA]  }
0x30: {  	s3 =	sld [smem:$0x3FAD]  }
0x31: {  	[smem:$0x3FB6] =	sst s10  }
0x32: {  	s10 =	sld [smem:$0x3FB4];
	_ =	sdelay $0x3  }
0x33: {  	p0 =	seq.s32 s10, $0x1;
	s10 =	sld [smem:$0x3FB6];
	_ =	sdelay $0x3  }
0x34: {  	[smem:$0x3FB6] =	sst s10  }
0x35: {  	s10 =	sld [smem:$0x3FB5];
	_ =	sdelay $0x3  }
0x36: {  	p1 =	seq.s32 s10, $0x1;
	s10 =	sld [smem:$0x3FB6];
	_ =	sdelay $0x3  }
0x37: {  	[smem:$0x3FB6] =	sst s10  }
0x38: {  	s10 =	sld [smem:$0x3FB7]  }
0x39: {  	_ = 	snop;
	(pc) =	sbr.ind lr, $3  }
0x3a: {  	_ = 	snop  }
0x3b: {  	_ = 	snop  }
0x3c: {  	p2 =	seq.s32 s10, $0x1;
	s10 =	sld [smem:$0x3FB6]  }
0x3d: {  	_ =	shalt  }
0x3e: {  	_ =	shalt  }
0x3f: {  	_ =	shalt  }
0x40: {  	_ =	shalt  }
0x41: {  	_ =	shalt  }
0x42: {  	_ =	shalt  }
0x43: {  	_ =	shalt  }
0x44: {  	_ =	shalt  }
0x45: {  	_ =	shalt  }
0x46: {  	_ =	shalt  }
0x47: {  	_ =	shalt  }
0x48: {  	_ =	shalt  }
0x49: {  	_ =	shalt  }
0x4a: {  	_ =	shalt  }
0x4b: {  	_ =	shalt  }
0x4c: {  	_ =	shalt  }
0x4d: {  	_ =	shalt  }
0x4e: {  	_ =	shalt  }
0x4f: {  	_ =	shalt  }
0x50: {  	_ =	shalt  }
0x51: {  	_ =	shalt  }
0x52: {  	_ =	shalt  }
0x53: {  	_ =	shalt  }
0x54: {  	_ =	shalt  }
0x55: {  	_ =	shalt  }
0x56: {  	_ =	shalt  }
0x57: {  	_ =	shalt  }
0x58: {  	_ =	shalt  }
0x59: {  	_ =	shalt  }
0x5a: {  	_ =	shalt  }
0x5b: {  	_ =	shalt  }
0x5c: {  	_ =	shalt  }
0x5d: {  	_ =	shalt  }
0x5e: {  	_ =	shalt  }
0x5f: {  	_ =	shalt  }
0x60: {  	_ =	shalt  }
0x61: {  	_ =	shalt  }
0x62: {  	_ =	shalt  }
0x63: {  	_ =	shalt  }
0x64: {  	_ =	shalt  }
0x65: {  	_ =	shalt  }
0x66: {  	_ =	shalt  }
0x67: {  	_ =	shalt  }
0x68: {  	_ =	shalt  }
0x69: {  	_ =	shalt  }
0x6a: {  	_ =	shalt  }
0x6b: {  	_ =	shalt  }
0x6c: {  	_ =	shalt  }
0x6d: {  	_ =	shalt  }
0x6e: {  	_ =	shalt  }
0x6f: {  	_ =	shalt  }
0x70: {  	_ =	shalt  }
0x71: {  	_ =	shalt  }
0x72: {  	_ =	shalt  }
0x73: {  	_ =	shalt  }
0x74: {  	_ =	shalt  }
0x75: {  	_ =	shalt  }
0x76: {  	_ =	shalt  }
0x77: {  	_ =	shalt  }
0x78: {  	_ =	shalt  }
0x79: {  	_ =	shalt  }
0x7a: {  	_ =	shalt  }
0x7b: {  	_ =	shalt  }
0x7c: {  	_ =	shalt  }
0x7d: {  	_ =	shalt  }
0x7e: {  	_ =	shalt  }
0x7f: {  	_ =	shalt  }
0x80: {  	_ =	shalt  }
0x81: {  	_ =	shalt  }
0x82: {  	_ =	shalt  }
0x83: {  	_ =	shalt  }
0x84: {  	_ =	shalt  }
0x85: {  	_ =	shalt  }
0x86: {  	_ =	shalt  }
0x87: {  	_ =	shalt  }
.Lfunc_end0:
.L_simem_size_0:
called_computation_lowered:
.L_overlay_start_0:
0x88: {  	s2 =	sld [smem:$0x3FD9]  }
0x89: {  	s3 =	sld [smem:$0x3FFE];
	_ =	sdelay $0x1  }
0x8a: {  	s1 =	srdreg.scid  }
0x8b: {  	s0 =	sand.u32 $0x1, s1  }
0x8c: {  	s17 =	sshll.u32 s0, $0xA;
	s2 =	sadd.s32 s3, s2  }
0x8d: {  	s2 =	sadd.s32 s2, s17  }
0x8e: {  	[smem:$0x3FC2] =	sst s2  }
0x8f: {  	_ = 	snop  }
0x90: {  	s2 =	sld [smem:$0x3FD0];
	(tm) =	ssettm $0x1  }
0x91: {  	s18 =	sld [smem:$0x3FFB];
	_ =	sdelay $0x3  }
0x92: {  	_ =	strace s18  }
0x93: {  	s3 =	sld [smem:$0x3FFC];
	_ =	sdelay $0x3  }
0x94: {  	_ =	strace s3  }
0x95: {  	s3 =	sld [smem:$0x3FFD];
	_ =	sdelay $0x3  }
0x96: {  	_ =	strace s3  }
0x97: {  	_ =	strace $0x8FFFFFFF  }
0x98: {  	s19 =	sld [smem:$0x3FDB];
	_ =	sdelay $0x1  }
0x99: {  	s4 =	simm.s32 $_scs_section_size  }
0x9a: {  	s5 =	simm.s32 $_size__tile_overlayer_lowered;
	s6 =	simm.s32 $_tile_overlayer_lowered  }
0x9b: {  	s22 =	simm.s32 $0x1BFF;
	s21 =	sshll.u32 s6, $0x1;
	s3 =	sadd.s32 s4, s19  }
0x9c: {  	s7 =	simm.s32 $0x0;
	s20 =	sshll.u32 s5, $0x1;
	s5 =	sadd.s32 s21, s3  }
0x9d: {  	[timem:s7], [sflag:s22] =	dma.local [hbm:s5], s20  }
0x9e: {  	_ =	swait.ge [sflag:s22], s20  }
0x9f: {  	s4 =	ssub.s32 $0x0, s20;
	[sflag:s22] =	ssyncset.done $0x0  }
0xa0: {  	[sflag:s22] =	ssyncadd.s32 s4;
	_ =	sdelay $0x1  }
0xa1: {  	s23 =	simm.s32 $0x1B8B  }
0xa2: {  	_ =	swait.ge [sflag:s23], $0x1  }
0xa3: {  	[sflag:s23] =	ssyncset.done $0x0  }
0xa4: {  	s25 =	simm.s32 $0x1B8E;
	s24 =	sld [smem:$0x3FFE];
	[sflag:s23] =	ssyncadd.s32 $0xFFFFFFFF  }
0xa5: {  	s26 =	simm.s32 $execute0_lowered;
	[smem:$0x3FD2] =	sst s25  }
0xa6: {  	s5 =	sshll.u32 s26, $0x1;
	_ =	strace $0x80000046;
	[dreg:$0x1] =	wrdreg $0xFFFFFFFF  }
0xa7: {  	s28 =	simm.s32 $_size_execute0_lowered;
	s3 =	sadd.s32 s3, s5;
	[dreg:$0x0] =	wrdreg $0x0  }
0xa8: {  	s5 =	sshll.u32 s28, $0x1;
	[dreg:$0x2] =	wrdreg s3  }
0xa9: {  	[dreg:$0x3] =	wrdreg s5  }
0xaa: {  	[dreg:$0x4] =	wrdreg $0xC0  }
0xab: {  	_ =	task [dreg:s7], $0x5FFFF  }
0xac: {  	[dreg:$0x1] =	wrdreg $0xFFFFFFFF  }
0xad: {  	[dreg:$0x0] =	wrdreg $0x60  }
0xae: {  	[dreg:$0x2] =	wrdreg s2  }
0xaf: {  	[dreg:$0x3] =	wrdreg s24  }
0xb0: {  	[dreg:$0x4] =	wrdreg $0x0  }
0xb1: {  	[dreg:$0x5] =	wrdreg $0x9  }
0xb2: {  	_ =	task.clear_ibuf [dreg:s7], $0x6FFFF;
	_ =	strace $0x90000046  }
0xb3: {  	s29 =	simm.s32 $0x9;
	_ =	strace $0x80000048  }
0xb4: {  	_ =	swait.ge [sflag:s29], $0x1  }
0xb5: {  	[sflag:s29] =	ssyncadd.s32 $0xFFFFFFFF  }
0xb6: {  	_ =	strace $0x90000048  }
0xb7: {  	_ =	sfence  }
0xb8: {  	s30 =	sld [smem:$0x0];
	_ =	sdelay $0x2  }
0xb9: {  	s31 =	sshll.u32 s1, $0xD;
	s1 =	sshrl.u32 s1, $0x2  }
0xba: {  	s3 =	sand.u32 $0x4000, s31;
	s1 =	sadd.s32 s1, s30  }
0xbb: {  	s0 =	sor.u32 s3, s0;
	s1 =	sshll.u32 s1, $0x11  }
0xbc: {  	s0 =	sor.u32 s1, s0  }
0xbd: {  	s0 =	sadd.s32 $0x8F2B, s0  }
0xbe: {  	[sflag:s0] =	ssyncadd.remote.s32 $0x1  }
0xbf: {  	_ =	sfence.sel $0xFFFF  }
0xc0: {  	[dreg:$0x0] =	wrdreg $0xFFFFFFFF;
	(pc) =	sbr.abs _section_cstart, $3  }
0xc1: {  	[dreg:$0x1] =	wrdreg $0xFFFFFFFF  }
0xc2: {  	_ =	task.clear_ibuf [dreg:s7], $0x2FFFF;
	_ =	strace $0x9FFFFFFF  }
0xc3: {  	(tm) =	ssettm $0x7FFFFFFF  }
tec
execute0_lowered:
.L_overlay_start_1:
0x0: {  	(tag) =	ssettag $0x1  }
0x1: {  	s5 =	rddreg [dreg:$0x0]  }
0x2: {  	s4 =	rddreg [dreg:$0x1]  }
0x3: {  	s2 =	rddreg [dreg:$0x2]  }
0x4: {  	s0 =	rddreg [dreg:$0x3]  }
0x5: {  	s6 =	srdreg.scid;
	s1 =	stileid.u32  }
0x6: {  	s3 =	simm.s32 $0x0;
	s11 =	simm.s32 $0x80;
	s12 =	simm.s32 $0x2A80  }
0x7: {  	s15 =	simm.s32 $0x20;
	s16 =	simm.s32 $0x10;
	s7 =	smul.u32 $0x500, s1  }
0x8: {  	s17 =	simm.s32 $0x0;
	s6 =	sand.u32 $0x1, s6;
	s9 =	smul.u32 $0x5000, s1  }
0x9: {  	[smem:$0x7FF] =	sst s3;
	s10 =	smul.u32 $0xA00, s1;
	s13 =	sshll.u32 s1, $0x6  }
0xa: {  	s8 =	sshll.u32 s6, $0x7;
	_ =	strace $0x80000047;
	s26 =	smul.u32 $0x2800, s6  }
0xb: {  	s6 =	ssub.s32 $0x2, s6;
	s13 =	sor.u32 $0x1C01, s13;
	s7 =	sor.u32 s8, s7  }
0xc: {  	s28 =	sshrl.u32 s6, $0x1;
	s30 =	sshrl.u32 s10, $0x2;
	s10 =	simm.s32 $0x280  }
0xd: {  	s7 =	sshrl.u32 s7, $0x3;
	s8 =	sadd.s32 s26, s9;
	s29 =	ssub.s32 s6, s28  }
0xe: {  	s9 =	simm.s32 $0x1;
	s7 =	sadd.s32 s7, s4;
	s31 =	sshrl.u32 s8, $0x3  }
0xf: {  	s4 =	sadd.s32 s30, s2;
	s8 =	simm.s32 $0x2B00;
	s5 =	sadd.s32 s5, s31  }
0x10: {  	v0 =	vimm.f32 $1.000000000e+00;
	v1 =	vimm.f32 $0.0e+00;
	s6 =	sadd.s32 $0x16800, s7;
	s7 =	smax.u32 s29, $0x1;
	s14 =	sshrl.u32 s4, $0x3  }
.LBB2_1:
0x11: {  	[tilespmem:$0x2A80] =	vst v0  }
0x12: {  	[tilespmem:$0x2A90] =	vst v0  }
0x13: {  	[tilespmem:$0x2AA0] =	vst v0  }
0x14: {  	[tilespmem:$0x2AB0] =	vst v0  }
0x15: {  	[tilespmem:$0x2AC0] =	vst v0  }
0x16: {  	[tilespmem:$0x2AD0] =	vst v0  }
0x17: {  	[tilespmem:$0x2AE0] =	vst v0  }
0x18: {  	[tilespmem:$0x2AF0] =	vst v0  }
0x19: {  	[tilespmem:$0x2B00] =	vst v1  }
0x1a: {  	[tilespmem:$0x2B10] =	vst v1  }
0x1b: {  	[tilespmem:$0x2B20] =	vst v1  }
0x1c: {  	[tilespmem:$0x2B30] =	vst v1  }
0x1d: {  	[tilespmem:$0x2B40] =	vst v1  }
0x1e: {  	[tilespmem:$0x2B50] =	vst v1  }
0x1f: {  	[tilespmem:$0x2B60] =	vst v1  }
0x20: {  	[tilespmem:$0x2B70] =	vst v1  }
0x21: {  	[tilespmem:$0x2B80] =	vst v1  }
0x22: {  	[tilespmem:$0x2B90] =	vst v1  }
0x23: {  	[tilespmem:$0x2BA0] =	vst v1  }
0x24: {  	[tilespmem:$0x2BB0] =	vst v1  }
0x25: {  	[tilespmem:$0x2BC0] =	vst v1  }
0x26: {  	[tilespmem:$0x2BD0] =	vst v1  }
0x27: {  	[tilespmem:$0x2BE0] =	vst v1  }
0x28: {  	[tilespmem:$0x2BF0] =	vst v1  }
0x29: {  	[tilespmem:$0x2C00] =	vst v1  }
0x2a: {  	[tilespmem:$0x2C10] =	vst v1  }
0x2b: {  	[tilespmem:$0x2C20] =	vst v1  }
0x2c: {  	[tilespmem:$0x2C30] =	vst v1  }
0x2d: {  	[tilespmem:$0x2C40] =	vst v1  }
0x2e: {  	[tilespmem:$0x2C50] =	vst v1  }
0x2f: {  	[tilespmem:$0x2C60] =	vst v1  }
0x30: {  	[tilespmem:$0x2C70] =	vst v1  }
0x31: {  	[tilespmem:$0x2C80] =	vst v1  }
0x32: {  	[tilespmem:$0x2C90] =	vst v1  }
0x33: {  	[tilespmem:$0x2CA0] =	vst v1  }
0x34: {  	[tilespmem:$0x2CB0] =	vst v1  }
0x35: {  	[tilespmem:$0x2CC0] =	vst v1  }
0x36: {  	[tilespmem:$0x2CD0] =	vst v1  }
0x37: {  	[tilespmem:$0x2CE0] =	vst v1  }
0x38: {  	[tilespmem:$0x2CF0] =	vst v1  }
0x39: {  	[tilespmem:$0x2D00] =	vst v1  }
0x3a: {  	[tilespmem:$0x2D10] =	vst v1  }
0x3b: {  	[tilespmem:$0x2D20] =	vst v1  }
0x3c: {  	[tilespmem:$0x2D30] =	vst v1  }
0x3d: {  	[tilespmem:$0x2D40] =	vst v1  }
0x3e: {  	[tilespmem:$0x2D50] =	vst v1  }
0x3f: {  	[tilespmem:$0x2D60] =	vst v1  }
0x40: {  	[tilespmem:$0x2D70] =	vst v1  }
0x41: {  	[spmem:s4] =	stream.linear.scatter [tilespmem:s8], [sflag:$0x1], $0x280, $0x38;
	[tilespmem:$0x2D80] =	vst v63  }
0x42: {  	_ =	swait.ge [sflag:s9], $0x280  }
0x43: {  	[sflag:s9] =	ssyncset.done $0x0  }
0x44: {  	[sflag:s9] =	ssyncadd.s32 $0xFFFFFD80  }
0x45: {  	[tilespmem:s10], [sflag:$0x1] =	stream.linear.gather [hbm4b:s5+s3], $0x2800, $0x38;
	[tilespmem:$0x2D80] =	vst v63  }
0x46: {  	_ =	swait.ge [sflag:s9], $0x2800  }
0x47: {  	[sflag:s9] =	ssyncset.done $0x0  }
0x48: {  	[sflag:s9] =	ssyncadd.s32 $0xFFFFD800  }
0x49: {  	s18 =	simm.s32 $0x280;
	[bflag:$0x0] =	sbarrier.arrive $0xFFFF  }
0x4a: {  	[spmem:s2] =	stream.indirect.scatter.add.f32 [tilespmem:s12], [sflag:$0x1], $0x1, s18, s11, $0xb8;
	[tilespmem:$0x2D80] =	vst v63  }
0x4b: {  	s18 =	simm.s32 $0x200;
	_ =	swait.ge [sflag:s9], $0x80  }
.LBB2_2:
0x4c: {  	s19 =	sshra.s32 s18, $0x2;
	[sflag:s9] =	ssyncset.done $0x0;
	p0 =	sne.s32 s18, $0x9E00  }
.Ltmp0:
0x4d: {  	s19 =	sadd.s32 $0x280, s19;
	[sflag:s9] =	ssyncadd.s32 $0xFFFFFF80;
	(pc) =	sbr.rel @p0 .LBB2_2-.Ltmp0, $3  }
0x4e: {  	[spmem:s2] =	stream.indirect.scatter.add.f32 [tilespmem:s12], [sflag:$0x1], $0x1, s19, s11, $0xb8;
	[tilespmem:$0x2D80] =	vst v63  }
0x4f: {  	s18 =	sadd.s32 $0x200, s18;
	_ =	sdelay $0x1  }
0x50: {  	_ =	swait.ge [sflag:s9], $0x80  }
0x51: {  	[sflag:s9] =	ssyncset.done $0x0;
	s17 =	sadd.s32 $0x1, s17  }
0x52: {  	[sflag:s9] =	ssyncadd.s32 $0xFFFFFF80;
	p0 =	sne.s32 s17, s7  }
.Ltmp1:
0x53: {  	[bflag:$0x0] =	sbarrier.arrive $0xFFFF;
	(pc) =	sbr.rel @p0 .LBB2_1-.Ltmp1, $4  }
0x54: {  	[hbm:s6@s15], [sflag:s13] =	dma.strided [spmem:s14@s16], $0x50, s9, $0x10   }
0x55: {  	_ =	swait.ge [sflag:s9], $0x50  }
0x56: {  	[sflag:s9] =	ssyncset.done $0x0  }
0x57: {  	[sflag:s9] =	ssyncadd.s32 $0xFFFFFFB0  }
0x58: {  	_ =	sfence.sel $0x180000  }
0x59: {  	[bflag:$0x0] =	sbarrier.arrive $0xFFFF  }
0x5a: {  	p0 =	sne.s32 s1, $0x0;
	_ =	strace $0x90000047  }
0x5b: {  	s0 =	sadd.s32 @!p0 $0x100000, s0;
	[bflag:$0x2] =	sbarrier.arrive $0xFFFF  }
0x5c: {  	[sflag:s0] =	ssyncadd.tile.s32 @!p0 $0x1;
	_ =	shalt  }
.Lfunc_end2:
_tile_overlayer_lowered:
.L_overlay_start_2:
0x5d: {  	(tag) =	ssettag $0x2  }
0x5e: {  	s0 =	rddreg [dreg:$0x0];
	s2 =	stileid.u32  }
0x5f: {  	s1 =	rddreg [dreg:$0x1];
	p0 =	sne.s32 s2, $0x0  }
0x60: {  	s3 =	rddreg [dreg:$0x2];
	[bflag:$0x3] =	sbarrier.arrive $0xFFFF;
	s2 =	simm.s32 @!p0 $0x1C01  }
0x61: {  	[timem:s3], [sflag:s2] =	dma.local @!p0 [hbm:s0], s1  }
0x62: {  	s0 =	simm.s32 @!p0 $0x1  }
0x63: {  	_ =	swait.ge @!p0 [sflag:s0], s1  }
0x64: {  	s1 =	ssub.s32 @!p0 $0x0, s1;
	[sflag:s0] =	ssyncset.done @!p0 $0x0  }
0x65: {  	[sflag:s0] =	ssyncadd.s32 @!p0 s1  }
0x66: {  	[bflag:$0x3] =	sbarrier.arrive $0xFFFF  }
0x67: {  	_ =	shalt  }

</sc_bundles>
